<compile_context>
chip_gen: v7x
topology: tpu7x:2x2x1
jax: 0.10.2.dev20260603
libtpu: 0.0.44.dev20260713+nightly
codegen_flags: <defaults>
</compile_context>

<pallas_src>
import functools

import jax
import jax.numpy as jnp
from jax import lax
from jax.experimental import pallas as pl
from jax.experimental.pallas import tpu as pltpu
from jax.experimental.pallas import tpu_sc as plsc

N = 8192
M = 126
SIZE = M + 2
NC, NS, L = 2, 16, 16
NW = NC * NS
RPW = N // NW
G = 8
NG = RPW // G
NCH = SIZE // L

_NEG_INF = float("-inf")
_BIG = 1 << 30


def _sc_body(srco, dsto, srcp, dstp, uavo, uavp, out_hbm,
             uav_v, uavp_v,
             srco_v, srcp_v, dsto_v, dstp_v,
             nmm_v, trace_v, md2_v, dstsc_v):
    wid = lax.axis_index("s") * NC + lax.axis_index("c")
    base_row = wid * RPW

    pltpu.sync_copy(uavo, uav_v)
    pltpu.sync_copy(uavp, uavp_v)
    for coord in range(3):
        pltpu.sync_copy(srco.at[pl.ds(coord * N + base_row, RPW)],
                        srco_v.at[pl.ds(coord * RPW, RPW)])
        pltpu.sync_copy(dsto.at[pl.ds(coord * N + base_row, RPW)],
                        dsto_v.at[pl.ds(coord * RPW, RPW)])
        pltpu.sync_copy(srcp.at[pl.ds(coord * N + base_row, RPW)],
                        srcp_v.at[pl.ds(coord * RPW, RPW)])
        pltpu.sync_copy(dstp.at[pl.ds(coord * N + base_row, RPW)],
                        dstp_v.at[pl.ds(coord * RPW, RPW)])

    iota = lax.iota(jnp.int32, L)
    neginf_v = jnp.full((L,), _NEG_INF, jnp.float32)
    zero_v = jnp.zeros((L,), jnp.float32)
    lane15 = iota == (L - 1)
    lane0 = iota == 0
    lane_lo = iota < G

    def group_body(g, _):
        rows = [g * G + r for r in range(G)]
        rowv = [jnp.full((L,), rows[r], jnp.int32) for r in range(G)]
        dgx = [plsc.load_gather(dstp_v, [rowv[r]]) for r in range(G)]
        dgy = [plsc.load_gather(dstp_v, [rowv[r] + RPW]) for r in range(G)]
        dgz = [plsc.load_gather(dstp_v, [rowv[r] + 2 * RPW]) for r in range(G)]
        for r in range(G):
            dstsc_v[0, r] = dgx[r]
            dstsc_v[1, r] = dgy[r]
            dstsc_v[2, r] = dgz[r]
        px0 = [plsc.load_gather(srcp_v, [rowv[r]]) for r in range(G)]
        py0 = [plsc.load_gather(srcp_v, [rowv[r] + RPW]) for r in range(G)]
        pz0 = [plsc.load_gather(srcp_v, [rowv[r] + 2 * RPW]) for r in range(G)]
        mask0 = jnp.where(lane0, _NEG_INF, 0.0).astype(jnp.float32)
        for c in range(NCH):
            mc = mask0 if c == 0 else zero_v
            for r in range(G):
                nmm_v[r, pl.ds(c * L, L)] = mc

        def make_step(first):
            def step(k, st):
                xp, yp, zp = st
                kv = jnp.full((L,), k * L, jnp.int32)
                bestv = [None] * G
                besti = [None] * G
                for c in range(NCH):
                    cx = uavp_v[pl.ds(c * L, L)]
                    cy = uavp_v[pl.ds(SIZE + c * L, L)]
                    cz = uavp_v[pl.ds(2 * SIZE + c * L, L)]
                    for r in range(G):
                        ddx = cx - xp[r]
                        ddy = cy - yp[r]
                        ddz = cz - zp[r]
                        d2 = ddx * ddx + ddy * ddy + ddz * ddz
                        s = nmm_v[r, pl.ds(c * L, L)] - d2
                        if c == NCH - 1:
                            if first:
                                s = jnp.where(lane15, neginf_v, s)
                            else:
                                fx = dstsc_v[0, r] - xp[r]
                                fy = dstsc_v[1, r] - yp[r]
                                fz = dstsc_v[2, r] - zp[r]
                                sd = -(fx * fx + fy * fy + fz * fz)
                                s = jnp.where(lane15, sd, s)
                        if c == 0:
                            bestv[r] = s
                            besti[r] = jnp.int32(0)
                        else:
                            gt = s > bestv[r]
                            bestv[r] = jnp.maximum(s, bestv[r])
                            besti[r] = jnp.where(gt, jnp.int32(c), besti[r])
                nxp, nyp, nzp = list(xp), list(yp), list(zp)
                for r in range(G):
                    mval = jnp.max(bestv[r])
                    gidx = besti[r] * L + iota
                    idx = jnp.min(jnp.where(bestv[r] == mval, gidx, _BIG))
                    idxv = jnp.full((L,), idx, jnp.int32)
                    nxp[r] = plsc.load_gather(uavp_v, [idxv])
                    nyp[r] = plsc.load_gather(uavp_v, [idxv + SIZE])
                    nzp[r] = plsc.load_gather(uavp_v, [idxv + 2 * SIZE])
                    plsc.store_scatter(trace_v, [kv + r], idxv, mask=lane0)
                    plsc.store_scatter(nmm_v.at[r], [idxv], neginf_v,
                                       mask=lane0 & (idxv != SIZE - 1))
                return (tuple(nxp), tuple(nyp), tuple(nzp))
            return step

        st0 = make_step(True)(0, (tuple(px0), tuple(py0), tuple(pz0)))
        lax.fori_loop(1, SIZE, make_step(False), st0)

        rlane = jnp.int32(g * G) + jnp.where(lane_lo, iota, 0)
        dox = plsc.load_gather(dsto_v, [rlane])
        doy = plsc.load_gather(dsto_v, [rlane + RPW])
        doz = plsc.load_gather(dsto_v, [rlane + 2 * RPW])
        ox0 = plsc.load_gather(srco_v, [rlane])
        oy0 = plsc.load_gather(srco_v, [rlane + RPW])
        oz0 = plsc.load_gather(srco_v, [rlane + 2 * RPW])

        def replay(k, st):
            xo, yo, zo, md2, done = st
            idxk = trace_v[pl.ds(k * L, L)]
            is_dst = idxk == (SIZE - 1)
            hx = plsc.load_gather(uav_v, [idxk], mask=lane_lo)
            hy = plsc.load_gather(uav_v, [idxk + SIZE], mask=lane_lo)
            hz = plsc.load_gather(uav_v, [idxk + 2 * SIZE], mask=lane_lo)
            nxo = jnp.where(is_dst, dox, hx)
            nyo = jnp.where(is_dst, doy, hy)
            nzo = jnp.where(is_dst, doz, hz)
            ex = nxo - xo
            ey = nyo - yo
            ez = nzo - zo
            dd2 = ex * ex + ey * ey + ez * ez
            nmd = jnp.where(done, md2, jnp.maximum(md2, dd2))
            return (nxo, nyo, nzo, nmd, done | is_dst)

        st2 = lax.fori_loop(0, SIZE, replay,
                            (ox0, oy0, oz0, zero_v,
                             jnp.zeros((L,), jnp.bool_)))
        plsc.store_scatter(md2_v, [rlane], st2[3], mask=lane_lo)
        return 0

    lax.fori_loop(0, NG, group_body, 0)
    pltpu.sync_copy(md2_v, out_hbm.at[pl.ds(base_row, RPW)])


_sc_path = functools.partial(
    pl.kernel,
    out_type=jax.ShapeDtypeStruct((N,), jnp.float32),
    mesh=plsc.VectorSubcoreMesh(core_axis_name="c", subcore_axis_name="s"),
    compiler_params=pltpu.CompilerParams(needs_layout_passes=False),
    scratch_types=[
        pltpu.VMEM((3 * SIZE,), jnp.float32),
        pltpu.VMEM((3 * SIZE,), jnp.float32),
        pltpu.VMEM((3 * RPW,), jnp.float32),
        pltpu.VMEM((3 * RPW,), jnp.float32),
        pltpu.VMEM((3 * RPW,), jnp.float32),
        pltpu.VMEM((3 * RPW,), jnp.float32),
        pltpu.VMEM((G, SIZE), jnp.float32),
        pltpu.VMEM((SIZE * L,), jnp.int32),
        pltpu.VMEM((RPW,), jnp.float32),
        pltpu.VMEM((3, G, L), jnp.float32),
    ],
)(_sc_body)


def _mean_sqrt_body(x_ref, o_ref):
    o_ref[0, 0] = jnp.sum(jnp.sqrt(x_ref[...])) * jnp.float32(1.0 / N)


_mean_sqrt = pl.pallas_call(
    _mean_sqrt_body,
    out_shape=jax.ShapeDtypeStruct((1, 1), jnp.float32),
    out_specs=pl.BlockSpec(memory_space=pltpu.SMEM),
)


def kernel(outputs, W):
    src = outputs[:N]
    dst = outputs[N:2 * N]
    uav = outputs[2 * N:]
    srcp = src @ W
    dstp = dst @ W
    uavp = uav @ W
    srco = src.T.reshape(-1)
    dsto = dst.T.reshape(-1)
    srcp_t = srcp.T.reshape(-1)
    dstp_t = dstp.T.reshape(-1)
    uavo = jnp.zeros((3, SIZE), jnp.float32).at[:, 1:SIZE - 1].set(uav.T).reshape(-1)
    uavp_t = jnp.zeros((3, SIZE), jnp.float32).at[:, 1:SIZE - 1].set(uavp.T).reshape(-1)
    md2 = _sc_path(srco, dsto, srcp_t, dstp_t, uavo, uavp_t)
    return _mean_sqrt(md2.reshape(N // 128, 128))[0, 0]

# --- scband reference (transcript-rebuilt; emitter-appended) ---
"""Pipeline reference for scband-rgnnloss-55602646614219 (READ-ONLY COPY).

The authoritative reference and input builder live on the scoring server;
editing this copy changes nothing except your own understanding.
"""

import jax, jax.numpy as jnp
import numpy as np

N = 8192
M = 126
D = 3


def path_find_model(x, X_all, h, c, mask, W):
    # Surrogate pointer-network scorer (original path_find_model is an external
    # LSTM pointer net; its outputs are detached in the loss, so any deterministic
    # scorer preserves the memory-access pattern: score all candidates, add mask).
    xp = x @ W
    Xp = X_all @ W
    d2 = jnp.sum((Xp - xp[:, None, :]) ** 2, axis=-1)
    scores = -d2 + mask
    return scores, h, c, None


def setup_inputs(seed: int = 0) -> dict:
    key = jax.random.key(seed)
    k1, k2 = jax.random.split(key)
    outputs = jax.random.normal(k1, (2 * N + M, D), dtype=jnp.float32)
    W = jax.random.normal(k2, (D, D), dtype=jnp.float32) * 0.5
    return {"outputs": outputs, "W": W}


def reference(outputs, W):
    users_src = outputs[:N][:, None, :]
    users_dst = outputs[N:2 * N][:, None, :]
    uav_nodes = jnp.broadcast_to(outputs[2 * N:][None, :, :], (N, M, D))
    uav_graph = jnp.concatenate([users_src, uav_nodes, users_dst], axis=1)
    B = uav_graph.shape[0]
    size = uav_graph.shape[1]
    rows = jnp.arange(B)
    mask = jnp.zeros((B, size), dtype=jnp.float32)
    mask = mask.at[:, 0].set(-jnp.inf)
    x = uav_graph[:, 0, :]
    max_dist = jnp.zeros((B,), dtype=jnp.float32)
    Y0 = x
    for k in range(size):
        if k == 0:
            mask = mask.at[rows, size - 1].set(-jnp.inf)
            Y0 = x
        else:
            mask = mask.at[rows, size - 1].set(0.0)
        scores, _, _, _ = path_find_model(x, uav_graph, None, None, mask, W)
        scores = jax.lax.stop_gradient(scores)  # output.detach()
        idx = jnp.argmax(scores, axis=1)
        Y1 = uav_graph[rows, idx]
        dist = jnp.linalg.norm(Y1 - Y0, axis=1)
        max_dist = jnp.where(dist > max_dist, dist, max_dist)
        Y0 = Y1
        x = Y1
        mask = mask.at[rows, idx].add(-jnp.inf)
        mask = jnp.where((idx == size)[:, None], -jnp.inf, mask)  # no-op, kept for fidelity
    return max_dist.mean()

if __name__ == "__main__":
    import jax
    _d = setup_inputs()
    print(jax.jit(kernel)(*tuple(_d.values())))

</pallas_src>

<mosaic_0001>
#map = affine_map<(d0, d1) -> (0)>
module attributes {stable_mosaic.version = 14 : i64} {
  func.func @_sc_body(%arg0: i32, %arg1: i32, %arg2: memref<24576xf32, #tpu.memory_space<hbm>>, %arg3: memref<24576xf32, #tpu.memory_space<hbm>>, %arg4: memref<24576xf32, #tpu.memory_space<hbm>>, %arg5: memref<24576xf32, #tpu.memory_space<hbm>>, %arg6: memref<384xf32, #tpu.memory_space<hbm>>, %arg7: memref<384xf32, #tpu.memory_space<hbm>>, %arg8: memref<8192xf32, #tpu.memory_space<hbm>>, %arg9: memref<384xf32, #tpu.memory_space<vmem>>, %arg10: memref<384xf32, #tpu.memory_space<vmem>>, %arg11: memref<768xf32, #tpu.memory_space<vmem>>, %arg12: memref<768xf32, #tpu.memory_space<vmem>>, %arg13: memref<768xf32, #tpu.memory_space<vmem>>, %arg14: memref<768xf32, #tpu.memory_space<vmem>>, %arg15: memref<8x128xf32, #tpu.memory_space<vmem>>, %arg16: memref<2048xi32, #tpu.memory_space<vmem>>, %arg17: memref<256xf32, #tpu.memory_space<vmem>>, %arg18: memref<3x8x16xf32, #tpu.memory_space<vmem>>) attributes {dimension_semantics = [#tpu.dimension_semantics<core_parallel>, #tpu.dimension_semantics<subcore_parallel>], iteration_bounds = array<i64: 2, 16>, scalar_prefetch = 0 : i64, scratch_operands = 10 : i64, tpu.core_type = #tpu.core_type<sc_vector_subcore>, window_params = [{transform_indices = #map}, {transform_indices = #map}, {transform_indices = #map}, {transform_indices = #map}, {transform_indices = #map}, {transform_indices = #map}, {transform_indices = #map}]} {
    %mul3A = arith.constant 2 : i32
    %mul3A_0 = arith.muli %arg1, %mul3A : i32
    %add3A = arith.addi %mul3A_0, %arg0 : i32
    %mul3A_1 = arith.constant 256 : i32
    %mul3A_2 = arith.muli %add3A, %mul3A_1 : i32
    "tpu.region"() ({
      %run_scoped3A = tpu.sem_alloc : memref<!tpu.dma_semaphore, #tpu.memory_space<semaphore_mem>>
      tpu.enqueue_dma source(%arg6 : memref<384xf32, #tpu.memory_space<hbm>>) target(%arg9 : memref<384xf32, #tpu.memory_space<vmem>>) target_semaphore(%run_scoped3A : memref<!tpu.dma_semaphore, #tpu.memory_space<semaphore_mem>>)
      tpu.wait_dma2 semaphore(%run_scoped3A : memref<!tpu.dma_semaphore, #tpu.memory_space<semaphore_mem>>) src(%arg6 : memref<384xf32, #tpu.memory_space<hbm>>) dst(%arg9 : memref<384xf32, #tpu.memory_space<vmem>>)
      tpu.yield
    }) : () -> ()
    "tpu.region"() ({
      %run_scoped3A = tpu.sem_alloc : memref<!tpu.dma_semaphore, #tpu.memory_space<semaphore_mem>>
      tpu.enqueue_dma source(%arg7 : memref<384xf32, #tpu.memory_space<hbm>>) target(%arg10 : memref<384xf32, #tpu.memory_space<vmem>>) target_semaphore(%run_scoped3A : memref<!tpu.dma_semaphore, #tpu.memory_space<semaphore_mem>>)
      tpu.wait_dma2 semaphore(%run_scoped3A : memref<!tpu.dma_semaphore, #tpu.memory_space<semaphore_mem>>) src(%arg7 : memref<384xf32, #tpu.memory_space<hbm>>) dst(%arg10 : memref<384xf32, #tpu.memory_space<vmem>>)
      tpu.yield
    }) : () -> ()
    %add3A_3 = arith.constant 0 : i32
    %add3A_4 = arith.addi %add3A_3, %mul3A_2 : i32
    "tpu.region"() ({
      %run_scoped3A = tpu.sem_alloc : memref<!tpu.dma_semaphore, #tpu.memory_space<semaphore_mem>>
      %dma_start3A = arith.constant 0 : i32
      %dma_start3A_43 = tpu.memref_slice %arg11[%dma_start3A] : memref<768xf32, #tpu.memory_space<vmem>> -> memref<256xf32, #tpu.memory_space<vmem>>
      %dma_start3A_44 = tpu.memref_slice %arg2[%add3A_4] : memref<24576xf32, #tpu.memory_space<hbm>> -> memref<256xf32, #tpu.memory_space<hbm>>
      %dma_start3A_45 = arith.constant 0 : i32
      %dma_start3A_46 = tpu.memref_slice %arg11[%dma_start3A_45] : memref<768xf32, #tpu.memory_space<vmem>> -> memref<256xf32, #tpu.memory_space<vmem>>
      %dma_start3A_47 = tpu.memref_slice %arg2[%add3A_4] : memref<24576xf32, #tpu.memory_space<hbm>> -> memref<256xf32, #tpu.memory_space<hbm>>
      tpu.enqueue_dma source(%dma_start3A_47 : memref<256xf32, #tpu.memory_space<hbm>>) target(%dma_start3A_46 : memref<256xf32, #tpu.memory_space<vmem>>) target_semaphore(%run_scoped3A : memref<!tpu.dma_semaphore, #tpu.memory_space<semaphore_mem>>)
      %dma_wait3A = arith.constant 0 : i32
      %dma_wait3A_48 = tpu.memref_slice %arg11[%dma_wait3A] : memref<768xf32, #tpu.memory_space<vmem>> -> memref<256xf32, #tpu.memory_space<vmem>>
      %dma_wait3A_49 = tpu.memref_slice %arg2[%add3A_4] : memref<24576xf32, #tpu.memory_space<hbm>> -> memref<256xf32, #tpu.memory_space<hbm>>
      %dma_wait3A_50 = arith.constant 0 : i32
      %dma_wait3A_51 = tpu.memref_slice %arg11[%dma_wait3A_50] : memref<768xf32, #tpu.memory_space<vmem>> -> memref<256xf32, #tpu.memory_space<vmem>>
      %dma_wait3A_52 = tpu.memref_slice %arg2[%add3A_4] : memref<24576xf32, #tpu.memory_space<hbm>> -> memref<256xf32, #tpu.memory_space<hbm>>
      tpu.wait_dma2 semaphore(%run_scoped3A : memref<!tpu.dma_semaphore, #tpu.memory_space<semaphore_mem>>) src(%dma_wait3A_52 : memref<256xf32, #tpu.memory_space<hbm>>) dst(%dma_wait3A_51 : memref<256xf32, #tpu.memory_space<vmem>>)
      tpu.yield
    }) : () -> ()
    %add3A_5 = arith.constant 0 : i32
    %add3A_6 = arith.addi %add3A_5, %mul3A_2 : i32
    "tpu.region"() ({
      %run_scoped3A = tpu.sem_alloc : memref<!tpu.dma_semaphore, #tpu.memory_space<semaphore_mem>>
      %dma_start3A = arith.constant 0 : i32
      %dma_start3A_43 = tpu.memref_slice %arg13[%dma_start3A] : memref<768xf32, #tpu.memory_space<vmem>> -> memref<256xf32, #tpu.memory_space<vmem>>
      %dma_start3A_44 = tpu.memref_slice %arg3[%add3A_6] : memref<24576xf32, #tpu.memory_space<hbm>> -> memref<256xf32, #tpu.memory_space<hbm>>
      %dma_start3A_45 = arith.constant 0 : i32
      %dma_start3A_46 = tpu.memref_slice %arg13[%dma_start3A_45] : memref<768xf32, #tpu.memory_space<vmem>> -> memref<256xf32, #tpu.memory_space<vmem>>
      %dma_start3A_47 = tpu.memref_slice %arg3[%add3A_6] : memref<24576xf32, #tpu.memory_space<hbm>> -> memref<256xf32, #tpu.memory_space<hbm>>
      tpu.enqueue_dma source(%dma_start3A_47 : memref<256xf32, #tpu.memory_space<hbm>>) target(%dma_start3A_46 : memref<256xf32, #tpu.memory_space<vmem>>) target_semaphore(%run_scoped3A : memref<!tpu.dma_semaphore, #tpu.memory_space<semaphore_mem>>)
      %dma_wait3A = arith.constant 0 : i32
      %dma_wait3A_48 = tpu.memref_slice %arg13[%dma_wait3A] : memref<768xf32, #tpu.memory_space<vmem>> -> memref<256xf32, #tpu.memory_space<vmem>>
      %dma_wait3A_49 = tpu.memref_slice %arg3[%add3A_6] : memref<24576xf32, #tpu.memory_space<hbm>> -> memref<256xf32, #tpu.memory_space<hbm>>
      %dma_wait3A_50 = arith.constant 0 : i32
      %dma_wait3A_51 = tpu.memref_slice %arg13[%dma_wait3A_50] : memref<768xf32, #tpu.memory_space<vmem>> -> memref<256xf32, #tpu.memory_space<vmem>>
      %dma_wait3A_52 = tpu.memref_slice %arg3[%add3A_6] : memref<24576xf32, #tpu.memory_space<hbm>> -> memref<256xf32, #tpu.memory_space<hbm>>
      tpu.wait_dma2 semaphore(%run_scoped3A : memref<!tpu.dma_semaphore, #tpu.memory_space<semaphore_mem>>) src(%dma_wait3A_52 : memref<256xf32, #tpu.memory_space<hbm>>) dst(%dma_wait3A_51 : memref<256xf32, #tpu.memory_space<vmem>>)
      tpu.yield
    }) : () -> ()
    %add3A_7 = arith.constant 0 : i32
    %add3A_8 = arith.addi %add3A_7, %mul3A_2 : i32
    "tpu.region"() ({
      %run_scoped3A = tpu.sem_alloc : memref<!tpu.dma_semaphore, #tpu.memory_space<semaphore_mem>>
      %dma_start3A = arith.constant 0 : i32
      %dma_start3A_43 = tpu.memref_slice %arg12[%dma_start3A] : memref<768xf32, #tpu.memory_space<vmem>> -> memref<256xf32, #tpu.memory_space<vmem>>
      %dma_start3A_44 = tpu.memref_slice %arg4[%add3A_8] : memref<24576xf32, #tpu.memory_space<hbm>> -> memref<256xf32, #tpu.memory_space<hbm>>
      %dma_start3A_45 = arith.constant 0 : i32
      %dma_start3A_46 = tpu.memref_slice %arg12[%dma_start3A_45] : memref<768xf32, #tpu.memory_space<vmem>> -> memref<256xf32, #tpu.memory_space<vmem>>
      %dma_start3A_47 = tpu.memref_slice %arg4[%add3A_8] : memref<24576xf32, #tpu.memory_space<hbm>> -> memref<256xf32, #tpu.memory_space<hbm>>
      tpu.enqueue_dma source(%dma_start3A_47 : memref<256xf32, #tpu.memory_space<hbm>>) target(%dma_start3A_46 : memref<256xf32, #tpu.memory_space<vmem>>) target_semaphore(%run_scoped3A : memref<!tpu.dma_semaphore, #tpu.memory_space<semaphore_mem>>)
      %dma_wait3A = arith.constant 0 : i32
      %dma_wait3A_48 = tpu.memref_slice %arg12[%dma_wait3A] : memref<768xf32, #tpu.memory_space<vmem>> -> memref<256xf32, #tpu.memory_space<vmem>>
      %dma_wait3A_49 = tpu.memref_slice %arg4[%add3A_8] : memref<24576xf32, #tpu.memory_space<hbm>> -> memref<256xf32, #tpu.memory_space<hbm>>
      %dma_wait3A_50 = arith.constant 0 : i32
      %dma_wait3A_51 = tpu.memref_slice %arg12[%dma_wait3A_50] : memref<768xf32, #tpu.memory_space<vmem>> -> memref<256xf32, #tpu.memory_space<vmem>>
      %dma_wait3A_52 = tpu.memref_slice %arg4[%add3A_8] : memref<24576xf32, #tpu.memory_space<hbm>> -> memref<256xf32, #tpu.memory_space<hbm>>
      tpu.wait_dma2 semaphore(%run_scoped3A : memref<!tpu.dma_semaphore, #tpu.memory_space<semaphore_mem>>) src(%dma_wait3A_52 : memref<256xf32, #tpu.memory_space<hbm>>) dst(%dma_wait3A_51 : memref<256xf32, #tpu.memory_space<vmem>>)
      tpu.yield
    }) : () -> ()
    %add3A_9 = arith.constant 0 : i32
    %add3A_10 = arith.addi %add3A_9, %mul3A_2 : i32
    "tpu.region"() ({
      %run_scoped3A = tpu.sem_alloc : memref<!tpu.dma_semaphore, #tpu.memory_space<semaphore_mem>>
      %dma_start3A = arith.constant 0 : i32
      %dma_start3A_43 = tpu.memref_slice %arg14[%dma_start3A] : memref<768xf32, #tpu.memory_space<vmem>> -> memref<256xf32, #tpu.memory_space<vmem>>
      %dma_start3A_44 = tpu.memref_slice %arg5[%add3A_10] : memref<24576xf32, #tpu.memory_space<hbm>> -> memref<256xf32, #tpu.memory_space<hbm>>
      %dma_start3A_45 = arith.constant 0 : i32
      %dma_start3A_46 = tpu.memref_slice %arg14[%dma_start3A_45] : memref<768xf32, #tpu.memory_space<vmem>> -> memref<256xf32, #tpu.memory_space<vmem>>
      %dma_start3A_47 = tpu.memref_slice %arg5[%add3A_10] : memref<24576xf32, #tpu.memory_space<hbm>> -> memref<256xf32, #tpu.memory_space<hbm>>
      tpu.enqueue_dma source(%dma_start3A_47 : memref<256xf32, #tpu.memory_space<hbm>>) target(%dma_start3A_46 : memref<256xf32, #tpu.memory_space<vmem>>) target_semaphore(%run_scoped3A : memref<!tpu.dma_semaphore, #tpu.memory_space<semaphore_mem>>)
      %dma_wait3A = arith.constant 0 : i32
      %dma_wait3A_48 = tpu.memref_slice %arg14[%dma_wait3A] : memref<768xf32, #tpu.memory_space<vmem>> -> memref<256xf32, #tpu.memory_space<vmem>>
      %dma_wait3A_49 = tpu.memref_slice %arg5[%add3A_10] : memref<24576xf32, #tpu.memory_space<hbm>> -> memref<256xf32, #tpu.memory_space<hbm>>
      %dma_wait3A_50 = arith.constant 0 : i32
      %dma_wait3A_51 = tpu.memref_slice %arg14[%dma_wait3A_50] : memref<768xf32, #tpu.memory_space<vmem>> -> memref<256xf32, #tpu.memory_space<vmem>>
      %dma_wait3A_52 = tpu.memref_slice %arg5[%add3A_10] : memref<24576xf32, #tpu.memory_space<hbm>> -> memref<256xf32, #tpu.memory_space<hbm>>
      tpu.wait_dma2 semaphore(%run_scoped3A : memref<!tpu.dma_semaphore, #tpu.memory_space<semaphore_mem>>) src(%dma_wait3A_52 : memref<256xf32, #tpu.memory_space<hbm>>) dst(%dma_wait3A_51 : memref<256xf32, #tpu.memory_space<vmem>>)
      tpu.yield
    }) : () -> ()
    %add3A_11 = arith.constant 8192 : i32
    %add3A_12 = arith.addi %add3A_11, %mul3A_2 : i32
    "tpu.region"() ({
      %run_scoped3A = tpu.sem_alloc : memref<!tpu.dma_semaphore, #tpu.memory_space<semaphore_mem>>
      %dma_start3A = arith.constant 256 : i32
      %dma_start3A_43 = tpu.memref_slice %arg11[%dma_start3A] : memref<768xf32, #tpu.memory_space<vmem>> -> memref<256xf32, #tpu.memory_space<vmem>>
      %dma_start3A_44 = tpu.memref_slice %arg2[%add3A_12] : memref<24576xf32, #tpu.memory_space<hbm>> -> memref<256xf32, #tpu.memory_space<hbm>>
      %dma_start3A_45 = arith.constant 256 : i32
      %dma_start3A_46 = tpu.memref_slice %arg11[%dma_start3A_45] : memref<768xf32, #tpu.memory_space<vmem>> -> memref<256xf32, #tpu.memory_space<vmem>>
      %dma_start3A_47 = tpu.memref_slice %arg2[%add3A_12] : memref<24576xf32, #tpu.memory_space<hbm>> -> memref<256xf32, #tpu.memory_space<hbm>>
      tpu.enqueue_dma source(%dma_start3A_47 : memref<256xf32, #tpu.memory_space<hbm>>) target(%dma_start3A_46 : memref<256xf32, #tpu.memory_space<vmem>>) target_semaphore(%run_scoped3A : memref<!tpu.dma_semaphore, #tpu.memory_space<semaphore_mem>>)
      %dma_wait3A = arith.constant 256 : i32
      %dma_wait3A_48 = tpu.memref_slice %arg11[%dma_wait3A] : memref<768xf32, #tpu.memory_space<vmem>> -> memref<256xf32, #tpu.memory_space<vmem>>
      %dma_wait3A_49 = tpu.memref_slice %arg2[%add3A_12] : memref<24576xf32, #tpu.memory_space<hbm>> -> memref<256xf32, #tpu.memory_space<hbm>>
      %dma_wait3A_50 = arith.constant 256 : i32
      %dma_wait3A_51 = tpu.memref_slice %arg11[%dma_wait3A_50] : memref<768xf32, #tpu.memory_space<vmem>> -> memref<256xf32, #tpu.memory_space<vmem>>
      %dma_wait3A_52 = tpu.memref_slice %arg2[%add3A_12] : memref<24576xf32, #tpu.memory_space<hbm>> -> memref<256xf32, #tpu.memory_space<hbm>>
      tpu.wait_dma2 semaphore(%run_scoped3A : memref<!tpu.dma_semaphore, #tpu.memory_space<semaphore_mem>>) src(%dma_wait3A_52 : memref<256xf32, #tpu.memory_space<hbm>>) dst(%dma_wait3A_51 : memref<256xf32, #tpu.memory_space<vmem>>)
      tpu.yield
    }) : () -> ()
    %add3A_13 = arith.constant 8192 : i32
    %add3A_14 = arith.addi %add3A_13, %mul3A_2 : i32
    "tpu.region"() ({
      %run_scoped3A = tpu.sem_alloc : memref<!tpu.dma_semaphore, #tpu.memory_space<semaphore_mem>>
      %dma_start3A = arith.constant 256 : i32
      %dma_start3A_43 = tpu.memref_slice %arg13[%dma_start3A] : memref<768xf32, #tpu.memory_space<vmem>> -> memref<256xf32, #tpu.memory_space<vmem>>
      %dma_start3A_44 = tpu.memref_slice %arg3[%add3A_14] : memref<24576xf32, #tpu.memory_space<hbm>> -> memref<256xf32, #tpu.memory_space<hbm>>
      %dma_start3A_45 = arith.constant 256 : i32
      %dma_start3A_46 = tpu.memref_slice %arg13[%dma_start3A_45] : memref<768xf32, #tpu.memory_space<vmem>> -> memref<256xf32, #tpu.memory_space<vmem>>
      %dma_start3A_47 = tpu.memref_slice %arg3[%add3A_14] : memref<24576xf32, #tpu.memory_space<hbm>> -> memref<256xf32, #tpu.memory_space<hbm>>
      tpu.enqueue_dma source(%dma_start3A_47 : memref<256xf32, #tpu.memory_space<hbm>>) target(%dma_start3A_46 : memref<256xf32, #tpu.memory_space<vmem>>) target_semaphore(%run_scoped3A : memref<!tpu.dma_semaphore, #tpu.memory_space<semaphore_mem>>)
      %dma_wait3A = arith.constant 256 : i32
      %dma_wait3A_48 = tpu.memref_slice %arg13[%dma_wait3A] : memref<768xf32, #tpu.memory_space<vmem>> -> memref<256xf32, #tpu.memory_space<vmem>>
      %dma_wait3A_49 = tpu.memref_slice %arg3[%add3A_14] : memref<24576xf32, #tpu.memory_space<hbm>> -> memref<256xf32, #tpu.memory_space<hbm>>
      %dma_wait3A_50 = arith.constant 256 : i32
      %dma_wait3A_51 = tpu.memref_slice %arg13[%dma_wait3A_50] : memref<768xf32, #tpu.memory_space<vmem>> -> memref<256xf32, #tpu.memory_space<vmem>>
      %dma_wait3A_52 = tpu.memref_slice %arg3[%add3A_14] : memref<24576xf32, #tpu.memory_space<hbm>> -> memref<256xf32, #tpu.memory_space<hbm>>
      tpu.wait_dma2 semaphore(%run_scoped3A : memref<!tpu.dma_semaphore, #tpu.memory_space<semaphore_mem>>) src(%dma_wait3A_52 : memref<256xf32, #tpu.memory_space<hbm>>) dst(%dma_wait3A_51 : memref<256xf32, #tpu.memory_space<vmem>>)
      tpu.yield
    }) : () -> ()
    %add3A_15 = arith.constant 8192 : i32
    %add3A_16 = arith.addi %add3A_15, %mul3A_2 : i32
    "tpu.region"() ({
      %run_scoped3A = tpu.sem_alloc : memref<!tpu.dma_semaphore, #tpu.memory_space<semaphore_mem>>
      %dma_start3A = arith.constant 256 : i32
      %dma_start3A_43 = tpu.memref_slice %arg12[%dma_start3A] : memref<768xf32, #tpu.memory_space<vmem>> -> memref<256xf32, #tpu.memory_space<vmem>>
      %dma_start3A_44 = tpu.memref_slice %arg4[%add3A_16] : memref<24576xf32, #tpu.memory_space<hbm>> -> memref<256xf32, #tpu.memory_space<hbm>>
      %dma_start3A_45 = arith.constant 256 : i32
      %dma_start3A_46 = tpu.memref_slice %arg12[%dma_start3A_45] : memref<768xf32, #tpu.memory_space<vmem>> -> memref<256xf32, #tpu.memory_space<vmem>>
      %dma_start3A_47 = tpu.memref_slice %arg4[%add3A_16] : memref<24576xf32, #tpu.memory_space<hbm>> -> memref<256xf32, #tpu.memory_space<hbm>>
      tpu.enqueue_dma source(%dma_start3A_47 : memref<256xf32, #tpu.memory_space<hbm>>) target(%dma_start3A_46 : memref<256xf32, #tpu.memory_space<vmem>>) target_semaphore(%run_scoped3A : memref<!tpu.dma_semaphore, #tpu.memory_space<semaphore_mem>>)
      %dma_wait3A = arith.constant 256 : i32
      %dma_wait3A_48 = tpu.memref_slice %arg12[%dma_wait3A] : memref<768xf32, #tpu.memory_space<vmem>> -> memref<256xf32, #tpu.memory_space<vmem>>
      %dma_wait3A_49 = tpu.memref_slice %arg4[%add3A_16] : memref<24576xf32, #tpu.memory_space<hbm>> -> memref<256xf32, #tpu.memory_space<hbm>>
      %dma_wait3A_50 = arith.constant 256 : i32
      %dma_wait3A_51 = tpu.memref_slice %arg12[%dma_wait3A_50] : memref<768xf32, #tpu.memory_space<vmem>> -> memref<256xf32, #tpu.memory_space<vmem>>
      %dma_wait3A_52 = tpu.memref_slice %arg4[%add3A_16] : memref<24576xf32, #tpu.memory_space<hbm>> -> memref<256xf32, #tpu.memory_space<hbm>>
      tpu.wait_dma2 semaphore(%run_scoped3A : memref<!tpu.dma_semaphore, #tpu.memory_space<semaphore_mem>>) src(%dma_wait3A_52 : memref<256xf32, #tpu.memory_space<hbm>>) dst(%dma_wait3A_51 : memref<256xf32, #tpu.memory_space<vmem>>)
      tpu.yield
    }) : () -> ()
    %add3A_17 = arith.constant 8192 : i32
    %add3A_18 = arith.addi %add3A_17, %mul3A_2 : i32
    "tpu.region"() ({
      %run_scoped3A = tpu.sem_alloc : memref<!tpu.dma_semaphore, #tpu.memory_space<semaphore_mem>>
      %dma_start3A = arith.constant 256 : i32
      %dma_start3A_43 = tpu.memref_slice %arg14[%dma_start3A] : memref<768xf32, #tpu.memory_space<vmem>> -> memref<256xf32, #tpu.memory_space<vmem>>
      %dma_start3A_44 = tpu.memref_slice %arg5[%add3A_18] : memref<24576xf32, #tpu.memory_space<hbm>> -> memref<256xf32, #tpu.memory_space<hbm>>
      %dma_start3A_45 = arith.constant 256 : i32
      %dma_start3A_46 = tpu.memref_slice %arg14[%dma_start3A_45] : memref<768xf32, #tpu.memory_space<vmem>> -> memref<256xf32, #tpu.memory_space<vmem>>
      %dma_start3A_47 = tpu.memref_slice %arg5[%add3A_18] : memref<24576xf32, #tpu.memory_space<hbm>> -> memref<256xf32, #tpu.memory_space<hbm>>
      tpu.enqueue_dma source(%dma_start3A_47 : memref<256xf32, #tpu.memory_space<hbm>>) target(%dma_start3A_46 : memref<256xf32, #tpu.memory_space<vmem>>) target_semaphore(%run_scoped3A : memref<!tpu.dma_semaphore, #tpu.memory_space<semaphore_mem>>)
      %dma_wait3A = arith.constant 256 : i32
      %dma_wait3A_48 = tpu.memref_slice %arg14[%dma_wait3A] : memref<768xf32, #tpu.memory_space<vmem>> -> memref<256xf32, #tpu.memory_space<vmem>>
      %dma_wait3A_49 = tpu.memref_slice %arg5[%add3A_18] : memref<24576xf32, #tpu.memory_space<hbm>> -> memref<256xf32, #tpu.memory_space<hbm>>
      %dma_wait3A_50 = arith.constant 256 : i32
      %dma_wait3A_51 = tpu.memref_slice %arg14[%dma_wait3A_50] : memref<768xf32, #tpu.memory_space<vmem>> -> memref<256xf32, #tpu.memory_space<vmem>>
      %dma_wait3A_52 = tpu.memref_slice %arg5[%add3A_18] : memref<24576xf32, #tpu.memory_space<hbm>> -> memref<256xf32, #tpu.memory_space<hbm>>
      tpu.wait_dma2 semaphore(%run_scoped3A : memref<!tpu.dma_semaphore, #tpu.memory_space<semaphore_mem>>) src(%dma_wait3A_52 : memref<256xf32, #tpu.memory_space<hbm>>) dst(%dma_wait3A_51 : memref<256xf32, #tpu.memory_space<vmem>>)
      tpu.yield
    }) : () -> ()
    %add3A_19 = arith.constant 16384 : i32
    %add3A_20 = arith.addi %add3A_19, %mul3A_2 : i32
    "tpu.region"() ({
      %run_scoped3A = tpu.sem_alloc : memref<!tpu.dma_semaphore, #tpu.memory_space<semaphore_mem>>
      %dma_start3A = arith.constant 512 : i32
      %dma_start3A_43 = tpu.memref_slice %arg11[%dma_start3A] : memref<768xf32, #tpu.memory_space<vmem>> -> memref<256xf32, #tpu.memory_space<vmem>>
      %dma_start3A_44 = tpu.memref_slice %arg2[%add3A_20] : memref<24576xf32, #tpu.memory_space<hbm>> -> memref<256xf32, #tpu.memory_space<hbm>>
      %dma_start3A_45 = arith.constant 512 : i32
      %dma_start3A_46 = tpu.memref_slice %arg11[%dma_start3A_45] : memref<768xf32, #tpu.memory_space<vmem>> -> memref<256xf32, #tpu.memory_space<vmem>>
      %dma_start3A_47 = tpu.memref_slice %arg2[%add3A_20] : memref<24576xf32, #tpu.memory_space<hbm>> -> memref<256xf32, #tpu.memory_space<hbm>>
      tpu.enqueue_dma source(%dma_start3A_47 : memref<256xf32, #tpu.memory_space<hbm>>) target(%dma_start3A_46 : memref<256xf32, #tpu.memory_space<vmem>>) target_semaphore(%run_scoped3A : memref<!tpu.dma_semaphore, #tpu.memory_space<semaphore_mem>>)
      %dma_wait3A = arith.constant 512 : i32
      %dma_wait3A_48 = tpu.memref_slice %arg11[%dma_wait3A] : memref<768xf32, #tpu.memory_space<vmem>> -> memref<256xf32, #tpu.memory_space<vmem>>
      %dma_wait3A_49 = tpu.memref_slice %arg2[%add3A_20] : memref<24576xf32, #tpu.memory_space<hbm>> -> memref<256xf32, #tpu.memory_space<hbm>>
      %dma_wait3A_50 = arith.constant 512 : i32
      %dma_wait3A_51 = tpu.memref_slice %arg11[%dma_wait3A_50] : memref<768xf32, #tpu.memory_space<vmem>> -> memref<256xf32, #tpu.memory_space<vmem>>
      %dma_wait3A_52 = tpu.memref_slice %arg2[%add3A_20] : memref<24576xf32, #tpu.memory_space<hbm>> -> memref<256xf32, #tpu.memory_space<hbm>>
      tpu.wait_dma2 semaphore(%run_scoped3A : memref<!tpu.dma_semaphore, #tpu.memory_space<semaphore_mem>>) src(%dma_wait3A_52 : memref<256xf32, #tpu.memory_space<hbm>>) dst(%dma_wait3A_51 : memref<256xf32, #tpu.memory_space<vmem>>)
      tpu.yield
    }) : () -> ()
    %add3A_21 = arith.constant 16384 : i32
    %add3A_22 = arith.addi %add3A_21, %mul3A_2 : i32
    "tpu.region"() ({
      %run_scoped3A = tpu.sem_alloc : memref<!tpu.dma_semaphore, #tpu.memory_space<semaphore_mem>>
      %dma_start3A = arith.constant 512 : i32
      %dma_start3A_43 = tpu.memref_slice %arg13[%dma_start3A] : memref<768xf32, #tpu.memory_space<vmem>> -> memref<256xf32, #tpu.memory_space<vmem>>
      %dma_start3A_44 = tpu.memref_slice %arg3[%add3A_22] : memref<24576xf32, #tpu.memory_space<hbm>> -> memref<256xf32, #tpu.memory_space<hbm>>
      %dma_start3A_45 = arith.constant 512 : i32
      %dma_start3A_46 = tpu.memref_slice %arg13[%dma_start3A_45] : memref<768xf32, #tpu.memory_space<vmem>> -> memref<256xf32, #tpu.memory_space<vmem>>
      %dma_start3A_47 = tpu.memref_slice %arg3[%add3A_22] : memref<24576xf32, #tpu.memory_space<hbm>> -> memref<256xf32, #tpu.memory_space<hbm>>
      tpu.enqueue_dma source(%dma_start3A_47 : memref<256xf32, #tpu.memory_space<hbm>>) target(%dma_start3A_46 : memref<256xf32, #tpu.memory_space<vmem>>) target_semaphore(%run_scoped3A : memref<!tpu.dma_semaphore, #tpu.memory_space<semaphore_mem>>)
      %dma_wait3A = arith.constant 512 : i32
      %dma_wait3A_48 = tpu.memref_slice %arg13[%dma_wait3A] : memref<768xf32, #tpu.memory_space<vmem>> -> memref<256xf32, #tpu.memory_space<vmem>>
      %dma_wait3A_49 = tpu.memref_slice %arg3[%add3A_22] : memref<24576xf32, #tpu.memory_space<hbm>> -> memref<256xf32, #tpu.memory_space<hbm>>
      %dma_wait3A_50 = arith.constant 512 : i32
      %dma_wait3A_51 = tpu.memref_slice %arg13[%dma_wait3A_50] : memref<768xf32, #tpu.memory_space<vmem>> -> memref<256xf32, #tpu.memory_space<vmem>>
      %dma_wait3A_52 = tpu.memref_slice %arg3[%add3A_22] : memref<24576xf32, #tpu.memory_space<hbm>> -> memref<256xf32, #tpu.memory_space<hbm>>
      tpu.wait_dma2 semaphore(%run_scoped3A : memref<!tpu.dma_semaphore, #tpu.memory_space<semaphore_mem>>) src(%dma_wait3A_52 : memref<256xf32, #tpu.memory_space<hbm>>) dst(%dma_wait3A_51 : memref<256xf32, #tpu.memory_space<vmem>>)
      tpu.yield
    }) : () -> ()
    %add3A_23 = arith.constant 16384 : i32
    %add3A_24 = arith.addi %add3A_23, %mul3A_2 : i32
    "tpu.region"() ({
      %run_scoped3A = tpu.sem_alloc : memref<!tpu.dma_semaphore, #tpu.memory_space<semaphore_mem>>
      %dma_start3A = arith.constant 512 : i32
      %dma_start3A_43 = tpu.memref_slice %arg12[%dma_start3A] : memref<768xf32, #tpu.memory_space<vmem>> -> memref<256xf32, #tpu.memory_space<vmem>>
      %dma_start3A_44 = tpu.memref_slice %arg4[%add3A_24] : memref<24576xf32, #tpu.memory_space<hbm>> -> memref<256xf32, #tpu.memory_space<hbm>>
      %dma_start3A_45 = arith.constant 512 : i32
      %dma_start3A_46 = tpu.memref_slice %arg12[%dma_start3A_45] : memref<768xf32, #tpu.memory_space<vmem>> -> memref<256xf32, #tpu.memory_space<vmem>>
      %dma_start3A_47 = tpu.memref_slice %arg4[%add3A_24] : memref<24576xf32, #tpu.memory_space<hbm>> -> memref<256xf32, #tpu.memory_space<hbm>>
      tpu.enqueue_dma source(%dma_start3A_47 : memref<256xf32, #tpu.memory_space<hbm>>) target(%dma_start3A_46 : memref<256xf32, #tpu.memory_space<vmem>>) target_semaphore(%run_scoped3A : memref<!tpu.dma_semaphore, #tpu.memory_space<semaphore_mem>>)
      %dma_wait3A = arith.constant 512 : i32
      %dma_wait3A_48 = tpu.memref_slice %arg12[%dma_wait3A] : memref<768xf32, #tpu.memory_space<vmem>> -> memref<256xf32, #tpu.memory_space<vmem>>
      %dma_wait3A_49 = tpu.memref_slice %arg4[%add3A_24] : memref<24576xf32, #tpu.memory_space<hbm>> -> memref<256xf32, #tpu.memory_space<hbm>>
      %dma_wait3A_50 = arith.constant 512 : i32
      %dma_wait3A_51 = tpu.memref_slice %arg12[%dma_wait3A_50] : memref<768xf32, #tpu.memory_space<vmem>> -> memref<256xf32, #tpu.memory_space<vmem>>
      %dma_wait3A_52 = tpu.memref_slice %arg4[%add3A_24] : memref<24576xf32, #tpu.memory_space<hbm>> -> memref<256xf32, #tpu.memory_space<hbm>>
      tpu.wait_dma2 semaphore(%run_scoped3A : memref<!tpu.dma_semaphore, #tpu.memory_space<semaphore_mem>>) src(%dma_wait3A_52 : memref<256xf32, #tpu.memory_space<hbm>>) dst(%dma_wait3A_51 : memref<256xf32, #tpu.memory_space<vmem>>)
      tpu.yield
    }) : () -> ()
    %add3A_25 = arith.constant 16384 : i32
    %add3A_26 = arith.addi %add3A_25, %mul3A_2 : i32
    "tpu.region"() ({
      %run_scoped3A = tpu.sem_alloc : memref<!tpu.dma_semaphore, #tpu.memory_space<semaphore_mem>>
      %dma_start3A = arith.constant 512 : i32
      %dma_start3A_43 = tpu.memref_slice %arg14[%dma_start3A] : memref<768xf32, #tpu.memory_space<vmem>> -> memref<256xf32, #tpu.memory_space<vmem>>
      %dma_start3A_44 = tpu.memref_slice %arg5[%add3A_26] : memref<24576xf32, #tpu.memory_space<hbm>> -> memref<256xf32, #tpu.memory_space<hbm>>
      %dma_start3A_45 = arith.constant 512 : i32
      %dma_start3A_46 = tpu.memref_slice %arg14[%dma_start3A_45] : memref<768xf32, #tpu.memory_space<vmem>> -> memref<256xf32, #tpu.memory_space<vmem>>
      %dma_start3A_47 = tpu.memref_slice %arg5[%add3A_26] : memref<24576xf32, #tpu.memory_space<hbm>> -> memref<256xf32, #tpu.memory_space<hbm>>
      tpu.enqueue_dma source(%dma_start3A_47 : memref<256xf32, #tpu.memory_space<hbm>>) target(%dma_start3A_46 : memref<256xf32, #tpu.memory_space<vmem>>) target_semaphore(%run_scoped3A : memref<!tpu.dma_semaphore, #tpu.memory_space<semaphore_mem>>)
      %dma_wait3A = arith.constant 512 : i32
      %dma_wait3A_48 = tpu.memref_slice %arg14[%dma_wait3A] : memref<768xf32, #tpu.memory_space<vmem>> -> memref<256xf32, #tpu.memory_space<vmem>>
      %dma_wait3A_49 = tpu.memref_slice %arg5[%add3A_26] : memref<24576xf32, #tpu.memory_space<hbm>> -> memref<256xf32, #tpu.memory_space<hbm>>
      %dma_wait3A_50 = arith.constant 512 : i32
      %dma_wait3A_51 = tpu.memref_slice %arg14[%dma_wait3A_50] : memref<768xf32, #tpu.memory_space<vmem>> -> memref<256xf32, #tpu.memory_space<vmem>>
      %dma_wait3A_52 = tpu.memref_slice %arg5[%add3A_26] : memref<24576xf32, #tpu.memory_space<hbm>> -> memref<256xf32, #tpu.memory_space<hbm>>
      tpu.wait_dma2 semaphore(%run_scoped3A : memref<!tpu.dma_semaphore, #tpu.memory_space<semaphore_mem>>) src(%dma_wait3A_52 : memref<256xf32, #tpu.memory_space<hbm>>) dst(%dma_wait3A_51 : memref<256xf32, #tpu.memory_space<vmem>>)
      tpu.yield
    }) : () -> ()
    %iota3A = tpu.iota {dimensions = array<i32: 0>} : vector<16xi32>
    %broadcast_in_dim3A = arith.constant 0xFF800000 : f32
    %broadcast_in_dim3A_27 = vector.broadcast %broadcast_in_dim3A : f32 to vector<16xf32>
    %broadcast_in_dim3A_28 = arith.constant 0.000000e+00 : f32
    %broadcast_in_dim3A_29 = vector.broadcast %broadcast_in_dim3A_28 : f32 to vector<16xf32>
    %eq3A = arith.constant 15 : i32
    %eq3A_30 = vector.broadcast %eq3A : i32 to vector<16xi32>
    %eq3A_31 = arith.cmpi eq, %iota3A, %eq3A_30 : vector<16xi32>
    %eq3A_32 = arith.constant 0 : i32
    %eq3A_33 = vector.broadcast %eq3A_32 : i32 to vector<16xi32>
    %eq3A_34 = arith.cmpi eq, %iota3A, %eq3A_33 : vector<16xi32>
    %lt3A = arith.constant 8 : i32
    %lt3A_35 = vector.broadcast %lt3A : i32 to vector<16xi32>
    %lt3A_36 = arith.cmpi slt, %iota3A, %lt3A_35 : vector<16xi32>
    %scan3A = arith.constant 0 : i32
    %scan3A_37 = arith.constant 0 : i32
    %scan3A_38 = arith.constant 32 : i32
    %scan3A_39 = arith.addi %scan3A_37, %scan3A_38 : i32
    %scan3A_40 = arith.constant 1 : i32
    %scan3A_41 = scf.for %scan3A_43 = %scan3A_37 to %scan3A_39 step %scan3A_40 iter_args(%scan3A_44 = %scan3A) -> (i32)  : i32 {
      %mul3A_45 = arith.constant 8 : i32
      %mul3A_46 = arith.muli %scan3A_43, %mul3A_45 : i32
      %add3A_47 = arith.constant 0 : i32
      %add3A_48 = arith.addi %mul3A_46, %add3A_47 : i32
      %mul3A_49 = arith.constant 8 : i32
      %mul3A_50 = arith.muli %scan3A_43, %mul3A_49 : i32
      %add3A_51 = arith.constant 1 : i32
      %add3A_52 = arith.addi %mul3A_50, %add3A_51 : i32
      %mul3A_53 = arith.constant 8 : i32
      %mul3A_54 = arith.muli %scan3A_43, %mul3A_53 : i32
      %add3A_55 = arith.constant 2 : i32
      %add3A_56 = arith.addi %mul3A_54, %add3A_55 : i32
      %mul3A_57 = arith.constant 8 : i32
      %mul3A_58 = arith.muli %scan3A_43, %mul3A_57 : i32
      %add3A_59 = arith.constant 3 : i32
      %add3A_60 = arith.addi %mul3A_58, %add3A_59 : i32
      %mul3A_61 = arith.constant 8 : i32
      %mul3A_62 = arith.muli %scan3A_43, %mul3A_61 : i32
      %add3A_63 = arith.constant 4 : i32
      %add3A_64 = arith.addi %mul3A_62, %add3A_63 : i32
      %mul3A_65 = arith.constant 8 : i32
      %mul3A_66 = arith.muli %scan3A_43, %mul3A_65 : i32
      %add3A_67 = arith.constant 5 : i32
      %add3A_68 = arith.addi %mul3A_66, %add3A_67 : i32
      %mul3A_69 = arith.constant 8 : i32
      %mul3A_70 = arith.muli %scan3A_43, %mul3A_69 : i32
      %add3A_71 = arith.constant 6 : i32
      %add3A_72 = arith.addi %mul3A_70, %add3A_71 : i32
      %mul3A_73 = arith.constant 8 : i32
      %mul3A_74 = arith.muli %scan3A_43, %mul3A_73 : i32
      %add3A_75 = arith.constant 7 : i32
      %add3A_76 = arith.addi %mul3A_74, %add3A_75 : i32
      %broadcast_in_dim3A_77 = vector.broadcast %add3A_48 : i32 to vector<16xi32>
      %broadcast_in_dim3A_78 = vector.broadcast %add3A_52 : i32 to vector<16xi32>
      %broadcast_in_dim3A_79 = vector.broadcast %add3A_56 : i32 to vector<16xi32>
      %broadcast_in_dim3A_80 = vector.broadcast %add3A_60 : i32 to vector<16xi32>
      %broadcast_in_dim3A_81 = vector.broadcast %add3A_64 : i32 to vector<16xi32>
      %broadcast_in_dim3A_82 = vector.broadcast %add3A_68 : i32 to vector<16xi32>
      %broadcast_in_dim3A_83 = vector.broadcast %add3A_72 : i32 to vector<16xi32>
      %broadcast_in_dim3A_84 = vector.broadcast %add3A_76 : i32 to vector<16xi32>
      %gather3A = tpu.vector_load_idx %arg14[%broadcast_in_dim3A_77] : memref<768xf32, #tpu.memory_space<vmem>>[vector<16xi32>], vector<16xf32>,
      %gather3A_85 = tpu.vector_load_idx %arg14[%broadcast_in_dim3A_78] : memref<768xf32, #tpu.memory_space<vmem>>[vector<16xi32>], vector<16xf32>,
      %gather3A_86 = tpu.vector_load_idx %arg14[%broadcast_in_dim3A_79] : memref<768xf32, #tpu.memory_space<vmem>>[vector<16xi32>], vector<16xf32>,
      %gather3A_87 = tpu.vector_load_idx %arg14[%broadcast_in_dim3A_80] : memref<768xf32, #tpu.memory_space<vmem>>[vector<16xi32>], vector<16xf32>,
      %gather3A_88 = tpu.vector_load_idx %arg14[%broadcast_in_dim3A_81] : memref<768xf32, #tpu.memory_space<vmem>>[vector<16xi32>], vector<16xf32>,
      %gather3A_89 = tpu.vector_load_idx %arg14[%broadcast_in_dim3A_82] : memref<768xf32, #tpu.memory_space<vmem>>[vector<16xi32>], vector<16xf32>,
      %gather3A_90 = tpu.vector_load_idx %arg14[%broadcast_in_dim3A_83] : memref<768xf32, #tpu.memory_space<vmem>>[vector<16xi32>], vector<16xf32>,
      %gather3A_91 = tpu.vector_load_idx %arg14[%broadcast_in_dim3A_84] : memref<768xf32, #tpu.memory_space<vmem>>[vector<16xi32>], vector<16xf32>,
      %add3A_92 = arith.constant 256 : i32
      %add3A_93 = vector.broadcast %add3A_92 : i32 to vector<16xi32>
      %add3A_94 = arith.addi %broadcast_in_dim3A_77, %add3A_93 : vector<16xi32>
      %gather3A_95 = tpu.vector_load_idx %arg14[%add3A_94] : memref<768xf32, #tpu.memory_space<vmem>>[vector<16xi32>], vector<16xf32>,
      %add3A_96 = arith.constant 256 : i32
      %add3A_97 = vector.broadcast %add3A_96 : i32 to vector<16xi32>
      %add3A_98 = arith.addi %broadcast_in_dim3A_78, %add3A_97 : vector<16xi32>
      %gather3A_99 = tpu.vector_load_idx %arg14[%add3A_98] : memref<768xf32, #tpu.memory_space<vmem>>[vector<16xi32>], vector<16xf32>,
      %add3A_100 = arith.constant 256 : i32
      %add3A_101 = vector.broadcast %add3A_100 : i32 to vector<16xi32>
      %add3A_102 = arith.addi %broadcast_in_dim3A_79, %add3A_101 : vector<16xi32>
      %gather3A_103 = tpu.vector_load_idx %arg14[%add3A_102] : memref<768xf32, #tpu.memory_space<vmem>>[vector<16xi32>], vector<16xf32>,
      %add3A_104 = arith.constant 256 : i32
      %add3A_105 = vector.broadcast %add3A_104 : i32 to vector<16xi32>
      %add3A_106 = arith.addi %broadcast_in_dim3A_80, %add3A_105 : vector<16xi32>
      %gather3A_107 = tpu.vector_load_idx %arg14[%add3A_106] : memref<768xf32, #tpu.memory_space<vmem>>[vector<16xi32>], vector<16xf32>,
      %add3A_108 = arith.constant 256 : i32
      %add3A_109 = vector.broadcast %add3A_108 : i32 to vector<16xi32>
      %add3A_110 = arith.addi %broadcast_in_dim3A_81, %add3A_109 : vector<16xi32>
      %gather3A_111 = tpu.vector_load_idx %arg14[%add3A_110] : memref<768xf32, #tpu.memory_space<vmem>>[vector<16xi32>], vector<16xf32>,
      %add3A_112 = arith.constant 256 : i32
      %add3A_113 = vector.broadcast %add3A_112 : i32 to vector<16xi32>
      %add3A_114 = arith.addi %broadcast_in_dim3A_82, %add3A_113 : vector<16xi32>
      %gather3A_115 = tpu.vector_load_idx %arg14[%add3A_114] : memref<768xf32, #tpu.memory_space<vmem>>[vector<16xi32>], vector<16xf32>,
      %add3A_116 = arith.constant 256 : i32
      %add3A_117 = vector.broadcast %add3A_116 : i32 to vector<16xi32>
      %add3A_118 = arith.addi %broadcast_in_dim3A_83, %add3A_117 : vector<16xi32>
      %gather3A_119 = tpu.vector_load_idx %arg14[%add3A_118] : memref<768xf32, #tpu.memory_space<vmem>>[vector<16xi32>], vector<16xf32>,
      %add3A_120 = arith.constant 256 : i32
      %add3A_121 = vector.broadcast %add3A_120 : i32 to vector<16xi32>
      %add3A_122 = arith.addi %broadcast_in_dim3A_84, %add3A_121 : vector<16xi32>
      %gather3A_123 = tpu.vector_load_idx %arg14[%add3A_122] : memref<768xf32, #tpu.memory_space<vmem>>[vector<16xi32>], vector<16xf32>,
      %add3A_124 = arith.constant 512 : i32
      %add3A_125 = vector.broadcast %add3A_124 : i32 to vector<16xi32>
      %add3A_126 = arith.addi %broadcast_in_dim3A_77, %add3A_125 : vector<16xi32>
      %gather3A_127 = tpu.vector_load_idx %arg14[%add3A_126] : memref<768xf32, #tpu.memory_space<vmem>>[vector<16xi32>], vector<16xf32>,
      %add3A_128 = arith.constant 512 : i32
      %add3A_129 = vector.broadcast %add3A_128 : i32 to vector<16xi32>
      %add3A_130 = arith.addi %broadcast_in_dim3A_78, %add3A_129 : vector<16xi32>
      %gather3A_131 = tpu.vector_load_idx %arg14[%add3A_130] : memref<768xf32, #tpu.memory_space<vmem>>[vector<16xi32>], vector<16xf32>,
      %add3A_132 = arith.constant 512 : i32
      %add3A_133 = vector.broadcast %add3A_132 : i32 to vector<16xi32>
      %add3A_134 = arith.addi %broadcast_in_dim3A_79, %add3A_133 : vector<16xi32>
      %gather3A_135 = tpu.vector_load_idx %arg14[%add3A_134] : memref<768xf32, #tpu.memory_space<vmem>>[vector<16xi32>], vector<16xf32>,
      %add3A_136 = arith.constant 512 : i32
      %add3A_137 = vector.broadcast %add3A_136 : i32 to vector<16xi32>
      %add3A_138 = arith.addi %broadcast_in_dim3A_80, %add3A_137 : vector<16xi32>
      %gather3A_139 = tpu.vector_load_idx %arg14[%add3A_138] : memref<768xf32, #tpu.memory_space<vmem>>[vector<16xi32>], vector<16xf32>,
      %add3A_140 = arith.constant 512 : i32
      %add3A_141 = vector.broadcast %add3A_140 : i32 to vector<16xi32>
      %add3A_142 = arith.addi %broadcast_in_dim3A_81, %add3A_141 : vector<16xi32>
      %gather3A_143 = tpu.vector_load_idx %arg14[%add3A_142] : memref<768xf32, #tpu.memory_space<vmem>>[vector<16xi32>], vector<16xf32>,
      %add3A_144 = arith.constant 512 : i32
      %add3A_145 = vector.broadcast %add3A_144 : i32 to vector<16xi32>
      %add3A_146 = arith.addi %broadcast_in_dim3A_82, %add3A_145 : vector<16xi32>
      %gather3A_147 = tpu.vector_load_idx %arg14[%add3A_146] : memref<768xf32, #tpu.memory_space<vmem>>[vector<16xi32>], vector<16xf32>,
      %add3A_148 = arith.constant 512 : i32
      %add3A_149 = vector.broadcast %add3A_148 : i32 to vector<16xi32>
      %add3A_150 = arith.addi %broadcast_in_dim3A_83, %add3A_149 : vector<16xi32>
      %gather3A_151 = tpu.vector_load_idx %arg14[%add3A_150] : memref<768xf32, #tpu.memory_space<vmem>>[vector<16xi32>], vector<16xf32>,
      %add3A_152 = arith.constant 512 : i32
      %add3A_153 = vector.broadcast %add3A_152 : i32 to vector<16xi32>
      %add3A_154 = arith.addi %broadcast_in_dim3A_84, %add3A_153 : vector<16xi32>
      %gather3A_155 = tpu.vector_load_idx %arg14[%add3A_154] : memref<768xf32, #tpu.memory_space<vmem>>[vector<16xi32>], vector<16xf32>,
      %swap3A = arith.constant 0 : i32
      %swap3A_156 = arith.constant 0 : i32
      %swap3A_157 = arith.index_cast %swap3A : i32 to index
      %swap3A_158 = arith.index_cast %swap3A_156 : i32 to index
      %swap3A_159 = arith.constant 0 : index
      %swap3A_160 = tpu.vector_load %arg18[%swap3A_157, %swap3A_158, %swap3A_159] {strides = array<i32>} : memref<3x8x16xf32, #tpu.memory_space<vmem>>, vector<16xf32>,
      tpu.vector_store %arg18[%swap3A_157, %swap3A_158, %swap3A_159], %gather3A {strides = array<i32>} : memref<3x8x16xf32, #tpu.memory_space<vmem>>, vector<16xf32>,
      %swap3A_161 = arith.constant 1 : i32
      %swap3A_162 = arith.constant 0 : i32
      %swap3A_163 = arith.index_cast %swap3A_161 : i32 to index
      %swap3A_164 = arith.index_cast %swap3A_162 : i32 to index
      %swap3A_165 = arith.constant 0 : index
      %swap3A_166 = tpu.vector_load %arg18[%swap3A_163, %swap3A_164, %swap3A_165] {strides = array<i32>} : memref<3x8x16xf32, #tpu.memory_space<vmem>>, vector<16xf32>,
      tpu.vector_store %arg18[%swap3A_163, %swap3A_164, %swap3A_165], %gather3A_95 {strides = array<i32>} : memref<3x8x16xf32, #tpu.memory_space<vmem>>, vector<16xf32>,
      %swap3A_167 = arith.constant 2 : i32
      %swap3A_168 = arith.constant 0 : i32
      %swap3A_169 = arith.index_cast %swap3A_167 : i32 to index
      %swap3A_170 = arith.index_cast %swap3A_168 : i32 to index
      %swap3A_171 = arith.constant 0 : index
      %swap3A_172 = tpu.vector_load %arg18[%swap3A_169, %swap3A_170, %swap3A_171] {strides = array<i32>} : memref<3x8x16xf32, #tpu.memory_space<vmem>>, vector<16xf32>,
      tpu.vector_store %arg18[%swap3A_169, %swap3A_170, %swap3A_171], %gather3A_127 {strides = array<i32>} : memref<3x8x16xf32, #tpu.memory_space<vmem>>, vector<16xf32>,
      %swap3A_173 = arith.constant 0 : i32
      %swap3A_174 = arith.constant 1 : i32
      %swap3A_175 = arith.index_cast %swap3A_173 : i32 to index
      %swap3A_176 = arith.index_cast %swap3A_174 : i32 to index
      %swap3A_177 = arith.constant 0 : index
      %swap3A_178 = tpu.vector_load %arg18[%swap3A_175, %swap3A_176, %swap3A_177] {strides = array<i32>} : memref<3x8x16xf32, #tpu.memory_space<vmem>>, vector<16xf32>,
      tpu.vector_store %arg18[%swap3A_175, %swap3A_176, %swap3A_177], %gather3A_85 {strides = array<i32>} : memref<3x8x16xf32, #tpu.memory_space<vmem>>, vector<16xf32>,
      %swap3A_179 = arith.constant 1 : i32
      %swap3A_180 = arith.constant 1 : i32
      %swap3A_181 = arith.index_cast %swap3A_179 : i32 to index
      %swap3A_182 = arith.index_cast %swap3A_180 : i32 to index
      %swap3A_183 = arith.constant 0 : index
      %swap3A_184 = tpu.vector_load %arg18[%swap3A_181, %swap3A_182, %swap3A_183] {strides = array<i32>} : memref<3x8x16xf32, #tpu.memory_space<vmem>>, vector<16xf32>,
      tpu.vector_store %arg18[%swap3A_181, %swap3A_182, %swap3A_183], %gather3A_99 {strides = array<i32>} : memref<3x8x16xf32, #tpu.memory_space<vmem>>, vector<16xf32>,
      %swap3A_185 = arith.constant 2 : i32
      %swap3A_186 = arith.constant 1 : i32
      %swap3A_187 = arith.index_cast %swap3A_185 : i32 to index
      %swap3A_188 = arith.index_cast %swap3A_186 : i32 to index
      %swap3A_189 = arith.constant 0 : index
      %swap3A_190 = tpu.vector_load %arg18[%swap3A_187, %swap3A_188, %swap3A_189] {strides = array<i32>} : memref<3x8x16xf32, #tpu.memory_space<vmem>>, vector<16xf32>,
      tpu.vector_store %arg18[%swap3A_187, %swap3A_188, %swap3A_189], %gather3A_131 {strides = array<i32>} : memref<3x8x16xf32, #tpu.memory_space<vmem>>, vector<16xf32>,
      %swap3A_191 = arith.constant 0 : i32
      %swap3A_192 = arith.constant 2 : i32
      %swap3A_193 = arith.index_cast %swap3A_191 : i32 to index
      %swap3A_194 = arith.index_cast %swap3A_192 : i32 to index
      %swap3A_195 = arith.constant 0 : index
      %swap3A_196 = tpu.vector_load %arg18[%swap3A_193, %swap3A_194, %swap3A_195] {strides = array<i32>} : memref<3x8x16xf32, #tpu.memory_space<vmem>>, vector<16xf32>,
      tpu.vector_store %arg18[%swap3A_193, %swap3A_194, %swap3A_195], %gather3A_86 {strides = array<i32>} : memref<3x8x16xf32, #tpu.memory_space<vmem>>, vector<16xf32>,
      %swap3A_197 = arith.constant 1 : i32
      %swap3A_198 = arith.constant 2 : i32
      %swap3A_199 = arith.index_cast %swap3A_197 : i32 to index
      %swap3A_200 = arith.index_cast %swap3A_198 : i32 to index
      %swap3A_201 = arith.constant 0 : index
      %swap3A_202 = tpu.vector_load %arg18[%swap3A_199, %swap3A_200, %swap3A_201] {strides = array<i32>} : memref<3x8x16xf32, #tpu.memory_space<vmem>>, vector<16xf32>,
      tpu.vector_store %arg18[%swap3A_199, %swap3A_200, %swap3A_201], %gather3A_103 {strides = array<i32>} : memref<3x8x16xf32, #tpu.memory_space<vmem>>, vector<16xf32>,
      %swap3A_203 = arith.constant 2 : i32
      %swap3A_204 = arith.constant 2 : i32
      %swap3A_205 = arith.index_cast %swap3A_203 : i32 to index
      %swap3A_206 = arith.index_cast %swap3A_204 : i32 to index
      %swap3A_207 = arith.constant 0 : index
      %swap3A_208 = tpu.vector_load %arg18[%swap3A_205, %swap3A_206, %swap3A_207] {strides = array<i32>} : memref<3x8x16xf32, #tpu.memory_space<vmem>>, vector<16xf32>,
      tpu.vector_store %arg18[%swap3A_205, %swap3A_206, %swap3A_207], %gather3A_135 {strides = array<i32>} : memref<3x8x16xf32, #tpu.memory_space<vmem>>, vector<16xf32>,
      %swap3A_209 = arith.constant 0 : i32
      %swap3A_210 = arith.constant 3 : i32
      %swap3A_211 = arith.index_cast %swap3A_209 : i32 to index
      %swap3A_212 = arith.index_cast %swap3A_210 : i32 to index
      %swap3A_213 = arith.constant 0 : index
      %swap3A_214 = tpu.vector_load %arg18[%swap3A_211, %swap3A_212, %swap3A_213] {strides = array<i32>} : memref<3x8x16xf32, #tpu.memory_space<vmem>>, vector<16xf32>,
      tpu.vector_store %arg18[%swap3A_211, %swap3A_212, %swap3A_213], %gather3A_87 {strides = array<i32>} : memref<3x8x16xf32, #tpu.memory_space<vmem>>, vector<16xf32>,
      %swap3A_215 = arith.constant 1 : i32
      %swap3A_216 = arith.constant 3 : i32
      %swap3A_217 = arith.index_cast %swap3A_215 : i32 to index
      %swap3A_218 = arith.index_cast %swap3A_216 : i32 to index
      %swap3A_219 = arith.constant 0 : index
      %swap3A_220 = tpu.vector_load %arg18[%swap3A_217, %swap3A_218, %swap3A_219] {strides = array<i32>} : memref<3x8x16xf32, #tpu.memory_space<vmem>>, vector<16xf32>,
      tpu.vector_store %arg18[%swap3A_217, %swap3A_218, %swap3A_219], %gather3A_107 {strides = array<i32>} : memref<3x8x16xf32, #tpu.memory_space<vmem>>, vector<16xf32>,
      %swap3A_221 = arith.constant 2 : i32
      %swap3A_222 = arith.constant 3 : i32
      %swap3A_223 = arith.index_cast %swap3A_221 : i32 to index
      %swap3A_224 = arith.index_cast %swap3A_222 : i32 to index
      %swap3A_225 = arith.constant 0 : index
      %swap3A_226 = tpu.vector_load %arg18[%swap3A_223, %swap3A_224, %swap3A_225] {strides = array<i32>} : memref<3x8x16xf32, #tpu.memory_space<vmem>>, vector<16xf32>,
      tpu.vector_store %arg18[%swap3A_223, %swap3A_224, %swap3A_225], %gather3A_139 {strides = array<i32>} : memref<3x8x16xf32, #tpu.memory_space<vmem>>, vector<16xf32>,
      %swap3A_227 = arith.constant 0 : i32
      %swap3A_228 = arith.constant 4 : i32
      %swap3A_229 = arith.index_cast %swap3A_227 : i32 to index
      %swap3A_230 = arith.index_cast %swap3A_228 : i32 to index
      %swap3A_231 = arith.constant 0 : index
      %swap3A_232 = tpu.vector_load %arg18[%swap3A_229, %swap3A_230, %swap3A_231] {strides = array<i32>} : memref<3x8x16xf32, #tpu.memory_space<vmem>>, vector<16xf32>,
      tpu.vector_store %arg18[%swap3A_229, %swap3A_230, %swap3A_231], %gather3A_88 {strides = array<i32>} : memref<3x8x16xf32, #tpu.memory_space<vmem>>, vector<16xf32>,
      %swap3A_233 = arith.constant 1 : i32
      %swap3A_234 = arith.constant 4 : i32
      %swap3A_235 = arith.index_cast %swap3A_233 : i32 to index
      %swap3A_236 = arith.index_cast %swap3A_234 : i32 to index
      %swap3A_237 = arith.constant 0 : index
      %swap3A_238 = tpu.vector_load %arg18[%swap3A_235, %swap3A_236, %swap3A_237] {strides = array<i32>} : memref<3x8x16xf32, #tpu.memory_space<vmem>>, vector<16xf32>,
      tpu.vector_store %arg18[%swap3A_235, %swap3A_236, %swap3A_237], %gather3A_111 {strides = array<i32>} : memref<3x8x16xf32, #tpu.memory_space<vmem>>, vector<16xf32>,
      %swap3A_239 = arith.constant 2 : i32
      %swap3A_240 = arith.constant 4 : i32
      %swap3A_241 = arith.index_cast %swap3A_239 : i32 to index
      %swap3A_242 = arith.index_cast %swap3A_240 : i32 to index
      %swap3A_243 = arith.constant 0 : index
      %swap3A_244 = tpu.vector_load %arg18[%swap3A_241, %swap3A_242, %swap3A_243] {strides = array<i32>} : memref<3x8x16xf32, #tpu.memory_space<vmem>>, vector<16xf32>,
      tpu.vector_store %arg18[%swap3A_241, %swap3A_242, %swap3A_243], %gather3A_143 {strides = array<i32>} : memref<3x8x16xf32, #tpu.memory_space<vmem>>, vector<16xf32>,
      %swap3A_245 = arith.constant 0 : i32
      %swap3A_246 = arith.constant 5 : i32
      %swap3A_247 = arith.index_cast %swap3A_245 : i32 to index
      %swap3A_248 = arith.index_cast %swap3A_246 : i32 to index
      %swap3A_249 = arith.constant 0 : index
      %swap3A_250 = tpu.vector_load %arg18[%swap3A_247, %swap3A_248, %swap3A_249] {strides = array<i32>} : memref<3x8x16xf32, #tpu.memory_space<vmem>>, vector<16xf32>,
      tpu.vector_store %arg18[%swap3A_247, %swap3A_248, %swap3A_249], %gather3A_89 {strides = array<i32>} : memref<3x8x16xf32, #tpu.memory_space<vmem>>, vector<16xf32>,
      %swap3A_251 = arith.constant 1 : i32
      %swap3A_252 = arith.constant 5 : i32
      %swap3A_253 = arith.index_cast %swap3A_251 : i32 to index
      %swap3A_254 = arith.index_cast %swap3A_252 : i32 to index
      %swap3A_255 = arith.constant 0 : index
      %swap3A_256 = tpu.vector_load %arg18[%swap3A_253, %swap3A_254, %swap3A_255] {strides = array<i32>} : memref<3x8x16xf32, #tpu.memory_space<vmem>>, vector<16xf32>,
      tpu.vector_store %arg18[%swap3A_253, %swap3A_254, %swap3A_255], %gather3A_115 {strides = array<i32>} : memref<3x8x16xf32, #tpu.memory_space<vmem>>, vector<16xf32>,
      %swap3A_257 = arith.constant 2 : i32
      %swap3A_258 = arith.constant 5 : i32
      %swap3A_259 = arith.index_cast %swap3A_257 : i32 to index
      %swap3A_260 = arith.index_cast %swap3A_258 : i32 to index
      %swap3A_261 = arith.constant 0 : index
      %swap3A_262 = tpu.vector_load %arg18[%swap3A_259, %swap3A_260, %swap3A_261] {strides = array<i32>} : memref<3x8x16xf32, #tpu.memory_space<vmem>>, vector<16xf32>,
      tpu.vector_store %arg18[%swap3A_259, %swap3A_260, %swap3A_261], %gather3A_147 {strides = array<i32>} : memref<3x8x16xf32, #tpu.memory_space<vmem>>, vector<16xf32>,
      %swap3A_263 = arith.constant 0 : i32
      %swap3A_264 = arith.constant 6 : i32
      %swap3A_265 = arith.index_cast %swap3A_263 : i32 to index
      %swap3A_266 = arith.index_cast %swap3A_264 : i32 to index
      %swap3A_267 = arith.constant 0 : index
      %swap3A_268 = tpu.vector_load %arg18[%swap3A_265, %swap3A_266, %swap3A_267] {strides = array<i32>} : memref<3x8x16xf32, #tpu.memory_space<vmem>>, vector<16xf32>,
      tpu.vector_store %arg18[%swap3A_265, %swap3A_266, %swap3A_267], %gather3A_90 {strides = array<i32>} : memref<3x8x16xf32, #tpu.memory_space<vmem>>, vector<16xf32>,
      %swap3A_269 = arith.constant 1 : i32
      %swap3A_270 = arith.constant 6 : i32
      %swap3A_271 = arith.index_cast %swap3A_269 : i32 to index
      %swap3A_272 = arith.index_cast %swap3A_270 : i32 to index
      %swap3A_273 = arith.constant 0 : index
      %swap3A_274 = tpu.vector_load %arg18[%swap3A_271, %swap3A_272, %swap3A_273] {strides = array<i32>} : memref<3x8x16xf32, #tpu.memory_space<vmem>>, vector<16xf32>,
      tpu.vector_store %arg18[%swap3A_271, %swap3A_272, %swap3A_273], %gather3A_119 {strides = array<i32>} : memref<3x8x16xf32, #tpu.memory_space<vmem>>, vector<16xf32>,
      %swap3A_275 = arith.constant 2 : i32
      %swap3A_276 = arith.constant 6 : i32
      %swap3A_277 = arith.index_cast %swap3A_275 : i32 to index
      %swap3A_278 = arith.index_cast %swap3A_276 : i32 to index
      %swap3A_279 = arith.constant 0 : index
      %swap3A_280 = tpu.vector_load %arg18[%swap3A_277, %swap3A_278, %swap3A_279] {strides = array<i32>} : memref<3x8x16xf32, #tpu.memory_space<vmem>>, vector<16xf32>,
      tpu.vector_store %arg18[%swap3A_277, %swap3A_278, %swap3A_279], %gather3A_151 {strides = array<i32>} : memref<3x8x16xf32, #tpu.memory_space<vmem>>, vector<16xf32>,
      %swap3A_281 = arith.constant 0 : i32
      %swap3A_282 = arith.constant 7 : i32
      %swap3A_283 = arith.index_cast %swap3A_281 : i32 to index
      %swap3A_284 = arith.index_cast %swap3A_282 : i32 to index
      %swap3A_285 = arith.constant 0 : index
      %swap3A_286 = tpu.vector_load %arg18[%swap3A_283, %swap3A_284, %swap3A_285] {strides = array<i32>} : memref<3x8x16xf32, #tpu.memory_space<vmem>>, vector<16xf32>,
      tpu.vector_store %arg18[%swap3A_283, %swap3A_284, %swap3A_285], %gather3A_91 {strides = array<i32>} : memref<3x8x16xf32, #tpu.memory_space<vmem>>, vector<16xf32>,
      %swap3A_287 = arith.constant 1 : i32
      %swap3A_288 = arith.constant 7 : i32
      %swap3A_289 = arith.index_cast %swap3A_287 : i32 to index
      %swap3A_290 = arith.index_cast %swap3A_288 : i32 to index
      %swap3A_291 = arith.constant 0 : index
      %swap3A_292 = tpu.vector_load %arg18[%swap3A_289, %swap3A_290, %swap3A_291] {strides = array<i32>} : memref<3x8x16xf32, #tpu.memory_space<vmem>>, vector<16xf32>,
      tpu.vector_store %arg18[%swap3A_289, %swap3A_290, %swap3A_291], %gather3A_123 {strides = array<i32>} : memref<3x8x16xf32, #tpu.memory_space<vmem>>, vector<16xf32>,
      %swap3A_293 = arith.constant 2 : i32
      %swap3A_294 = arith.constant 7 : i32
      %swap3A_295 = arith.index_cast %swap3A_293 : i32 to index
      %swap3A_296 = arith.index_cast %swap3A_294 : i32 to index
      %swap3A_297 = arith.constant 0 : index
      %swap3A_298 = tpu.vector_load %arg18[%swap3A_295, %swap3A_296, %swap3A_297] {strides = array<i32>} : memref<3x8x16xf32, #tpu.memory_space<vmem>>, vector<16xf32>,
      tpu.vector_store %arg18[%swap3A_295, %swap3A_296, %swap3A_297], %gather3A_155 {strides = array<i32>} : memref<3x8x16xf32, #tpu.memory_space<vmem>>, vector<16xf32>,
      %gather3A_299 = tpu.vector_load_idx %arg12[%broadcast_in_dim3A_77] : memref<768xf32, #tpu.memory_space<vmem>>[vector<16xi32>], vector<16xf32>,
      %gather3A_300 = tpu.vector_load_idx %arg12[%broadcast_in_dim3A_78] : memref<768xf32, #tpu.memory_space<vmem>>[vector<16xi32>], vector<16xf32>,
      %gather3A_301 = tpu.vector_load_idx %arg12[%broadcast_in_dim3A_79] : memref<768xf32, #tpu.memory_space<vmem>>[vector<16xi32>], vector<16xf32>,
      %gather3A_302 = tpu.vector_load_idx %arg12[%broadcast_in_dim3A_80] : memref<768xf32, #tpu.memory_space<vmem>>[vector<16xi32>], vector<16xf32>,
      %gather3A_303 = tpu.vector_load_idx %arg12[%broadcast_in_dim3A_81] : memref<768xf32, #tpu.memory_space<vmem>>[vector<16xi32>], vector<16xf32>,
      %gather3A_304 = tpu.vector_load_idx %arg12[%broadcast_in_dim3A_82] : memref<768xf32, #tpu.memory_space<vmem>>[vector<16xi32>], vector<16xf32>,
      %gather3A_305 = tpu.vector_load_idx %arg12[%broadcast_in_dim3A_83] : memref<768xf32, #tpu.memory_space<vmem>>[vector<16xi32>], vector<16xf32>,
      %gather3A_306 = tpu.vector_load_idx %arg12[%broadcast_in_dim3A_84] : memref<768xf32, #tpu.memory_space<vmem>>[vector<16xi32>], vector<16xf32>,
      %add3A_307 = arith.constant 256 : i32
      %add3A_308 = vector.broadcast %add3A_307 : i32 to vector<16xi32>
      %add3A_309 = arith.addi %broadcast_in_dim3A_77, %add3A_308 : vector<16xi32>
      %gather3A_310 = tpu.vector_load_idx %arg12[%add3A_309] : memref<768xf32, #tpu.memory_space<vmem>>[vector<16xi32>], vector<16xf32>,
      %add3A_311 = arith.constant 256 : i32
      %add3A_312 = vector.broadcast %add3A_311 : i32 to vector<16xi32>
      %add3A_313 = arith.addi %broadcast_in_dim3A_78, %add3A_312 : vector<16xi32>
      %gather3A_314 = tpu.vector_load_idx %arg12[%add3A_313] : memref<768xf32, #tpu.memory_space<vmem>>[vector<16xi32>], vector<16xf32>,
      %add3A_315 = arith.constant 256 : i32
      %add3A_316 = vector.broadcast %add3A_315 : i32 to vector<16xi32>
      %add3A_317 = arith.addi %broadcast_in_dim3A_79, %add3A_316 : vector<16xi32>
      %gather3A_318 = tpu.vector_load_idx %arg12[%add3A_317] : memref<768xf32, #tpu.memory_space<vmem>>[vector<16xi32>], vector<16xf32>,
      %add3A_319 = arith.constant 256 : i32
      %add3A_320 = vector.broadcast %add3A_319 : i32 to vector<16xi32>
      %add3A_321 = arith.addi %broadcast_in_dim3A_80, %add3A_320 : vector<16xi32>
      %gather3A_322 = tpu.vector_load_idx %arg12[%add3A_321] : memref<768xf32, #tpu.memory_space<vmem>>[vector<16xi32>], vector<16xf32>,
      %add3A_323 = arith.constant 256 : i32
      %add3A_324 = vector.broadcast %add3A_323 : i32 to vector<16xi32>
      %add3A_325 = arith.addi %broadcast_in_dim3A_81, %add3A_324 : vector<16xi32>
      %gather3A_326 = tpu.vector_load_idx %arg12[%add3A_325] : memref<768xf32, #tpu.memory_space<vmem>>[vector<16xi32>], vector<16xf32>,
      %add3A_327 = arith.constant 256 : i32
      %add3A_328 = vector.broadcast %add3A_327 : i32 to vector<16xi32>
      %add3A_329 = arith.addi %broadcast_in_dim3A_82, %add3A_328 : vector<16xi32>
      %gather3A_330 = tpu.vector_load_idx %arg12[%add3A_329] : memref<768xf32, #tpu.memory_space<vmem>>[vector<16xi32>], vector<16xf32>,
      %add3A_331 = arith.constant 256 : i32
      %add3A_332 = vector.broadcast %add3A_331 : i32 to vector<16xi32>
      %add3A_333 = arith.addi %broadcast_in_dim3A_83, %add3A_332 : vector<16xi32>
      %gather3A_334 = tpu.vector_load_idx %arg12[%add3A_333] : memref<768xf32, #tpu.memory_space<vmem>>[vector<16xi32>], vector<16xf32>,
      %add3A_335 = arith.constant 256 : i32
      %add3A_336 = vector.broadcast %add3A_335 : i32 to vector<16xi32>
      %add3A_337 = arith.addi %broadcast_in_dim3A_84, %add3A_336 : vector<16xi32>
      %gather3A_338 = tpu.vector_load_idx %arg12[%add3A_337] : memref<768xf32, #tpu.memory_space<vmem>>[vector<16xi32>], vector<16xf32>,
      %add3A_339 = arith.constant 512 : i32
      %add3A_340 = vector.broadcast %add3A_339 : i32 to vector<16xi32>
      %add3A_341 = arith.addi %broadcast_in_dim3A_77, %add3A_340 : vector<16xi32>
      %gather3A_342 = tpu.vector_load_idx %arg12[%add3A_341] : memref<768xf32, #tpu.memory_space<vmem>>[vector<16xi32>], vector<16xf32>,
      %add3A_343 = arith.constant 512 : i32
      %add3A_344 = vector.broadcast %add3A_343 : i32 to vector<16xi32>
      %add3A_345 = arith.addi %broadcast_in_dim3A_78, %add3A_344 : vector<16xi32>
      %gather3A_346 = tpu.vector_load_idx %arg12[%add3A_345] : memref<768xf32, #tpu.memory_space<vmem>>[vector<16xi32>], vector<16xf32>,
      %add3A_347 = arith.constant 512 : i32
      %add3A_348 = vector.broadcast %add3A_347 : i32 to vector<16xi32>
      %add3A_349 = arith.addi %broadcast_in_dim3A_79, %add3A_348 : vector<16xi32>
      %gather3A_350 = tpu.vector_load_idx %arg12[%add3A_349] : memref<768xf32, #tpu.memory_space<vmem>>[vector<16xi32>], vector<16xf32>,
      %add3A_351 = arith.constant 512 : i32
      %add3A_352 = vector.broadcast %add3A_351 : i32 to vector<16xi32>
      %add3A_353 = arith.addi %broadcast_in_dim3A_80, %add3A_352 : vector<16xi32>
      %gather3A_354 = tpu.vector_load_idx %arg12[%add3A_353] : memref<768xf32, #tpu.memory_space<vmem>>[vector<16xi32>], vector<16xf32>,
      %add3A_355 = arith.constant 512 : i32
      %add3A_356 = vector.broadcast %add3A_355 : i32 to vector<16xi32>
      %add3A_357 = arith.addi %broadcast_in_dim3A_81, %add3A_356 : vector<16xi32>
      %gather3A_358 = tpu.vector_load_idx %arg12[%add3A_357] : memref<768xf32, #tpu.memory_space<vmem>>[vector<16xi32>], vector<16xf32>,
      %add3A_359 = arith.constant 512 : i32
      %add3A_360 = vector.broadcast %add3A_359 : i32 to vector<16xi32>
      %add3A_361 = arith.addi %broadcast_in_dim3A_82, %add3A_360 : vector<16xi32>
      %gather3A_362 = tpu.vector_load_idx %arg12[%add3A_361] : memref<768xf32, #tpu.memory_space<vmem>>[vector<16xi32>], vector<16xf32>,
      %add3A_363 = arith.constant 512 : i32
      %add3A_364 = vector.broadcast %add3A_363 : i32 to vector<16xi32>
      %add3A_365 = arith.addi %broadcast_in_dim3A_83, %add3A_364 : vector<16xi32>
      %gather3A_366 = tpu.vector_load_idx %arg12[%add3A_365] : memref<768xf32, #tpu.memory_space<vmem>>[vector<16xi32>], vector<16xf32>,
      %add3A_367 = arith.constant 512 : i32
      %add3A_368 = vector.broadcast %add3A_367 : i32 to vector<16xi32>
      %add3A_369 = arith.addi %broadcast_in_dim3A_84, %add3A_368 : vector<16xi32>
      %gather3A_370 = tpu.vector_load_idx %arg12[%add3A_369] : memref<768xf32, #tpu.memory_space<vmem>>[vector<16xi32>], vector<16xf32>,
      %jit3A = arith.constant 0xFF800000 : f32
      %jit3A_371 = arith.constant 0.000000e+00 : f32
      %broadcast_in_dim3A_372 = vector.broadcast %jit3A : f32 to vector<16xf32>
      %broadcast_in_dim3A_373 = vector.broadcast %jit3A_371 : f32 to vector<16xf32>
      %select_n3A = arith.select %eq3A_34, %broadcast_in_dim3A_372, %broadcast_in_dim3A_373 : vector<16xi1>, vector<16xf32>
      %swap3A_374 = arith.constant 0 : i32
      %swap3A_375 = arith.index_cast %swap3A_374 : i32 to index
      %swap3A_376 = arith.constant 0 : index
      %swap3A_377 = tpu.vector_load %arg15[%swap3A_375, %swap3A_376] {strides = array<i32>} : memref<8x128xf32, #tpu.memory_space<vmem>>, vector<16xf32>,
      tpu.vector_store %arg15[%swap3A_375, %swap3A_376], %select_n3A {strides = array<i32>} : memref<8x128xf32, #tpu.memory_space<vmem>>, vector<16xf32>,
      %swap3A_378 = arith.constant 1 : i32
      %swap3A_379 = arith.index_cast %swap3A_378 : i32 to index
      %swap3A_380 = arith.constant 0 : index
      %swap3A_381 = tpu.vector_load %arg15[%swap3A_379, %swap3A_380] {strides = array<i32>} : memref<8x128xf32, #tpu.memory_space<vmem>>, vector<16xf32>,
      tpu.vector_store %arg15[%swap3A_379, %swap3A_380], %select_n3A {strides = array<i32>} : memref<8x128xf32, #tpu.memory_space<vmem>>, vector<16xf32>,
      %swap3A_382 = arith.constant 2 : i32
      %swap3A_383 = arith.index_cast %swap3A_382 : i32 to index
      %swap3A_384 = arith.constant 0 : index
      %swap3A_385 = tpu.vector_load %arg15[%swap3A_383, %swap3A_384] {strides = array<i32>} : memref<8x128xf32, #tpu.memory_space<vmem>>, vector<16xf32>,
      tpu.vector_store %arg15[%swap3A_383, %swap3A_384], %select_n3A {strides = array<i32>} : memref<8x128xf32, #tpu.memory_space<vmem>>, vector<16xf32>,
      %swap3A_386 = arith.constant 3 : i32
      %swap3A_387 = arith.index_cast %swap3A_386 : i32 to index
      %swap3A_388 = arith.constant 0 : index
      %swap3A_389 = tpu.vector_load %arg15[%swap3A_387, %swap3A_388] {strides = array<i32>} : memref<8x128xf32, #tpu.memory_space<vmem>>, vector<16xf32>,
      tpu.vector_store %arg15[%swap3A_387, %swap3A_388], %select_n3A {strides = array<i32>} : memref<8x128xf32, #tpu.memory_space<vmem>>, vector<16xf32>,
      %swap3A_390 = arith.constant 4 : i32
      %swap3A_391 = arith.index_cast %swap3A_390 : i32 to index
      %swap3A_392 = arith.constant 0 : index
      %swap3A_393 = tpu.vector_load %arg15[%swap3A_391, %swap3A_392] {strides = array<i32>} : memref<8x128xf32, #tpu.memory_space<vmem>>, vector<16xf32>,
      tpu.vector_store %arg15[%swap3A_391, %swap3A_392], %select_n3A {strides = array<i32>} : memref<8x128xf32, #tpu.memory_space<vmem>>, vector<16xf32>,
      %swap3A_394 = arith.constant 5 : i32
      %swap3A_395 = arith.index_cast %swap3A_394 : i32 to index
      %swap3A_396 = arith.constant 0 : index
      %swap3A_397 = tpu.vector_load %arg15[%swap3A_395, %swap3A_396] {strides = array<i32>} : memref<8x128xf32, #tpu.memory_space<vmem>>, vector<16xf32>,
      tpu.vector_store %arg15[%swap3A_395, %swap3A_396], %select_n3A {strides = array<i32>} : memref<8x128xf32, #tpu.memory_space<vmem>>, vector<16xf32>,
      %swap3A_398 = arith.constant 6 : i32
      %swap3A_399 = arith.index_cast %swap3A_398 : i32 to index
      %swap3A_400 = arith.constant 0 : index
      %swap3A_401 = tpu.vector_load %arg15[%swap3A_399, %swap3A_400] {strides = array<i32>} : memref<8x128xf32, #tpu.memory_space<vmem>>, vector<16xf32>,
      tpu.vector_store %arg15[%swap3A_399, %swap3A_400], %select_n3A {strides = array<i32>} : memref<8x128xf32, #tpu.memory_space<vmem>>, vector<16xf32>,
      %swap3A_402 = arith.constant 7 : i32
      %swap3A_403 = arith.index_cast %swap3A_402 : i32 to index
      %swap3A_404 = arith.constant 0 : index
      %swap3A_405 = tpu.vector_load %arg15[%swap3A_403, %swap3A_404] {strides = array<i32>} : memref<8x128xf32, #tpu.memory_space<vmem>>, vector<16xf32>,
      tpu.vector_store %arg15[%swap3A_403, %swap3A_404], %select_n3A {strides = array<i32>} : memref<8x128xf32, #tpu.memory_space<vmem>>, vector<16xf32>,
      %swap3A_406 = arith.constant 0 : i32
      %swap3A_407 = arith.index_cast %swap3A_406 : i32 to index
      %swap3A_408 = arith.constant 16 : index
      %swap3A_409 = tpu.vector_load %arg15[%swap3A_407, %swap3A_408] {strides = array<i32>} : memref<8x128xf32, #tpu.memory_space<vmem>>, vector<16xf32>,
      tpu.vector_store %arg15[%swap3A_407, %swap3A_408], %broadcast_in_dim3A_29 {strides = array<i32>} : memref<8x128xf32, #tpu.memory_space<vmem>>, vector<16xf32>,
      %swap3A_410 = arith.constant 1 : i32
      %swap3A_411 = arith.index_cast %swap3A_410 : i32 to index
      %swap3A_412 = arith.constant 16 : index
      %swap3A_413 = tpu.vector_load %arg15[%swap3A_411, %swap3A_412] {strides = array<i32>} : memref<8x128xf32, #tpu.memory_space<vmem>>, vector<16xf32>,
      tpu.vector_store %arg15[%swap3A_411, %swap3A_412], %broadcast_in_dim3A_29 {strides = array<i32>} : memref<8x128xf32, #tpu.memory_space<vmem>>, vector<16xf32>,
      %swap3A_414 = arith.constant 2 : i32
      %swap3A_415 = arith.index_cast %swap3A_414 : i32 to index
      %swap3A_416 = arith.constant 16 : index
      %swap3A_417 = tpu.vector_load %arg15[%swap3A_415, %swap3A_416] {strides = array<i32>} : memref<8x128xf32, #tpu.memory_space<vmem>>, vector<16xf32>,
      tpu.vector_store %arg15[%swap3A_415, %swap3A_416], %broadcast_in_dim3A_29 {strides = array<i32>} : memref<8x128xf32, #tpu.memory_space<vmem>>, vector<16xf32>,
      %swap3A_418 = arith.constant 3 : i32
      %swap3A_419 = arith.index_cast %swap3A_418 : i32 to index
      %swap3A_420 = arith.constant 16 : index
      %swap3A_421 = tpu.vector_load %arg15[%swap3A_419, %swap3A_420] {strides = array<i32>} : memref<8x128xf32, #tpu.memory_space<vmem>>, vector<16xf32>,
      tpu.vector_store %arg15[%swap3A_419, %swap3A_420], %broadcast_in_dim3A_29 {strides = array<i32>} : memref<8x128xf32, #tpu.memory_space<vmem>>, vector<16xf32>,
      %swap3A_422 = arith.constant 4 : i32
      %swap3A_423 = arith.index_cast %swap3A_422 : i32 to index
      %swap3A_424 = arith.constant 16 : index
      %swap3A_425 = tpu.vector_load %arg15[%swap3A_423, %swap3A_424] {strides = array<i32>} : memref<8x128xf32, #tpu.memory_space<vmem>>, vector<16xf32>,
      tpu.vector_store %arg15[%swap3A_423, %swap3A_424], %broadcast_in_dim3A_29 {strides = array<i32>} : memref<8x128xf32, #tpu.memory_space<vmem>>, vector<16xf32>,
      %swap3A_426 = arith.constant 5 : i32
      %swap3A_427 = arith.index_cast %swap3A_426 : i32 to index
      %swap3A_428 = arith.constant 16 : index
      %swap3A_429 = tpu.vector_load %arg15[%swap3A_427, %swap3A_428] {strides = array<i32>} : memref<8x128xf32, #tpu.memory_space<vmem>>, vector<16xf32>,
      tpu.vector_store %arg15[%swap3A_427, %swap3A_428], %broadcast_in_dim3A_29 {strides = array<i32>} : memref<8x128xf32, #tpu.memory_space<vmem>>, vector<16xf32>,
      %swap3A_430 = arith.constant 6 : i32
      %swap3A_431 = arith.index_cast %swap3A_430 : i32 to index
      %swap3A_432 = arith.constant 16 : index
      %swap3A_433 = tpu.vector_load %arg15[%swap3A_431, %swap3A_432] {strides = array<i32>} : memref<8x128xf32, #tpu.memory_space<vmem>>, vector<16xf32>,
      tpu.vector_store %arg15[%swap3A_431, %swap3A_432], %broadcast_in_dim3A_29 {strides = array<i32>} : memref<8x128xf32, #tpu.memory_space<vmem>>, vector<16xf32>,
      %swap3A_434 = arith.constant 7 : i32
      %swap3A_435 = arith.index_cast %swap3A_434 : i32 to index
      %swap3A_436 = arith.constant 16 : index
      %swap3A_437 = tpu.vector_load %arg15[%swap3A_435, %swap3A_436] {strides = array<i32>} : memref<8x128xf32, #tpu.memory_space<vmem>>, vector<16xf32>,
      tpu.vector_store %arg15[%swap3A_435, %swap3A_436], %broadcast_in_dim3A_29 {strides = array<i32>} : memref<8x128xf32, #tpu.memory_space<vmem>>, vector<16xf32>,
      %swap3A_438 = arith.constant 0 : i32
      %swap3A_439 = arith.index_cast %swap3A_438 : i32 to index
      %swap3A_440 = arith.constant 32 : index
      %swap3A_441 = tpu.vector_load %arg15[%swap3A_439, %swap3A_440] {strides = array<i32>} : memref<8x128xf32, #tpu.memory_space<vmem>>, vector<16xf32>,
      tpu.vector_store %arg15[%swap3A_439, %swap3A_440], %broadcast_in_dim3A_29 {strides = array<i32>} : memref<8x128xf32, #tpu.memory_space<vmem>>, vector<16xf32>,
      %swap3A_442 = arith.constant 1 : i32
      %swap3A_443 = arith.index_cast %swap3A_442 : i32 to index
      %swap3A_444 = arith.constant 32 : index
      %swap3A_445 = tpu.vector_load %arg15[%swap3A_443, %swap3A_444] {strides = array<i32>} : memref<8x128xf32, #tpu.memory_space<vmem>>, vector<16xf32>,
      tpu.vector_store %arg15[%swap3A_443, %swap3A_444], %broadcast_in_dim3A_29 {strides = array<i32>} : memref<8x128xf32, #tpu.memory_space<vmem>>, vector<16xf32>,
      %swap3A_446 = arith.constant 2 : i32
      %swap3A_447 = arith.index_cast %swap3A_446 : i32 to index
      %swap3A_448 = arith.constant 32 : index
      %swap3A_449 = tpu.vector_load %arg15[%swap3A_447, %swap3A_448] {strides = array<i32>} : memref<8x128xf32, #tpu.memory_space<vmem>>, vector<16xf32>,
      tpu.vector_store %arg15[%swap3A_447, %swap3A_448], %broadcast_in_dim3A_29 {strides = array<i32>} : memref<8x128xf32, #tpu.memory_space<vmem>>, vector<16xf32>,
      %swap3A_450 = arith.constant 3 : i32
      %swap3A_451 = arith.index_cast %swap3A_450 : i32 to index
      %swap3A_452 = arith.constant 32 : index
      %swap3A_453 = tpu.vector_load %arg15[%swap3A_451, %swap3A_452] {strides = array<i32>} : memref<8x128xf32, #tpu.memory_space<vmem>>, vector<16xf32>,
      tpu.vector_store %arg15[%swap3A_451, %swap3A_452], %broadcast_in_dim3A_29 {strides = array<i32>} : memref<8x128xf32, #tpu.memory_space<vmem>>, vector<16xf32>,
      %swap3A_454 = arith.constant 4 : i32
      %swap3A_455 = arith.index_cast %swap3A_454 : i32 to index
      %swap3A_456 = arith.constant 32 : index
      %swap3A_457 = tpu.vector_load %arg15[%swap3A_455, %swap3A_456] {strides = array<i32>} : memref<8x128xf32, #tpu.memory_space<vmem>>, vector<16xf32>,
      tpu.vector_store %arg15[%swap3A_455, %swap3A_456], %broadcast_in_dim3A_29 {strides = array<i32>} : memref<8x128xf32, #tpu.memory_space<vmem>>, vector<16xf32>,
      %swap3A_458 = arith.constant 5 : i32
      %swap3A_459 = arith.index_cast %swap3A_458 : i32 to index
      %swap3A_460 = arith.constant 32 : index
      %swap3A_461 = tpu.vector_load %arg15[%swap3A_459, %swap3A_460] {strides = array<i32>} : memref<8x128xf32, #tpu.memory_space<vmem>>, vector<16xf32>,
      tpu.vector_store %arg15[%swap3A_459, %swap3A_460], %broadcast_in_dim3A_29 {strides = array<i32>} : memref<8x128xf32, #tpu.memory_space<vmem>>, vector<16xf32>,
      %swap3A_462 = arith.constant 6 : i32
      %swap3A_463 = arith.index_cast %swap3A_462 : i32 to index
      %swap3A_464 = arith.constant 32 : index
      %swap3A_465 = tpu.vector_load %arg15[%swap3A_463, %swap3A_464] {strides = array<i32>} : memref<8x128xf32, #tpu.memory_space<vmem>>, vector<16xf32>,
      tpu.vector_store %arg15[%swap3A_463, %swap3A_464], %broadcast_in_dim3A_29 {strides = array<i32>} : memref<8x128xf32, #tpu.memory_space<vmem>>, vector<16xf32>,
      %swap3A_466 = arith.constant 7 : i32
      %swap3A_467 = arith.index_cast %swap3A_466 : i32 to index
      %swap3A_468 = arith.constant 32 : index
      %swap3A_469 = tpu.vector_load %arg15[%swap3A_467, %swap3A_468] {strides = array<i32>} : memref<8x128xf32, #tpu.memory_space<vmem>>, vector<16xf32>,
      tpu.vector_store %arg15[%swap3A_467, %swap3A_468], %broadcast_in_dim3A_29 {strides = array<i32>} : memref<8x128xf32, #tpu.memory_space<vmem>>, vector<16xf32>,
      %swap3A_470 = arith.constant 0 : i32
      %swap3A_471 = arith.index_cast %swap3A_470 : i32 to index
      %swap3A_472 = arith.constant 48 : index
      %swap3A_473 = tpu.vector_load %arg15[%swap3A_471, %swap3A_472] {strides = array<i32>} : memref<8x128xf32, #tpu.memory_space<vmem>>, vector<16xf32>,
      tpu.vector_store %arg15[%swap3A_471, %swap3A_472], %broadcast_in_dim3A_29 {strides = array<i32>} : memref<8x128xf32, #tpu.memory_space<vmem>>, vector<16xf32>,
      %swap3A_474 = arith.constant 1 : i32
      %swap3A_475 = arith.index_cast %swap3A_474 : i32 to index
      %swap3A_476 = arith.constant 48 : index
      %swap3A_477 = tpu.vector_load %arg15[%swap3A_475, %swap3A_476] {strides = array<i32>} : memref<8x128xf32, #tpu.memory_space<vmem>>, vector<16xf32>,
      tpu.vector_store %arg15[%swap3A_475, %swap3A_476], %broadcast_in_dim3A_29 {strides = array<i32>} : memref<8x128xf32, #tpu.memory_space<vmem>>, vector<16xf32>,
      %swap3A_478 = arith.constant 2 : i32
      %swap3A_479 = arith.index_cast %swap3A_478 : i32 to index
      %swap3A_480 = arith.constant 48 : index
      %swap3A_481 = tpu.vector_load %arg15[%swap3A_479, %swap3A_480] {strides = array<i32>} : memref<8x128xf32, #tpu.memory_space<vmem>>, vector<16xf32>,
      tpu.vector_store %arg15[%swap3A_479, %swap3A_480], %broadcast_in_dim3A_29 {strides = array<i32>} : memref<8x128xf32, #tpu.memory_space<vmem>>, vector<16xf32>,
      %swap3A_482 = arith.constant 3 : i32
      %swap3A_483 = arith.index_cast %swap3A_482 : i32 to index
      %swap3A_484 = arith.constant 48 : index
      %swap3A_485 = tpu.vector_load %arg15[%swap3A_483, %swap3A_484] {strides = array<i32>} : memref<8x128xf32, #tpu.memory_space<vmem>>, vector<16xf32>,
      tpu.vector_store %arg15[%swap3A_483, %swap3A_484], %broadcast_in_dim3A_29 {strides = array<i32>} : memref<8x128xf32, #tpu.memory_space<vmem>>, vector<16xf32>,
      %swap3A_486 = arith.constant 4 : i32
      %swap3A_487 = arith.index_cast %swap3A_486 : i32 to index
      %swap3A_488 = arith.constant 48 : index
      %swap3A_489 = tpu.vector_load %arg15[%swap3A_487, %swap3A_488] {strides = array<i32>} : memref<8x128xf32, #tpu.memory_space<vmem>>, vector<16xf32>,
      tpu.vector_store %arg15[%swap3A_487, %swap3A_488], %broadcast_in_dim3A_29 {strides = array<i32>} : memref<8x128xf32, #tpu.memory_space<vmem>>, vector<16xf32>,
      %swap3A_490 = arith.constant 5 : i32
      %swap3A_491 = arith.index_cast %swap3A_490 : i32 to index
      %swap3A_492 = arith.constant 48 : index
      %swap3A_493 = tpu.vector_load %arg15[%swap3A_491, %swap3A_492] {strides = array<i32>} : memref<8x128xf32, #tpu.memory_space<vmem>>, vector<16xf32>,
      tpu.vector_store %arg15[%swap3A_491, %swap3A_492], %broadcast_in_dim3A_29 {strides = array<i32>} : memref<8x128xf32, #tpu.memory_space<vmem>>, vector<16xf32>,
      %swap3A_494 = arith.constant 6 : i32
      %swap3A_495 = arith.index_cast %swap3A_494 : i32 to index
      %swap3A_496 = arith.constant 48 : index
      %swap3A_497 = tpu.vector_load %arg15[%swap3A_495, %swap3A_496] {strides = array<i32>} : memref<8x128xf32, #tpu.memory_space<vmem>>, vector<16xf32>,
      tpu.vector_store %arg15[%swap3A_495, %swap3A_496], %broadcast_in_dim3A_29 {strides = array<i32>} : memref<8x128xf32, #tpu.memory_space<vmem>>, vector<16xf32>,
      %swap3A_498 = arith.constant 7 : i32
      %swap3A_499 = arith.index_cast %swap3A_498 : i32 to index
      %swap3A_500 = arith.constant 48 : index
      %swap3A_501 = tpu.vector_load %arg15[%swap3A_499, %swap3A_500] {strides = array<i32>} : memref<8x128xf32, #tpu.memory_space<vmem>>, vector<16xf32>,
      tpu.vector_store %arg15[%swap3A_499, %swap3A_500], %broadcast_in_dim3A_29 {strides = array<i32>} : memref<8x128xf32, #tpu.memory_space<vmem>>, vector<16xf32>,
      %swap3A_502 = arith.constant 0 : i32
      %swap3A_503 = arith.index_cast %swap3A_502 : i32 to index
      %swap3A_504 = arith.constant 64 : index
      %swap3A_505 = tpu.vector_load %arg15[%swap3A_503, %swap3A_504] {strides = array<i32>} : memref<8x128xf32, #tpu.memory_space<vmem>>, vector<16xf32>,
      tpu.vector_store %arg15[%swap3A_503, %swap3A_504], %broadcast_in_dim3A_29 {strides = array<i32>} : memref<8x128xf32, #tpu.memory_space<vmem>>, vector<16xf32>,
      %swap3A_506 = arith.constant 1 : i32
      %swap3A_507 = arith.index_cast %swap3A_506 : i32 to index
      %swap3A_508 = arith.constant 64 : index
      %swap3A_509 = tpu.vector_load %arg15[%swap3A_507, %swap3A_508] {strides = array<i32>} : memref<8x128xf32, #tpu.memory_space<vmem>>, vector<16xf32>,
      tpu.vector_store %arg15[%swap3A_507, %swap3A_508], %broadcast_in_dim3A_29 {strides = array<i32>} : memref<8x128xf32, #tpu.memory_space<vmem>>, vector<16xf32>,
      %swap3A_510 = arith.constant 2 : i32
      %swap3A_511 = arith.index_cast %swap3A_510 : i32 to index
      %swap3A_512 = arith.constant 64 : index
      %swap3A_513 = tpu.vector_load %arg15[%swap3A_511, %swap3A_512] {strides = array<i32>} : memref<8x128xf32, #tpu.memory_space<vmem>>, vector<16xf32>,
      tpu.vector_store %arg15[%swap3A_511, %swap3A_512], %broadcast_in_dim3A_29 {strides = array<i32>} : memref<8x128xf32, #tpu.memory_space<vmem>>, vector<16xf32>,
      %swap3A_514 = arith.constant 3 : i32
      %swap3A_515 = arith.index_cast %swap3A_514 : i32 to index
      %swap3A_516 = arith.constant 64 : index
      %swap3A_517 = tpu.vector_load %arg15[%swap3A_515, %swap3A_516] {strides = array<i32>} : memref<8x128xf32, #tpu.memory_space<vmem>>, vector<16xf32>,
      tpu.vector_store %arg15[%swap3A_515, %swap3A_516], %broadcast_in_dim3A_29 {strides = array<i32>} : memref<8x128xf32, #tpu.memory_space<vmem>>, vector<16xf32>,
      %swap3A_518 = arith.constant 4 : i32
      %swap3A_519 = arith.index_cast %swap3A_518 : i32 to index
      %swap3A_520 = arith.constant 64 : index
      %swap3A_521 = tpu.vector_load %arg15[%swap3A_519, %swap3A_520] {strides = array<i32>} : memref<8x128xf32, #tpu.memory_space<vmem>>, vector<16xf32>,
      tpu.vector_store %arg15[%swap3A_519, %swap3A_520], %broadcast_in_dim3A_29 {strides = array<i32>} : memref<8x128xf32, #tpu.memory_space<vmem>>, vector<16xf32>,
      %swap3A_522 = arith.constant 5 : i32
      %swap3A_523 = arith.index_cast %swap3A_522 : i32 to index
      %swap3A_524 = arith.constant 64 : index
      %swap3A_525 = tpu.vector_load %arg15[%swap3A_523, %swap3A_524] {strides = array<i32>} : memref<8x128xf32, #tpu.memory_space<vmem>>, vector<16xf32>,
      tpu.vector_store %arg15[%swap3A_523, %swap3A_524], %broadcast_in_dim3A_29 {strides = array<i32>} : memref<8x128xf32, #tpu.memory_space<vmem>>, vector<16xf32>,
      %swap3A_526 = arith.constant 6 : i32
      %swap3A_527 = arith.index_cast %swap3A_526 : i32 to index
      %swap3A_528 = arith.constant 64 : index
      %swap3A_529 = tpu.vector_load %arg15[%swap3A_527, %swap3A_528] {strides = array<i32>} : memref<8x128xf32, #tpu.memory_space<vmem>>, vector<16xf32>,
      tpu.vector_store %arg15[%swap3A_527, %swap3A_528], %broadcast_in_dim3A_29 {strides = array<i32>} : memref<8x128xf32, #tpu.memory_space<vmem>>, vector<16xf32>,
      %swap3A_530 = arith.constant 7 : i32
      %swap3A_531 = arith.index_cast %swap3A_530 : i32 to index
      %swap3A_532 = arith.constant 64 : index
      %swap3A_533 = tpu.vector_load %arg15[%swap3A_531, %swap3A_532] {strides = array<i32>} : memref<8x128xf32, #tpu.memory_space<vmem>>, vector<16xf32>,
      tpu.vector_store %arg15[%swap3A_531, %swap3A_532], %broadcast_in_dim3A_29 {strides = array<i32>} : memref<8x128xf32, #tpu.memory_space<vmem>>, vector<16xf32>,
      %swap3A_534 = arith.constant 0 : i32
      %swap3A_535 = arith.index_cast %swap3A_534 : i32 to index
      %swap3A_536 = arith.constant 80 : index
      %swap3A_537 = tpu.vector_load %arg15[%swap3A_535, %swap3A_536] {strides = array<i32>} : memref<8x128xf32, #tpu.memory_space<vmem>>, vector<16xf32>,
      tpu.vector_store %arg15[%swap3A_535, %swap3A_536], %broadcast_in_dim3A_29 {strides = array<i32>} : memref<8x128xf32, #tpu.memory_space<vmem>>, vector<16xf32>,
      %swap3A_538 = arith.constant 1 : i32
      %swap3A_539 = arith.index_cast %swap3A_538 : i32 to index
      %swap3A_540 = arith.constant 80 : index
      %swap3A_541 = tpu.vector_load %arg15[%swap3A_539, %swap3A_540] {strides = array<i32>} : memref<8x128xf32, #tpu.memory_space<vmem>>, vector<16xf32>,
      tpu.vector_store %arg15[%swap3A_539, %swap3A_540], %broadcast_in_dim3A_29 {strides = array<i32>} : memref<8x128xf32, #tpu.memory_space<vmem>>, vector<16xf32>,
      %swap3A_542 = arith.constant 2 : i32
      %swap3A_543 = arith.index_cast %swap3A_542 : i32 to index
      %swap3A_544 = arith.constant 80 : index
      %swap3A_545 = tpu.vector_load %arg15[%swap3A_543, %swap3A_544] {strides = array<i32>} : memref<8x128xf32, #tpu.memory_space<vmem>>, vector<16xf32>,
      tpu.vector_store %arg15[%swap3A_543, %swap3A_544], %broadcast_in_dim3A_29 {strides = array<i32>} : memref<8x128xf32, #tpu.memory_space<vmem>>, vector<16xf32>,
      %swap3A_546 = arith.constant 3 : i32
      %swap3A_547 = arith.index_cast %swap3A_546 : i32 to index
      %swap3A_548 = arith.constant 80 : index
      %swap3A_549 = tpu.vector_load %arg15[%swap3A_547, %swap3A_548] {strides = array<i32>} : memref<8x128xf32, #tpu.memory_space<vmem>>, vector<16xf32>,
      tpu.vector_store %arg15[%swap3A_547, %swap3A_548], %broadcast_in_dim3A_29 {strides = array<i32>} : memref<8x128xf32, #tpu.memory_space<vmem>>, vector<16xf32>,
      %swap3A_550 = arith.constant 4 : i32
      %swap3A_551 = arith.index_cast %swap3A_550 : i32 to index
      %swap3A_552 = arith.constant 80 : index
      %swap3A_553 = tpu.vector_load %arg15[%swap3A_551, %swap3A_552] {strides = array<i32>} : memref<8x128xf32, #tpu.memory_space<vmem>>, vector<16xf32>,
      tpu.vector_store %arg15[%swap3A_551, %swap3A_552], %broadcast_in_dim3A_29 {strides = array<i32>} : memref<8x128xf32, #tpu.memory_space<vmem>>, vector<16xf32>,
      %swap3A_554 = arith.constant 5 : i32
      %swap3A_555 = arith.index_cast %swap3A_554 : i32 to index
      %swap3A_556 = arith.constant 80 : index
      %swap3A_557 = tpu.vector_load %arg15[%swap3A_555, %swap3A_556] {strides = array<i32>} : memref<8x128xf32, #tpu.memory_space<vmem>>, vector<16xf32>,
      tpu.vector_store %arg15[%swap3A_555, %swap3A_556], %broadcast_in_dim3A_29 {strides = array<i32>} : memref<8x128xf32, #tpu.memory_space<vmem>>, vector<16xf32>,
      %swap3A_558 = arith.constant 6 : i32
      %swap3A_559 = arith.index_cast %swap3A_558 : i32 to index
      %swap3A_560 = arith.constant 80 : index
      %swap3A_561 = tpu.vector_load %arg15[%swap3A_559, %swap3A_560] {strides = array<i32>} : memref<8x128xf32, #tpu.memory_space<vmem>>, vector<16xf32>,
      tpu.vector_store %arg15[%swap3A_559, %swap3A_560], %broadcast_in_dim3A_29 {strides = array<i32>} : memref<8x128xf32, #tpu.memory_space<vmem>>, vector<16xf32>,
      %swap3A_562 = arith.constant 7 : i32
      %swap3A_563 = arith.index_cast %swap3A_562 : i32 to index
      %swap3A_564 = arith.constant 80 : index
      %swap3A_565 = tpu.vector_load %arg15[%swap3A_563, %swap3A_564] {strides = array<i32>} : memref<8x128xf32, #tpu.memory_space<vmem>>, vector<16xf32>,
      tpu.vector_store %arg15[%swap3A_563, %swap3A_564], %broadcast_in_dim3A_29 {strides = array<i32>} : memref<8x128xf32, #tpu.memory_space<vmem>>, vector<16xf32>,
      %swap3A_566 = arith.constant 0 : i32
      %swap3A_567 = arith.index_cast %swap3A_566 : i32 to index
      %swap3A_568 = arith.constant 96 : index
      %swap3A_569 = tpu.vector_load %arg15[%swap3A_567, %swap3A_568] {strides = array<i32>} : memref<8x128xf32, #tpu.memory_space<vmem>>, vector<16xf32>,
      tpu.vector_store %arg15[%swap3A_567, %swap3A_568], %broadcast_in_dim3A_29 {strides = array<i32>} : memref<8x128xf32, #tpu.memory_space<vmem>>, vector<16xf32>,
      %swap3A_570 = arith.constant 1 : i32
      %swap3A_571 = arith.index_cast %swap3A_570 : i32 to index
      %swap3A_572 = arith.constant 96 : index
      %swap3A_573 = tpu.vector_load %arg15[%swap3A_571, %swap3A_572] {strides = array<i32>} : memref<8x128xf32, #tpu.memory_space<vmem>>, vector<16xf32>,
      tpu.vector_store %arg15[%swap3A_571, %swap3A_572], %broadcast_in_dim3A_29 {strides = array<i32>} : memref<8x128xf32, #tpu.memory_space<vmem>>, vector<16xf32>,
      %swap3A_574 = arith.constant 2 : i32
      %swap3A_575 = arith.index_cast %swap3A_574 : i32 to index
      %swap3A_576 = arith.constant 96 : index
      %swap3A_577 = tpu.vector_load %arg15[%swap3A_575, %swap3A_576] {strides = array<i32>} : memref<8x128xf32, #tpu.memory_space<vmem>>, vector<16xf32>,
      tpu.vector_store %arg15[%swap3A_575, %swap3A_576], %broadcast_in_dim3A_29 {strides = array<i32>} : memref<8x128xf32, #tpu.memory_space<vmem>>, vector<16xf32>,
      %swap3A_578 = arith.constant 3 : i32
      %swap3A_579 = arith.index_cast %swap3A_578 : i32 to index
      %swap3A_580 = arith.constant 96 : index
      %swap3A_581 = tpu.vector_load %arg15[%swap3A_579, %swap3A_580] {strides = array<i32>} : memref<8x128xf32, #tpu.memory_space<vmem>>, vector<16xf32>,
      tpu.vector_store %arg15[%swap3A_579, %swap3A_580], %broadcast_in_dim3A_29 {strides = array<i32>} : memref<8x128xf32, #tpu.memory_space<vmem>>, vector<16xf32>,
      %swap3A_582 = arith.constant 4 : i32
      %swap3A_583 = arith.index_cast %swap3A_582 : i32 to index
      %swap3A_584 = arith.constant 96 : index
      %swap3A_585 = tpu.vector_load %arg15[%swap3A_583, %swap3A_584] {strides = array<i32>} : memref<8x128xf32, #tpu.memory_space<vmem>>, vector<16xf32>,
      tpu.vector_store %arg15[%swap3A_583, %swap3A_584], %broadcast_in_dim3A_29 {strides = array<i32>} : memref<8x128xf32, #tpu.memory_space<vmem>>, vector<16xf32>,
      %swap3A_586 = arith.constant 5 : i32
      %swap3A_587 = arith.index_cast %swap3A_586 : i32 to index
      %swap3A_588 = arith.constant 96 : index
      %swap3A_589 = tpu.vector_load %arg15[%swap3A_587, %swap3A_588] {strides = array<i32>} : memref<8x128xf32, #tpu.memory_space<vmem>>, vector<16xf32>,
      tpu.vector_store %arg15[%swap3A_587, %swap3A_588], %broadcast_in_dim3A_29 {strides = array<i32>} : memref<8x128xf32, #tpu.memory_space<vmem>>, vector<16xf32>,
      %swap3A_590 = arith.constant 6 : i32
      %swap3A_591 = arith.index_cast %swap3A_590 : i32 to index
      %swap3A_592 = arith.constant 96 : index
      %swap3A_593 = tpu.vector_load %arg15[%swap3A_591, %swap3A_592] {strides = array<i32>} : memref<8x128xf32, #tpu.memory_space<vmem>>, vector<16xf32>,
      tpu.vector_store %arg15[%swap3A_591, %swap3A_592], %broadcast_in_dim3A_29 {strides = array<i32>} : memref<8x128xf32, #tpu.memory_space<vmem>>, vector<16xf32>,
      %swap3A_594 = arith.constant 7 : i32
      %swap3A_595 = arith.index_cast %swap3A_594 : i32 to index
      %swap3A_596 = arith.constant 96 : index
      %swap3A_597 = tpu.vector_load %arg15[%swap3A_595, %swap3A_596] {strides = array<i32>} : memref<8x128xf32, #tpu.memory_space<vmem>>, vector<16xf32>,
      tpu.vector_store %arg15[%swap3A_595, %swap3A_596], %broadcast_in_dim3A_29 {strides = array<i32>} : memref<8x128xf32, #tpu.memory_space<vmem>>, vector<16xf32>,
      %swap3A_598 = arith.constant 0 : i32
      %swap3A_599 = arith.index_cast %swap3A_598 : i32 to index
      %swap3A_600 = arith.constant 112 : index
      %swap3A_601 = tpu.vector_load %arg15[%swap3A_599, %swap3A_600] {strides = array<i32>} : memref<8x128xf32, #tpu.memory_space<vmem>>, vector<16xf32>,
      tpu.vector_store %arg15[%swap3A_599, %swap3A_600], %broadcast_in_dim3A_29 {strides = array<i32>} : memref<8x128xf32, #tpu.memory_space<vmem>>, vector<16xf32>,
      %swap3A_602 = arith.constant 1 : i32
      %swap3A_603 = arith.index_cast %swap3A_602 : i32 to index
      %swap3A_604 = arith.constant 112 : index
      %swap3A_605 = tpu.vector_load %arg15[%swap3A_603, %swap3A_604] {strides = array<i32>} : memref<8x128xf32, #tpu.memory_space<vmem>>, vector<16xf32>,
      tpu.vector_store %arg15[%swap3A_603, %swap3A_604], %broadcast_in_dim3A_29 {strides = array<i32>} : memref<8x128xf32, #tpu.memory_space<vmem>>, vector<16xf32>,
      %swap3A_606 = arith.constant 2 : i32
      %swap3A_607 = arith.index_cast %swap3A_606 : i32 to index
      %swap3A_608 = arith.constant 112 : index
      %swap3A_609 = tpu.vector_load %arg15[%swap3A_607, %swap3A_608] {strides = array<i32>} : memref<8x128xf32, #tpu.memory_space<vmem>>, vector<16xf32>,
      tpu.vector_store %arg15[%swap3A_607, %swap3A_608], %broadcast_in_dim3A_29 {strides = array<i32>} : memref<8x128xf32, #tpu.memory_space<vmem>>, vector<16xf32>,
      %swap3A_610 = arith.constant 3 : i32
      %swap3A_611 = arith.index_cast %swap3A_610 : i32 to index
      %swap3A_612 = arith.constant 112 : index
      %swap3A_613 = tpu.vector_load %arg15[%swap3A_611, %swap3A_612] {strides = array<i32>} : memref<8x128xf32, #tpu.memory_space<vmem>>, vector<16xf32>,
      tpu.vector_store %arg15[%swap3A_611, %swap3A_612], %broadcast_in_dim3A_29 {strides = array<i32>} : memref<8x128xf32, #tpu.memory_space<vmem>>, vector<16xf32>,
      %swap3A_614 = arith.constant 4 : i32
      %swap3A_615 = arith.index_cast %swap3A_614 : i32 to index
      %swap3A_616 = arith.constant 112 : index
      %swap3A_617 = tpu.vector_load %arg15[%swap3A_615, %swap3A_616] {strides = array<i32>} : memref<8x128xf32, #tpu.memory_space<vmem>>, vector<16xf32>,
      tpu.vector_store %arg15[%swap3A_615, %swap3A_616], %broadcast_in_dim3A_29 {strides = array<i32>} : memref<8x128xf32, #tpu.memory_space<vmem>>, vector<16xf32>,
      %swap3A_618 = arith.constant 5 : i32
      %swap3A_619 = arith.index_cast %swap3A_618 : i32 to index
      %swap3A_620 = arith.constant 112 : index
      %swap3A_621 = tpu.vector_load %arg15[%swap3A_619, %swap3A_620] {strides = array<i32>} : memref<8x128xf32, #tpu.memory_space<vmem>>, vector<16xf32>,
      tpu.vector_store %arg15[%swap3A_619, %swap3A_620], %broadcast_in_dim3A_29 {strides = array<i32>} : memref<8x128xf32, #tpu.memory_space<vmem>>, vector<16xf32>,
      %swap3A_622 = arith.constant 6 : i32
      %swap3A_623 = arith.index_cast %swap3A_622 : i32 to index
      %swap3A_624 = arith.constant 112 : index
      %swap3A_625 = tpu.vector_load %arg15[%swap3A_623, %swap3A_624] {strides = array<i32>} : memref<8x128xf32, #tpu.memory_space<vmem>>, vector<16xf32>,
      tpu.vector_store %arg15[%swap3A_623, %swap3A_624], %broadcast_in_dim3A_29 {strides = array<i32>} : memref<8x128xf32, #tpu.memory_space<vmem>>, vector<16xf32>,
      %swap3A_626 = arith.constant 7 : i32
      %swap3A_627 = arith.index_cast %swap3A_626 : i32 to index
      %swap3A_628 = arith.constant 112 : index
      %swap3A_629 = tpu.vector_load %arg15[%swap3A_627, %swap3A_628] {strides = array<i32>} : memref<8x128xf32, #tpu.memory_space<vmem>>, vector<16xf32>,
      tpu.vector_store %arg15[%swap3A_627, %swap3A_628], %broadcast_in_dim3A_29 {strides = array<i32>} : memref<8x128xf32, #tpu.memory_space<vmem>>, vector<16xf32>,
      %broadcast_in_dim3A_630 = arith.constant 0 : i32
      %broadcast_in_dim3A_631 = vector.broadcast %broadcast_in_dim3A_630 : i32 to vector<16xi32>
      %get3A = arith.constant 0 : index
      %get3A_632 = tpu.vector_load %arg10[%get3A] {strides = array<i32>} : memref<384xf32, #tpu.memory_space<vmem>>, vector<16xf32>,
      %get3A_633 = arith.constant 128 : index
      %get3A_634 = tpu.vector_load %arg10[%get3A_633] {strides = array<i32>} : memref<384xf32, #tpu.memory_space<vmem>>, vector<16xf32>,
      %get3A_635 = arith.constant 256 : index
      %get3A_636 = tpu.vector_load %arg10[%get3A_635] {strides = array<i32>} : memref<384xf32, #tpu.memory_space<vmem>>, vector<16xf32>,
      %sub3A = arith.subf %get3A_632, %gather3A_299 : vector<16xf32>
      %sub3A_637 = arith.subf %get3A_634, %gather3A_310 : vector<16xf32>
      %sub3A_638 = arith.subf %get3A_636, %gather3A_342 : vector<16xf32>
      %mul3A_639 = arith.mulf %sub3A, %sub3A : vector<16xf32>
      %mul3A_640 = arith.mulf %sub3A_637, %sub3A_637 : vector<16xf32>
      %add3A_641 = arith.addf %mul3A_639, %mul3A_640 : vector<16xf32>
      %mul3A_642 = arith.mulf %sub3A_638, %sub3A_638 : vector<16xf32>
      %add3A_643 = arith.addf %add3A_641, %mul3A_642 : vector<16xf32>
      %get3A_644 = arith.constant 0 : i32
      %get3A_645 = arith.index_cast %get3A_644 : i32 to index
      %get3A_646 = arith.constant 0 : index
      %get3A_647 = tpu.vector_load %arg15[%get3A_645, %get3A_646] {strides = array<i32>} : memref<8x128xf32, #tpu.memory_space<vmem>>, vector<16xf32>,
      %sub3A_648 = arith.subf %get3A_647, %add3A_643 : vector<16xf32>
      %sub3A_649 = arith.subf %get3A_632, %gather3A_300 : vector<16xf32>
      %sub3A_650 = arith.subf %get3A_634, %gather3A_314 : vector<16xf32>
      %sub3A_651 = arith.subf %get3A_636, %gather3A_346 : vector<16xf32>
      %mul3A_652 = arith.mulf %sub3A_649, %sub3A_649 : vector<16xf32>
      %mul3A_653 = arith.mulf %sub3A_650, %sub3A_650 : vector<16xf32>
      %add3A_654 = arith.addf %mul3A_652, %mul3A_653 : vector<16xf32>
      %mul3A_655 = arith.mulf %sub3A_651, %sub3A_651 : vector<16xf32>
      %add3A_656 = arith.addf %add3A_654, %mul3A_655 : vector<16xf32>
      %get3A_657 = arith.constant 1 : i32
      %get3A_658 = arith.index_cast %get3A_657 : i32 to index
      %get3A_659 = arith.constant 0 : index
      %get3A_660 = tpu.vector_load %arg15[%get3A_658, %get3A_659] {strides = array<i32>} : memref<8x128xf32, #tpu.memory_space<vmem>>, vector<16xf32>,
      %sub3A_661 = arith.subf %get3A_660, %add3A_656 : vector<16xf32>
      %sub3A_662 = arith.subf %get3A_632, %gather3A_301 : vector<16xf32>
      %sub3A_663 = arith.subf %get3A_634, %gather3A_318 : vector<16xf32>
      %sub3A_664 = arith.subf %get3A_636, %gather3A_350 : vector<16xf32>
      %mul3A_665 = arith.mulf %sub3A_662, %sub3A_662 : vector<16xf32>
      %mul3A_666 = arith.mulf %sub3A_663, %sub3A_663 : vector<16xf32>
      %add3A_667 = arith.addf %mul3A_665, %mul3A_666 : vector<16xf32>
      %mul3A_668 = arith.mulf %sub3A_664, %sub3A_664 : vector<16xf32>
      %add3A_669 = arith.addf %add3A_667, %mul3A_668 : vector<16xf32>
      %get3A_670 = arith.constant 2 : i32
      %get3A_671 = arith.index_cast %get3A_670 : i32 to index
      %get3A_672 = arith.constant 0 : index
      %get3A_673 = tpu.vector_load %arg15[%get3A_671, %get3A_672] {strides = array<i32>} : memref<8x128xf32, #tpu.memory_space<vmem>>, vector<16xf32>,
      %sub3A_674 = arith.subf %get3A_673, %add3A_669 : vector<16xf32>
      %sub3A_675 = arith.subf %get3A_632, %gather3A_302 : vector<16xf32>
      %sub3A_676 = arith.subf %get3A_634, %gather3A_322 : vector<16xf32>
      %sub3A_677 = arith.subf %get3A_636, %gather3A_354 : vector<16xf32>
      %mul3A_678 = arith.mulf %sub3A_675, %sub3A_675 : vector<16xf32>
      %mul3A_679 = arith.mulf %sub3A_676, %sub3A_676 : vector<16xf32>
      %add3A_680 = arith.addf %mul3A_678, %mul3A_679 : vector<16xf32>
      %mul3A_681 = arith.mulf %sub3A_677, %sub3A_677 : vector<16xf32>
      %add3A_682 = arith.addf %add3A_680, %mul3A_681 : vector<16xf32>
      %get3A_683 = arith.constant 3 : i32
      %get3A_684 = arith.index_cast %get3A_683 : i32 to index
      %get3A_685 = arith.constant 0 : index
      %get3A_686 = tpu.vector_load %arg15[%get3A_684, %get3A_685] {strides = array<i32>} : memref<8x128xf32, #tpu.memory_space<vmem>>, vector<16xf32>,
      %sub3A_687 = arith.subf %get3A_686, %add3A_682 : vector<16xf32>
      %sub3A_688 = arith.subf %get3A_632, %gather3A_303 : vector<16xf32>
      %sub3A_689 = arith.subf %get3A_634, %gather3A_326 : vector<16xf32>
      %sub3A_690 = arith.subf %get3A_636, %gather3A_358 : vector<16xf32>
      %mul3A_691 = arith.mulf %sub3A_688, %sub3A_688 : vector<16xf32>
      %mul3A_692 = arith.mulf %sub3A_689, %sub3A_689 : vector<16xf32>
      %add3A_693 = arith.addf %mul3A_691, %mul3A_692 : vector<16xf32>
      %mul3A_694 = arith.mulf %sub3A_690, %sub3A_690 : vector<16xf32>
      %add3A_695 = arith.addf %add3A_693, %mul3A_694 : vector<16xf32>
      %get3A_696 = arith.constant 4 : i32
      %get3A_697 = arith.index_cast %get3A_696 : i32 to index
      %get3A_698 = arith.constant 0 : index
      %get3A_699 = tpu.vector_load %arg15[%get3A_697, %get3A_698] {strides = array<i32>} : memref<8x128xf32, #tpu.memory_space<vmem>>, vector<16xf32>,
      %sub3A_700 = arith.subf %get3A_699, %add3A_695 : vector<16xf32>
      %sub3A_701 = arith.subf %get3A_632, %gather3A_304 : vector<16xf32>
      %sub3A_702 = arith.subf %get3A_634, %gather3A_330 : vector<16xf32>
      %sub3A_703 = arith.subf %get3A_636, %gather3A_362 : vector<16xf32>
      %mul3A_704 = arith.mulf %sub3A_701, %sub3A_701 : vector<16xf32>
      %mul3A_705 = arith.mulf %sub3A_702, %sub3A_702 : vector<16xf32>
      %add3A_706 = arith.addf %mul3A_704, %mul3A_705 : vector<16xf32>
      %mul3A_707 = arith.mulf %sub3A_703, %sub3A_703 : vector<16xf32>
      %add3A_708 = arith.addf %add3A_706, %mul3A_707 : vector<16xf32>
      %get3A_709 = arith.constant 5 : i32
      %get3A_710 = arith.index_cast %get3A_709 : i32 to index
      %get3A_711 = arith.constant 0 : index
      %get3A_712 = tpu.vector_load %arg15[%get3A_710, %get3A_711] {strides = array<i32>} : memref<8x128xf32, #tpu.memory_space<vmem>>, vector<16xf32>,
      %sub3A_713 = arith.subf %get3A_712, %add3A_708 : vector<16xf32>
      %sub3A_714 = arith.subf %get3A_632, %gather3A_305 : vector<16xf32>
      %sub3A_715 = arith.subf %get3A_634, %gather3A_334 : vector<16xf32>
      %sub3A_716 = arith.subf %get3A_636, %gather3A_366 : vector<16xf32>
      %mul3A_717 = arith.mulf %sub3A_714, %sub3A_714 : vector<16xf32>
      %mul3A_718 = arith.mulf %sub3A_715, %sub3A_715 : vector<16xf32>
      %add3A_719 = arith.addf %mul3A_717, %mul3A_718 : vector<16xf32>
      %mul3A_720 = arith.mulf %sub3A_716, %sub3A_716 : vector<16xf32>
      %add3A_721 = arith.addf %add3A_719, %mul3A_720 : vector<16xf32>
      %get3A_722 = arith.constant 6 : i32
      %get3A_723 = arith.index_cast %get3A_722 : i32 to index
      %get3A_724 = arith.constant 0 : index
      %get3A_725 = tpu.vector_load %arg15[%get3A_723, %get3A_724] {strides = array<i32>} : memref<8x128xf32, #tpu.memory_space<vmem>>, vector<16xf32>,
      %sub3A_726 = arith.subf %get3A_725, %add3A_721 : vector<16xf32>
      %sub3A_727 = arith.subf %get3A_632, %gather3A_306 : vector<16xf32>
      %sub3A_728 = arith.subf %get3A_634, %gather3A_338 : vector<16xf32>
      %sub3A_729 = arith.subf %get3A_636, %gather3A_370 : vector<16xf32>
      %mul3A_730 = arith.mulf %sub3A_727, %sub3A_727 : vector<16xf32>
      %mul3A_731 = arith.mulf %sub3A_728, %sub3A_728 : vector<16xf32>
      %add3A_732 = arith.addf %mul3A_730, %mul3A_731 : vector<16xf32>
      %mul3A_733 = arith.mulf %sub3A_729, %sub3A_729 : vector<16xf32>
      %add3A_734 = arith.addf %add3A_732, %mul3A_733 : vector<16xf32>
      %get3A_735 = arith.constant 7 : i32
      %get3A_736 = arith.index_cast %get3A_735 : i32 to index
      %get3A_737 = arith.constant 0 : index
      %get3A_738 = tpu.vector_load %arg15[%get3A_736, %get3A_737] {strides = array<i32>} : memref<8x128xf32, #tpu.memory_space<vmem>>, vector<16xf32>,
      %sub3A_739 = arith.subf %get3A_738, %add3A_734 : vector<16xf32>
      %get3A_740 = arith.constant 16 : index
      %get3A_741 = tpu.vector_load %arg10[%get3A_740] {strides = array<i32>} : memref<384xf32, #tpu.memory_space<vmem>>, vector<16xf32>,
      %get3A_742 = arith.constant 144 : index
      %get3A_743 = tpu.vector_load %arg10[%get3A_742] {strides = array<i32>} : memref<384xf32, #tpu.memory_space<vmem>>, vector<16xf32>,
      %get3A_744 = arith.constant 272 : index
      %get3A_745 = tpu.vector_load %arg10[%get3A_744] {strides = array<i32>} : memref<384xf32, #tpu.memory_space<vmem>>, vector<16xf32>,
      %sub3A_746 = arith.subf %get3A_741, %gather3A_299 : vector<16xf32>
      %sub3A_747 = arith.subf %get3A_743, %gather3A_310 : vector<16xf32>
      %sub3A_748 = arith.subf %get3A_745, %gather3A_342 : vector<16xf32>
      %mul3A_749 = arith.mulf %sub3A_746, %sub3A_746 : vector<16xf32>
      %mul3A_750 = arith.mulf %sub3A_747, %sub3A_747 : vector<16xf32>
      %add3A_751 = arith.addf %mul3A_749, %mul3A_750 : vector<16xf32>
      %mul3A_752 = arith.mulf %sub3A_748, %sub3A_748 : vector<16xf32>
      %add3A_753 = arith.addf %add3A_751, %mul3A_752 : vector<16xf32>
      %get3A_754 = arith.constant 0 : i32
      %get3A_755 = arith.index_cast %get3A_754 : i32 to index
      %get3A_756 = arith.constant 16 : index
      %get3A_757 = tpu.vector_load %arg15[%get3A_755, %get3A_756] {strides = array<i32>} : memref<8x128xf32, #tpu.memory_space<vmem>>, vector<16xf32>,
      %sub3A_758 = arith.subf %get3A_757, %add3A_753 : vector<16xf32>
      %gt3A = arith.cmpf ogt, %sub3A_758, %sub3A_648 : vector<16xf32>
      %max3A = arith.maximumf %sub3A_758, %sub3A_648 : vector<16xf32>
      %jit3A_759 = arith.constant 1 : i32
      %jit3A_760 = arith.constant 0 : i32
      %broadcast_in_dim3A_761 = vector.broadcast %jit3A_759 : i32 to vector<16xi32>
      %broadcast_in_dim3A_762 = vector.broadcast %jit3A_760 : i32 to vector<16xi32>
      %select_n3A_763 = arith.select %gt3A, %broadcast_in_dim3A_761, %broadcast_in_dim3A_762 : vector<16xi1>, vector<16xi32>
      %sub3A_764 = arith.subf %get3A_741, %gather3A_300 : vector<16xf32>
      %sub3A_765 = arith.subf %get3A_743, %gather3A_314 : vector<16xf32>
      %sub3A_766 = arith.subf %get3A_745, %gather3A_346 : vector<16xf32>
      %mul3A_767 = arith.mulf %sub3A_764, %sub3A_764 : vector<16xf32>
      %mul3A_768 = arith.mulf %sub3A_765, %sub3A_765 : vector<16xf32>
      %add3A_769 = arith.addf %mul3A_767, %mul3A_768 : vector<16xf32>
      %mul3A_770 = arith.mulf %sub3A_766, %sub3A_766 : vector<16xf32>
      %add3A_771 = arith.addf %add3A_769, %mul3A_770 : vector<16xf32>
      %get3A_772 = arith.constant 1 : i32
      %get3A_773 = arith.index_cast %get3A_772 : i32 to index
      %get3A_774 = arith.constant 16 : index
      %get3A_775 = tpu.vector_load %arg15[%get3A_773, %get3A_774] {strides = array<i32>} : memref<8x128xf32, #tpu.memory_space<vmem>>, vector<16xf32>,
      %sub3A_776 = arith.subf %get3A_775, %add3A_771 : vector<16xf32>
      %gt3A_777 = arith.cmpf ogt, %sub3A_776, %sub3A_661 : vector<16xf32>
      %max3A_778 = arith.maximumf %sub3A_776, %sub3A_661 : vector<16xf32>
      %jit3A_779 = arith.constant 1 : i32
      %jit3A_780 = arith.constant 0 : i32
      %broadcast_in_dim3A_781 = vector.broadcast %jit3A_779 : i32 to vector<16xi32>
      %broadcast_in_dim3A_782 = vector.broadcast %jit3A_780 : i32 to vector<16xi32>
      %select_n3A_783 = arith.select %gt3A_777, %broadcast_in_dim3A_781, %broadcast_in_dim3A_782 : vector<16xi1>, vector<16xi32>
      %sub3A_784 = arith.subf %get3A_741, %gather3A_301 : vector<16xf32>
      %sub3A_785 = arith.subf %get3A_743, %gather3A_318 : vector<16xf32>
      %sub3A_786 = arith.subf %get3A_745, %gather3A_350 : vector<16xf32>
      %mul3A_787 = arith.mulf %sub3A_784, %sub3A_784 : vector<16xf32>
      %mul3A_788 = arith.mulf %sub3A_785, %sub3A_785 : vector<16xf32>
      %add3A_789 = arith.addf %mul3A_787, %mul3A_788 : vector<16xf32>
      %mul3A_790 = arith.mulf %sub3A_786, %sub3A_786 : vector<16xf32>
      %add3A_791 = arith.addf %add3A_789, %mul3A_790 : vector<16xf32>
      %get3A_792 = arith.constant 2 : i32
      %get3A_793 = arith.index_cast %get3A_792 : i32 to index
      %get3A_794 = arith.constant 16 : index
      %get3A_795 = tpu.vector_load %arg15[%get3A_793, %get3A_794] {strides = array<i32>} : memref<8x128xf32, #tpu.memory_space<vmem>>, vector<16xf32>,
      %sub3A_796 = arith.subf %get3A_795, %add3A_791 : vector<16xf32>
      %gt3A_797 = arith.cmpf ogt, %sub3A_796, %sub3A_674 : vector<16xf32>
      %max3A_798 = arith.maximumf %sub3A_796, %sub3A_674 : vector<16xf32>
      %jit3A_799 = arith.constant 1 : i32
      %jit3A_800 = arith.constant 0 : i32
      %broadcast_in_dim3A_801 = vector.broadcast %jit3A_799 : i32 to vector<16xi32>
      %broadcast_in_dim3A_802 = vector.broadcast %jit3A_800 : i32 to vector<16xi32>
      %select_n3A_803 = arith.select %gt3A_797, %broadcast_in_dim3A_801, %broadcast_in_dim3A_802 : vector<16xi1>, vector<16xi32>
      %sub3A_804 = arith.subf %get3A_741, %gather3A_302 : vector<16xf32>
      %sub3A_805 = arith.subf %get3A_743, %gather3A_322 : vector<16xf32>
      %sub3A_806 = arith.subf %get3A_745, %gather3A_354 : vector<16xf32>
      %mul3A_807 = arith.mulf %sub3A_804, %sub3A_804 : vector<16xf32>
      %mul3A_808 = arith.mulf %sub3A_805, %sub3A_805 : vector<16xf32>
      %add3A_809 = arith.addf %mul3A_807, %mul3A_808 : vector<16xf32>
      %mul3A_810 = arith.mulf %sub3A_806, %sub3A_806 : vector<16xf32>
      %add3A_811 = arith.addf %add3A_809, %mul3A_810 : vector<16xf32>
      %get3A_812 = arith.constant 3 : i32
      %get3A_813 = arith.index_cast %get3A_812 : i32 to index
      %get3A_814 = arith.constant 16 : index
      %get3A_815 = tpu.vector_load %arg15[%get3A_813, %get3A_814] {strides = array<i32>} : memref<8x128xf32, #tpu.memory_space<vmem>>, vector<16xf32>,
      %sub3A_816 = arith.subf %get3A_815, %add3A_811 : vector<16xf32>
      %gt3A_817 = arith.cmpf ogt, %sub3A_816, %sub3A_687 : vector<16xf32>
      %max3A_818 = arith.maximumf %sub3A_816, %sub3A_687 : vector<16xf32>
      %jit3A_819 = arith.constant 1 : i32
      %jit3A_820 = arith.constant 0 : i32
      %broadcast_in_dim3A_821 = vector.broadcast %jit3A_819 : i32 to vector<16xi32>
      %broadcast_in_dim3A_822 = vector.broadcast %jit3A_820 : i32 to vector<16xi32>
      %select_n3A_823 = arith.select %gt3A_817, %broadcast_in_dim3A_821, %broadcast_in_dim3A_822 : vector<16xi1>, vector<16xi32>
      %sub3A_824 = arith.subf %get3A_741, %gather3A_303 : vector<16xf32>
      %sub3A_825 = arith.subf %get3A_743, %gather3A_326 : vector<16xf32>
      %sub3A_826 = arith.subf %get3A_745, %gather3A_358 : vector<16xf32>
      %mul3A_827 = arith.mulf %sub3A_824, %sub3A_824 : vector<16xf32>
      %mul3A_828 = arith.mulf %sub3A_825, %sub3A_825 : vector<16xf32>
      %add3A_829 = arith.addf %mul3A_827, %mul3A_828 : vector<16xf32>
      %mul3A_830 = arith.mulf %sub3A_826, %sub3A_826 : vector<16xf32>
      %add3A_831 = arith.addf %add3A_829, %mul3A_830 : vector<16xf32>
      %get3A_832 = arith.constant 4 : i32
      %get3A_833 = arith.index_cast %get3A_832 : i32 to index
      %get3A_834 = arith.constant 16 : index
      %get3A_835 = tpu.vector_load %arg15[%get3A_833, %get3A_834] {strides = array<i32>} : memref<8x128xf32, #tpu.memory_space<vmem>>, vector<16xf32>,
      %sub3A_836 = arith.subf %get3A_835, %add3A_831 : vector<16xf32>
      %gt3A_837 = arith.cmpf ogt, %sub3A_836, %sub3A_700 : vector<16xf32>
      %max3A_838 = arith.maximumf %sub3A_836, %sub3A_700 : vector<16xf32>
      %jit3A_839 = arith.constant 1 : i32
      %jit3A_840 = arith.constant 0 : i32
      %broadcast_in_dim3A_841 = vector.broadcast %jit3A_839 : i32 to vector<16xi32>
      %broadcast_in_dim3A_842 = vector.broadcast %jit3A_840 : i32 to vector<16xi32>
      %select_n3A_843 = arith.select %gt3A_837, %broadcast_in_dim3A_841, %broadcast_in_dim3A_842 : vector<16xi1>, vector<16xi32>
      %sub3A_844 = arith.subf %get3A_741, %gather3A_304 : vector<16xf32>
      %sub3A_845 = arith.subf %get3A_743, %gather3A_330 : vector<16xf32>
      %sub3A_846 = arith.subf %get3A_745, %gather3A_362 : vector<16xf32>
      %mul3A_847 = arith.mulf %sub3A_844, %sub3A_844 : vector<16xf32>
      %mul3A_848 = arith.mulf %sub3A_845, %sub3A_845 : vector<16xf32>
      %add3A_849 = arith.addf %mul3A_847, %mul3A_848 : vector<16xf32>
      %mul3A_850 = arith.mulf %sub3A_846, %sub3A_846 : vector<16xf32>
      %add3A_851 = arith.addf %add3A_849, %mul3A_850 : vector<16xf32>
      %get3A_852 = arith.constant 5 : i32
      %get3A_853 = arith.index_cast %get3A_852 : i32 to index
      %get3A_854 = arith.constant 16 : index
      %get3A_855 = tpu.vector_load %arg15[%get3A_853, %get3A_854] {strides = array<i32>} : memref<8x128xf32, #tpu.memory_space<vmem>>, vector<16xf32>,
      %sub3A_856 = arith.subf %get3A_855, %add3A_851 : vector<16xf32>
      %gt3A_857 = arith.cmpf ogt, %sub3A_856, %sub3A_713 : vector<16xf32>
      %max3A_858 = arith.maximumf %sub3A_856, %sub3A_713 : vector<16xf32>
      %jit3A_859 = arith.constant 1 : i32
      %jit3A_860 = arith.constant 0 : i32
      %broadcast_in_dim3A_861 = vector.broadcast %jit3A_859 : i32 to vector<16xi32>
      %broadcast_in_dim3A_862 = vector.broadcast %jit3A_860 : i32 to vector<16xi32>
      %select_n3A_863 = arith.select %gt3A_857, %broadcast_in_dim3A_861, %broadcast_in_dim3A_862 : vector<16xi1>, vector<16xi32>
      %sub3A_864 = arith.subf %get3A_741, %gather3A_305 : vector<16xf32>
      %sub3A_865 = arith.subf %get3A_743, %gather3A_334 : vector<16xf32>
      %sub3A_866 = arith.subf %get3A_745, %gather3A_366 : vector<16xf32>
      %mul3A_867 = arith.mulf %sub3A_864, %sub3A_864 : vector<16xf32>
      %mul3A_868 = arith.mulf %sub3A_865, %sub3A_865 : vector<16xf32>
      %add3A_869 = arith.addf %mul3A_867, %mul3A_868 : vector<16xf32>
      %mul3A_870 = arith.mulf %sub3A_866, %sub3A_866 : vector<16xf32>
      %add3A_871 = arith.addf %add3A_869, %mul3A_870 : vector<16xf32>
      %get3A_872 = arith.constant 6 : i32
      %get3A_873 = arith.index_cast %get3A_872 : i32 to index
      %get3A_874 = arith.constant 16 : index
      %get3A_875 = tpu.vector_load %arg15[%get3A_873, %get3A_874] {strides = array<i32>} : memref<8x128xf32, #tpu.memory_space<vmem>>, vector<16xf32>,
      %sub3A_876 = arith.subf %get3A_875, %add3A_871 : vector<16xf32>
      %gt3A_877 = arith.cmpf ogt, %sub3A_876, %sub3A_726 : vector<16xf32>
      %max3A_878 = arith.maximumf %sub3A_876, %sub3A_726 : vector<16xf32>
      %jit3A_879 = arith.constant 1 : i32
      %jit3A_880 = arith.constant 0 : i32
      %broadcast_in_dim3A_881 = vector.broadcast %jit3A_879 : i32 to vector<16xi32>
      %broadcast_in_dim3A_882 = vector.broadcast %jit3A_880 : i32 to vector<16xi32>
      %select_n3A_883 = arith.select %gt3A_877, %broadcast_in_dim3A_881, %broadcast_in_dim3A_882 : vector<16xi1>, vector<16xi32>
      %sub3A_884 = arith.subf %get3A_741, %gather3A_306 : vector<16xf32>
      %sub3A_885 = arith.subf %get3A_743, %gather3A_338 : vector<16xf32>
      %sub3A_886 = arith.subf %get3A_745, %gather3A_370 : vector<16xf32>
      %mul3A_887 = arith.mulf %sub3A_884, %sub3A_884 : vector<16xf32>
      %mul3A_888 = arith.mulf %sub3A_885, %sub3A_885 : vector<16xf32>
      %add3A_889 = arith.addf %mul3A_887, %mul3A_888 : vector<16xf32>
      %mul3A_890 = arith.mulf %sub3A_886, %sub3A_886 : vector<16xf32>
      %add3A_891 = arith.addf %add3A_889, %mul3A_890 : vector<16xf32>
      %get3A_892 = arith.constant 7 : i32
      %get3A_893 = arith.index_cast %get3A_892 : i32 to index
      %get3A_894 = arith.constant 16 : index
      %get3A_895 = tpu.vector_load %arg15[%get3A_893, %get3A_894] {strides = array<i32>} : memref<8x128xf32, #tpu.memory_space<vmem>>, vector<16xf32>,
      %sub3A_896 = arith.subf %get3A_895, %add3A_891 : vector<16xf32>
      %gt3A_897 = arith.cmpf ogt, %sub3A_896, %sub3A_739 : vector<16xf32>
      %max3A_898 = arith.maximumf %sub3A_896, %sub3A_739 : vector<16xf32>
      %jit3A_899 = arith.constant 1 : i32
      %jit3A_900 = arith.constant 0 : i32
      %broadcast_in_dim3A_901 = vector.broadcast %jit3A_899 : i32 to vector<16xi32>
      %broadcast_in_dim3A_902 = vector.broadcast %jit3A_900 : i32 to vector<16xi32>
      %select_n3A_903 = arith.select %gt3A_897, %broadcast_in_dim3A_901, %broadcast_in_dim3A_902 : vector<16xi1>, vector<16xi32>
      %get3A_904 = arith.constant 32 : index
      %get3A_905 = tpu.vector_load %arg10[%get3A_904] {strides = array<i32>} : memref<384xf32, #tpu.memory_space<vmem>>, vector<16xf32>,
      %get3A_906 = arith.constant 160 : index
      %get3A_907 = tpu.vector_load %arg10[%get3A_906] {strides = array<i32>} : memref<384xf32, #tpu.memory_space<vmem>>, vector<16xf32>,
      %get3A_908 = arith.constant 288 : index
      %get3A_909 = tpu.vector_load %arg10[%get3A_908] {strides = array<i32>} : memref<384xf32, #tpu.memory_space<vmem>>, vector<16xf32>,
      %sub3A_910 = arith.subf %get3A_905, %gather3A_299 : vector<16xf32>
      %sub3A_911 = arith.subf %get3A_907, %gather3A_310 : vector<16xf32>
      %sub3A_912 = arith.subf %get3A_909, %gather3A_342 : vector<16xf32>
      %mul3A_913 = arith.mulf %sub3A_910, %sub3A_910 : vector<16xf32>
      %mul3A_914 = arith.mulf %sub3A_911, %sub3A_911 : vector<16xf32>
      %add3A_915 = arith.addf %mul3A_913, %mul3A_914 : vector<16xf32>
      %mul3A_916 = arith.mulf %sub3A_912, %sub3A_912 : vector<16xf32>
      %add3A_917 = arith.addf %add3A_915, %mul3A_916 : vector<16xf32>
      %get3A_918 = arith.constant 0 : i32
      %get3A_919 = arith.index_cast %get3A_918 : i32 to index
      %get3A_920 = arith.constant 32 : index
      %get3A_921 = tpu.vector_load %arg15[%get3A_919, %get3A_920] {strides = array<i32>} : memref<8x128xf32, #tpu.memory_space<vmem>>, vector<16xf32>,
      %sub3A_922 = arith.subf %get3A_921, %add3A_917 : vector<16xf32>
      %gt3A_923 = arith.cmpf ogt, %sub3A_922, %max3A : vector<16xf32>
      %max3A_924 = arith.maximumf %sub3A_922, %max3A : vector<16xf32>
      %jit3A_925 = arith.constant 2 : i32
      %broadcast_in_dim3A_926 = vector.broadcast %jit3A_925 : i32 to vector<16xi32>
      %select_n3A_927 = arith.select %gt3A_923, %broadcast_in_dim3A_926, %select_n3A_763 : vector<16xi1>, vector<16xi32>
      %sub3A_928 = arith.subf %get3A_905, %gather3A_300 : vector<16xf32>
      %sub3A_929 = arith.subf %get3A_907, %gather3A_314 : vector<16xf32>
      %sub3A_930 = arith.subf %get3A_909, %gather3A_346 : vector<16xf32>
      %mul3A_931 = arith.mulf %sub3A_928, %sub3A_928 : vector<16xf32>
      %mul3A_932 = arith.mulf %sub3A_929, %sub3A_929 : vector<16xf32>
      %add3A_933 = arith.addf %mul3A_931, %mul3A_932 : vector<16xf32>
      %mul3A_934 = arith.mulf %sub3A_930, %sub3A_930 : vector<16xf32>
      %add3A_935 = arith.addf %add3A_933, %mul3A_934 : vector<16xf32>
      %get3A_936 = arith.constant 1 : i32
      %get3A_937 = arith.index_cast %get3A_936 : i32 to index
      %get3A_938 = arith.constant 32 : index
      %get3A_939 = tpu.vector_load %arg15[%get3A_937, %get3A_938] {strides = array<i32>} : memref<8x128xf32, #tpu.memory_space<vmem>>, vector<16xf32>,
      %sub3A_940 = arith.subf %get3A_939, %add3A_935 : vector<16xf32>
      %gt3A_941 = arith.cmpf ogt, %sub3A_940, %max3A_778 : vector<16xf32>
      %max3A_942 = arith.maximumf %sub3A_940, %max3A_778 : vector<16xf32>
      %jit3A_943 = arith.constant 2 : i32
      %broadcast_in_dim3A_944 = vector.broadcast %jit3A_943 : i32 to vector<16xi32>
      %select_n3A_945 = arith.select %gt3A_941, %broadcast_in_dim3A_944, %select_n3A_783 : vector<16xi1>, vector<16xi32>
      %sub3A_946 = arith.subf %get3A_905, %gather3A_301 : vector<16xf32>
      %sub3A_947 = arith.subf %get3A_907, %gather3A_318 : vector<16xf32>
      %sub3A_948 = arith.subf %get3A_909, %gather3A_350 : vector<16xf32>
      %mul3A_949 = arith.mulf %sub3A_946, %sub3A_946 : vector<16xf32>
      %mul3A_950 = arith.mulf %sub3A_947, %sub3A_947 : vector<16xf32>
      %add3A_951 = arith.addf %mul3A_949, %mul3A_950 : vector<16xf32>
      %mul3A_952 = arith.mulf %sub3A_948, %sub3A_948 : vector<16xf32>
      %add3A_953 = arith.addf %add3A_951, %mul3A_952 : vector<16xf32>
      %get3A_954 = arith.constant 2 : i32
      %get3A_955 = arith.index_cast %get3A_954 : i32 to index
      %get3A_956 = arith.constant 32 : index
      %get3A_957 = tpu.vector_load %arg15[%get3A_955, %get3A_956] {strides = array<i32>} : memref<8x128xf32, #tpu.memory_space<vmem>>, vector<16xf32>,
      %sub3A_958 = arith.subf %get3A_957, %add3A_953 : vector<16xf32>
      %gt3A_959 = arith.cmpf ogt, %sub3A_958, %max3A_798 : vector<16xf32>
      %max3A_960 = arith.maximumf %sub3A_958, %max3A_798 : vector<16xf32>
      %jit3A_961 = arith.constant 2 : i32
      %broadcast_in_dim3A_962 = vector.broadcast %jit3A_961 : i32 to vector<16xi32>
      %select_n3A_963 = arith.select %gt3A_959, %broadcast_in_dim3A_962, %select_n3A_803 : vector<16xi1>, vector<16xi32>
      %sub3A_964 = arith.subf %get3A_905, %gather3A_302 : vector<16xf32>
      %sub3A_965 = arith.subf %get3A_907, %gather3A_322 : vector<16xf32>
      %sub3A_966 = arith.subf %get3A_909, %gather3A_354 : vector<16xf32>
      %mul3A_967 = arith.mulf %sub3A_964, %sub3A_964 : vector<16xf32>
      %mul3A_968 = arith.mulf %sub3A_965, %sub3A_965 : vector<16xf32>
      %add3A_969 = arith.addf %mul3A_967, %mul3A_968 : vector<16xf32>
      %mul3A_970 = arith.mulf %sub3A_966, %sub3A_966 : vector<16xf32>
      %add3A_971 = arith.addf %add3A_969, %mul3A_970 : vector<16xf32>
      %get3A_972 = arith.constant 3 : i32
      %get3A_973 = arith.index_cast %get3A_972 : i32 to index
      %get3A_974 = arith.constant 32 : index
      %get3A_975 = tpu.vector_load %arg15[%get3A_973, %get3A_974] {strides = array<i32>} : memref<8x128xf32, #tpu.memory_space<vmem>>, vector<16xf32>,
      %sub3A_976 = arith.subf %get3A_975, %add3A_971 : vector<16xf32>
      %gt3A_977 = arith.cmpf ogt, %sub3A_976, %max3A_818 : vector<16xf32>
      %max3A_978 = arith.maximumf %sub3A_976, %max3A_818 : vector<16xf32>
      %jit3A_979 = arith.constant 2 : i32
      %broadcast_in_dim3A_980 = vector.broadcast %jit3A_979 : i32 to vector<16xi32>
      %select_n3A_981 = arith.select %gt3A_977, %broadcast_in_dim3A_980, %select_n3A_823 : vector<16xi1>, vector<16xi32>
      %sub3A_982 = arith.subf %get3A_905, %gather3A_303 : vector<16xf32>
      %sub3A_983 = arith.subf %get3A_907, %gather3A_326 : vector<16xf32>
      %sub3A_984 = arith.subf %get3A_909, %gather3A_358 : vector<16xf32>
      %mul3A_985 = arith.mulf %sub3A_982, %sub3A_982 : vector<16xf32>
      %mul3A_986 = arith.mulf %sub3A_983, %sub3A_983 : vector<16xf32>
      %add3A_987 = arith.addf %mul3A_985, %mul3A_986 : vector<16xf32>
      %mul3A_988 = arith.mulf %sub3A_984, %sub3A_984 : vector<16xf32>
      %add3A_989 = arith.addf %add3A_987, %mul3A_988 : vector<16xf32>
      %get3A_990 = arith.constant 4 : i32
      %get3A_991 = arith.index_cast %get3A_990 : i32 to index
      %get3A_992 = arith.constant 32 : index
      %get3A_993 = tpu.vector_load %arg15[%get3A_991, %get3A_992] {strides = array<i32>} : memref<8x128xf32, #tpu.memory_space<vmem>>, vector<16xf32>,
      %sub3A_994 = arith.subf %get3A_993, %add3A_989 : vector<16xf32>
      %gt3A_995 = arith.cmpf ogt, %sub3A_994, %max3A_838 : vector<16xf32>
      %max3A_996 = arith.maximumf %sub3A_994, %max3A_838 : vector<16xf32>
      %jit3A_997 = arith.constant 2 : i32
      %broadcast_in_dim3A_998 = vector.broadcast %jit3A_997 : i32 to vector<16xi32>
      %select_n3A_999 = arith.select %gt3A_995, %broadcast_in_dim3A_998, %select_n3A_843 : vector<16xi1>, vector<16xi32>
      %sub3A_1000 = arith.subf %get3A_905, %gather3A_304 : vector<16xf32>
      %sub3A_1001 = arith.subf %get3A_907, %gather3A_330 : vector<16xf32>
      %sub3A_1002 = arith.subf %get3A_909, %gather3A_362 : vector<16xf32>
      %mul3A_1003 = arith.mulf %sub3A_1000, %sub3A_1000 : vector<16xf32>
      %mul3A_1004 = arith.mulf %sub3A_1001, %sub3A_1001 : vector<16xf32>
      %add3A_1005 = arith.addf %mul3A_1003, %mul3A_1004 : vector<16xf32>
      %mul3A_1006 = arith.mulf %sub3A_1002, %sub3A_1002 : vector<16xf32>
      %add3A_1007 = arith.addf %add3A_1005, %mul3A_1006 : vector<16xf32>
      %get3A_1008 = arith.constant 5 : i32
      %get3A_1009 = arith.index_cast %get3A_1008 : i32 to index
      %get3A_1010 = arith.constant 32 : index
      %get3A_1011 = tpu.vector_load %arg15[%get3A_1009, %get3A_1010] {strides = array<i32>} : memref<8x128xf32, #tpu.memory_space<vmem>>, vector<16xf32>,
      %sub3A_1012 = arith.subf %get3A_1011, %add3A_1007 : vector<16xf32>
      %gt3A_1013 = arith.cmpf ogt, %sub3A_1012, %max3A_858 : vector<16xf32>
      %max3A_1014 = arith.maximumf %sub3A_1012, %max3A_858 : vector<16xf32>
      %jit3A_1015 = arith.constant 2 : i32
      %broadcast_in_dim3A_1016 = vector.broadcast %jit3A_1015 : i32 to vector<16xi32>
      %select_n3A_1017 = arith.select %gt3A_1013, %broadcast_in_dim3A_1016, %select_n3A_863 : vector<16xi1>, vector<16xi32>
      %sub3A_1018 = arith.subf %get3A_905, %gather3A_305 : vector<16xf32>
      %sub3A_1019 = arith.subf %get3A_907, %gather3A_334 : vector<16xf32>
      %sub3A_1020 = arith.subf %get3A_909, %gather3A_366 : vector<16xf32>
      %mul3A_1021 = arith.mulf %sub3A_1018, %sub3A_1018 : vector<16xf32>
      %mul3A_1022 = arith.mulf %sub3A_1019, %sub3A_1019 : vector<16xf32>
      %add3A_1023 = arith.addf %mul3A_1021, %mul3A_1022 : vector<16xf32>
      %mul3A_1024 = arith.mulf %sub3A_1020, %sub3A_1020 : vector<16xf32>
      %add3A_1025 = arith.addf %add3A_1023, %mul3A_1024 : vector<16xf32>
      %get3A_1026 = arith.constant 6 : i32
      %get3A_1027 = arith.index_cast %get3A_1026 : i32 to index
      %get3A_1028 = arith.constant 32 : index
      %get3A_1029 = tpu.vector_load %arg15[%get3A_1027, %get3A_1028] {strides = array<i32>} : memref<8x128xf32, #tpu.memory_space<vmem>>, vector<16xf32>,
      %sub3A_1030 = arith.subf %get3A_1029, %add3A_1025 : vector<16xf32>
      %gt3A_1031 = arith.cmpf ogt, %sub3A_1030, %max3A_878 : vector<16xf32>
      %max3A_1032 = arith.maximumf %sub3A_1030, %max3A_878 : vector<16xf32>
      %jit3A_1033 = arith.constant 2 : i32
      %broadcast_in_dim3A_1034 = vector.broadcast %jit3A_1033 : i32 to vector<16xi32>
      %select_n3A_1035 = arith.select %gt3A_1031, %broadcast_in_dim3A_1034, %select_n3A_883 : vector<16xi1>, vector<16xi32>
      %sub3A_1036 = arith.subf %get3A_905, %gather3A_306 : vector<16xf32>
      %sub3A_1037 = arith.subf %get3A_907, %gather3A_338 : vector<16xf32>
      %sub3A_1038 = arith.subf %get3A_909, %gather3A_370 : vector<16xf32>
      %mul3A_1039 = arith.mulf %sub3A_1036, %sub3A_1036 : vector<16xf32>
      %mul3A_1040 = arith.mulf %sub3A_1037, %sub3A_1037 : vector<16xf32>
      %add3A_1041 = arith.addf %mul3A_1039, %mul3A_1040 : vector<16xf32>
      %mul3A_1042 = arith.mulf %sub3A_1038, %sub3A_1038 : vector<16xf32>
      %add3A_1043 = arith.addf %add3A_1041, %mul3A_1042 : vector<16xf32>
      %get3A_1044 = arith.constant 7 : i32
      %get3A_1045 = arith.index_cast %get3A_1044 : i32 to index
      %get3A_1046 = arith.constant 32 : index
      %get3A_1047 = tpu.vector_load %arg15[%get3A_1045, %get3A_1046] {strides = array<i32>} : memref<8x128xf32, #tpu.memory_space<vmem>>, vector<16xf32>,
      %sub3A_1048 = arith.subf %get3A_1047, %add3A_1043 : vector<16xf32>
      %gt3A_1049 = arith.cmpf ogt, %sub3A_1048, %max3A_898 : vector<16xf32>
      %max3A_1050 = arith.maximumf %sub3A_1048, %max3A_898 : vector<16xf32>
      %jit3A_1051 = arith.constant 2 : i32
      %broadcast_in_dim3A_1052 = vector.broadcast %jit3A_1051 : i32 to vector<16xi32>
      %select_n3A_1053 = arith.select %gt3A_1049, %broadcast_in_dim3A_1052, %select_n3A_903 : vector<16xi1>, vector<16xi32>
      %get3A_1054 = arith.constant 48 : index
      %get3A_1055 = tpu.vector_load %arg10[%get3A_1054] {strides = array<i32>} : memref<384xf32, #tpu.memory_space<vmem>>, vector<16xf32>,
      %get3A_1056 = arith.constant 176 : index
      %get3A_1057 = tpu.vector_load %arg10[%get3A_1056] {strides = array<i32>} : memref<384xf32, #tpu.memory_space<vmem>>, vector<16xf32>,
      %get3A_1058 = arith.constant 304 : index
      %get3A_1059 = tpu.vector_load %arg10[%get3A_1058] {strides = array<i32>} : memref<384xf32, #tpu.memory_space<vmem>>, vector<16xf32>,
      %sub3A_1060 = arith.subf %get3A_1055, %gather3A_299 : vector<16xf32>
      %sub3A_1061 = arith.subf %get3A_1057, %gather3A_310 : vector<16xf32>
      %sub3A_1062 = arith.subf %get3A_1059, %gather3A_342 : vector<16xf32>
      %mul3A_1063 = arith.mulf %sub3A_1060, %sub3A_1060 : vector<16xf32>
      %mul3A_1064 = arith.mulf %sub3A_1061, %sub3A_1061 : vector<16xf32>
      %add3A_1065 = arith.addf %mul3A_1063, %mul3A_1064 : vector<16xf32>
      %mul3A_1066 = arith.mulf %sub3A_1062, %sub3A_1062 : vector<16xf32>
      %add3A_1067 = arith.addf %add3A_1065, %mul3A_1066 : vector<16xf32>
      %get3A_1068 = arith.constant 0 : i32
      %get3A_1069 = arith.index_cast %get3A_1068 : i32 to index
      %get3A_1070 = arith.constant 48 : index
      %get3A_1071 = tpu.vector_load %arg15[%get3A_1069, %get3A_1070] {strides = array<i32>} : memref<8x128xf32, #tpu.memory_space<vmem>>, vector<16xf32>,
      %sub3A_1072 = arith.subf %get3A_1071, %add3A_1067 : vector<16xf32>
      %gt3A_1073 = arith.cmpf ogt, %sub3A_1072, %max3A_924 : vector<16xf32>
      %max3A_1074 = arith.maximumf %sub3A_1072, %max3A_924 : vector<16xf32>
      %jit3A_1075 = arith.constant 3 : i32
      %broadcast_in_dim3A_1076 = vector.broadcast %jit3A_1075 : i32 to vector<16xi32>
      %select_n3A_1077 = arith.select %gt3A_1073, %broadcast_in_dim3A_1076, %select_n3A_927 : vector<16xi1>, vector<16xi32>
      %sub3A_1078 = arith.subf %get3A_1055, %gather3A_300 : vector<16xf32>
      %sub3A_1079 = arith.subf %get3A_1057, %gather3A_314 : vector<16xf32>
      %sub3A_1080 = arith.subf %get3A_1059, %gather3A_346 : vector<16xf32>
      %mul3A_1081 = arith.mulf %sub3A_1078, %sub3A_1078 : vector<16xf32>
      %mul3A_1082 = arith.mulf %sub3A_1079, %sub3A_1079 : vector<16xf32>
      %add3A_1083 = arith.addf %mul3A_1081, %mul3A_1082 : vector<16xf32>
      %mul3A_1084 = arith.mulf %sub3A_1080, %sub3A_1080 : vector<16xf32>
      %add3A_1085 = arith.addf %add3A_1083, %mul3A_1084 : vector<16xf32>
      %get3A_1086 = arith.constant 1 : i32
      %get3A_1087 = arith.index_cast %get3A_1086 : i32 to index
      %get3A_1088 = arith.constant 48 : index
      %get3A_1089 = tpu.vector_load %arg15[%get3A_1087, %get3A_1088] {strides = array<i32>} : memref<8x128xf32, #tpu.memory_space<vmem>>, vector<16xf32>,
      %sub3A_1090 = arith.subf %get3A_1089, %add3A_1085 : vector<16xf32>
      %gt3A_1091 = arith.cmpf ogt, %sub3A_1090, %max3A_942 : vector<16xf32>
      %max3A_1092 = arith.maximumf %sub3A_1090, %max3A_942 : vector<16xf32>
      %jit3A_1093 = arith.constant 3 : i32
      %broadcast_in_dim3A_1094 = vector.broadcast %jit3A_1093 : i32 to vector<16xi32>
      %select_n3A_1095 = arith.select %gt3A_1091, %broadcast_in_dim3A_1094, %select_n3A_945 : vector<16xi1>, vector<16xi32>
      %sub3A_1096 = arith.subf %get3A_1055, %gather3A_301 : vector<16xf32>
      %sub3A_1097 = arith.subf %get3A_1057, %gather3A_318 : vector<16xf32>
      %sub3A_1098 = arith.subf %get3A_1059, %gather3A_350 : vector<16xf32>
      %mul3A_1099 = arith.mulf %sub3A_1096, %sub3A_1096 : vector<16xf32>
      %mul3A_1100 = arith.mulf %sub3A_1097, %sub3A_1097 : vector<16xf32>
      %add3A_1101 = arith.addf %mul3A_1099, %mul3A_1100 : vector<16xf32>
      %mul3A_1102 = arith.mulf %sub3A_1098, %sub3A_1098 : vector<16xf32>
      %add3A_1103 = arith.addf %add3A_1101, %mul3A_1102 : vector<16xf32>
      %get3A_1104 = arith.constant 2 : i32
      %get3A_1105 = arith.index_cast %get3A_1104 : i32 to index
      %get3A_1106 = arith.constant 48 : index
      %get3A_1107 = tpu.vector_load %arg15[%get3A_1105, %get3A_1106] {strides = array<i32>} : memref<8x128xf32, #tpu.memory_space<vmem>>, vector<16xf32>,
      %sub3A_1108 = arith.subf %get3A_1107, %add3A_1103 : vector<16xf32>
      %gt3A_1109 = arith.cmpf ogt, %sub3A_1108, %max3A_960 : vector<16xf32>
      %max3A_1110 = arith.maximumf %sub3A_1108, %max3A_960 : vector<16xf32>
      %jit3A_1111 = arith.constant 3 : i32
      %broadcast_in_dim3A_1112 = vector.broadcast %jit3A_1111 : i32 to vector<16xi32>
      %select_n3A_1113 = arith.select %gt3A_1109, %broadcast_in_dim3A_1112, %select_n3A_963 : vector<16xi1>, vector<16xi32>
      %sub3A_1114 = arith.subf %get3A_1055, %gather3A_302 : vector<16xf32>
      %sub3A_1115 = arith.subf %get3A_1057, %gather3A_322 : vector<16xf32>
      %sub3A_1116 = arith.subf %get3A_1059, %gather3A_354 : vector<16xf32>
      %mul3A_1117 = arith.mulf %sub3A_1114, %sub3A_1114 : vector<16xf32>
      %mul3A_1118 = arith.mulf %sub3A_1115, %sub3A_1115 : vector<16xf32>
      %add3A_1119 = arith.addf %mul3A_1117, %mul3A_1118 : vector<16xf32>
      %mul3A_1120 = arith.mulf %sub3A_1116, %sub3A_1116 : vector<16xf32>
      %add3A_1121 = arith.addf %add3A_1119, %mul3A_1120 : vector<16xf32>
      %get3A_1122 = arith.constant 3 : i32
      %get3A_1123 = arith.index_cast %get3A_1122 : i32 to index
      %get3A_1124 = arith.constant 48 : index
      %get3A_1125 = tpu.vector_load %arg15[%get3A_1123, %get3A_1124] {strides = array<i32>} : memref<8x128xf32, #tpu.memory_space<vmem>>, vector<16xf32>,
      %sub3A_1126 = arith.subf %get3A_1125, %add3A_1121 : vector<16xf32>
      %gt3A_1127 = arith.cmpf ogt, %sub3A_1126, %max3A_978 : vector<16xf32>
      %max3A_1128 = arith.maximumf %sub3A_1126, %max3A_978 : vector<16xf32>
      %jit3A_1129 = arith.constant 3 : i32
      %broadcast_in_dim3A_1130 = vector.broadcast %jit3A_1129 : i32 to vector<16xi32>
      %select_n3A_1131 = arith.select %gt3A_1127, %broadcast_in_dim3A_1130, %select_n3A_981 : vector<16xi1>, vector<16xi32>
      %sub3A_1132 = arith.subf %get3A_1055, %gather3A_303 : vector<16xf32>
      %sub3A_1133 = arith.subf %get3A_1057, %gather3A_326 : vector<16xf32>
      %sub3A_1134 = arith.subf %get3A_1059, %gather3A_358 : vector<16xf32>
      %mul3A_1135 = arith.mulf %sub3A_1132, %sub3A_1132 : vector<16xf32>
      %mul3A_1136 = arith.mulf %sub3A_1133, %sub3A_1133 : vector<16xf32>
      %add3A_1137 = arith.addf %mul3A_1135, %mul3A_1136 : vector<16xf32>
      %mul3A_1138 = arith.mulf %sub3A_1134, %sub3A_1134 : vector<16xf32>
      %add3A_1139 = arith.addf %add3A_1137, %mul3A_1138 : vector<16xf32>
      %get3A_1140 = arith.constant 4 : i32
      %get3A_1141 = arith.index_cast %get3A_1140 : i32 to index
      %get3A_1142 = arith.constant 48 : index
      %get3A_1143 = tpu.vector_load %arg15[%get3A_1141, %get3A_1142] {strides = array<i32>} : memref<8x128xf32, #tpu.memory_space<vmem>>, vector<16xf32>,
      %sub3A_1144 = arith.subf %get3A_1143, %add3A_1139 : vector<16xf32>
      %gt3A_1145 = arith.cmpf ogt, %sub3A_1144, %max3A_996 : vector<16xf32>
      %max3A_1146 = arith.maximumf %sub3A_1144, %max3A_996 : vector<16xf32>
      %jit3A_1147 = arith.constant 3 : i32
      %broadcast_in_dim3A_1148 = vector.broadcast %jit3A_1147 : i32 to vector<16xi32>
      %select_n3A_1149 = arith.select %gt3A_1145, %broadcast_in_dim3A_1148, %select_n3A_999 : vector<16xi1>, vector<16xi32>
      %sub3A_1150 = arith.subf %get3A_1055, %gather3A_304 : vector<16xf32>
      %sub3A_1151 = arith.subf %get3A_1057, %gather3A_330 : vector<16xf32>
      %sub3A_1152 = arith.subf %get3A_1059, %gather3A_362 : vector<16xf32>
      %mul3A_1153 = arith.mulf %sub3A_1150, %sub3A_1150 : vector<16xf32>
      %mul3A_1154 = arith.mulf %sub3A_1151, %sub3A_1151 : vector<16xf32>
      %add3A_1155 = arith.addf %mul3A_1153, %mul3A_1154 : vector<16xf32>
      %mul3A_1156 = arith.mulf %sub3A_1152, %sub3A_1152 : vector<16xf32>
      %add3A_1157 = arith.addf %add3A_1155, %mul3A_1156 : vector<16xf32>
      %get3A_1158 = arith.constant 5 : i32
      %get3A_1159 = arith.index_cast %get3A_1158 : i32 to index
      %get3A_1160 = arith.constant 48 : index
      %get3A_1161 = tpu.vector_load %arg15[%get3A_1159, %get3A_1160] {strides = array<i32>} : memref<8x128xf32, #tpu.memory_space<vmem>>, vector<16xf32>,
      %sub3A_1162 = arith.subf %get3A_1161, %add3A_1157 : vector<16xf32>
      %gt3A_1163 = arith.cmpf ogt, %sub3A_1162, %max3A_1014 : vector<16xf32>
      %max3A_1164 = arith.maximumf %sub3A_1162, %max3A_1014 : vector<16xf32>
      %jit3A_1165 = arith.constant 3 : i32
      %broadcast_in_dim3A_1166 = vector.broadcast %jit3A_1165 : i32 to vector<16xi32>
      %select_n3A_1167 = arith.select %gt3A_1163, %broadcast_in_dim3A_1166, %select_n3A_1017 : vector<16xi1>, vector<16xi32>
      %sub3A_1168 = arith.subf %get3A_1055, %gather3A_305 : vector<16xf32>
      %sub3A_1169 = arith.subf %get3A_1057, %gather3A_334 : vector<16xf32>
      %sub3A_1170 = arith.subf %get3A_1059, %gather3A_366 : vector<16xf32>
      %mul3A_1171 = arith.mulf %sub3A_1168, %sub3A_1168 : vector<16xf32>
      %mul3A_1172 = arith.mulf %sub3A_1169, %sub3A_1169 : vector<16xf32>
      %add3A_1173 = arith.addf %mul3A_1171, %mul3A_1172 : vector<16xf32>
      %mul3A_1174 = arith.mulf %sub3A_1170, %sub3A_1170 : vector<16xf32>
      %add3A_1175 = arith.addf %add3A_1173, %mul3A_1174 : vector<16xf32>
      %get3A_1176 = arith.constant 6 : i32
      %get3A_1177 = arith.index_cast %get3A_1176 : i32 to index
      %get3A_1178 = arith.constant 48 : index
      %get3A_1179 = tpu.vector_load %arg15[%get3A_1177, %get3A_1178] {strides = array<i32>} : memref<8x128xf32, #tpu.memory_space<vmem>>, vector<16xf32>,
      %sub3A_1180 = arith.subf %get3A_1179, %add3A_1175 : vector<16xf32>
      %gt3A_1181 = arith.cmpf ogt, %sub3A_1180, %max3A_1032 : vector<16xf32>
      %max3A_1182 = arith.maximumf %sub3A_1180, %max3A_1032 : vector<16xf32>
      %jit3A_1183 = arith.constant 3 : i32
      %broadcast_in_dim3A_1184 = vector.broadcast %jit3A_1183 : i32 to vector<16xi32>
      %select_n3A_1185 = arith.select %gt3A_1181, %broadcast_in_dim3A_1184, %select_n3A_1035 : vector<16xi1>, vector<16xi32>
      %sub3A_1186 = arith.subf %get3A_1055, %gather3A_306 : vector<16xf32>
      %sub3A_1187 = arith.subf %get3A_1057, %gather3A_338 : vector<16xf32>
      %sub3A_1188 = arith.subf %get3A_1059, %gather3A_370 : vector<16xf32>
      %mul3A_1189 = arith.mulf %sub3A_1186, %sub3A_1186 : vector<16xf32>
      %mul3A_1190 = arith.mulf %sub3A_1187, %sub3A_1187 : vector<16xf32>
      %add3A_1191 = arith.addf %mul3A_1189, %mul3A_1190 : vector<16xf32>
      %mul3A_1192 = arith.mulf %sub3A_1188, %sub3A_1188 : vector<16xf32>
      %add3A_1193 = arith.addf %add3A_1191, %mul3A_1192 : vector<16xf32>
      %get3A_1194 = arith.constant 7 : i32
      %get3A_1195 = arith.index_cast %get3A_1194 : i32 to index
      %get3A_1196 = arith.constant 48 : index
      %get3A_1197 = tpu.vector_load %arg15[%get3A_1195, %get3A_1196] {strides = array<i32>} : memref<8x128xf32, #tpu.memory_space<vmem>>, vector<16xf32>,
      %sub3A_1198 = arith.subf %get3A_1197, %add3A_1193 : vector<16xf32>
      %gt3A_1199 = arith.cmpf ogt, %sub3A_1198, %max3A_1050 : vector<16xf32>
      %max3A_1200 = arith.maximumf %sub3A_1198, %max3A_1050 : vector<16xf32>
      %jit3A_1201 = arith.constant 3 : i32
      %broadcast_in_dim3A_1202 = vector.broadcast %jit3A_1201 : i32 to vector<16xi32>
      %select_n3A_1203 = arith.select %gt3A_1199, %broadcast_in_dim3A_1202, %select_n3A_1053 : vector<16xi1>, vector<16xi32>
      %get3A_1204 = arith.constant 64 : index
      %get3A_1205 = tpu.vector_load %arg10[%get3A_1204] {strides = array<i32>} : memref<384xf32, #tpu.memory_space<vmem>>, vector<16xf32>,
      %get3A_1206 = arith.constant 192 : index
      %get3A_1207 = tpu.vector_load %arg10[%get3A_1206] {strides = array<i32>} : memref<384xf32, #tpu.memory_space<vmem>>, vector<16xf32>,
      %get3A_1208 = arith.constant 320 : index
      %get3A_1209 = tpu.vector_load %arg10[%get3A_1208] {strides = array<i32>} : memref<384xf32, #tpu.memory_space<vmem>>, vector<16xf32>,
      %sub3A_1210 = arith.subf %get3A_1205, %gather3A_299 : vector<16xf32>
      %sub3A_1211 = arith.subf %get3A_1207, %gather3A_310 : vector<16xf32>
      %sub3A_1212 = arith.subf %get3A_1209, %gather3A_342 : vector<16xf32>
      %mul3A_1213 = arith.mulf %sub3A_1210, %sub3A_1210 : vector<16xf32>
      %mul3A_1214 = arith.mulf %sub3A_1211, %sub3A_1211 : vector<16xf32>
      %add3A_1215 = arith.addf %mul3A_1213, %mul3A_1214 : vector<16xf32>
      %mul3A_1216 = arith.mulf %sub3A_1212, %sub3A_1212 : vector<16xf32>
      %add3A_1217 = arith.addf %add3A_1215, %mul3A_1216 : vector<16xf32>
      %get3A_1218 = arith.constant 0 : i32
      %get3A_1219 = arith.index_cast %get3A_1218 : i32 to index
      %get3A_1220 = arith.constant 64 : index
      %get3A_1221 = tpu.vector_load %arg15[%get3A_1219, %get3A_1220] {strides = array<i32>} : memref<8x128xf32, #tpu.memory_space<vmem>>, vector<16xf32>,
      %sub3A_1222 = arith.subf %get3A_1221, %add3A_1217 : vector<16xf32>
      %gt3A_1223 = arith.cmpf ogt, %sub3A_1222, %max3A_1074 : vector<16xf32>
      %max3A_1224 = arith.maximumf %sub3A_1222, %max3A_1074 : vector<16xf32>
      %jit3A_1225 = arith.constant 4 : i32
      %broadcast_in_dim3A_1226 = vector.broadcast %jit3A_1225 : i32 to vector<16xi32>
      %select_n3A_1227 = arith.select %gt3A_1223, %broadcast_in_dim3A_1226, %select_n3A_1077 : vector<16xi1>, vector<16xi32>
      %sub3A_1228 = arith.subf %get3A_1205, %gather3A_300 : vector<16xf32>
      %sub3A_1229 = arith.subf %get3A_1207, %gather3A_314 : vector<16xf32>
      %sub3A_1230 = arith.subf %get3A_1209, %gather3A_346 : vector<16xf32>
      %mul3A_1231 = arith.mulf %sub3A_1228, %sub3A_1228 : vector<16xf32>
      %mul3A_1232 = arith.mulf %sub3A_1229, %sub3A_1229 : vector<16xf32>
      %add3A_1233 = arith.addf %mul3A_1231, %mul3A_1232 : vector<16xf32>
      %mul3A_1234 = arith.mulf %sub3A_1230, %sub3A_1230 : vector<16xf32>
      %add3A_1235 = arith.addf %add3A_1233, %mul3A_1234 : vector<16xf32>
      %get3A_1236 = arith.constant 1 : i32
      %get3A_1237 = arith.index_cast %get3A_1236 : i32 to index
      %get3A_1238 = arith.constant 64 : index
      %get3A_1239 = tpu.vector_load %arg15[%get3A_1237, %get3A_1238] {strides = array<i32>} : memref<8x128xf32, #tpu.memory_space<vmem>>, vector<16xf32>,
      %sub3A_1240 = arith.subf %get3A_1239, %add3A_1235 : vector<16xf32>
      %gt3A_1241 = arith.cmpf ogt, %sub3A_1240, %max3A_1092 : vector<16xf32>
      %max3A_1242 = arith.maximumf %sub3A_1240, %max3A_1092 : vector<16xf32>
      %jit3A_1243 = arith.constant 4 : i32
      %broadcast_in_dim3A_1244 = vector.broadcast %jit3A_1243 : i32 to vector<16xi32>
      %select_n3A_1245 = arith.select %gt3A_1241, %broadcast_in_dim3A_1244, %select_n3A_1095 : vector<16xi1>, vector<16xi32>
      %sub3A_1246 = arith.subf %get3A_1205, %gather3A_301 : vector<16xf32>
      %sub3A_1247 = arith.subf %get3A_1207, %gather3A_318 : vector<16xf32>
      %sub3A_1248 = arith.subf %get3A_1209, %gather3A_350 : vector<16xf32>
      %mul3A_1249 = arith.mulf %sub3A_1246, %sub3A_1246 : vector<16xf32>
      %mul3A_1250 = arith.mulf %sub3A_1247, %sub3A_1247 : vector<16xf32>
      %add3A_1251 = arith.addf %mul3A_1249, %mul3A_1250 : vector<16xf32>
      %mul3A_1252 = arith.mulf %sub3A_1248, %sub3A_1248 : vector<16xf32>
      %add3A_1253 = arith.addf %add3A_1251, %mul3A_1252 : vector<16xf32>
      %get3A_1254 = arith.constant 2 : i32
      %get3A_1255 = arith.index_cast %get3A_1254 : i32 to index
      %get3A_1256 = arith.constant 64 : index
      %get3A_1257 = tpu.vector_load %arg15[%get3A_1255, %get3A_1256] {strides = array<i32>} : memref<8x128xf32, #tpu.memory_space<vmem>>, vector<16xf32>,
      %sub3A_1258 = arith.subf %get3A_1257, %add3A_1253 : vector<16xf32>
      %gt3A_1259 = arith.cmpf ogt, %sub3A_1258, %max3A_1110 : vector<16xf32>
      %max3A_1260 = arith.maximumf %sub3A_1258, %max3A_1110 : vector<16xf32>
      %jit3A_1261 = arith.constant 4 : i32
      %broadcast_in_dim3A_1262 = vector.broadcast %jit3A_1261 : i32 to vector<16xi32>
      %select_n3A_1263 = arith.select %gt3A_1259, %broadcast_in_dim3A_1262, %select_n3A_1113 : vector<16xi1>, vector<16xi32>
      %sub3A_1264 = arith.subf %get3A_1205, %gather3A_302 : vector<16xf32>
      %sub3A_1265 = arith.subf %get3A_1207, %gather3A_322 : vector<16xf32>
      %sub3A_1266 = arith.subf %get3A_1209, %gather3A_354 : vector<16xf32>
      %mul3A_1267 = arith.mulf %sub3A_1264, %sub3A_1264 : vector<16xf32>
      %mul3A_1268 = arith.mulf %sub3A_1265, %sub3A_1265 : vector<16xf32>
      %add3A_1269 = arith.addf %mul3A_1267, %mul3A_1268 : vector<16xf32>
      %mul3A_1270 = arith.mulf %sub3A_1266, %sub3A_1266 : vector<16xf32>
      %add3A_1271 = arith.addf %add3A_1269, %mul3A_1270 : vector<16xf32>
      %get3A_1272 = arith.constant 3 : i32
      %get3A_1273 = arith.index_cast %get3A_1272 : i32 to index
      %get3A_1274 = arith.constant 64 : index
      %get3A_1275 = tpu.vector_load %arg15[%get3A_1273, %get3A_1274] {strides = array<i32>} : memref<8x128xf32, #tpu.memory_space<vmem>>, vector<16xf32>,
      %sub3A_1276 = arith.subf %get3A_1275, %add3A_1271 : vector<16xf32>
      %gt3A_1277 = arith.cmpf ogt, %sub3A_1276, %max3A_1128 : vector<16xf32>
      %max3A_1278 = arith.maximumf %sub3A_1276, %max3A_1128 : vector<16xf32>
      %jit3A_1279 = arith.constant 4 : i32
      %broadcast_in_dim3A_1280 = vector.broadcast %jit3A_1279 : i32 to vector<16xi32>
      %select_n3A_1281 = arith.select %gt3A_1277, %broadcast_in_dim3A_1280, %select_n3A_1131 : vector<16xi1>, vector<16xi32>
      %sub3A_1282 = arith.subf %get3A_1205, %gather3A_303 : vector<16xf32>
      %sub3A_1283 = arith.subf %get3A_1207, %gather3A_326 : vector<16xf32>
      %sub3A_1284 = arith.subf %get3A_1209, %gather3A_358 : vector<16xf32>
      %mul3A_1285 = arith.mulf %sub3A_1282, %sub3A_1282 : vector<16xf32>
      %mul3A_1286 = arith.mulf %sub3A_1283, %sub3A_1283 : vector<16xf32>
      %add3A_1287 = arith.addf %mul3A_1285, %mul3A_1286 : vector<16xf32>
      %mul3A_1288 = arith.mulf %sub3A_1284, %sub3A_1284 : vector<16xf32>
      %add3A_1289 = arith.addf %add3A_1287, %mul3A_1288 : vector<16xf32>
      %get3A_1290 = arith.constant 4 : i32
      %get3A_1291 = arith.index_cast %get3A_1290 : i32 to index
      %get3A_1292 = arith.constant 64 : index
      %get3A_1293 = tpu.vector_load %arg15[%get3A_1291, %get3A_1292] {strides = array<i32>} : memref<8x128xf32, #tpu.memory_space<vmem>>, vector<16xf32>,
      %sub3A_1294 = arith.subf %get3A_1293, %add3A_1289 : vector<16xf32>
      %gt3A_1295 = arith.cmpf ogt, %sub3A_1294, %max3A_1146 : vector<16xf32>
      %max3A_1296 = arith.maximumf %sub3A_1294, %max3A_1146 : vector<16xf32>
      %jit3A_1297 = arith.constant 4 : i32
      %broadcast_in_dim3A_1298 = vector.broadcast %jit3A_1297 : i32 to vector<16xi32>
      %select_n3A_1299 = arith.select %gt3A_1295, %broadcast_in_dim3A_1298, %select_n3A_1149 : vector<16xi1>, vector<16xi32>
      %sub3A_1300 = arith.subf %get3A_1205, %gather3A_304 : vector<16xf32>
      %sub3A_1301 = arith.subf %get3A_1207, %gather3A_330 : vector<16xf32>
      %sub3A_1302 = arith.subf %get3A_1209, %gather3A_362 : vector<16xf32>
      %mul3A_1303 = arith.mulf %sub3A_1300, %sub3A_1300 : vector<16xf32>
      %mul3A_1304 = arith.mulf %sub3A_1301, %sub3A_1301 : vector<16xf32>
      %add3A_1305 = arith.addf %mul3A_1303, %mul3A_1304 : vector<16xf32>
      %mul3A_1306 = arith.mulf %sub3A_1302, %sub3A_1302 : vector<16xf32>
      %add3A_1307 = arith.addf %add3A_1305, %mul3A_1306 : vector<16xf32>
      %get3A_1308 = arith.constant 5 : i32
      %get3A_1309 = arith.index_cast %get3A_1308 : i32 to index
      %get3A_1310 = arith.constant 64 : index
      %get3A_1311 = tpu.vector_load %arg15[%get3A_1309, %get3A_1310] {strides = array<i32>} : memref<8x128xf32, #tpu.memory_space<vmem>>, vector<16xf32>,
      %sub3A_1312 = arith.subf %get3A_1311, %add3A_1307 : vector<16xf32>
      %gt3A_1313 = arith.cmpf ogt, %sub3A_1312, %max3A_1164 : vector<16xf32>
      %max3A_1314 = arith.maximumf %sub3A_1312, %max3A_1164 : vector<16xf32>
      %jit3A_1315 = arith.constant 4 : i32
      %broadcast_in_dim3A_1316 = vector.broadcast %jit3A_1315 : i32 to vector<16xi32>
      %select_n3A_1317 = arith.select %gt3A_1313, %broadcast_in_dim3A_1316, %select_n3A_1167 : vector<16xi1>, vector<16xi32>
      %sub3A_1318 = arith.subf %get3A_1205, %gather3A_305 : vector<16xf32>
      %sub3A_1319 = arith.subf %get3A_1207, %gather3A_334 : vector<16xf32>
      %sub3A_1320 = arith.subf %get3A_1209, %gather3A_366 : vector<16xf32>
      %mul3A_1321 = arith.mulf %sub3A_1318, %sub3A_1318 : vector<16xf32>
      %mul3A_1322 = arith.mulf %sub3A_1319, %sub3A_1319 : vector<16xf32>
      %add3A_1323 = arith.addf %mul3A_1321, %mul3A_1322 : vector<16xf32>
      %mul3A_1324 = arith.mulf %sub3A_1320, %sub3A_1320 : vector<16xf32>
      %add3A_1325 = arith.addf %add3A_1323, %mul3A_1324 : vector<16xf32>
      %get3A_1326 = arith.constant 6 : i32
      %get3A_1327 = arith.index_cast %get3A_1326 : i32 to index
      %get3A_1328 = arith.constant 64 : index
      %get3A_1329 = tpu.vector_load %arg15[%get3A_1327, %get3A_1328] {strides = array<i32>} : memref<8x128xf32, #tpu.memory_space<vmem>>, vector<16xf32>,
      %sub3A_1330 = arith.subf %get3A_1329, %add3A_1325 : vector<16xf32>
      %gt3A_1331 = arith.cmpf ogt, %sub3A_1330, %max3A_1182 : vector<16xf32>
      %max3A_1332 = arith.maximumf %sub3A_1330, %max3A_1182 : vector<16xf32>
      %jit3A_1333 = arith.constant 4 : i32
      %broadcast_in_dim3A_1334 = vector.broadcast %jit3A_1333 : i32 to vector<16xi32>
      %select_n3A_1335 = arith.select %gt3A_1331, %broadcast_in_dim3A_1334, %select_n3A_1185 : vector<16xi1>, vector<16xi32>
      %sub3A_1336 = arith.subf %get3A_1205, %gather3A_306 : vector<16xf32>
      %sub3A_1337 = arith.subf %get3A_1207, %gather3A_338 : vector<16xf32>
      %sub3A_1338 = arith.subf %get3A_1209, %gather3A_370 : vector<16xf32>
      %mul3A_1339 = arith.mulf %sub3A_1336, %sub3A_1336 : vector<16xf32>
      %mul3A_1340 = arith.mulf %sub3A_1337, %sub3A_1337 : vector<16xf32>
      %add3A_1341 = arith.addf %mul3A_1339, %mul3A_1340 : vector<16xf32>
      %mul3A_1342 = arith.mulf %sub3A_1338, %sub3A_1338 : vector<16xf32>
      %add3A_1343 = arith.addf %add3A_1341, %mul3A_1342 : vector<16xf32>
      %get3A_1344 = arith.constant 7 : i32
      %get3A_1345 = arith.index_cast %get3A_1344 : i32 to index
      %get3A_1346 = arith.constant 64 : index
      %get3A_1347 = tpu.vector_load %arg15[%get3A_1345, %get3A_1346] {strides = array<i32>} : memref<8x128xf32, #tpu.memory_space<vmem>>, vector<16xf32>,
      %sub3A_1348 = arith.subf %get3A_1347, %add3A_1343 : vector<16xf32>
      %gt3A_1349 = arith.cmpf ogt, %sub3A_1348, %max3A_1200 : vector<16xf32>
      %max3A_1350 = arith.maximumf %sub3A_1348, %max3A_1200 : vector<16xf32>
      %jit3A_1351 = arith.constant 4 : i32
      %broadcast_in_dim3A_1352 = vector.broadcast %jit3A_1351 : i32 to vector<16xi32>
      %select_n3A_1353 = arith.select %gt3A_1349, %broadcast_in_dim3A_1352, %select_n3A_1203 : vector<16xi1>, vector<16xi32>
      %get3A_1354 = arith.constant 80 : index
      %get3A_1355 = tpu.vector_load %arg10[%get3A_1354] {strides = array<i32>} : memref<384xf32, #tpu.memory_space<vmem>>, vector<16xf32>,
      %get3A_1356 = arith.constant 208 : index
      %get3A_1357 = tpu.vector_load %arg10[%get3A_1356] {strides = array<i32>} : memref<384xf32, #tpu.memory_space<vmem>>, vector<16xf32>,
      %get3A_1358 = arith.constant 336 : index
      %get3A_1359 = tpu.vector_load %arg10[%get3A_1358] {strides = array<i32>} : memref<384xf32, #tpu.memory_space<vmem>>, vector<16xf32>,
      %sub3A_1360 = arith.subf %get3A_1355, %gather3A_299 : vector<16xf32>
      %sub3A_1361 = arith.subf %get3A_1357, %gather3A_310 : vector<16xf32>
      %sub3A_1362 = arith.subf %get3A_1359, %gather3A_342 : vector<16xf32>
      %mul3A_1363 = arith.mulf %sub3A_1360, %sub3A_1360 : vector<16xf32>
      %mul3A_1364 = arith.mulf %sub3A_1361, %sub3A_1361 : vector<16xf32>
      %add3A_1365 = arith.addf %mul3A_1363, %mul3A_1364 : vector<16xf32>
      %mul3A_1366 = arith.mulf %sub3A_1362, %sub3A_1362 : vector<16xf32>
      %add3A_1367 = arith.addf %add3A_1365, %mul3A_1366 : vector<16xf32>
      %get3A_1368 = arith.constant 0 : i32
      %get3A_1369 = arith.index_cast %get3A_1368 : i32 to index
      %get3A_1370 = arith.constant 80 : index
      %get3A_1371 = tpu.vector_load %arg15[%get3A_1369, %get3A_1370] {strides = array<i32>} : memref<8x128xf32, #tpu.memory_space<vmem>>, vector<16xf32>,
      %sub3A_1372 = arith.subf %get3A_1371, %add3A_1367 : vector<16xf32>
      %gt3A_1373 = arith.cmpf ogt, %sub3A_1372, %max3A_1224 : vector<16xf32>
      %max3A_1374 = arith.maximumf %sub3A_1372, %max3A_1224 : vector<16xf32>
      %jit3A_1375 = arith.constant 5 : i32
      %broadcast_in_dim3A_1376 = vector.broadcast %jit3A_1375 : i32 to vector<16xi32>
      %select_n3A_1377 = arith.select %gt3A_1373, %broadcast_in_dim3A_1376, %select_n3A_1227 : vector<16xi1>, vector<16xi32>
      %sub3A_1378 = arith.subf %get3A_1355, %gather3A_300 : vector<16xf32>
      %sub3A_1379 = arith.subf %get3A_1357, %gather3A_314 : vector<16xf32>
      %sub3A_1380 = arith.subf %get3A_1359, %gather3A_346 : vector<16xf32>
      %mul3A_1381 = arith.mulf %sub3A_1378, %sub3A_1378 : vector<16xf32>
      %mul3A_1382 = arith.mulf %sub3A_1379, %sub3A_1379 : vector<16xf32>
      %add3A_1383 = arith.addf %mul3A_1381, %mul3A_1382 : vector<16xf32>
      %mul3A_1384 = arith.mulf %sub3A_1380, %sub3A_1380 : vector<16xf32>
      %add3A_1385 = arith.addf %add3A_1383, %mul3A_1384 : vector<16xf32>
      %get3A_1386 = arith.constant 1 : i32
      %get3A_1387 = arith.index_cast %get3A_1386 : i32 to index
      %get3A_1388 = arith.constant 80 : index
      %get3A_1389 = tpu.vector_load %arg15[%get3A_1387, %get3A_1388] {strides = array<i32>} : memref<8x128xf32, #tpu.memory_space<vmem>>, vector<16xf32>,
      %sub3A_1390 = arith.subf %get3A_1389, %add3A_1385 : vector<16xf32>
      %gt3A_1391 = arith.cmpf ogt, %sub3A_1390, %max3A_1242 : vector<16xf32>
      %max3A_1392 = arith.maximumf %sub3A_1390, %max3A_1242 : vector<16xf32>
      %jit3A_1393 = arith.constant 5 : i32
      %broadcast_in_dim3A_1394 = vector.broadcast %jit3A_1393 : i32 to vector<16xi32>
      %select_n3A_1395 = arith.select %gt3A_1391, %broadcast_in_dim3A_1394, %select_n3A_1245 : vector<16xi1>, vector<16xi32>
      %sub3A_1396 = arith.subf %get3A_1355, %gather3A_301 : vector<16xf32>
      %sub3A_1397 = arith.subf %get3A_1357, %gather3A_318 : vector<16xf32>
      %sub3A_1398 = arith.subf %get3A_1359, %gather3A_350 : vector<16xf32>
      %mul3A_1399 = arith.mulf %sub3A_1396, %sub3A_1396 : vector<16xf32>
      %mul3A_1400 = arith.mulf %sub3A_1397, %sub3A_1397 : vector<16xf32>
      %add3A_1401 = arith.addf %mul3A_1399, %mul3A_1400 : vector<16xf32>
      %mul3A_1402 = arith.mulf %sub3A_1398, %sub3A_1398 : vector<16xf32>
      %add3A_1403 = arith.addf %add3A_1401, %mul3A_1402 : vector<16xf32>
      %get3A_1404 = arith.constant 2 : i32
      %get3A_1405 = arith.index_cast %get3A_1404 : i32 to index
      %get3A_1406 = arith.constant 80 : index
      %get3A_1407 = tpu.vector_load %arg15[%get3A_1405, %get3A_1406] {strides = array<i32>} : memref<8x128xf32, #tpu.memory_space<vmem>>, vector<16xf32>,
      %sub3A_1408 = arith.subf %get3A_1407, %add3A_1403 : vector<16xf32>
      %gt3A_1409 = arith.cmpf ogt, %sub3A_1408, %max3A_1260 : vector<16xf32>
      %max3A_1410 = arith.maximumf %sub3A_1408, %max3A_1260 : vector<16xf32>
      %jit3A_1411 = arith.constant 5 : i32
      %broadcast_in_dim3A_1412 = vector.broadcast %jit3A_1411 : i32 to vector<16xi32>
      %select_n3A_1413 = arith.select %gt3A_1409, %broadcast_in_dim3A_1412, %select_n3A_1263 : vector<16xi1>, vector<16xi32>
      %sub3A_1414 = arith.subf %get3A_1355, %gather3A_302 : vector<16xf32>
      %sub3A_1415 = arith.subf %get3A_1357, %gather3A_322 : vector<16xf32>
      %sub3A_1416 = arith.subf %get3A_1359, %gather3A_354 : vector<16xf32>
      %mul3A_1417 = arith.mulf %sub3A_1414, %sub3A_1414 : vector<16xf32>
      %mul3A_1418 = arith.mulf %sub3A_1415, %sub3A_1415 : vector<16xf32>
      %add3A_1419 = arith.addf %mul3A_1417, %mul3A_1418 : vector<16xf32>
      %mul3A_1420 = arith.mulf %sub3A_1416, %sub3A_1416 : vector<16xf32>
      %add3A_1421 = arith.addf %add3A_1419, %mul3A_1420 : vector<16xf32>
      %get3A_1422 = arith.constant 3 : i32
      %get3A_1423 = arith.index_cast %get3A_1422 : i32 to index
      %get3A_1424 = arith.constant 80 : index
      %get3A_1425 = tpu.vector_load %arg15[%get3A_1423, %get3A_1424] {strides = array<i32>} : memref<8x128xf32, #tpu.memory_space<vmem>>, vector<16xf32>,
      %sub3A_1426 = arith.subf %get3A_1425, %add3A_1421 : vector<16xf32>
      %gt3A_1427 = arith.cmpf ogt, %sub3A_1426, %max3A_1278 : vector<16xf32>
      %max3A_1428 = arith.maximumf %sub3A_1426, %max3A_1278 : vector<16xf32>
      %jit3A_1429 = arith.constant 5 : i32
      %broadcast_in_dim3A_1430 = vector.broadcast %jit3A_1429 : i32 to vector<16xi32>
      %select_n3A_1431 = arith.select %gt3A_1427, %broadcast_in_dim3A_1430, %select_n3A_1281 : vector<16xi1>, vector<16xi32>
      %sub3A_1432 = arith.subf %get3A_1355, %gather3A_303 : vector<16xf32>
      %sub3A_1433 = arith.subf %get3A_1357, %gather3A_326 : vector<16xf32>
      %sub3A_1434 = arith.subf %get3A_1359, %gather3A_358 : vector<16xf32>
      %mul3A_1435 = arith.mulf %sub3A_1432, %sub3A_1432 : vector<16xf32>
      %mul3A_1436 = arith.mulf %sub3A_1433, %sub3A_1433 : vector<16xf32>
      %add3A_1437 = arith.addf %mul3A_1435, %mul3A_1436 : vector<16xf32>
      %mul3A_1438 = arith.mulf %sub3A_1434, %sub3A_1434 : vector<16xf32>
      %add3A_1439 = arith.addf %add3A_1437, %mul3A_1438 : vector<16xf32>
      %get3A_1440 = arith.constant 4 : i32
      %get3A_1441 = arith.index_cast %get3A_1440 : i32 to index
      %get3A_1442 = arith.constant 80 : index
      %get3A_1443 = tpu.vector_load %arg15[%get3A_1441, %get3A_1442] {strides = array<i32>} : memref<8x128xf32, #tpu.memory_space<vmem>>, vector<16xf32>,
      %sub3A_1444 = arith.subf %get3A_1443, %add3A_1439 : vector<16xf32>
      %gt3A_1445 = arith.cmpf ogt, %sub3A_1444, %max3A_1296 : vector<16xf32>
      %max3A_1446 = arith.maximumf %sub3A_1444, %max3A_1296 : vector<16xf32>
      %jit3A_1447 = arith.constant 5 : i32
      %broadcast_in_dim3A_1448 = vector.broadcast %jit3A_1447 : i32 to vector<16xi32>
      %select_n3A_1449 = arith.select %gt3A_1445, %broadcast_in_dim3A_1448, %select_n3A_1299 : vector<16xi1>, vector<16xi32>
      %sub3A_1450 = arith.subf %get3A_1355, %gather3A_304 : vector<16xf32>
      %sub3A_1451 = arith.subf %get3A_1357, %gather3A_330 : vector<16xf32>
      %sub3A_1452 = arith.subf %get3A_1359, %gather3A_362 : vector<16xf32>
      %mul3A_1453 = arith.mulf %sub3A_1450, %sub3A_1450 : vector<16xf32>
      %mul3A_1454 = arith.mulf %sub3A_1451, %sub3A_1451 : vector<16xf32>
      %add3A_1455 = arith.addf %mul3A_1453, %mul3A_1454 : vector<16xf32>
      %mul3A_1456 = arith.mulf %sub3A_1452, %sub3A_1452 : vector<16xf32>
      %add3A_1457 = arith.addf %add3A_1455, %mul3A_1456 : vector<16xf32>
      %get3A_1458 = arith.constant 5 : i32
      %get3A_1459 = arith.index_cast %get3A_1458 : i32 to index
      %get3A_1460 = arith.constant 80 : index
      %get3A_1461 = tpu.vector_load %arg15[%get3A_1459, %get3A_1460] {strides = array<i32>} : memref<8x128xf32, #tpu.memory_space<vmem>>, vector<16xf32>,
      %sub3A_1462 = arith.subf %get3A_1461, %add3A_1457 : vector<16xf32>
      %gt3A_1463 = arith.cmpf ogt, %sub3A_1462, %max3A_1314 : vector<16xf32>
      %max3A_1464 = arith.maximumf %sub3A_1462, %max3A_1314 : vector<16xf32>
      %jit3A_1465 = arith.constant 5 : i32
      %broadcast_in_dim3A_1466 = vector.broadcast %jit3A_1465 : i32 to vector<16xi32>
      %select_n3A_1467 = arith.select %gt3A_1463, %broadcast_in_dim3A_1466, %select_n3A_1317 : vector<16xi1>, vector<16xi32>
      %sub3A_1468 = arith.subf %get3A_1355, %gather3A_305 : vector<16xf32>
      %sub3A_1469 = arith.subf %get3A_1357, %gather3A_334 : vector<16xf32>
      %sub3A_1470 = arith.subf %get3A_1359, %gather3A_366 : vector<16xf32>
      %mul3A_1471 = arith.mulf %sub3A_1468, %sub3A_1468 : vector<16xf32>
      %mul3A_1472 = arith.mulf %sub3A_1469, %sub3A_1469 : vector<16xf32>
      %add3A_1473 = arith.addf %mul3A_1471, %mul3A_1472 : vector<16xf32>
      %mul3A_1474 = arith.mulf %sub3A_1470, %sub3A_1470 : vector<16xf32>
      %add3A_1475 = arith.addf %add3A_1473, %mul3A_1474 : vector<16xf32>
      %get3A_1476 = arith.constant 6 : i32
      %get3A_1477 = arith.index_cast %get3A_1476 : i32 to index
      %get3A_1478 = arith.constant 80 : index
      %get3A_1479 = tpu.vector_load %arg15[%get3A_1477, %get3A_1478] {strides = array<i32>} : memref<8x128xf32, #tpu.memory_space<vmem>>, vector<16xf32>,
      %sub3A_1480 = arith.subf %get3A_1479, %add3A_1475 : vector<16xf32>
      %gt3A_1481 = arith.cmpf ogt, %sub3A_1480, %max3A_1332 : vector<16xf32>
      %max3A_1482 = arith.maximumf %sub3A_1480, %max3A_1332 : vector<16xf32>
      %jit3A_1483 = arith.constant 5 : i32
      %broadcast_in_dim3A_1484 = vector.broadcast %jit3A_1483 : i32 to vector<16xi32>
      %select_n3A_1485 = arith.select %gt3A_1481, %broadcast_in_dim3A_1484, %select_n3A_1335 : vector<16xi1>, vector<16xi32>
      %sub3A_1486 = arith.subf %get3A_1355, %gather3A_306 : vector<16xf32>
      %sub3A_1487 = arith.subf %get3A_1357, %gather3A_338 : vector<16xf32>
      %sub3A_1488 = arith.subf %get3A_1359, %gather3A_370 : vector<16xf32>
      %mul3A_1489 = arith.mulf %sub3A_1486, %sub3A_1486 : vector<16xf32>
      %mul3A_1490 = arith.mulf %sub3A_1487, %sub3A_1487 : vector<16xf32>
      %add3A_1491 = arith.addf %mul3A_1489, %mul3A_1490 : vector<16xf32>
      %mul3A_1492 = arith.mulf %sub3A_1488, %sub3A_1488 : vector<16xf32>
      %add3A_1493 = arith.addf %add3A_1491, %mul3A_1492 : vector<16xf32>
      %get3A_1494 = arith.constant 7 : i32
      %get3A_1495 = arith.index_cast %get3A_1494 : i32 to index
      %get3A_1496 = arith.constant 80 : index
      %get3A_1497 = tpu.vector_load %arg15[%get3A_1495, %get3A_1496] {strides = array<i32>} : memref<8x128xf32, #tpu.memory_space<vmem>>, vector<16xf32>,
      %sub3A_1498 = arith.subf %get3A_1497, %add3A_1493 : vector<16xf32>
      %gt3A_1499 = arith.cmpf ogt, %sub3A_1498, %max3A_1350 : vector<16xf32>
      %max3A_1500 = arith.maximumf %sub3A_1498, %max3A_1350 : vector<16xf32>
      %jit3A_1501 = arith.constant 5 : i32
      %broadcast_in_dim3A_1502 = vector.broadcast %jit3A_1501 : i32 to vector<16xi32>
      %select_n3A_1503 = arith.select %gt3A_1499, %broadcast_in_dim3A_1502, %select_n3A_1353 : vector<16xi1>, vector<16xi32>
      %get3A_1504 = arith.constant 96 : index
      %get3A_1505 = tpu.vector_load %arg10[%get3A_1504] {strides = array<i32>} : memref<384xf32, #tpu.memory_space<vmem>>, vector<16xf32>,
      %get3A_1506 = arith.constant 224 : index
      %get3A_1507 = tpu.vector_load %arg10[%get3A_1506] {strides = array<i32>} : memref<384xf32, #tpu.memory_space<vmem>>, vector<16xf32>,
      %get3A_1508 = arith.constant 352 : index
      %get3A_1509 = tpu.vector_load %arg10[%get3A_1508] {strides = array<i32>} : memref<384xf32, #tpu.memory_space<vmem>>, vector<16xf32>,
      %sub3A_1510 = arith.subf %get3A_1505, %gather3A_299 : vector<16xf32>
      %sub3A_1511 = arith.subf %get3A_1507, %gather3A_310 : vector<16xf32>
      %sub3A_1512 = arith.subf %get3A_1509, %gather3A_342 : vector<16xf32>
      %mul3A_1513 = arith.mulf %sub3A_1510, %sub3A_1510 : vector<16xf32>
      %mul3A_1514 = arith.mulf %sub3A_1511, %sub3A_1511 : vector<16xf32>
      %add3A_1515 = arith.addf %mul3A_1513, %mul3A_1514 : vector<16xf32>
      %mul3A_1516 = arith.mulf %sub3A_1512, %sub3A_1512 : vector<16xf32>
      %add3A_1517 = arith.addf %add3A_1515, %mul3A_1516 : vector<16xf32>
      %get3A_1518 = arith.constant 0 : i32
      %get3A_1519 = arith.index_cast %get3A_1518 : i32 to index
      %get3A_1520 = arith.constant 96 : index
      %get3A_1521 = tpu.vector_load %arg15[%get3A_1519, %get3A_1520] {strides = array<i32>} : memref<8x128xf32, #tpu.memory_space<vmem>>, vector<16xf32>,
      %sub3A_1522 = arith.subf %get3A_1521, %add3A_1517 : vector<16xf32>
      %gt3A_1523 = arith.cmpf ogt, %sub3A_1522, %max3A_1374 : vector<16xf32>
      %max3A_1524 = arith.maximumf %sub3A_1522, %max3A_1374 : vector<16xf32>
      %jit3A_1525 = arith.constant 6 : i32
      %broadcast_in_dim3A_1526 = vector.broadcast %jit3A_1525 : i32 to vector<16xi32>
      %select_n3A_1527 = arith.select %gt3A_1523, %broadcast_in_dim3A_1526, %select_n3A_1377 : vector<16xi1>, vector<16xi32>
      %sub3A_1528 = arith.subf %get3A_1505, %gather3A_300 : vector<16xf32>
      %sub3A_1529 = arith.subf %get3A_1507, %gather3A_314 : vector<16xf32>
      %sub3A_1530 = arith.subf %get3A_1509, %gather3A_346 : vector<16xf32>
      %mul3A_1531 = arith.mulf %sub3A_1528, %sub3A_1528 : vector<16xf32>
      %mul3A_1532 = arith.mulf %sub3A_1529, %sub3A_1529 : vector<16xf32>
      %add3A_1533 = arith.addf %mul3A_1531, %mul3A_1532 : vector<16xf32>
      %mul3A_1534 = arith.mulf %sub3A_1530, %sub3A_1530 : vector<16xf32>
      %add3A_1535 = arith.addf %add3A_1533, %mul3A_1534 : vector<16xf32>
      %get3A_1536 = arith.constant 1 : i32
      %get3A_1537 = arith.index_cast %get3A_1536 : i32 to index
      %get3A_1538 = arith.constant 96 : index
      %get3A_1539 = tpu.vector_load %arg15[%get3A_1537, %get3A_1538] {strides = array<i32>} : memref<8x128xf32, #tpu.memory_space<vmem>>, vector<16xf32>,
      %sub3A_1540 = arith.subf %get3A_1539, %add3A_1535 : vector<16xf32>
      %gt3A_1541 = arith.cmpf ogt, %sub3A_1540, %max3A_1392 : vector<16xf32>
      %max3A_1542 = arith.maximumf %sub3A_1540, %max3A_1392 : vector<16xf32>
      %jit3A_1543 = arith.constant 6 : i32
      %broadcast_in_dim3A_1544 = vector.broadcast %jit3A_1543 : i32 to vector<16xi32>
      %select_n3A_1545 = arith.select %gt3A_1541, %broadcast_in_dim3A_1544, %select_n3A_1395 : vector<16xi1>, vector<16xi32>
      %sub3A_1546 = arith.subf %get3A_1505, %gather3A_301 : vector<16xf32>
      %sub3A_1547 = arith.subf %get3A_1507, %gather3A_318 : vector<16xf32>
      %sub3A_1548 = arith.subf %get3A_1509, %gather3A_350 : vector<16xf32>
      %mul3A_1549 = arith.mulf %sub3A_1546, %sub3A_1546 : vector<16xf32>
      %mul3A_1550 = arith.mulf %sub3A_1547, %sub3A_1547 : vector<16xf32>
      %add3A_1551 = arith.addf %mul3A_1549, %mul3A_1550 : vector<16xf32>
      %mul3A_1552 = arith.mulf %sub3A_1548, %sub3A_1548 : vector<16xf32>
      %add3A_1553 = arith.addf %add3A_1551, %mul3A_1552 : vector<16xf32>
      %get3A_1554 = arith.constant 2 : i32
      %get3A_1555 = arith.index_cast %get3A_1554 : i32 to index
      %get3A_1556 = arith.constant 96 : index
      %get3A_1557 = tpu.vector_load %arg15[%get3A_1555, %get3A_1556] {strides = array<i32>} : memref<8x128xf32, #tpu.memory_space<vmem>>, vector<16xf32>,
      %sub3A_1558 = arith.subf %get3A_1557, %add3A_1553 : vector<16xf32>
      %gt3A_1559 = arith.cmpf ogt, %sub3A_1558, %max3A_1410 : vector<16xf32>
      %max3A_1560 = arith.maximumf %sub3A_1558, %max3A_1410 : vector<16xf32>
      %jit3A_1561 = arith.constant 6 : i32
      %broadcast_in_dim3A_1562 = vector.broadcast %jit3A_1561 : i32 to vector<16xi32>
      %select_n3A_1563 = arith.select %gt3A_1559, %broadcast_in_dim3A_1562, %select_n3A_1413 : vector<16xi1>, vector<16xi32>
      %sub3A_1564 = arith.subf %get3A_1505, %gather3A_302 : vector<16xf32>
      %sub3A_1565 = arith.subf %get3A_1507, %gather3A_322 : vector<16xf32>
      %sub3A_1566 = arith.subf %get3A_1509, %gather3A_354 : vector<16xf32>
      %mul3A_1567 = arith.mulf %sub3A_1564, %sub3A_1564 : vector<16xf32>
      %mul3A_1568 = arith.mulf %sub3A_1565, %sub3A_1565 : vector<16xf32>
      %add3A_1569 = arith.addf %mul3A_1567, %mul3A_1568 : vector<16xf32>
      %mul3A_1570 = arith.mulf %sub3A_1566, %sub3A_1566 : vector<16xf32>
      %add3A_1571 = arith.addf %add3A_1569, %mul3A_1570 : vector<16xf32>
      %get3A_1572 = arith.constant 3 : i32
      %get3A_1573 = arith.index_cast %get3A_1572 : i32 to index
      %get3A_1574 = arith.constant 96 : index
      %get3A_1575 = tpu.vector_load %arg15[%get3A_1573, %get3A_1574] {strides = array<i32>} : memref<8x128xf32, #tpu.memory_space<vmem>>, vector<16xf32>,
      %sub3A_1576 = arith.subf %get3A_1575, %add3A_1571 : vector<16xf32>
      %gt3A_1577 = arith.cmpf ogt, %sub3A_1576, %max3A_1428 : vector<16xf32>
      %max3A_1578 = arith.maximumf %sub3A_1576, %max3A_1428 : vector<16xf32>
      %jit3A_1579 = arith.constant 6 : i32
      %broadcast_in_dim3A_1580 = vector.broadcast %jit3A_1579 : i32 to vector<16xi32>
      %select_n3A_1581 = arith.select %gt3A_1577, %broadcast_in_dim3A_1580, %select_n3A_1431 : vector<16xi1>, vector<16xi32>
      %sub3A_1582 = arith.subf %get3A_1505, %gather3A_303 : vector<16xf32>
      %sub3A_1583 = arith.subf %get3A_1507, %gather3A_326 : vector<16xf32>
      %sub3A_1584 = arith.subf %get3A_1509, %gather3A_358 : vector<16xf32>
      %mul3A_1585 = arith.mulf %sub3A_1582, %sub3A_1582 : vector<16xf32>
      %mul3A_1586 = arith.mulf %sub3A_1583, %sub3A_1583 : vector<16xf32>
      %add3A_1587 = arith.addf %mul3A_1585, %mul3A_1586 : vector<16xf32>
      %mul3A_1588 = arith.mulf %sub3A_1584, %sub3A_1584 : vector<16xf32>
      %add3A_1589 = arith.addf %add3A_1587, %mul3A_1588 : vector<16xf32>
      %get3A_1590 = arith.constant 4 : i32
      %get3A_1591 = arith.index_cast %get3A_1590 : i32 to index
      %get3A_1592 = arith.constant 96 : index
      %get3A_1593 = tpu.vector_load %arg15[%get3A_1591, %get3A_1592] {strides = array<i32>} : memref<8x128xf32, #tpu.memory_space<vmem>>, vector<16xf32>,
      %sub3A_1594 = arith.subf %get3A_1593, %add3A_1589 : vector<16xf32>
      %gt3A_1595 = arith.cmpf ogt, %sub3A_1594, %max3A_1446 : vector<16xf32>
      %max3A_1596 = arith.maximumf %sub3A_1594, %max3A_1446 : vector<16xf32>
      %jit3A_1597 = arith.constant 6 : i32
      %broadcast_in_dim3A_1598 = vector.broadcast %jit3A_1597 : i32 to vector<16xi32>
      %select_n3A_1599 = arith.select %gt3A_1595, %broadcast_in_dim3A_1598, %select_n3A_1449 : vector<16xi1>, vector<16xi32>
      %sub3A_1600 = arith.subf %get3A_1505, %gather3A_304 : vector<16xf32>
      %sub3A_1601 = arith.subf %get3A_1507, %gather3A_330 : vector<16xf32>
      %sub3A_1602 = arith.subf %get3A_1509, %gather3A_362 : vector<16xf32>
      %mul3A_1603 = arith.mulf %sub3A_1600, %sub3A_1600 : vector<16xf32>
      %mul3A_1604 = arith.mulf %sub3A_1601, %sub3A_1601 : vector<16xf32>
      %add3A_1605 = arith.addf %mul3A_1603, %mul3A_1604 : vector<16xf32>
      %mul3A_1606 = arith.mulf %sub3A_1602, %sub3A_1602 : vector<16xf32>
      %add3A_1607 = arith.addf %add3A_1605, %mul3A_1606 : vector<16xf32>
      %get3A_1608 = arith.constant 5 : i32
      %get3A_1609 = arith.index_cast %get3A_1608 : i32 to index
      %get3A_1610 = arith.constant 96 : index
      %get3A_1611 = tpu.vector_load %arg15[%get3A_1609, %get3A_1610] {strides = array<i32>} : memref<8x128xf32, #tpu.memory_space<vmem>>, vector<16xf32>,
      %sub3A_1612 = arith.subf %get3A_1611, %add3A_1607 : vector<16xf32>
      %gt3A_1613 = arith.cmpf ogt, %sub3A_1612, %max3A_1464 : vector<16xf32>
      %max3A_1614 = arith.maximumf %sub3A_1612, %max3A_1464 : vector<16xf32>
      %jit3A_1615 = arith.constant 6 : i32
      %broadcast_in_dim3A_1616 = vector.broadcast %jit3A_1615 : i32 to vector<16xi32>
      %select_n3A_1617 = arith.select %gt3A_1613, %broadcast_in_dim3A_1616, %select_n3A_1467 : vector<16xi1>, vector<16xi32>
      %sub3A_1618 = arith.subf %get3A_1505, %gather3A_305 : vector<16xf32>
      %sub3A_1619 = arith.subf %get3A_1507, %gather3A_334 : vector<16xf32>
      %sub3A_1620 = arith.subf %get3A_1509, %gather3A_366 : vector<16xf32>
      %mul3A_1621 = arith.mulf %sub3A_1618, %sub3A_1618 : vector<16xf32>
      %mul3A_1622 = arith.mulf %sub3A_1619, %sub3A_1619 : vector<16xf32>
      %add3A_1623 = arith.addf %mul3A_1621, %mul3A_1622 : vector<16xf32>
      %mul3A_1624 = arith.mulf %sub3A_1620, %sub3A_1620 : vector<16xf32>
      %add3A_1625 = arith.addf %add3A_1623, %mul3A_1624 : vector<16xf32>
      %get3A_1626 = arith.constant 6 : i32
      %get3A_1627 = arith.index_cast %get3A_1626 : i32 to index
      %get3A_1628 = arith.constant 96 : index
      %get3A_1629 = tpu.vector_load %arg15[%get3A_1627, %get3A_1628] {strides = array<i32>} : memref<8x128xf32, #tpu.memory_space<vmem>>, vector<16xf32>,
      %sub3A_1630 = arith.subf %get3A_1629, %add3A_1625 : vector<16xf32>
      %gt3A_1631 = arith.cmpf ogt, %sub3A_1630, %max3A_1482 : vector<16xf32>
      %max3A_1632 = arith.maximumf %sub3A_1630, %max3A_1482 : vector<16xf32>
      %jit3A_1633 = arith.constant 6 : i32
      %broadcast_in_dim3A_1634 = vector.broadcast %jit3A_1633 : i32 to vector<16xi32>
      %select_n3A_1635 = arith.select %gt3A_1631, %broadcast_in_dim3A_1634, %select_n3A_1485 : vector<16xi1>, vector<16xi32>
      %sub3A_1636 = arith.subf %get3A_1505, %gather3A_306 : vector<16xf32>
      %sub3A_1637 = arith.subf %get3A_1507, %gather3A_338 : vector<16xf32>
      %sub3A_1638 = arith.subf %get3A_1509, %gather3A_370 : vector<16xf32>
      %mul3A_1639 = arith.mulf %sub3A_1636, %sub3A_1636 : vector<16xf32>
      %mul3A_1640 = arith.mulf %sub3A_1637, %sub3A_1637 : vector<16xf32>
      %add3A_1641 = arith.addf %mul3A_1639, %mul3A_1640 : vector<16xf32>
      %mul3A_1642 = arith.mulf %sub3A_1638, %sub3A_1638 : vector<16xf32>
      %add3A_1643 = arith.addf %add3A_1641, %mul3A_1642 : vector<16xf32>
      %get3A_1644 = arith.constant 7 : i32
      %get3A_1645 = arith.index_cast %get3A_1644 : i32 to index
      %get3A_1646 = arith.constant 96 : index
      %get3A_1647 = tpu.vector_load %arg15[%get3A_1645, %get3A_1646] {strides = array<i32>} : memref<8x128xf32, #tpu.memory_space<vmem>>, vector<16xf32>,
      %sub3A_1648 = arith.subf %get3A_1647, %add3A_1643 : vector<16xf32>
      %gt3A_1649 = arith.cmpf ogt, %sub3A_1648, %max3A_1500 : vector<16xf32>
      %max3A_1650 = arith.maximumf %sub3A_1648, %max3A_1500 : vector<16xf32>
      %jit3A_1651 = arith.constant 6 : i32
      %broadcast_in_dim3A_1652 = vector.broadcast %jit3A_1651 : i32 to vector<16xi32>
      %select_n3A_1653 = arith.select %gt3A_1649, %broadcast_in_dim3A_1652, %select_n3A_1503 : vector<16xi1>, vector<16xi32>
      %get3A_1654 = arith.constant 112 : index
      %get3A_1655 = tpu.vector_load %arg10[%get3A_1654] {strides = array<i32>} : memref<384xf32, #tpu.memory_space<vmem>>, vector<16xf32>,
      %get3A_1656 = arith.constant 240 : index
      %get3A_1657 = tpu.vector_load %arg10[%get3A_1656] {strides = array<i32>} : memref<384xf32, #tpu.memory_space<vmem>>, vector<16xf32>,
      %get3A_1658 = arith.constant 368 : index
      %get3A_1659 = tpu.vector_load %arg10[%get3A_1658] {strides = array<i32>} : memref<384xf32, #tpu.memory_space<vmem>>, vector<16xf32>,
      %sub3A_1660 = arith.subf %get3A_1655, %gather3A_299 : vector<16xf32>
      %sub3A_1661 = arith.subf %get3A_1657, %gather3A_310 : vector<16xf32>
      %sub3A_1662 = arith.subf %get3A_1659, %gather3A_342 : vector<16xf32>
      %mul3A_1663 = arith.mulf %sub3A_1660, %sub3A_1660 : vector<16xf32>
      %mul3A_1664 = arith.mulf %sub3A_1661, %sub3A_1661 : vector<16xf32>
      %add3A_1665 = arith.addf %mul3A_1663, %mul3A_1664 : vector<16xf32>
      %mul3A_1666 = arith.mulf %sub3A_1662, %sub3A_1662 : vector<16xf32>
      %add3A_1667 = arith.addf %add3A_1665, %mul3A_1666 : vector<16xf32>
      %get3A_1668 = arith.constant 0 : i32
      %get3A_1669 = arith.index_cast %get3A_1668 : i32 to index
      %get3A_1670 = arith.constant 112 : index
      %get3A_1671 = tpu.vector_load %arg15[%get3A_1669, %get3A_1670] {strides = array<i32>} : memref<8x128xf32, #tpu.memory_space<vmem>>, vector<16xf32>,
      %sub3A_1672 = arith.subf %get3A_1671, %add3A_1667 : vector<16xf32>
      %select_n3A_1673 = arith.select %eq3A_31, %broadcast_in_dim3A_27, %sub3A_1672 : vector<16xi1>, vector<16xf32>
      %gt3A_1674 = arith.cmpf ogt, %select_n3A_1673, %max3A_1524 : vector<16xf32>
      %max3A_1675 = arith.maximumf %select_n3A_1673, %max3A_1524 : vector<16xf32>
      %jit3A_1676 = arith.constant 7 : i32
      %broadcast_in_dim3A_1677 = vector.broadcast %jit3A_1676 : i32 to vector<16xi32>
      %select_n3A_1678 = arith.select %gt3A_1674, %broadcast_in_dim3A_1677, %select_n3A_1527 : vector<16xi1>, vector<16xi32>
      %sub3A_1679 = arith.subf %get3A_1655, %gather3A_300 : vector<16xf32>
      %sub3A_1680 = arith.subf %get3A_1657, %gather3A_314 : vector<16xf32>
      %sub3A_1681 = arith.subf %get3A_1659, %gather3A_346 : vector<16xf32>
      %mul3A_1682 = arith.mulf %sub3A_1679, %sub3A_1679 : vector<16xf32>
      %mul3A_1683 = arith.mulf %sub3A_1680, %sub3A_1680 : vector<16xf32>
      %add3A_1684 = arith.addf %mul3A_1682, %mul3A_1683 : vector<16xf32>
      %mul3A_1685 = arith.mulf %sub3A_1681, %sub3A_1681 : vector<16xf32>
      %add3A_1686 = arith.addf %add3A_1684, %mul3A_1685 : vector<16xf32>
      %get3A_1687 = arith.constant 1 : i32
      %get3A_1688 = arith.index_cast %get3A_1687 : i32 to index
      %get3A_1689 = arith.constant 112 : index
      %get3A_1690 = tpu.vector_load %arg15[%get3A_1688, %get3A_1689] {strides = array<i32>} : memref<8x128xf32, #tpu.memory_space<vmem>>, vector<16xf32>,
      %sub3A_1691 = arith.subf %get3A_1690, %add3A_1686 : vector<16xf32>
      %select_n3A_1692 = arith.select %eq3A_31, %broadcast_in_dim3A_27, %sub3A_1691 : vector<16xi1>, vector<16xf32>
      %gt3A_1693 = arith.cmpf ogt, %select_n3A_1692, %max3A_1542 : vector<16xf32>
      %max3A_1694 = arith.maximumf %select_n3A_1692, %max3A_1542 : vector<16xf32>
      %jit3A_1695 = arith.constant 7 : i32
      %broadcast_in_dim3A_1696 = vector.broadcast %jit3A_1695 : i32 to vector<16xi32>
      %select_n3A_1697 = arith.select %gt3A_1693, %broadcast_in_dim3A_1696, %select_n3A_1545 : vector<16xi1>, vector<16xi32>
      %sub3A_1698 = arith.subf %get3A_1655, %gather3A_301 : vector<16xf32>
      %sub3A_1699 = arith.subf %get3A_1657, %gather3A_318 : vector<16xf32>
      %sub3A_1700 = arith.subf %get3A_1659, %gather3A_350 : vector<16xf32>
      %mul3A_1701 = arith.mulf %sub3A_1698, %sub3A_1698 : vector<16xf32>
      %mul3A_1702 = arith.mulf %sub3A_1699, %sub3A_1699 : vector<16xf32>
      %add3A_1703 = arith.addf %mul3A_1701, %mul3A_1702 : vector<16xf32>
      %mul3A_1704 = arith.mulf %sub3A_1700, %sub3A_1700 : vector<16xf32>
      %add3A_1705 = arith.addf %add3A_1703, %mul3A_1704 : vector<16xf32>
      %get3A_1706 = arith.constant 2 : i32
      %get3A_1707 = arith.index_cast %get3A_1706 : i32 to index
      %get3A_1708 = arith.constant 112 : index
      %get3A_1709 = tpu.vector_load %arg15[%get3A_1707, %get3A_1708] {strides = array<i32>} : memref<8x128xf32, #tpu.memory_space<vmem>>, vector<16xf32>,
      %sub3A_1710 = arith.subf %get3A_1709, %add3A_1705 : vector<16xf32>
      %select_n3A_1711 = arith.select %eq3A_31, %broadcast_in_dim3A_27, %sub3A_1710 : vector<16xi1>, vector<16xf32>
      %gt3A_1712 = arith.cmpf ogt, %select_n3A_1711, %max3A_1560 : vector<16xf32>
      %max3A_1713 = arith.maximumf %select_n3A_1711, %max3A_1560 : vector<16xf32>
      %jit3A_1714 = arith.constant 7 : i32
      %broadcast_in_dim3A_1715 = vector.broadcast %jit3A_1714 : i32 to vector<16xi32>
      %select_n3A_1716 = arith.select %gt3A_1712, %broadcast_in_dim3A_1715, %select_n3A_1563 : vector<16xi1>, vector<16xi32>
      %sub3A_1717 = arith.subf %get3A_1655, %gather3A_302 : vector<16xf32>
      %sub3A_1718 = arith.subf %get3A_1657, %gather3A_322 : vector<16xf32>
      %sub3A_1719 = arith.subf %get3A_1659, %gather3A_354 : vector<16xf32>
      %mul3A_1720 = arith.mulf %sub3A_1717, %sub3A_1717 : vector<16xf32>
      %mul3A_1721 = arith.mulf %sub3A_1718, %sub3A_1718 : vector<16xf32>
      %add3A_1722 = arith.addf %mul3A_1720, %mul3A_1721 : vector<16xf32>
      %mul3A_1723 = arith.mulf %sub3A_1719, %sub3A_1719 : vector<16xf32>
      %add3A_1724 = arith.addf %add3A_1722, %mul3A_1723 : vector<16xf32>
      %get3A_1725 = arith.constant 3 : i32
      %get3A_1726 = arith.index_cast %get3A_1725 : i32 to index
      %get3A_1727 = arith.constant 112 : index
      %get3A_1728 = tpu.vector_load %arg15[%get3A_1726, %get3A_1727] {strides = array<i32>} : memref<8x128xf32, #tpu.memory_space<vmem>>, vector<16xf32>,
      %sub3A_1729 = arith.subf %get3A_1728, %add3A_1724 : vector<16xf32>
      %select_n3A_1730 = arith.select %eq3A_31, %broadcast_in_dim3A_27, %sub3A_1729 : vector<16xi1>, vector<16xf32>
      %gt3A_1731 = arith.cmpf ogt, %select_n3A_1730, %max3A_1578 : vector<16xf32>
      %max3A_1732 = arith.maximumf %select_n3A_1730, %max3A_1578 : vector<16xf32>
      %jit3A_1733 = arith.constant 7 : i32
      %broadcast_in_dim3A_1734 = vector.broadcast %jit3A_1733 : i32 to vector<16xi32>
      %select_n3A_1735 = arith.select %gt3A_1731, %broadcast_in_dim3A_1734, %select_n3A_1581 : vector<16xi1>, vector<16xi32>
      %sub3A_1736 = arith.subf %get3A_1655, %gather3A_303 : vector<16xf32>
      %sub3A_1737 = arith.subf %get3A_1657, %gather3A_326 : vector<16xf32>
      %sub3A_1738 = arith.subf %get3A_1659, %gather3A_358 : vector<16xf32>
      %mul3A_1739 = arith.mulf %sub3A_1736, %sub3A_1736 : vector<16xf32>
      %mul3A_1740 = arith.mulf %sub3A_1737, %sub3A_1737 : vector<16xf32>
      %add3A_1741 = arith.addf %mul3A_1739, %mul3A_1740 : vector<16xf32>
      %mul3A_1742 = arith.mulf %sub3A_1738, %sub3A_1738 : vector<16xf32>
      %add3A_1743 = arith.addf %add3A_1741, %mul3A_1742 : vector<16xf32>
      %get3A_1744 = arith.constant 4 : i32
      %get3A_1745 = arith.index_cast %get3A_1744 : i32 to index
      %get3A_1746 = arith.constant 112 : index
      %get3A_1747 = tpu.vector_load %arg15[%get3A_1745, %get3A_1746] {strides = array<i32>} : memref<8x128xf32, #tpu.memory_space<vmem>>, vector<16xf32>,
      %sub3A_1748 = arith.subf %get3A_1747, %add3A_1743 : vector<16xf32>
      %select_n3A_1749 = arith.select %eq3A_31, %broadcast_in_dim3A_27, %sub3A_1748 : vector<16xi1>, vector<16xf32>
      %gt3A_1750 = arith.cmpf ogt, %select_n3A_1749, %max3A_1596 : vector<16xf32>
      %max3A_1751 = arith.maximumf %select_n3A_1749, %max3A_1596 : vector<16xf32>
      %jit3A_1752 = arith.constant 7 : i32
      %broadcast_in_dim3A_1753 = vector.broadcast %jit3A_1752 : i32 to vector<16xi32>
      %select_n3A_1754 = arith.select %gt3A_1750, %broadcast_in_dim3A_1753, %select_n3A_1599 : vector<16xi1>, vector<16xi32>
      %sub3A_1755 = arith.subf %get3A_1655, %gather3A_304 : vector<16xf32>
      %sub3A_1756 = arith.subf %get3A_1657, %gather3A_330 : vector<16xf32>
      %sub3A_1757 = arith.subf %get3A_1659, %gather3A_362 : vector<16xf32>
      %mul3A_1758 = arith.mulf %sub3A_1755, %sub3A_1755 : vector<16xf32>
      %mul3A_1759 = arith.mulf %sub3A_1756, %sub3A_1756 : vector<16xf32>
      %add3A_1760 = arith.addf %mul3A_1758, %mul3A_1759 : vector<16xf32>
      %mul3A_1761 = arith.mulf %sub3A_1757, %sub3A_1757 : vector<16xf32>
      %add3A_1762 = arith.addf %add3A_1760, %mul3A_1761 : vector<16xf32>
      %get3A_1763 = arith.constant 5 : i32
      %get3A_1764 = arith.index_cast %get3A_1763 : i32 to index
      %get3A_1765 = arith.constant 112 : index
      %get3A_1766 = tpu.vector_load %arg15[%get3A_1764, %get3A_1765] {strides = array<i32>} : memref<8x128xf32, #tpu.memory_space<vmem>>, vector<16xf32>,
      %sub3A_1767 = arith.subf %get3A_1766, %add3A_1762 : vector<16xf32>
      %select_n3A_1768 = arith.select %eq3A_31, %broadcast_in_dim3A_27, %sub3A_1767 : vector<16xi1>, vector<16xf32>
      %gt3A_1769 = arith.cmpf ogt, %select_n3A_1768, %max3A_1614 : vector<16xf32>
      %max3A_1770 = arith.maximumf %select_n3A_1768, %max3A_1614 : vector<16xf32>
      %jit3A_1771 = arith.constant 7 : i32
      %broadcast_in_dim3A_1772 = vector.broadcast %jit3A_1771 : i32 to vector<16xi32>
      %select_n3A_1773 = arith.select %gt3A_1769, %broadcast_in_dim3A_1772, %select_n3A_1617 : vector<16xi1>, vector<16xi32>
      %sub3A_1774 = arith.subf %get3A_1655, %gather3A_305 : vector<16xf32>
      %sub3A_1775 = arith.subf %get3A_1657, %gather3A_334 : vector<16xf32>
      %sub3A_1776 = arith.subf %get3A_1659, %gather3A_366 : vector<16xf32>
      %mul3A_1777 = arith.mulf %sub3A_1774, %sub3A_1774 : vector<16xf32>
      %mul3A_1778 = arith.mulf %sub3A_1775, %sub3A_1775 : vector<16xf32>
      %add3A_1779 = arith.addf %mul3A_1777, %mul3A_1778 : vector<16xf32>
      %mul3A_1780 = arith.mulf %sub3A_1776, %sub3A_1776 : vector<16xf32>
      %add3A_1781 = arith.addf %add3A_1779, %mul3A_1780 : vector<16xf32>
      %get3A_1782 = arith.constant 6 : i32
      %get3A_1783 = arith.index_cast %get3A_1782 : i32 to index
      %get3A_1784 = arith.constant 112 : index
      %get3A_1785 = tpu.vector_load %arg15[%get3A_1783, %get3A_1784] {strides = array<i32>} : memref<8x128xf32, #tpu.memory_space<vmem>>, vector<16xf32>,
      %sub3A_1786 = arith.subf %get3A_1785, %add3A_1781 : vector<16xf32>
      %select_n3A_1787 = arith.select %eq3A_31, %broadcast_in_dim3A_27, %sub3A_1786 : vector<16xi1>, vector<16xf32>
      %gt3A_1788 = arith.cmpf ogt, %select_n3A_1787, %max3A_1632 : vector<16xf32>
      %max3A_1789 = arith.maximumf %select_n3A_1787, %max3A_1632 : vector<16xf32>
      %jit3A_1790 = arith.constant 7 : i32
      %broadcast_in_dim3A_1791 = vector.broadcast %jit3A_1790 : i32 to vector<16xi32>
      %select_n3A_1792 = arith.select %gt3A_1788, %broadcast_in_dim3A_1791, %select_n3A_1635 : vector<16xi1>, vector<16xi32>
      %sub3A_1793 = arith.subf %get3A_1655, %gather3A_306 : vector<16xf32>
      %sub3A_1794 = arith.subf %get3A_1657, %gather3A_338 : vector<16xf32>
      %sub3A_1795 = arith.subf %get3A_1659, %gather3A_370 : vector<16xf32>
      %mul3A_1796 = arith.mulf %sub3A_1793, %sub3A_1793 : vector<16xf32>
      %mul3A_1797 = arith.mulf %sub3A_1794, %sub3A_1794 : vector<16xf32>
      %add3A_1798 = arith.addf %mul3A_1796, %mul3A_1797 : vector<16xf32>
      %mul3A_1799 = arith.mulf %sub3A_1795, %sub3A_1795 : vector<16xf32>
      %add3A_1800 = arith.addf %add3A_1798, %mul3A_1799 : vector<16xf32>
      %get3A_1801 = arith.constant 7 : i32
      %get3A_1802 = arith.index_cast %get3A_1801 : i32 to index
      %get3A_1803 = arith.constant 112 : index
      %get3A_1804 = tpu.vector_load %arg15[%get3A_1802, %get3A_1803] {strides = array<i32>} : memref<8x128xf32, #tpu.memory_space<vmem>>, vector<16xf32>,
      %sub3A_1805 = arith.subf %get3A_1804, %add3A_1800 : vector<16xf32>
      %select_n3A_1806 = arith.select %eq3A_31, %broadcast_in_dim3A_27, %sub3A_1805 : vector<16xi1>, vector<16xf32>
      %gt3A_1807 = arith.cmpf ogt, %select_n3A_1806, %max3A_1650 : vector<16xf32>
      %max3A_1808 = arith.maximumf %select_n3A_1806, %max3A_1650 : vector<16xf32>
      %jit3A_1809 = arith.constant 7 : i32
      %broadcast_in_dim3A_1810 = vector.broadcast %jit3A_1809 : i32 to vector<16xi32>
      %select_n3A_1811 = arith.select %gt3A_1807, %broadcast_in_dim3A_1810, %select_n3A_1653 : vector<16xi1>, vector<16xi32>
      %reduce_max3A = arith.constant true
      %reduce_max3A_1812 = vector.broadcast %reduce_max3A : i1 to vector<16xi1>
      %reduce_max3A_1813 = tpu.scan <max>, %max3A_1675 masked %reduce_max3A_1812 : vector<16xf32>, vector<16xi1> -> vector<16xf32>
      %reduce_max3A_1814 = vector.extract %reduce_max3A_1813[15] : f32 from vector<16xf32>
      %mul3A_1815 = arith.constant 16 : i32
      %mul3A_1816 = vector.broadcast %mul3A_1815 : i32 to vector<16xi32>
      %mul3A_1817 = arith.muli %select_n3A_1678, %mul3A_1816 : vector<16xi32>
      %add3A_1818 = arith.addi %mul3A_1817, %iota3A : vector<16xi32>
      %eq3A_1819 = vector.broadcast %reduce_max3A_1814 : f32 to vector<16xf32>
      %eq3A_1820 = arith.cmpf oeq, %max3A_1675, %eq3A_1819 : vector<16xf32>
      %jit3A_1821 = arith.constant 1073741824 : i32
      %broadcast_in_dim3A_1822 = vector.broadcast %jit3A_1821 : i32 to vector<16xi32>
      %select_n3A_1823 = arith.select %eq3A_1820, %add3A_1818, %broadcast_in_dim3A_1822 : vector<16xi1>, vector<16xi32>
      %reduce_min3A = arith.constant true
      %reduce_min3A_1824 = vector.broadcast %reduce_min3A : i1 to vector<16xi1>
      %reduce_min3A_1825 = arith.constant -2147483648 : i32
      %reduce_min3A_1826 = vector.broadcast %reduce_min3A_1825 : i32 to vector<16xi32>
      %reduce_min3A_1827 = arith.xori %select_n3A_1823, %reduce_min3A_1826 : vector<16xi32>
      %reduce_min3A_1828 = tpu.scan <min>, %reduce_min3A_1827 masked %reduce_min3A_1824 : vector<16xi32>, vector<16xi1> -> vector<16xi32>
      %reduce_min3A_1829 = arith.xori %reduce_min3A_1828, %reduce_min3A_1826 : vector<16xi32>
      %reduce_min3A_1830 = vector.extract %reduce_min3A_1829[15] : i32 from vector<16xi32>
      %broadcast_in_dim3A_1831 = vector.broadcast %reduce_min3A_1830 : i32 to vector<16xi32>
      %gather3A_1832 = tpu.vector_load_idx %arg10[%broadcast_in_dim3A_1831] : memref<384xf32, #tpu.memory_space<vmem>>[vector<16xi32>], vector<16xf32>,
      %add3A_1833 = arith.constant 128 : i32
      %add3A_1834 = vector.broadcast %add3A_1833 : i32 to vector<16xi32>
      %add3A_1835 = arith.addi %broadcast_in_dim3A_1831, %add3A_1834 : vector<16xi32>
      %gather3A_1836 = tpu.vector_load_idx %arg10[%add3A_1835] : memref<384xf32, #tpu.memory_space<vmem>>[vector<16xi32>], vector<16xf32>,
      %add3A_1837 = arith.constant 256 : i32
      %add3A_1838 = vector.broadcast %add3A_1837 : i32 to vector<16xi32>
      %add3A_1839 = arith.addi %broadcast_in_dim3A_1831, %add3A_1838 : vector<16xi32>
      %gather3A_1840 = tpu.vector_load_idx %arg10[%add3A_1839] : memref<384xf32, #tpu.memory_space<vmem>>[vector<16xi32>], vector<16xf32>,
      %add3A_1841 = arith.constant 0 : i32
      %add3A_1842 = vector.broadcast %add3A_1841 : i32 to vector<16xi32>
      %add3A_1843 = arith.addi %broadcast_in_dim3A_631, %add3A_1842 : vector<16xi32>
      tpu.vector_store_idx %arg16[%add3A_1843], %broadcast_in_dim3A_1831 masked %eq3A_34 : memref<2048xi32, #tpu.memory_space<vmem>>[vector<16xi32>], vector<16xi32>, vector<16xi1>
      %ne3A = arith.constant 127 : i32
      %ne3A_1844 = vector.broadcast %ne3A : i32 to vector<16xi32>
      %ne3A_1845 = arith.cmpi ne, %broadcast_in_dim3A_1831, %ne3A_1844 : vector<16xi32>
      %and3A = arith.andi %eq3A_34, %ne3A_1845 : vector<16xi1>
      %scatter3A = arith.constant 0 : i32
      %scatter3A_1846 = arith.constant 0 : i32
      %scatter3A_1847 = tpu.memref_slice %arg15[%scatter3A, %scatter3A_1846] : memref<8x128xf32, #tpu.memory_space<vmem>> -> memref<1x128xf32, #tpu.memory_space<vmem>>
      %scatter3A_1848 = tpu.memref_squeeze %scatter3A_1847 : memref<1x128xf32, #tpu.memory_space<vmem>> -> memref<128xf32, #tpu.memory_space<vmem>>
      tpu.vector_store_idx %scatter3A_1848[%broadcast_in_dim3A_1831], %broadcast_in_dim3A_27 masked %and3A : memref<128xf32, #tpu.memory_space<vmem>>[vector<16xi32>], vector<16xf32>, vector<16xi1>
      %reduce_max3A_1849 = arith.constant true
      %reduce_max3A_1850 = vector.broadcast %reduce_max3A_1849 : i1 to vector<16xi1>
      %reduce_max3A_1851 = tpu.scan <max>, %max3A_1694 masked %reduce_max3A_1850 : vector<16xf32>, vector<16xi1> -> vector<16xf32>
      %reduce_max3A_1852 = vector.extract %reduce_max3A_1851[15] : f32 from vector<16xf32>
      %mul3A_1853 = arith.constant 16 : i32
      %mul3A_1854 = vector.broadcast %mul3A_1853 : i32 to vector<16xi32>
      %mul3A_1855 = arith.muli %select_n3A_1697, %mul3A_1854 : vector<16xi32>
      %add3A_1856 = arith.addi %mul3A_1855, %iota3A : vector<16xi32>
      %eq3A_1857 = vector.broadcast %reduce_max3A_1852 : f32 to vector<16xf32>
      %eq3A_1858 = arith.cmpf oeq, %max3A_1694, %eq3A_1857 : vector<16xf32>
      %jit3A_1859 = arith.constant 1073741824 : i32
      %broadcast_in_dim3A_1860 = vector.broadcast %jit3A_1859 : i32 to vector<16xi32>
      %select_n3A_1861 = arith.select %eq3A_1858, %add3A_1856, %broadcast_in_dim3A_1860 : vector<16xi1>, vector<16xi32>
      %reduce_min3A_1862 = arith.constant true
      %reduce_min3A_1863 = vector.broadcast %reduce_min3A_1862 : i1 to vector<16xi1>
      %reduce_min3A_1864 = arith.constant -2147483648 : i32
      %reduce_min3A_1865 = vector.broadcast %reduce_min3A_1864 : i32 to vector<16xi32>
      %reduce_min3A_1866 = arith.xori %select_n3A_1861, %reduce_min3A_1865 : vector<16xi32>
      %reduce_min3A_1867 = tpu.scan <min>, %reduce_min3A_1866 masked %reduce_min3A_1863 : vector<16xi32>, vector<16xi1> -> vector<16xi32>
      %reduce_min3A_1868 = arith.xori %reduce_min3A_1867, %reduce_min3A_1865 : vector<16xi32>
      %reduce_min3A_1869 = vector.extract %reduce_min3A_1868[15] : i32 from vector<16xi32>
      %broadcast_in_dim3A_1870 = vector.broadcast %reduce_min3A_1869 : i32 to vector<16xi32>
      %gather3A_1871 = tpu.vector_load_idx %arg10[%broadcast_in_dim3A_1870] : memref<384xf32, #tpu.memory_space<vmem>>[vector<16xi32>], vector<16xf32>,
      %add3A_1872 = arith.constant 128 : i32
      %add3A_1873 = vector.broadcast %add3A_1872 : i32 to vector<16xi32>
      %add3A_1874 = arith.addi %broadcast_in_dim3A_1870, %add3A_1873 : vector<16xi32>
      %gather3A_1875 = tpu.vector_load_idx %arg10[%add3A_1874] : memref<384xf32, #tpu.memory_space<vmem>>[vector<16xi32>], vector<16xf32>,
      %add3A_1876 = arith.constant 256 : i32
      %add3A_1877 = vector.broadcast %add3A_1876 : i32 to vector<16xi32>
      %add3A_1878 = arith.addi %broadcast_in_dim3A_1870, %add3A_1877 : vector<16xi32>
      %gather3A_1879 = tpu.vector_load_idx %arg10[%add3A_1878] : memref<384xf32, #tpu.memory_space<vmem>>[vector<16xi32>], vector<16xf32>,
      %add3A_1880 = arith.constant 1 : i32
      %add3A_1881 = vector.broadcast %add3A_1880 : i32 to vector<16xi32>
      %add3A_1882 = arith.addi %broadcast_in_dim3A_631, %add3A_1881 : vector<16xi32>
      tpu.vector_store_idx %arg16[%add3A_1882], %broadcast_in_dim3A_1870 masked %eq3A_34 : memref<2048xi32, #tpu.memory_space<vmem>>[vector<16xi32>], vector<16xi32>, vector<16xi1>
      %ne3A_1883 = arith.constant 127 : i32
      %ne3A_1884 = vector.broadcast %ne3A_1883 : i32 to vector<16xi32>
      %ne3A_1885 = arith.cmpi ne, %broadcast_in_dim3A_1870, %ne3A_1884 : vector<16xi32>
      %and3A_1886 = arith.andi %eq3A_34, %ne3A_1885 : vector<16xi1>
      %scatter3A_1887 = arith.constant 1 : i32
      %scatter3A_1888 = arith.constant 0 : i32
      %scatter3A_1889 = tpu.memref_slice %arg15[%scatter3A_1887, %scatter3A_1888] : memref<8x128xf32, #tpu.memory_space<vmem>> -> memref<1x128xf32, #tpu.memory_space<vmem>>
      %scatter3A_1890 = tpu.memref_squeeze %scatter3A_1889 : memref<1x128xf32, #tpu.memory_space<vmem>> -> memref<128xf32, #tpu.memory_space<vmem>>
      tpu.vector_store_idx %scatter3A_1890[%broadcast_in_dim3A_1870], %broadcast_in_dim3A_27 masked %and3A_1886 : memref<128xf32, #tpu.memory_space<vmem>>[vector<16xi32>], vector<16xf32>, vector<16xi1>
      %reduce_max3A_1891 = arith.constant true
      %reduce_max3A_1892 = vector.broadcast %reduce_max3A_1891 : i1 to vector<16xi1>
      %reduce_max3A_1893 = tpu.scan <max>, %max3A_1713 masked %reduce_max3A_1892 : vector<16xf32>, vector<16xi1> -> vector<16xf32>
      %reduce_max3A_1894 = vector.extract %reduce_max3A_1893[15] : f32 from vector<16xf32>
      %mul3A_1895 = arith.constant 16 : i32
      %mul3A_1896 = vector.broadcast %mul3A_1895 : i32 to vector<16xi32>
      %mul3A_1897 = arith.muli %select_n3A_1716, %mul3A_1896 : vector<16xi32>
      %add3A_1898 = arith.addi %mul3A_1897, %iota3A : vector<16xi32>
      %eq3A_1899 = vector.broadcast %reduce_max3A_1894 : f32 to vector<16xf32>
      %eq3A_1900 = arith.cmpf oeq, %max3A_1713, %eq3A_1899 : vector<16xf32>
      %jit3A_1901 = arith.constant 1073741824 : i32
      %broadcast_in_dim3A_1902 = vector.broadcast %jit3A_1901 : i32 to vector<16xi32>
      %select_n3A_1903 = arith.select %eq3A_1900, %add3A_1898, %broadcast_in_dim3A_1902 : vector<16xi1>, vector<16xi32>
      %reduce_min3A_1904 = arith.constant true
      %reduce_min3A_1905 = vector.broadcast %reduce_min3A_1904 : i1 to vector<16xi1>
      %reduce_min3A_1906 = arith.constant -2147483648 : i32
      %reduce_min3A_1907 = vector.broadcast %reduce_min3A_1906 : i32 to vector<16xi32>
      %reduce_min3A_1908 = arith.xori %select_n3A_1903, %reduce_min3A_1907 : vector<16xi32>
      %reduce_min3A_1909 = tpu.scan <min>, %reduce_min3A_1908 masked %reduce_min3A_1905 : vector<16xi32>, vector<16xi1> -> vector<16xi32>
      %reduce_min3A_1910 = arith.xori %reduce_min3A_1909, %reduce_min3A_1907 : vector<16xi32>
      %reduce_min3A_1911 = vector.extract %reduce_min3A_1910[15] : i32 from vector<16xi32>
      %broadcast_in_dim3A_1912 = vector.broadcast %reduce_min3A_1911 : i32 to vector<16xi32>
      %gather3A_1913 = tpu.vector_load_idx %arg10[%broadcast_in_dim3A_1912] : memref<384xf32, #tpu.memory_space<vmem>>[vector<16xi32>], vector<16xf32>,
      %add3A_1914 = arith.constant 128 : i32
      %add3A_1915 = vector.broadcast %add3A_1914 : i32 to vector<16xi32>
      %add3A_1916 = arith.addi %broadcast_in_dim3A_1912, %add3A_1915 : vector<16xi32>
      %gather3A_1917 = tpu.vector_load_idx %arg10[%add3A_1916] : memref<384xf32, #tpu.memory_space<vmem>>[vector<16xi32>], vector<16xf32>,
      %add3A_1918 = arith.constant 256 : i32
      %add3A_1919 = vector.broadcast %add3A_1918 : i32 to vector<16xi32>
      %add3A_1920 = arith.addi %broadcast_in_dim3A_1912, %add3A_1919 : vector<16xi32>
      %gather3A_1921 = tpu.vector_load_idx %arg10[%add3A_1920] : memref<384xf32, #tpu.memory_space<vmem>>[vector<16xi32>], vector<16xf32>,
      %add3A_1922 = arith.constant 2 : i32
      %add3A_1923 = vector.broadcast %add3A_1922 : i32 to vector<16xi32>
      %add3A_1924 = arith.addi %broadcast_in_dim3A_631, %add3A_1923 : vector<16xi32>
      tpu.vector_store_idx %arg16[%add3A_1924], %broadcast_in_dim3A_1912 masked %eq3A_34 : memref<2048xi32, #tpu.memory_space<vmem>>[vector<16xi32>], vector<16xi32>, vector<16xi1>
      %ne3A_1925 = arith.constant 127 : i32
      %ne3A_1926 = vector.broadcast %ne3A_1925 : i32 to vector<16xi32>
      %ne3A_1927 = arith.cmpi ne, %broadcast_in_dim3A_1912, %ne3A_1926 : vector<16xi32>
      %and3A_1928 = arith.andi %eq3A_34, %ne3A_1927 : vector<16xi1>
      %scatter3A_1929 = arith.constant 2 : i32
      %scatter3A_1930 = arith.constant 0 : i32
      %scatter3A_1931 = tpu.memref_slice %arg15[%scatter3A_1929, %scatter3A_1930] : memref<8x128xf32, #tpu.memory_space<vmem>> -> memref<1x128xf32, #tpu.memory_space<vmem>>
      %scatter3A_1932 = tpu.memref_squeeze %scatter3A_1931 : memref<1x128xf32, #tpu.memory_space<vmem>> -> memref<128xf32, #tpu.memory_space<vmem>>
      tpu.vector_store_idx %scatter3A_1932[%broadcast_in_dim3A_1912], %broadcast_in_dim3A_27 masked %and3A_1928 : memref<128xf32, #tpu.memory_space<vmem>>[vector<16xi32>], vector<16xf32>, vector<16xi1>
      %reduce_max3A_1933 = arith.constant true
      %reduce_max3A_1934 = vector.broadcast %reduce_max3A_1933 : i1 to vector<16xi1>
      %reduce_max3A_1935 = tpu.scan <max>, %max3A_1732 masked %reduce_max3A_1934 : vector<16xf32>, vector<16xi1> -> vector<16xf32>
      %reduce_max3A_1936 = vector.extract %reduce_max3A_1935[15] : f32 from vector<16xf32>
      %mul3A_1937 = arith.constant 16 : i32
      %mul3A_1938 = vector.broadcast %mul3A_1937 : i32 to vector<16xi32>
      %mul3A_1939 = arith.muli %select_n3A_1735, %mul3A_1938 : vector<16xi32>
      %add3A_1940 = arith.addi %mul3A_1939, %iota3A : vector<16xi32>
      %eq3A_1941 = vector.broadcast %reduce_max3A_1936 : f32 to vector<16xf32>
      %eq3A_1942 = arith.cmpf oeq, %max3A_1732, %eq3A_1941 : vector<16xf32>
      %jit3A_1943 = arith.constant 1073741824 : i32
      %broadcast_in_dim3A_1944 = vector.broadcast %jit3A_1943 : i32 to vector<16xi32>
      %select_n3A_1945 = arith.select %eq3A_1942, %add3A_1940, %broadcast_in_dim3A_1944 : vector<16xi1>, vector<16xi32>
      %reduce_min3A_1946 = arith.constant true
      %reduce_min3A_1947 = vector.broadcast %reduce_min3A_1946 : i1 to vector<16xi1>
      %reduce_min3A_1948 = arith.constant -2147483648 : i32
      %reduce_min3A_1949 = vector.broadcast %reduce_min3A_1948 : i32 to vector<16xi32>
      %reduce_min3A_1950 = arith.xori %select_n3A_1945, %reduce_min3A_1949 : vector<16xi32>
      %reduce_min3A_1951 = tpu.scan <min>, %reduce_min3A_1950 masked %reduce_min3A_1947 : vector<16xi32>, vector<16xi1> -> vector<16xi32>
      %reduce_min3A_1952 = arith.xori %reduce_min3A_1951, %reduce_min3A_1949 : vector<16xi32>
      %reduce_min3A_1953 = vector.extract %reduce_min3A_1952[15] : i32 from vector<16xi32>
      %broadcast_in_dim3A_1954 = vector.broadcast %reduce_min3A_1953 : i32 to vector<16xi32>
      %gather3A_1955 = tpu.vector_load_idx %arg10[%broadcast_in_dim3A_1954] : memref<384xf32, #tpu.memory_space<vmem>>[vector<16xi32>], vector<16xf32>,
      %add3A_1956 = arith.constant 128 : i32
      %add3A_1957 = vector.broadcast %add3A_1956 : i32 to vector<16xi32>
      %add3A_1958 = arith.addi %broadcast_in_dim3A_1954, %add3A_1957 : vector<16xi32>
      %gather3A_1959 = tpu.vector_load_idx %arg10[%add3A_1958] : memref<384xf32, #tpu.memory_space<vmem>>[vector<16xi32>], vector<16xf32>,
      %add3A_1960 = arith.constant 256 : i32
      %add3A_1961 = vector.broadcast %add3A_1960 : i32 to vector<16xi32>
      %add3A_1962 = arith.addi %broadcast_in_dim3A_1954, %add3A_1961 : vector<16xi32>
      %gather3A_1963 = tpu.vector_load_idx %arg10[%add3A_1962] : memref<384xf32, #tpu.memory_space<vmem>>[vector<16xi32>], vector<16xf32>,
      %add3A_1964 = arith.constant 3 : i32
      %add3A_1965 = vector.broadcast %add3A_1964 : i32 to vector<16xi32>
      %add3A_1966 = arith.addi %broadcast_in_dim3A_631, %add3A_1965 : vector<16xi32>
      tpu.vector_store_idx %arg16[%add3A_1966], %broadcast_in_dim3A_1954 masked %eq3A_34 : memref<2048xi32, #tpu.memory_space<vmem>>[vector<16xi32>], vector<16xi32>, vector<16xi1>
      %ne3A_1967 = arith.constant 127 : i32
      %ne3A_1968 = vector.broadcast %ne3A_1967 : i32 to vector<16xi32>
      %ne3A_1969 = arith.cmpi ne, %broadcast_in_dim3A_1954, %ne3A_1968 : vector<16xi32>
      %and3A_1970 = arith.andi %eq3A_34, %ne3A_1969 : vector<16xi1>
      %scatter3A_1971 = arith.constant 3 : i32
      %scatter3A_1972 = arith.constant 0 : i32
      %scatter3A_1973 = tpu.memref_slice %arg15[%scatter3A_1971, %scatter3A_1972] : memref<8x128xf32, #tpu.memory_space<vmem>> -> memref<1x128xf32, #tpu.memory_space<vmem>>
      %scatter3A_1974 = tpu.memref_squeeze %scatter3A_1973 : memref<1x128xf32, #tpu.memory_space<vmem>> -> memref<128xf32, #tpu.memory_space<vmem>>
      tpu.vector_store_idx %scatter3A_1974[%broadcast_in_dim3A_1954], %broadcast_in_dim3A_27 masked %and3A_1970 : memref<128xf32, #tpu.memory_space<vmem>>[vector<16xi32>], vector<16xf32>, vector<16xi1>
      %reduce_max3A_1975 = arith.constant true
      %reduce_max3A_1976 = vector.broadcast %reduce_max3A_1975 : i1 to vector<16xi1>
      %reduce_max3A_1977 = tpu.scan <max>, %max3A_1751 masked %reduce_max3A_1976 : vector<16xf32>, vector<16xi1> -> vector<16xf32>
      %reduce_max3A_1978 = vector.extract %reduce_max3A_1977[15] : f32 from vector<16xf32>
      %mul3A_1979 = arith.constant 16 : i32
      %mul3A_1980 = vector.broadcast %mul3A_1979 : i32 to vector<16xi32>
      %mul3A_1981 = arith.muli %select_n3A_1754, %mul3A_1980 : vector<16xi32>
      %add3A_1982 = arith.addi %mul3A_1981, %iota3A : vector<16xi32>
      %eq3A_1983 = vector.broadcast %reduce_max3A_1978 : f32 to vector<16xf32>
      %eq3A_1984 = arith.cmpf oeq, %max3A_1751, %eq3A_1983 : vector<16xf32>
      %jit3A_1985 = arith.constant 1073741824 : i32
      %broadcast_in_dim3A_1986 = vector.broadcast %jit3A_1985 : i32 to vector<16xi32>
      %select_n3A_1987 = arith.select %eq3A_1984, %add3A_1982, %broadcast_in_dim3A_1986 : vector<16xi1>, vector<16xi32>
      %reduce_min3A_1988 = arith.constant true
      %reduce_min3A_1989 = vector.broadcast %reduce_min3A_1988 : i1 to vector<16xi1>
      %reduce_min3A_1990 = arith.constant -2147483648 : i32
      %reduce_min3A_1991 = vector.broadcast %reduce_min3A_1990 : i32 to vector<16xi32>
      %reduce_min3A_1992 = arith.xori %select_n3A_1987, %reduce_min3A_1991 : vector<16xi32>
      %reduce_min3A_1993 = tpu.scan <min>, %reduce_min3A_1992 masked %reduce_min3A_1989 : vector<16xi32>, vector<16xi1> -> vector<16xi32>
      %reduce_min3A_1994 = arith.xori %reduce_min3A_1993, %reduce_min3A_1991 : vector<16xi32>
      %reduce_min3A_1995 = vector.extract %reduce_min3A_1994[15] : i32 from vector<16xi32>
      %broadcast_in_dim3A_1996 = vector.broadcast %reduce_min3A_1995 : i32 to vector<16xi32>
      %gather3A_1997 = tpu.vector_load_idx %arg10[%broadcast_in_dim3A_1996] : memref<384xf32, #tpu.memory_space<vmem>>[vector<16xi32>], vector<16xf32>,
      %add3A_1998 = arith.constant 128 : i32
      %add3A_1999 = vector.broadcast %add3A_1998 : i32 to vector<16xi32>
      %add3A_2000 = arith.addi %broadcast_in_dim3A_1996, %add3A_1999 : vector<16xi32>
      %gather3A_2001 = tpu.vector_load_idx %arg10[%add3A_2000] : memref<384xf32, #tpu.memory_space<vmem>>[vector<16xi32>], vector<16xf32>,
      %add3A_2002 = arith.constant 256 : i32
      %add3A_2003 = vector.broadcast %add3A_2002 : i32 to vector<16xi32>
      %add3A_2004 = arith.addi %broadcast_in_dim3A_1996, %add3A_2003 : vector<16xi32>
      %gather3A_2005 = tpu.vector_load_idx %arg10[%add3A_2004] : memref<384xf32, #tpu.memory_space<vmem>>[vector<16xi32>], vector<16xf32>,
      %add3A_2006 = arith.constant 4 : i32
      %add3A_2007 = vector.broadcast %add3A_2006 : i32 to vector<16xi32>
      %add3A_2008 = arith.addi %broadcast_in_dim3A_631, %add3A_2007 : vector<16xi32>
      tpu.vector_store_idx %arg16[%add3A_2008], %broadcast_in_dim3A_1996 masked %eq3A_34 : memref<2048xi32, #tpu.memory_space<vmem>>[vector<16xi32>], vector<16xi32>, vector<16xi1>
      %ne3A_2009 = arith.constant 127 : i32
      %ne3A_2010 = vector.broadcast %ne3A_2009 : i32 to vector<16xi32>
      %ne3A_2011 = arith.cmpi ne, %broadcast_in_dim3A_1996, %ne3A_2010 : vector<16xi32>
      %and3A_2012 = arith.andi %eq3A_34, %ne3A_2011 : vector<16xi1>
      %scatter3A_2013 = arith.constant 4 : i32
      %scatter3A_2014 = arith.constant 0 : i32
      %scatter3A_2015 = tpu.memref_slice %arg15[%scatter3A_2013, %scatter3A_2014] : memref<8x128xf32, #tpu.memory_space<vmem>> -> memref<1x128xf32, #tpu.memory_space<vmem>>
      %scatter3A_2016 = tpu.memref_squeeze %scatter3A_2015 : memref<1x128xf32, #tpu.memory_space<vmem>> -> memref<128xf32, #tpu.memory_space<vmem>>
      tpu.vector_store_idx %scatter3A_2016[%broadcast_in_dim3A_1996], %broadcast_in_dim3A_27 masked %and3A_2012 : memref<128xf32, #tpu.memory_space<vmem>>[vector<16xi32>], vector<16xf32>, vector<16xi1>
      %reduce_max3A_2017 = arith.constant true
      %reduce_max3A_2018 = vector.broadcast %reduce_max3A_2017 : i1 to vector<16xi1>
      %reduce_max3A_2019 = tpu.scan <max>, %max3A_1770 masked %reduce_max3A_2018 : vector<16xf32>, vector<16xi1> -> vector<16xf32>
      %reduce_max3A_2020 = vector.extract %reduce_max3A_2019[15] : f32 from vector<16xf32>
      %mul3A_2021 = arith.constant 16 : i32
      %mul3A_2022 = vector.broadcast %mul3A_2021 : i32 to vector<16xi32>
      %mul3A_2023 = arith.muli %select_n3A_1773, %mul3A_2022 : vector<16xi32>
      %add3A_2024 = arith.addi %mul3A_2023, %iota3A : vector<16xi32>
      %eq3A_2025 = vector.broadcast %reduce_max3A_2020 : f32 to vector<16xf32>
      %eq3A_2026 = arith.cmpf oeq, %max3A_1770, %eq3A_2025 : vector<16xf32>
      %jit3A_2027 = arith.constant 1073741824 : i32
      %broadcast_in_dim3A_2028 = vector.broadcast %jit3A_2027 : i32 to vector<16xi32>
      %select_n3A_2029 = arith.select %eq3A_2026, %add3A_2024, %broadcast_in_dim3A_2028 : vector<16xi1>, vector<16xi32>
      %reduce_min3A_2030 = arith.constant true
      %reduce_min3A_2031 = vector.broadcast %reduce_min3A_2030 : i1 to vector<16xi1>
      %reduce_min3A_2032 = arith.constant -2147483648 : i32
      %reduce_min3A_2033 = vector.broadcast %reduce_min3A_2032 : i32 to vector<16xi32>
      %reduce_min3A_2034 = arith.xori %select_n3A_2029, %reduce_min3A_2033 : vector<16xi32>
      %reduce_min3A_2035 = tpu.scan <min>, %reduce_min3A_2034 masked %reduce_min3A_2031 : vector<16xi32>, vector<16xi1> -> vector<16xi32>
      %reduce_min3A_2036 = arith.xori %reduce_min3A_2035, %reduce_min3A_2033 : vector<16xi32>
      %reduce_min3A_2037 = vector.extract %reduce_min3A_2036[15] : i32 from vector<16xi32>
      %broadcast_in_dim3A_2038 = vector.broadcast %reduce_min3A_2037 : i32 to vector<16xi32>
      %gather3A_2039 = tpu.vector_load_idx %arg10[%broadcast_in_dim3A_2038] : memref<384xf32, #tpu.memory_space<vmem>>[vector<16xi32>], vector<16xf32>,
      %add3A_2040 = arith.constant 128 : i32
      %add3A_2041 = vector.broadcast %add3A_2040 : i32 to vector<16xi32>
      %add3A_2042 = arith.addi %broadcast_in_dim3A_2038, %add3A_2041 : vector<16xi32>
      %gather3A_2043 = tpu.vector_load_idx %arg10[%add3A_2042] : memref<384xf32, #tpu.memory_space<vmem>>[vector<16xi32>], vector<16xf32>,
      %add3A_2044 = arith.constant 256 : i32
      %add3A_2045 = vector.broadcast %add3A_2044 : i32 to vector<16xi32>
      %add3A_2046 = arith.addi %broadcast_in_dim3A_2038, %add3A_2045 : vector<16xi32>
      %gather3A_2047 = tpu.vector_load_idx %arg10[%add3A_2046] : memref<384xf32, #tpu.memory_space<vmem>>[vector<16xi32>], vector<16xf32>,
      %add3A_2048 = arith.constant 5 : i32
      %add3A_2049 = vector.broadcast %add3A_2048 : i32 to vector<16xi32>
      %add3A_2050 = arith.addi %broadcast_in_dim3A_631, %add3A_2049 : vector<16xi32>
      tpu.vector_store_idx %arg16[%add3A_2050], %broadcast_in_dim3A_2038 masked %eq3A_34 : memref<2048xi32, #tpu.memory_space<vmem>>[vector<16xi32>], vector<16xi32>, vector<16xi1>
      %ne3A_2051 = arith.constant 127 : i32
      %ne3A_2052 = vector.broadcast %ne3A_2051 : i32 to vector<16xi32>
      %ne3A_2053 = arith.cmpi ne, %broadcast_in_dim3A_2038, %ne3A_2052 : vector<16xi32>
      %and3A_2054 = arith.andi %eq3A_34, %ne3A_2053 : vector<16xi1>
      %scatter3A_2055 = arith.constant 5 : i32
      %scatter3A_2056 = arith.constant 0 : i32
      %scatter3A_2057 = tpu.memref_slice %arg15[%scatter3A_2055, %scatter3A_2056] : memref<8x128xf32, #tpu.memory_space<vmem>> -> memref<1x128xf32, #tpu.memory_space<vmem>>
      %scatter3A_2058 = tpu.memref_squeeze %scatter3A_2057 : memref<1x128xf32, #tpu.memory_space<vmem>> -> memref<128xf32, #tpu.memory_space<vmem>>
      tpu.vector_store_idx %scatter3A_2058[%broadcast_in_dim3A_2038], %broadcast_in_dim3A_27 masked %and3A_2054 : memref<128xf32, #tpu.memory_space<vmem>>[vector<16xi32>], vector<16xf32>, vector<16xi1>
      %reduce_max3A_2059 = arith.constant true
      %reduce_max3A_2060 = vector.broadcast %reduce_max3A_2059 : i1 to vector<16xi1>
      %reduce_max3A_2061 = tpu.scan <max>, %max3A_1789 masked %reduce_max3A_2060 : vector<16xf32>, vector<16xi1> -> vector<16xf32>
      %reduce_max3A_2062 = vector.extract %reduce_max3A_2061[15] : f32 from vector<16xf32>
      %mul3A_2063 = arith.constant 16 : i32
      %mul3A_2064 = vector.broadcast %mul3A_2063 : i32 to vector<16xi32>
      %mul3A_2065 = arith.muli %select_n3A_1792, %mul3A_2064 : vector<16xi32>
      %add3A_2066 = arith.addi %mul3A_2065, %iota3A : vector<16xi32>
      %eq3A_2067 = vector.broadcast %reduce_max3A_2062 : f32 to vector<16xf32>
      %eq3A_2068 = arith.cmpf oeq, %max3A_1789, %eq3A_2067 : vector<16xf32>
      %jit3A_2069 = arith.constant 1073741824 : i32
      %broadcast_in_dim3A_2070 = vector.broadcast %jit3A_2069 : i32 to vector<16xi32>
      %select_n3A_2071 = arith.select %eq3A_2068, %add3A_2066, %broadcast_in_dim3A_2070 : vector<16xi1>, vector<16xi32>
      %reduce_min3A_2072 = arith.constant true
      %reduce_min3A_2073 = vector.broadcast %reduce_min3A_2072 : i1 to vector<16xi1>
      %reduce_min3A_2074 = arith.constant -2147483648 : i32
      %reduce_min3A_2075 = vector.broadcast %reduce_min3A_2074 : i32 to vector<16xi32>
      %reduce_min3A_2076 = arith.xori %select_n3A_2071, %reduce_min3A_2075 : vector<16xi32>
      %reduce_min3A_2077 = tpu.scan <min>, %reduce_min3A_2076 masked %reduce_min3A_2073 : vector<16xi32>, vector<16xi1> -> vector<16xi32>
      %reduce_min3A_2078 = arith.xori %reduce_min3A_2077, %reduce_min3A_2075 : vector<16xi32>
      %reduce_min3A_2079 = vector.extract %reduce_min3A_2078[15] : i32 from vector<16xi32>
      %broadcast_in_dim3A_2080 = vector.broadcast %reduce_min3A_2079 : i32 to vector<16xi32>
      %gather3A_2081 = tpu.vector_load_idx %arg10[%broadcast_in_dim3A_2080] : memref<384xf32, #tpu.memory_space<vmem>>[vector<16xi32>], vector<16xf32>,
      %add3A_2082 = arith.constant 128 : i32
      %add3A_2083 = vector.broadcast %add3A_2082 : i32 to vector<16xi32>
      %add3A_2084 = arith.addi %broadcast_in_dim3A_2080, %add3A_2083 : vector<16xi32>
      %gather3A_2085 = tpu.vector_load_idx %arg10[%add3A_2084] : memref<384xf32, #tpu.memory_space<vmem>>[vector<16xi32>], vector<16xf32>,
      %add3A_2086 = arith.constant 256 : i32
      %add3A_2087 = vector.broadcast %add3A_2086 : i32 to vector<16xi32>
      %add3A_2088 = arith.addi %broadcast_in_dim3A_2080, %add3A_2087 : vector<16xi32>
      %gather3A_2089 = tpu.vector_load_idx %arg10[%add3A_2088] : memref<384xf32, #tpu.memory_space<vmem>>[vector<16xi32>], vector<16xf32>,
      %add3A_2090 = arith.constant 6 : i32
      %add3A_2091 = vector.broadcast %add3A_2090 : i32 to vector<16xi32>
      %add3A_2092 = arith.addi %broadcast_in_dim3A_631, %add3A_2091 : vector<16xi32>
      tpu.vector_store_idx %arg16[%add3A_2092], %broadcast_in_dim3A_2080 masked %eq3A_34 : memref<2048xi32, #tpu.memory_space<vmem>>[vector<16xi32>], vector<16xi32>, vector<16xi1>
      %ne3A_2093 = arith.constant 127 : i32
      %ne3A_2094 = vector.broadcast %ne3A_2093 : i32 to vector<16xi32>
      %ne3A_2095 = arith.cmpi ne, %broadcast_in_dim3A_2080, %ne3A_2094 : vector<16xi32>
      %and3A_2096 = arith.andi %eq3A_34, %ne3A_2095 : vector<16xi1>
      %scatter3A_2097 = arith.constant 6 : i32
      %scatter3A_2098 = arith.constant 0 : i32
      %scatter3A_2099 = tpu.memref_slice %arg15[%scatter3A_2097, %scatter3A_2098] : memref<8x128xf32, #tpu.memory_space<vmem>> -> memref<1x128xf32, #tpu.memory_space<vmem>>
      %scatter3A_2100 = tpu.memref_squeeze %scatter3A_2099 : memref<1x128xf32, #tpu.memory_space<vmem>> -> memref<128xf32, #tpu.memory_space<vmem>>
      tpu.vector_store_idx %scatter3A_2100[%broadcast_in_dim3A_2080], %broadcast_in_dim3A_27 masked %and3A_2096 : memref<128xf32, #tpu.memory_space<vmem>>[vector<16xi32>], vector<16xf32>, vector<16xi1>
      %reduce_max3A_2101 = arith.constant true
      %reduce_max3A_2102 = vector.broadcast %reduce_max3A_2101 : i1 to vector<16xi1>
      %reduce_max3A_2103 = tpu.scan <max>, %max3A_1808 masked %reduce_max3A_2102 : vector<16xf32>, vector<16xi1> -> vector<16xf32>
      %reduce_max3A_2104 = vector.extract %reduce_max3A_2103[15] : f32 from vector<16xf32>
      %mul3A_2105 = arith.constant 16 : i32
      %mul3A_2106 = vector.broadcast %mul3A_2105 : i32 to vector<16xi32>
      %mul3A_2107 = arith.muli %select_n3A_1811, %mul3A_2106 : vector<16xi32>
      %add3A_2108 = arith.addi %mul3A_2107, %iota3A : vector<16xi32>
      %eq3A_2109 = vector.broadcast %reduce_max3A_2104 : f32 to vector<16xf32>
      %eq3A_2110 = arith.cmpf oeq, %max3A_1808, %eq3A_2109 : vector<16xf32>
      %jit3A_2111 = arith.constant 1073741824 : i32
      %broadcast_in_dim3A_2112 = vector.broadcast %jit3A_2111 : i32 to vector<16xi32>
      %select_n3A_2113 = arith.select %eq3A_2110, %add3A_2108, %broadcast_in_dim3A_2112 : vector<16xi1>, vector<16xi32>
      %reduce_min3A_2114 = arith.constant true
      %reduce_min3A_2115 = vector.broadcast %reduce_min3A_2114 : i1 to vector<16xi1>
      %reduce_min3A_2116 = arith.constant -2147483648 : i32
      %reduce_min3A_2117 = vector.broadcast %reduce_min3A_2116 : i32 to vector<16xi32>
      %reduce_min3A_2118 = arith.xori %select_n3A_2113, %reduce_min3A_2117 : vector<16xi32>
      %reduce_min3A_2119 = tpu.scan <min>, %reduce_min3A_2118 masked %reduce_min3A_2115 : vector<16xi32>, vector<16xi1> -> vector<16xi32>
      %reduce_min3A_2120 = arith.xori %reduce_min3A_2119, %reduce_min3A_2117 : vector<16xi32>
      %reduce_min3A_2121 = vector.extract %reduce_min3A_2120[15] : i32 from vector<16xi32>
      %broadcast_in_dim3A_2122 = vector.broadcast %reduce_min3A_2121 : i32 to vector<16xi32>
      %gather3A_2123 = tpu.vector_load_idx %arg10[%broadcast_in_dim3A_2122] : memref<384xf32, #tpu.memory_space<vmem>>[vector<16xi32>], vector<16xf32>,
      %add3A_2124 = arith.constant 128 : i32
      %add3A_2125 = vector.broadcast %add3A_2124 : i32 to vector<16xi32>
      %add3A_2126 = arith.addi %broadcast_in_dim3A_2122, %add3A_2125 : vector<16xi32>
      %gather3A_2127 = tpu.vector_load_idx %arg10[%add3A_2126] : memref<384xf32, #tpu.memory_space<vmem>>[vector<16xi32>], vector<16xf32>,
      %add3A_2128 = arith.constant 256 : i32
      %add3A_2129 = vector.broadcast %add3A_2128 : i32 to vector<16xi32>
      %add3A_2130 = arith.addi %broadcast_in_dim3A_2122, %add3A_2129 : vector<16xi32>
      %gather3A_2131 = tpu.vector_load_idx %arg10[%add3A_2130] : memref<384xf32, #tpu.memory_space<vmem>>[vector<16xi32>], vector<16xf32>,
      %add3A_2132 = arith.constant 7 : i32
      %add3A_2133 = vector.broadcast %add3A_2132 : i32 to vector<16xi32>
      %add3A_2134 = arith.addi %broadcast_in_dim3A_631, %add3A_2133 : vector<16xi32>
      tpu.vector_store_idx %arg16[%add3A_2134], %broadcast_in_dim3A_2122 masked %eq3A_34 : memref<2048xi32, #tpu.memory_space<vmem>>[vector<16xi32>], vector<16xi32>, vector<16xi1>
      %ne3A_2135 = arith.constant 127 : i32
      %ne3A_2136 = vector.broadcast %ne3A_2135 : i32 to vector<16xi32>
      %ne3A_2137 = arith.cmpi ne, %broadcast_in_dim3A_2122, %ne3A_2136 : vector<16xi32>
      %and3A_2138 = arith.andi %eq3A_34, %ne3A_2137 : vector<16xi1>
      %scatter3A_2139 = arith.constant 7 : i32
      %scatter3A_2140 = arith.constant 0 : i32
      %scatter3A_2141 = tpu.memref_slice %arg15[%scatter3A_2139, %scatter3A_2140] : memref<8x128xf32, #tpu.memory_space<vmem>> -> memref<1x128xf32, #tpu.memory_space<vmem>>
      %scatter3A_2142 = tpu.memref_squeeze %scatter3A_2141 : memref<1x128xf32, #tpu.memory_space<vmem>> -> memref<128xf32, #tpu.memory_space<vmem>>
      tpu.vector_store_idx %scatter3A_2142[%broadcast_in_dim3A_2122], %broadcast_in_dim3A_27 masked %and3A_2138 : memref<128xf32, #tpu.memory_space<vmem>>[vector<16xi32>], vector<16xf32>, vector<16xi1>
      %scan3A_2143 = arith.constant 1 : i32
      %scan3A_2144 = arith.constant 127 : i32
      %scan3A_2145 = arith.addi %scan3A_2143, %scan3A_2144 : i32
      %scan3A_2146 = arith.constant 1 : i32
      %scan3A_2147:24 = scf.for %scan3A_2183 = %scan3A_2143 to %scan3A_2145 step %scan3A_2146 iter_args(%scan3A_2184 = %gather3A_1832, %scan3A_2185 = %gather3A_1871, %scan3A_2186 = %gather3A_1913, %scan3A_2187 = %gather3A_1955, %scan3A_2188 = %gather3A_1997, %scan3A_2189 = %gather3A_2039, %scan3A_2190 = %gather3A_2081, %scan3A_2191 = %gather3A_2123, %scan3A_2192 = %gather3A_1836, %scan3A_2193 = %gather3A_1875, %scan3A_2194 = %gather3A_1917, %scan3A_2195 = %gather3A_1959, %scan3A_2196 = %gather3A_2001, %scan3A_2197 = %gather3A_2043, %scan3A_2198 = %gather3A_2085, %scan3A_2199 = %gather3A_2127, %scan3A_2200 = %gather3A_1840, %scan3A_2201 = %gather3A_1879, %scan3A_2202 = %gather3A_1921, %scan3A_2203 = %gather3A_1963, %scan3A_2204 = %gather3A_2005, %scan3A_2205 = %gather3A_2047, %scan3A_2206 = %gather3A_2089, %scan3A_2207 = %gather3A_2131) -> (vector<16xf32>, vector<16xf32>, vector<16xf32>, vector<16xf32>, vector<16xf32>, vector<16xf32>, vector<16xf32>, vector<16xf32>, vector<16xf32>, vector<16xf32>, vector<16xf32>, vector<16xf32>, vector<16xf32>, vector<16xf32>, vector<16xf32>, vector<16xf32>, vector<16xf32>, vector<16xf32>, vector<16xf32>, vector<16xf32>, vector<16xf32>, vector<16xf32>, vector<16xf32>, vector<16xf32>)  : i32 {
        %mul3A_2208 = arith.constant 16 : i32
        %mul3A_2209 = arith.muli %scan3A_2183, %mul3A_2208 : i32
        %broadcast_in_dim3A_2210 = vector.broadcast %mul3A_2209 : i32 to vector<16xi32>
        %get3A_2211 = arith.constant 0 : index
        %get3A_2212 = tpu.vector_load %arg10[%get3A_2211] {strides = array<i32>} : memref<384xf32, #tpu.memory_space<vmem>>, vector<16xf32>,
        %get3A_2213 = arith.constant 128 : index
        %get3A_2214 = tpu.vector_load %arg10[%get3A_2213] {strides = array<i32>} : memref<384xf32, #tpu.memory_space<vmem>>, vector<16xf32>,
        %get3A_2215 = arith.constant 256 : index
        %get3A_2216 = tpu.vector_load %arg10[%get3A_2215] {strides = array<i32>} : memref<384xf32, #tpu.memory_space<vmem>>, vector<16xf32>,
        %sub3A_2217 = arith.subf %get3A_2212, %scan3A_2184 : vector<16xf32>
        %sub3A_2218 = arith.subf %get3A_2214, %scan3A_2192 : vector<16xf32>
        %sub3A_2219 = arith.subf %get3A_2216, %scan3A_2200 : vector<16xf32>
        %mul3A_2220 = arith.mulf %sub3A_2217, %sub3A_2217 : vector<16xf32>
        %mul3A_2221 = arith.mulf %sub3A_2218, %sub3A_2218 : vector<16xf32>
        %add3A_2222 = arith.addf %mul3A_2220, %mul3A_2221 : vector<16xf32>
        %mul3A_2223 = arith.mulf %sub3A_2219, %sub3A_2219 : vector<16xf32>
        %add3A_2224 = arith.addf %add3A_2222, %mul3A_2223 : vector<16xf32>
        %get3A_2225 = arith.constant 0 : i32
        %get3A_2226 = arith.index_cast %get3A_2225 : i32 to index
        %get3A_2227 = arith.constant 0 : index
        %get3A_2228 = tpu.vector_load %arg15[%get3A_2226, %get3A_2227] {strides = array<i32>} : memref<8x128xf32, #tpu.memory_space<vmem>>, vector<16xf32>,
        %sub3A_2229 = arith.subf %get3A_2228, %add3A_2224 : vector<16xf32>
        %sub3A_2230 = arith.subf %get3A_2212, %scan3A_2185 : vector<16xf32>
        %sub3A_2231 = arith.subf %get3A_2214, %scan3A_2193 : vector<16xf32>
        %sub3A_2232 = arith.subf %get3A_2216, %scan3A_2201 : vector<16xf32>
        %mul3A_2233 = arith.mulf %sub3A_2230, %sub3A_2230 : vector<16xf32>
        %mul3A_2234 = arith.mulf %sub3A_2231, %sub3A_2231 : vector<16xf32>
        %add3A_2235 = arith.addf %mul3A_2233, %mul3A_2234 : vector<16xf32>
        %mul3A_2236 = arith.mulf %sub3A_2232, %sub3A_2232 : vector<16xf32>
        %add3A_2237 = arith.addf %add3A_2235, %mul3A_2236 : vector<16xf32>
        %get3A_2238 = arith.constant 1 : i32
        %get3A_2239 = arith.index_cast %get3A_2238 : i32 to index
        %get3A_2240 = arith.constant 0 : index
        %get3A_2241 = tpu.vector_load %arg15[%get3A_2239, %get3A_2240] {strides = array<i32>} : memref<8x128xf32, #tpu.memory_space<vmem>>, vector<16xf32>,
        %sub3A_2242 = arith.subf %get3A_2241, %add3A_2237 : vector<16xf32>
        %sub3A_2243 = arith.subf %get3A_2212, %scan3A_2186 : vector<16xf32>
        %sub3A_2244 = arith.subf %get3A_2214, %scan3A_2194 : vector<16xf32>
        %sub3A_2245 = arith.subf %get3A_2216, %scan3A_2202 : vector<16xf32>
        %mul3A_2246 = arith.mulf %sub3A_2243, %sub3A_2243 : vector<16xf32>
        %mul3A_2247 = arith.mulf %sub3A_2244, %sub3A_2244 : vector<16xf32>
        %add3A_2248 = arith.addf %mul3A_2246, %mul3A_2247 : vector<16xf32>
        %mul3A_2249 = arith.mulf %sub3A_2245, %sub3A_2245 : vector<16xf32>
        %add3A_2250 = arith.addf %add3A_2248, %mul3A_2249 : vector<16xf32>
        %get3A_2251 = arith.constant 2 : i32
        %get3A_2252 = arith.index_cast %get3A_2251 : i32 to index
        %get3A_2253 = arith.constant 0 : index
        %get3A_2254 = tpu.vector_load %arg15[%get3A_2252, %get3A_2253] {strides = array<i32>} : memref<8x128xf32, #tpu.memory_space<vmem>>, vector<16xf32>,
        %sub3A_2255 = arith.subf %get3A_2254, %add3A_2250 : vector<16xf32>
        %sub3A_2256 = arith.subf %get3A_2212, %scan3A_2187 : vector<16xf32>
        %sub3A_2257 = arith.subf %get3A_2214, %scan3A_2195 : vector<16xf32>
        %sub3A_2258 = arith.subf %get3A_2216, %scan3A_2203 : vector<16xf32>
        %mul3A_2259 = arith.mulf %sub3A_2256, %sub3A_2256 : vector<16xf32>
        %mul3A_2260 = arith.mulf %sub3A_2257, %sub3A_2257 : vector<16xf32>
        %add3A_2261 = arith.addf %mul3A_2259, %mul3A_2260 : vector<16xf32>
        %mul3A_2262 = arith.mulf %sub3A_2258, %sub3A_2258 : vector<16xf32>
        %add3A_2263 = arith.addf %add3A_2261, %mul3A_2262 : vector<16xf32>
        %get3A_2264 = arith.constant 3 : i32
        %get3A_2265 = arith.index_cast %get3A_2264 : i32 to index
        %get3A_2266 = arith.constant 0 : index
        %get3A_2267 = tpu.vector_load %arg15[%get3A_2265, %get3A_2266] {strides = array<i32>} : memref<8x128xf32, #tpu.memory_space<vmem>>, vector<16xf32>,
        %sub3A_2268 = arith.subf %get3A_2267, %add3A_2263 : vector<16xf32>
        %sub3A_2269 = arith.subf %get3A_2212, %scan3A_2188 : vector<16xf32>
        %sub3A_2270 = arith.subf %get3A_2214, %scan3A_2196 : vector<16xf32>
        %sub3A_2271 = arith.subf %get3A_2216, %scan3A_2204 : vector<16xf32>
        %mul3A_2272 = arith.mulf %sub3A_2269, %sub3A_2269 : vector<16xf32>
        %mul3A_2273 = arith.mulf %sub3A_2270, %sub3A_2270 : vector<16xf32>
        %add3A_2274 = arith.addf %mul3A_2272, %mul3A_2273 : vector<16xf32>
        %mul3A_2275 = arith.mulf %sub3A_2271, %sub3A_2271 : vector<16xf32>
        %add3A_2276 = arith.addf %add3A_2274, %mul3A_2275 : vector<16xf32>
        %get3A_2277 = arith.constant 4 : i32
        %get3A_2278 = arith.index_cast %get3A_2277 : i32 to index
        %get3A_2279 = arith.constant 0 : index
        %get3A_2280 = tpu.vector_load %arg15[%get3A_2278, %get3A_2279] {strides = array<i32>} : memref<8x128xf32, #tpu.memory_space<vmem>>, vector<16xf32>,
        %sub3A_2281 = arith.subf %get3A_2280, %add3A_2276 : vector<16xf32>
        %sub3A_2282 = arith.subf %get3A_2212, %scan3A_2189 : vector<16xf32>
        %sub3A_2283 = arith.subf %get3A_2214, %scan3A_2197 : vector<16xf32>
        %sub3A_2284 = arith.subf %get3A_2216, %scan3A_2205 : vector<16xf32>
        %mul3A_2285 = arith.mulf %sub3A_2282, %sub3A_2282 : vector<16xf32>
        %mul3A_2286 = arith.mulf %sub3A_2283, %sub3A_2283 : vector<16xf32>
        %add3A_2287 = arith.addf %mul3A_2285, %mul3A_2286 : vector<16xf32>
        %mul3A_2288 = arith.mulf %sub3A_2284, %sub3A_2284 : vector<16xf32>
        %add3A_2289 = arith.addf %add3A_2287, %mul3A_2288 : vector<16xf32>
        %get3A_2290 = arith.constant 5 : i32
        %get3A_2291 = arith.index_cast %get3A_2290 : i32 to index
        %get3A_2292 = arith.constant 0 : index
        %get3A_2293 = tpu.vector_load %arg15[%get3A_2291, %get3A_2292] {strides = array<i32>} : memref<8x128xf32, #tpu.memory_space<vmem>>, vector<16xf32>,
        %sub3A_2294 = arith.subf %get3A_2293, %add3A_2289 : vector<16xf32>
        %sub3A_2295 = arith.subf %get3A_2212, %scan3A_2190 : vector<16xf32>
        %sub3A_2296 = arith.subf %get3A_2214, %scan3A_2198 : vector<16xf32>
        %sub3A_2297 = arith.subf %get3A_2216, %scan3A_2206 : vector<16xf32>
        %mul3A_2298 = arith.mulf %sub3A_2295, %sub3A_2295 : vector<16xf32>
        %mul3A_2299 = arith.mulf %sub3A_2296, %sub3A_2296 : vector<16xf32>
        %add3A_2300 = arith.addf %mul3A_2298, %mul3A_2299 : vector<16xf32>
        %mul3A_2301 = arith.mulf %sub3A_2297, %sub3A_2297 : vector<16xf32>
        %add3A_2302 = arith.addf %add3A_2300, %mul3A_2301 : vector<16xf32>
        %get3A_2303 = arith.constant 6 : i32
        %get3A_2304 = arith.index_cast %get3A_2303 : i32 to index
        %get3A_2305 = arith.constant 0 : index
        %get3A_2306 = tpu.vector_load %arg15[%get3A_2304, %get3A_2305] {strides = array<i32>} : memref<8x128xf32, #tpu.memory_space<vmem>>, vector<16xf32>,
        %sub3A_2307 = arith.subf %get3A_2306, %add3A_2302 : vector<16xf32>
        %sub3A_2308 = arith.subf %get3A_2212, %scan3A_2191 : vector<16xf32>
        %sub3A_2309 = arith.subf %get3A_2214, %scan3A_2199 : vector<16xf32>
        %sub3A_2310 = arith.subf %get3A_2216, %scan3A_2207 : vector<16xf32>
        %mul3A_2311 = arith.mulf %sub3A_2308, %sub3A_2308 : vector<16xf32>
        %mul3A_2312 = arith.mulf %sub3A_2309, %sub3A_2309 : vector<16xf32>
        %add3A_2313 = arith.addf %mul3A_2311, %mul3A_2312 : vector<16xf32>
        %mul3A_2314 = arith.mulf %sub3A_2310, %sub3A_2310 : vector<16xf32>
        %add3A_2315 = arith.addf %add3A_2313, %mul3A_2314 : vector<16xf32>
        %get3A_2316 = arith.constant 7 : i32
        %get3A_2317 = arith.index_cast %get3A_2316 : i32 to index
        %get3A_2318 = arith.constant 0 : index
        %get3A_2319 = tpu.vector_load %arg15[%get3A_2317, %get3A_2318] {strides = array<i32>} : memref<8x128xf32, #tpu.memory_space<vmem>>, vector<16xf32>,
        %sub3A_2320 = arith.subf %get3A_2319, %add3A_2315 : vector<16xf32>
        %get3A_2321 = arith.constant 16 : index
        %get3A_2322 = tpu.vector_load %arg10[%get3A_2321] {strides = array<i32>} : memref<384xf32, #tpu.memory_space<vmem>>, vector<16xf32>,
        %get3A_2323 = arith.constant 144 : index
        %get3A_2324 = tpu.vector_load %arg10[%get3A_2323] {strides = array<i32>} : memref<384xf32, #tpu.memory_space<vmem>>, vector<16xf32>,
        %get3A_2325 = arith.constant 272 : index
        %get3A_2326 = tpu.vector_load %arg10[%get3A_2325] {strides = array<i32>} : memref<384xf32, #tpu.memory_space<vmem>>, vector<16xf32>,
        %sub3A_2327 = arith.subf %get3A_2322, %scan3A_2184 : vector<16xf32>
        %sub3A_2328 = arith.subf %get3A_2324, %scan3A_2192 : vector<16xf32>
        %sub3A_2329 = arith.subf %get3A_2326, %scan3A_2200 : vector<16xf32>
        %mul3A_2330 = arith.mulf %sub3A_2327, %sub3A_2327 : vector<16xf32>
        %mul3A_2331 = arith.mulf %sub3A_2328, %sub3A_2328 : vector<16xf32>
        %add3A_2332 = arith.addf %mul3A_2330, %mul3A_2331 : vector<16xf32>
        %mul3A_2333 = arith.mulf %sub3A_2329, %sub3A_2329 : vector<16xf32>
        %add3A_2334 = arith.addf %add3A_2332, %mul3A_2333 : vector<16xf32>
        %get3A_2335 = arith.constant 0 : i32
        %get3A_2336 = arith.index_cast %get3A_2335 : i32 to index
        %get3A_2337 = arith.constant 16 : index
        %get3A_2338 = tpu.vector_load %arg15[%get3A_2336, %get3A_2337] {strides = array<i32>} : memref<8x128xf32, #tpu.memory_space<vmem>>, vector<16xf32>,
        %sub3A_2339 = arith.subf %get3A_2338, %add3A_2334 : vector<16xf32>
        %gt3A_2340 = arith.cmpf ogt, %sub3A_2339, %sub3A_2229 : vector<16xf32>
        %max3A_2341 = arith.maximumf %sub3A_2339, %sub3A_2229 : vector<16xf32>
        %jit3A_2342 = arith.constant 1 : i32
        %jit3A_2343 = arith.constant 0 : i32
        %broadcast_in_dim3A_2344 = vector.broadcast %jit3A_2342 : i32 to vector<16xi32>
        %broadcast_in_dim3A_2345 = vector.broadcast %jit3A_2343 : i32 to vector<16xi32>
        %select_n3A_2346 = arith.select %gt3A_2340, %broadcast_in_dim3A_2344, %broadcast_in_dim3A_2345 : vector<16xi1>, vector<16xi32>
        %sub3A_2347 = arith.subf %get3A_2322, %scan3A_2185 : vector<16xf32>
        %sub3A_2348 = arith.subf %get3A_2324, %scan3A_2193 : vector<16xf32>
        %sub3A_2349 = arith.subf %get3A_2326, %scan3A_2201 : vector<16xf32>
        %mul3A_2350 = arith.mulf %sub3A_2347, %sub3A_2347 : vector<16xf32>
        %mul3A_2351 = arith.mulf %sub3A_2348, %sub3A_2348 : vector<16xf32>
        %add3A_2352 = arith.addf %mul3A_2350, %mul3A_2351 : vector<16xf32>
        %mul3A_2353 = arith.mulf %sub3A_2349, %sub3A_2349 : vector<16xf32>
        %add3A_2354 = arith.addf %add3A_2352, %mul3A_2353 : vector<16xf32>
        %get3A_2355 = arith.constant 1 : i32
        %get3A_2356 = arith.index_cast %get3A_2355 : i32 to index
        %get3A_2357 = arith.constant 16 : index
        %get3A_2358 = tpu.vector_load %arg15[%get3A_2356, %get3A_2357] {strides = array<i32>} : memref<8x128xf32, #tpu.memory_space<vmem>>, vector<16xf32>,
        %sub3A_2359 = arith.subf %get3A_2358, %add3A_2354 : vector<16xf32>
        %gt3A_2360 = arith.cmpf ogt, %sub3A_2359, %sub3A_2242 : vector<16xf32>
        %max3A_2361 = arith.maximumf %sub3A_2359, %sub3A_2242 : vector<16xf32>
        %jit3A_2362 = arith.constant 1 : i32
        %jit3A_2363 = arith.constant 0 : i32
        %broadcast_in_dim3A_2364 = vector.broadcast %jit3A_2362 : i32 to vector<16xi32>
        %broadcast_in_dim3A_2365 = vector.broadcast %jit3A_2363 : i32 to vector<16xi32>
        %select_n3A_2366 = arith.select %gt3A_2360, %broadcast_in_dim3A_2364, %broadcast_in_dim3A_2365 : vector<16xi1>, vector<16xi32>
        %sub3A_2367 = arith.subf %get3A_2322, %scan3A_2186 : vector<16xf32>
        %sub3A_2368 = arith.subf %get3A_2324, %scan3A_2194 : vector<16xf32>
        %sub3A_2369 = arith.subf %get3A_2326, %scan3A_2202 : vector<16xf32>
        %mul3A_2370 = arith.mulf %sub3A_2367, %sub3A_2367 : vector<16xf32>
        %mul3A_2371 = arith.mulf %sub3A_2368, %sub3A_2368 : vector<16xf32>
        %add3A_2372 = arith.addf %mul3A_2370, %mul3A_2371 : vector<16xf32>
        %mul3A_2373 = arith.mulf %sub3A_2369, %sub3A_2369 : vector<16xf32>
        %add3A_2374 = arith.addf %add3A_2372, %mul3A_2373 : vector<16xf32>
        %get3A_2375 = arith.constant 2 : i32
        %get3A_2376 = arith.index_cast %get3A_2375 : i32 to index
        %get3A_2377 = arith.constant 16 : index
        %get3A_2378 = tpu.vector_load %arg15[%get3A_2376, %get3A_2377] {strides = array<i32>} : memref<8x128xf32, #tpu.memory_space<vmem>>, vector<16xf32>,
        %sub3A_2379 = arith.subf %get3A_2378, %add3A_2374 : vector<16xf32>
        %gt3A_2380 = arith.cmpf ogt, %sub3A_2379, %sub3A_2255 : vector<16xf32>
        %max3A_2381 = arith.maximumf %sub3A_2379, %sub3A_2255 : vector<16xf32>
        %jit3A_2382 = arith.constant 1 : i32
        %jit3A_2383 = arith.constant 0 : i32
        %broadcast_in_dim3A_2384 = vector.broadcast %jit3A_2382 : i32 to vector<16xi32>
        %broadcast_in_dim3A_2385 = vector.broadcast %jit3A_2383 : i32 to vector<16xi32>
        %select_n3A_2386 = arith.select %gt3A_2380, %broadcast_in_dim3A_2384, %broadcast_in_dim3A_2385 : vector<16xi1>, vector<16xi32>
        %sub3A_2387 = arith.subf %get3A_2322, %scan3A_2187 : vector<16xf32>
        %sub3A_2388 = arith.subf %get3A_2324, %scan3A_2195 : vector<16xf32>
        %sub3A_2389 = arith.subf %get3A_2326, %scan3A_2203 : vector<16xf32>
        %mul3A_2390 = arith.mulf %sub3A_2387, %sub3A_2387 : vector<16xf32>
        %mul3A_2391 = arith.mulf %sub3A_2388, %sub3A_2388 : vector<16xf32>
        %add3A_2392 = arith.addf %mul3A_2390, %mul3A_2391 : vector<16xf32>
        %mul3A_2393 = arith.mulf %sub3A_2389, %sub3A_2389 : vector<16xf32>
        %add3A_2394 = arith.addf %add3A_2392, %mul3A_2393 : vector<16xf32>
        %get3A_2395 = arith.constant 3 : i32
        %get3A_2396 = arith.index_cast %get3A_2395 : i32 to index
        %get3A_2397 = arith.constant 16 : index
        %get3A_2398 = tpu.vector_load %arg15[%get3A_2396, %get3A_2397] {strides = array<i32>} : memref<8x128xf32, #tpu.memory_space<vmem>>, vector<16xf32>,
        %sub3A_2399 = arith.subf %get3A_2398, %add3A_2394 : vector<16xf32>
        %gt3A_2400 = arith.cmpf ogt, %sub3A_2399, %sub3A_2268 : vector<16xf32>
        %max3A_2401 = arith.maximumf %sub3A_2399, %sub3A_2268 : vector<16xf32>
        %jit3A_2402 = arith.constant 1 : i32
        %jit3A_2403 = arith.constant 0 : i32
        %broadcast_in_dim3A_2404 = vector.broadcast %jit3A_2402 : i32 to vector<16xi32>
        %broadcast_in_dim3A_2405 = vector.broadcast %jit3A_2403 : i32 to vector<16xi32>
        %select_n3A_2406 = arith.select %gt3A_2400, %broadcast_in_dim3A_2404, %broadcast_in_dim3A_2405 : vector<16xi1>, vector<16xi32>
        %sub3A_2407 = arith.subf %get3A_2322, %scan3A_2188 : vector<16xf32>
        %sub3A_2408 = arith.subf %get3A_2324, %scan3A_2196 : vector<16xf32>
        %sub3A_2409 = arith.subf %get3A_2326, %scan3A_2204 : vector<16xf32>
        %mul3A_2410 = arith.mulf %sub3A_2407, %sub3A_2407 : vector<16xf32>
        %mul3A_2411 = arith.mulf %sub3A_2408, %sub3A_2408 : vector<16xf32>
        %add3A_2412 = arith.addf %mul3A_2410, %mul3A_2411 : vector<16xf32>
        %mul3A_2413 = arith.mulf %sub3A_2409, %sub3A_2409 : vector<16xf32>
        %add3A_2414 = arith.addf %add3A_2412, %mul3A_2413 : vector<16xf32>
        %get3A_2415 = arith.constant 4 : i32
        %get3A_2416 = arith.index_cast %get3A_2415 : i32 to index
        %get3A_2417 = arith.constant 16 : index
        %get3A_2418 = tpu.vector_load %arg15[%get3A_2416, %get3A_2417] {strides = array<i32>} : memref<8x128xf32, #tpu.memory_space<vmem>>, vector<16xf32>,
        %sub3A_2419 = arith.subf %get3A_2418, %add3A_2414 : vector<16xf32>
        %gt3A_2420 = arith.cmpf ogt, %sub3A_2419, %sub3A_2281 : vector<16xf32>
        %max3A_2421 = arith.maximumf %sub3A_2419, %sub3A_2281 : vector<16xf32>
        %jit3A_2422 = arith.constant 1 : i32
        %jit3A_2423 = arith.constant 0 : i32
        %broadcast_in_dim3A_2424 = vector.broadcast %jit3A_2422 : i32 to vector<16xi32>
        %broadcast_in_dim3A_2425 = vector.broadcast %jit3A_2423 : i32 to vector<16xi32>
        %select_n3A_2426 = arith.select %gt3A_2420, %broadcast_in_dim3A_2424, %broadcast_in_dim3A_2425 : vector<16xi1>, vector<16xi32>
        %sub3A_2427 = arith.subf %get3A_2322, %scan3A_2189 : vector<16xf32>
        %sub3A_2428 = arith.subf %get3A_2324, %scan3A_2197 : vector<16xf32>
        %sub3A_2429 = arith.subf %get3A_2326, %scan3A_2205 : vector<16xf32>
        %mul3A_2430 = arith.mulf %sub3A_2427, %sub3A_2427 : vector<16xf32>
        %mul3A_2431 = arith.mulf %sub3A_2428, %sub3A_2428 : vector<16xf32>
        %add3A_2432 = arith.addf %mul3A_2430, %mul3A_2431 : vector<16xf32>
        %mul3A_2433 = arith.mulf %sub3A_2429, %sub3A_2429 : vector<16xf32>
        %add3A_2434 = arith.addf %add3A_2432, %mul3A_2433 : vector<16xf32>
        %get3A_2435 = arith.constant 5 : i32
        %get3A_2436 = arith.index_cast %get3A_2435 : i32 to index
        %get3A_2437 = arith.constant 16 : index
        %get3A_2438 = tpu.vector_load %arg15[%get3A_2436, %get3A_2437] {strides = array<i32>} : memref<8x128xf32, #tpu.memory_space<vmem>>, vector<16xf32>,
        %sub3A_2439 = arith.subf %get3A_2438, %add3A_2434 : vector<16xf32>
        %gt3A_2440 = arith.cmpf ogt, %sub3A_2439, %sub3A_2294 : vector<16xf32>
        %max3A_2441 = arith.maximumf %sub3A_2439, %sub3A_2294 : vector<16xf32>
        %jit3A_2442 = arith.constant 1 : i32
        %jit3A_2443 = arith.constant 0 : i32
        %broadcast_in_dim3A_2444 = vector.broadcast %jit3A_2442 : i32 to vector<16xi32>
        %broadcast_in_dim3A_2445 = vector.broadcast %jit3A_2443 : i32 to vector<16xi32>
        %select_n3A_2446 = arith.select %gt3A_2440, %broadcast_in_dim3A_2444, %broadcast_in_dim3A_2445 : vector<16xi1>, vector<16xi32>
        %sub3A_2447 = arith.subf %get3A_2322, %scan3A_2190 : vector<16xf32>
        %sub3A_2448 = arith.subf %get3A_2324, %scan3A_2198 : vector<16xf32>
        %sub3A_2449 = arith.subf %get3A_2326, %scan3A_2206 : vector<16xf32>
        %mul3A_2450 = arith.mulf %sub3A_2447, %sub3A_2447 : vector<16xf32>
        %mul3A_2451 = arith.mulf %sub3A_2448, %sub3A_2448 : vector<16xf32>
        %add3A_2452 = arith.addf %mul3A_2450, %mul3A_2451 : vector<16xf32>
        %mul3A_2453 = arith.mulf %sub3A_2449, %sub3A_2449 : vector<16xf32>
        %add3A_2454 = arith.addf %add3A_2452, %mul3A_2453 : vector<16xf32>
        %get3A_2455 = arith.constant 6 : i32
        %get3A_2456 = arith.index_cast %get3A_2455 : i32 to index
        %get3A_2457 = arith.constant 16 : index
        %get3A_2458 = tpu.vector_load %arg15[%get3A_2456, %get3A_2457] {strides = array<i32>} : memref<8x128xf32, #tpu.memory_space<vmem>>, vector<16xf32>,
        %sub3A_2459 = arith.subf %get3A_2458, %add3A_2454 : vector<16xf32>
        %gt3A_2460 = arith.cmpf ogt, %sub3A_2459, %sub3A_2307 : vector<16xf32>
        %max3A_2461 = arith.maximumf %sub3A_2459, %sub3A_2307 : vector<16xf32>
        %jit3A_2462 = arith.constant 1 : i32
        %jit3A_2463 = arith.constant 0 : i32
        %broadcast_in_dim3A_2464 = vector.broadcast %jit3A_2462 : i32 to vector<16xi32>
        %broadcast_in_dim3A_2465 = vector.broadcast %jit3A_2463 : i32 to vector<16xi32>
        %select_n3A_2466 = arith.select %gt3A_2460, %broadcast_in_dim3A_2464, %broadcast_in_dim3A_2465 : vector<16xi1>, vector<16xi32>
        %sub3A_2467 = arith.subf %get3A_2322, %scan3A_2191 : vector<16xf32>
        %sub3A_2468 = arith.subf %get3A_2324, %scan3A_2199 : vector<16xf32>
        %sub3A_2469 = arith.subf %get3A_2326, %scan3A_2207 : vector<16xf32>
        %mul3A_2470 = arith.mulf %sub3A_2467, %sub3A_2467 : vector<16xf32>
        %mul3A_2471 = arith.mulf %sub3A_2468, %sub3A_2468 : vector<16xf32>
        %add3A_2472 = arith.addf %mul3A_2470, %mul3A_2471 : vector<16xf32>
        %mul3A_2473 = arith.mulf %sub3A_2469, %sub3A_2469 : vector<16xf32>
        %add3A_2474 = arith.addf %add3A_2472, %mul3A_2473 : vector<16xf32>
        %get3A_2475 = arith.constant 7 : i32
        %get3A_2476 = arith.index_cast %get3A_2475 : i32 to index
        %get3A_2477 = arith.constant 16 : index
        %get3A_2478 = tpu.vector_load %arg15[%get3A_2476, %get3A_2477] {strides = array<i32>} : memref<8x128xf32, #tpu.memory_space<vmem>>, vector<16xf32>,
        %sub3A_2479 = arith.subf %get3A_2478, %add3A_2474 : vector<16xf32>
        %gt3A_2480 = arith.cmpf ogt, %sub3A_2479, %sub3A_2320 : vector<16xf32>
        %max3A_2481 = arith.maximumf %sub3A_2479, %sub3A_2320 : vector<16xf32>
        %jit3A_2482 = arith.constant 1 : i32
        %jit3A_2483 = arith.constant 0 : i32
        %broadcast_in_dim3A_2484 = vector.broadcast %jit3A_2482 : i32 to vector<16xi32>
        %broadcast_in_dim3A_2485 = vector.broadcast %jit3A_2483 : i32 to vector<16xi32>
        %select_n3A_2486 = arith.select %gt3A_2480, %broadcast_in_dim3A_2484, %broadcast_in_dim3A_2485 : vector<16xi1>, vector<16xi32>
        %get3A_2487 = arith.constant 32 : index
        %get3A_2488 = tpu.vector_load %arg10[%get3A_2487] {strides = array<i32>} : memref<384xf32, #tpu.memory_space<vmem>>, vector<16xf32>,
        %get3A_2489 = arith.constant 160 : index
        %get3A_2490 = tpu.vector_load %arg10[%get3A_2489] {strides = array<i32>} : memref<384xf32, #tpu.memory_space<vmem>>, vector<16xf32>,
        %get3A_2491 = arith.constant 288 : index
        %get3A_2492 = tpu.vector_load %arg10[%get3A_2491] {strides = array<i32>} : memref<384xf32, #tpu.memory_space<vmem>>, vector<16xf32>,
        %sub3A_2493 = arith.subf %get3A_2488, %scan3A_2184 : vector<16xf32>
        %sub3A_2494 = arith.subf %get3A_2490, %scan3A_2192 : vector<16xf32>
        %sub3A_2495 = arith.subf %get3A_2492, %scan3A_2200 : vector<16xf32>
        %mul3A_2496 = arith.mulf %sub3A_2493, %sub3A_2493 : vector<16xf32>
        %mul3A_2497 = arith.mulf %sub3A_2494, %sub3A_2494 : vector<16xf32>
        %add3A_2498 = arith.addf %mul3A_2496, %mul3A_2497 : vector<16xf32>
        %mul3A_2499 = arith.mulf %sub3A_2495, %sub3A_2495 : vector<16xf32>
        %add3A_2500 = arith.addf %add3A_2498, %mul3A_2499 : vector<16xf32>
        %get3A_2501 = arith.constant 0 : i32
        %get3A_2502 = arith.index_cast %get3A_2501 : i32 to index
        %get3A_2503 = arith.constant 32 : index
        %get3A_2504 = tpu.vector_load %arg15[%get3A_2502, %get3A_2503] {strides = array<i32>} : memref<8x128xf32, #tpu.memory_space<vmem>>, vector<16xf32>,
        %sub3A_2505 = arith.subf %get3A_2504, %add3A_2500 : vector<16xf32>
        %gt3A_2506 = arith.cmpf ogt, %sub3A_2505, %max3A_2341 : vector<16xf32>
        %max3A_2507 = arith.maximumf %sub3A_2505, %max3A_2341 : vector<16xf32>
        %jit3A_2508 = arith.constant 2 : i32
        %broadcast_in_dim3A_2509 = vector.broadcast %jit3A_2508 : i32 to vector<16xi32>
        %select_n3A_2510 = arith.select %gt3A_2506, %broadcast_in_dim3A_2509, %select_n3A_2346 : vector<16xi1>, vector<16xi32>
        %sub3A_2511 = arith.subf %get3A_2488, %scan3A_2185 : vector<16xf32>
        %sub3A_2512 = arith.subf %get3A_2490, %scan3A_2193 : vector<16xf32>
        %sub3A_2513 = arith.subf %get3A_2492, %scan3A_2201 : vector<16xf32>
        %mul3A_2514 = arith.mulf %sub3A_2511, %sub3A_2511 : vector<16xf32>
        %mul3A_2515 = arith.mulf %sub3A_2512, %sub3A_2512 : vector<16xf32>
        %add3A_2516 = arith.addf %mul3A_2514, %mul3A_2515 : vector<16xf32>
        %mul3A_2517 = arith.mulf %sub3A_2513, %sub3A_2513 : vector<16xf32>
        %add3A_2518 = arith.addf %add3A_2516, %mul3A_2517 : vector<16xf32>
        %get3A_2519 = arith.constant 1 : i32
        %get3A_2520 = arith.index_cast %get3A_2519 : i32 to index
        %get3A_2521 = arith.constant 32 : index
        %get3A_2522 = tpu.vector_load %arg15[%get3A_2520, %get3A_2521] {strides = array<i32>} : memref<8x128xf32, #tpu.memory_space<vmem>>, vector<16xf32>,
        %sub3A_2523 = arith.subf %get3A_2522, %add3A_2518 : vector<16xf32>
        %gt3A_2524 = arith.cmpf ogt, %sub3A_2523, %max3A_2361 : vector<16xf32>
        %max3A_2525 = arith.maximumf %sub3A_2523, %max3A_2361 : vector<16xf32>
        %jit3A_2526 = arith.constant 2 : i32
        %broadcast_in_dim3A_2527 = vector.broadcast %jit3A_2526 : i32 to vector<16xi32>
        %select_n3A_2528 = arith.select %gt3A_2524, %broadcast_in_dim3A_2527, %select_n3A_2366 : vector<16xi1>, vector<16xi32>
        %sub3A_2529 = arith.subf %get3A_2488, %scan3A_2186 : vector<16xf32>
        %sub3A_2530 = arith.subf %get3A_2490, %scan3A_2194 : vector<16xf32>
        %sub3A_2531 = arith.subf %get3A_2492, %scan3A_2202 : vector<16xf32>
        %mul3A_2532 = arith.mulf %sub3A_2529, %sub3A_2529 : vector<16xf32>
        %mul3A_2533 = arith.mulf %sub3A_2530, %sub3A_2530 : vector<16xf32>
        %add3A_2534 = arith.addf %mul3A_2532, %mul3A_2533 : vector<16xf32>
        %mul3A_2535 = arith.mulf %sub3A_2531, %sub3A_2531 : vector<16xf32>
        %add3A_2536 = arith.addf %add3A_2534, %mul3A_2535 : vector<16xf32>
        %get3A_2537 = arith.constant 2 : i32
        %get3A_2538 = arith.index_cast %get3A_2537 : i32 to index
        %get3A_2539 = arith.constant 32 : index
        %get3A_2540 = tpu.vector_load %arg15[%get3A_2538, %get3A_2539] {strides = array<i32>} : memref<8x128xf32, #tpu.memory_space<vmem>>, vector<16xf32>,
        %sub3A_2541 = arith.subf %get3A_2540, %add3A_2536 : vector<16xf32>
        %gt3A_2542 = arith.cmpf ogt, %sub3A_2541, %max3A_2381 : vector<16xf32>
        %max3A_2543 = arith.maximumf %sub3A_2541, %max3A_2381 : vector<16xf32>
        %jit3A_2544 = arith.constant 2 : i32
        %broadcast_in_dim3A_2545 = vector.broadcast %jit3A_2544 : i32 to vector<16xi32>
        %select_n3A_2546 = arith.select %gt3A_2542, %broadcast_in_dim3A_2545, %select_n3A_2386 : vector<16xi1>, vector<16xi32>
        %sub3A_2547 = arith.subf %get3A_2488, %scan3A_2187 : vector<16xf32>
        %sub3A_2548 = arith.subf %get3A_2490, %scan3A_2195 : vector<16xf32>
        %sub3A_2549 = arith.subf %get3A_2492, %scan3A_2203 : vector<16xf32>
        %mul3A_2550 = arith.mulf %sub3A_2547, %sub3A_2547 : vector<16xf32>
        %mul3A_2551 = arith.mulf %sub3A_2548, %sub3A_2548 : vector<16xf32>
        %add3A_2552 = arith.addf %mul3A_2550, %mul3A_2551 : vector<16xf32>
        %mul3A_2553 = arith.mulf %sub3A_2549, %sub3A_2549 : vector<16xf32>
        %add3A_2554 = arith.addf %add3A_2552, %mul3A_2553 : vector<16xf32>
        %get3A_2555 = arith.constant 3 : i32
        %get3A_2556 = arith.index_cast %get3A_2555 : i32 to index
        %get3A_2557 = arith.constant 32 : index
        %get3A_2558 = tpu.vector_load %arg15[%get3A_2556, %get3A_2557] {strides = array<i32>} : memref<8x128xf32, #tpu.memory_space<vmem>>, vector<16xf32>,
        %sub3A_2559 = arith.subf %get3A_2558, %add3A_2554 : vector<16xf32>
        %gt3A_2560 = arith.cmpf ogt, %sub3A_2559, %max3A_2401 : vector<16xf32>
        %max3A_2561 = arith.maximumf %sub3A_2559, %max3A_2401 : vector<16xf32>
        %jit3A_2562 = arith.constant 2 : i32
        %broadcast_in_dim3A_2563 = vector.broadcast %jit3A_2562 : i32 to vector<16xi32>
        %select_n3A_2564 = arith.select %gt3A_2560, %broadcast_in_dim3A_2563, %select_n3A_2406 : vector<16xi1>, vector<16xi32>
        %sub3A_2565 = arith.subf %get3A_2488, %scan3A_2188 : vector<16xf32>
        %sub3A_2566 = arith.subf %get3A_2490, %scan3A_2196 : vector<16xf32>
        %sub3A_2567 = arith.subf %get3A_2492, %scan3A_2204 : vector<16xf32>
        %mul3A_2568 = arith.mulf %sub3A_2565, %sub3A_2565 : vector<16xf32>
        %mul3A_2569 = arith.mulf %sub3A_2566, %sub3A_2566 : vector<16xf32>
        %add3A_2570 = arith.addf %mul3A_2568, %mul3A_2569 : vector<16xf32>
        %mul3A_2571 = arith.mulf %sub3A_2567, %sub3A_2567 : vector<16xf32>
        %add3A_2572 = arith.addf %add3A_2570, %mul3A_2571 : vector<16xf32>
        %get3A_2573 = arith.constant 4 : i32
        %get3A_2574 = arith.index_cast %get3A_2573 : i32 to index
        %get3A_2575 = arith.constant 32 : index
        %get3A_2576 = tpu.vector_load %arg15[%get3A_2574, %get3A_2575] {strides = array<i32>} : memref<8x128xf32, #tpu.memory_space<vmem>>, vector<16xf32>,
        %sub3A_2577 = arith.subf %get3A_2576, %add3A_2572 : vector<16xf32>
        %gt3A_2578 = arith.cmpf ogt, %sub3A_2577, %max3A_2421 : vector<16xf32>
        %max3A_2579 = arith.maximumf %sub3A_2577, %max3A_2421 : vector<16xf32>
        %jit3A_2580 = arith.constant 2 : i32
        %broadcast_in_dim3A_2581 = vector.broadcast %jit3A_2580 : i32 to vector<16xi32>
        %select_n3A_2582 = arith.select %gt3A_2578, %broadcast_in_dim3A_2581, %select_n3A_2426 : vector<16xi1>, vector<16xi32>
        %sub3A_2583 = arith.subf %get3A_2488, %scan3A_2189 : vector<16xf32>
        %sub3A_2584 = arith.subf %get3A_2490, %scan3A_2197 : vector<16xf32>
        %sub3A_2585 = arith.subf %get3A_2492, %scan3A_2205 : vector<16xf32>
        %mul3A_2586 = arith.mulf %sub3A_2583, %sub3A_2583 : vector<16xf32>
        %mul3A_2587 = arith.mulf %sub3A_2584, %sub3A_2584 : vector<16xf32>
        %add3A_2588 = arith.addf %mul3A_2586, %mul3A_2587 : vector<16xf32>
        %mul3A_2589 = arith.mulf %sub3A_2585, %sub3A_2585 : vector<16xf32>
        %add3A_2590 = arith.addf %add3A_2588, %mul3A_2589 : vector<16xf32>
        %get3A_2591 = arith.constant 5 : i32
        %get3A_2592 = arith.index_cast %get3A_2591 : i32 to index
        %get3A_2593 = arith.constant 32 : index
        %get3A_2594 = tpu.vector_load %arg15[%get3A_2592, %get3A_2593] {strides = array<i32>} : memref<8x128xf32, #tpu.memory_space<vmem>>, vector<16xf32>,
        %sub3A_2595 = arith.subf %get3A_2594, %add3A_2590 : vector<16xf32>
        %gt3A_2596 = arith.cmpf ogt, %sub3A_2595, %max3A_2441 : vector<16xf32>
        %max3A_2597 = arith.maximumf %sub3A_2595, %max3A_2441 : vector<16xf32>
        %jit3A_2598 = arith.constant 2 : i32
        %broadcast_in_dim3A_2599 = vector.broadcast %jit3A_2598 : i32 to vector<16xi32>
        %select_n3A_2600 = arith.select %gt3A_2596, %broadcast_in_dim3A_2599, %select_n3A_2446 : vector<16xi1>, vector<16xi32>
        %sub3A_2601 = arith.subf %get3A_2488, %scan3A_2190 : vector<16xf32>
        %sub3A_2602 = arith.subf %get3A_2490, %scan3A_2198 : vector<16xf32>
        %sub3A_2603 = arith.subf %get3A_2492, %scan3A_2206 : vector<16xf32>
        %mul3A_2604 = arith.mulf %sub3A_2601, %sub3A_2601 : vector<16xf32>
        %mul3A_2605 = arith.mulf %sub3A_2602, %sub3A_2602 : vector<16xf32>
        %add3A_2606 = arith.addf %mul3A_2604, %mul3A_2605 : vector<16xf32>
        %mul3A_2607 = arith.mulf %sub3A_2603, %sub3A_2603 : vector<16xf32>
        %add3A_2608 = arith.addf %add3A_2606, %mul3A_2607 : vector<16xf32>
        %get3A_2609 = arith.constant 6 : i32
        %get3A_2610 = arith.index_cast %get3A_2609 : i32 to index
        %get3A_2611 = arith.constant 32 : index
        %get3A_2612 = tpu.vector_load %arg15[%get3A_2610, %get3A_2611] {strides = array<i32>} : memref<8x128xf32, #tpu.memory_space<vmem>>, vector<16xf32>,
        %sub3A_2613 = arith.subf %get3A_2612, %add3A_2608 : vector<16xf32>
        %gt3A_2614 = arith.cmpf ogt, %sub3A_2613, %max3A_2461 : vector<16xf32>
        %max3A_2615 = arith.maximumf %sub3A_2613, %max3A_2461 : vector<16xf32>
        %jit3A_2616 = arith.constant 2 : i32
        %broadcast_in_dim3A_2617 = vector.broadcast %jit3A_2616 : i32 to vector<16xi32>
        %select_n3A_2618 = arith.select %gt3A_2614, %broadcast_in_dim3A_2617, %select_n3A_2466 : vector<16xi1>, vector<16xi32>
        %sub3A_2619 = arith.subf %get3A_2488, %scan3A_2191 : vector<16xf32>
        %sub3A_2620 = arith.subf %get3A_2490, %scan3A_2199 : vector<16xf32>
        %sub3A_2621 = arith.subf %get3A_2492, %scan3A_2207 : vector<16xf32>
        %mul3A_2622 = arith.mulf %sub3A_2619, %sub3A_2619 : vector<16xf32>
        %mul3A_2623 = arith.mulf %sub3A_2620, %sub3A_2620 : vector<16xf32>
        %add3A_2624 = arith.addf %mul3A_2622, %mul3A_2623 : vector<16xf32>
        %mul3A_2625 = arith.mulf %sub3A_2621, %sub3A_2621 : vector<16xf32>
        %add3A_2626 = arith.addf %add3A_2624, %mul3A_2625 : vector<16xf32>
        %get3A_2627 = arith.constant 7 : i32
        %get3A_2628 = arith.index_cast %get3A_2627 : i32 to index
        %get3A_2629 = arith.constant 32 : index
        %get3A_2630 = tpu.vector_load %arg15[%get3A_2628, %get3A_2629] {strides = array<i32>} : memref<8x128xf32, #tpu.memory_space<vmem>>, vector<16xf32>,
        %sub3A_2631 = arith.subf %get3A_2630, %add3A_2626 : vector<16xf32>
        %gt3A_2632 = arith.cmpf ogt, %sub3A_2631, %max3A_2481 : vector<16xf32>
        %max3A_2633 = arith.maximumf %sub3A_2631, %max3A_2481 : vector<16xf32>
        %jit3A_2634 = arith.constant 2 : i32
        %broadcast_in_dim3A_2635 = vector.broadcast %jit3A_2634 : i32 to vector<16xi32>
        %select_n3A_2636 = arith.select %gt3A_2632, %broadcast_in_dim3A_2635, %select_n3A_2486 : vector<16xi1>, vector<16xi32>
        %get3A_2637 = arith.constant 48 : index
        %get3A_2638 = tpu.vector_load %arg10[%get3A_2637] {strides = array<i32>} : memref<384xf32, #tpu.memory_space<vmem>>, vector<16xf32>,
        %get3A_2639 = arith.constant 176 : index
        %get3A_2640 = tpu.vector_load %arg10[%get3A_2639] {strides = array<i32>} : memref<384xf32, #tpu.memory_space<vmem>>, vector<16xf32>,
        %get3A_2641 = arith.constant 304 : index
        %get3A_2642 = tpu.vector_load %arg10[%get3A_2641] {strides = array<i32>} : memref<384xf32, #tpu.memory_space<vmem>>, vector<16xf32>,
        %sub3A_2643 = arith.subf %get3A_2638, %scan3A_2184 : vector<16xf32>
        %sub3A_2644 = arith.subf %get3A_2640, %scan3A_2192 : vector<16xf32>
        %sub3A_2645 = arith.subf %get3A_2642, %scan3A_2200 : vector<16xf32>
        %mul3A_2646 = arith.mulf %sub3A_2643, %sub3A_2643 : vector<16xf32>
        %mul3A_2647 = arith.mulf %sub3A_2644, %sub3A_2644 : vector<16xf32>
        %add3A_2648 = arith.addf %mul3A_2646, %mul3A_2647 : vector<16xf32>
        %mul3A_2649 = arith.mulf %sub3A_2645, %sub3A_2645 : vector<16xf32>
        %add3A_2650 = arith.addf %add3A_2648, %mul3A_2649 : vector<16xf32>
        %get3A_2651 = arith.constant 0 : i32
        %get3A_2652 = arith.index_cast %get3A_2651 : i32 to index
        %get3A_2653 = arith.constant 48 : index
        %get3A_2654 = tpu.vector_load %arg15[%get3A_2652, %get3A_2653] {strides = array<i32>} : memref<8x128xf32, #tpu.memory_space<vmem>>, vector<16xf32>,
        %sub3A_2655 = arith.subf %get3A_2654, %add3A_2650 : vector<16xf32>
        %gt3A_2656 = arith.cmpf ogt, %sub3A_2655, %max3A_2507 : vector<16xf32>
        %max3A_2657 = arith.maximumf %sub3A_2655, %max3A_2507 : vector<16xf32>
        %jit3A_2658 = arith.constant 3 : i32
        %broadcast_in_dim3A_2659 = vector.broadcast %jit3A_2658 : i32 to vector<16xi32>
        %select_n3A_2660 = arith.select %gt3A_2656, %broadcast_in_dim3A_2659, %select_n3A_2510 : vector<16xi1>, vector<16xi32>
        %sub3A_2661 = arith.subf %get3A_2638, %scan3A_2185 : vector<16xf32>
        %sub3A_2662 = arith.subf %get3A_2640, %scan3A_2193 : vector<16xf32>
        %sub3A_2663 = arith.subf %get3A_2642, %scan3A_2201 : vector<16xf32>
        %mul3A_2664 = arith.mulf %sub3A_2661, %sub3A_2661 : vector<16xf32>
        %mul3A_2665 = arith.mulf %sub3A_2662, %sub3A_2662 : vector<16xf32>
        %add3A_2666 = arith.addf %mul3A_2664, %mul3A_2665 : vector<16xf32>
        %mul3A_2667 = arith.mulf %sub3A_2663, %sub3A_2663 : vector<16xf32>
        %add3A_2668 = arith.addf %add3A_2666, %mul3A_2667 : vector<16xf32>
        %get3A_2669 = arith.constant 1 : i32
        %get3A_2670 = arith.index_cast %get3A_2669 : i32 to index
        %get3A_2671 = arith.constant 48 : index
        %get3A_2672 = tpu.vector_load %arg15[%get3A_2670, %get3A_2671] {strides = array<i32>} : memref<8x128xf32, #tpu.memory_space<vmem>>, vector<16xf32>,
        %sub3A_2673 = arith.subf %get3A_2672, %add3A_2668 : vector<16xf32>
        %gt3A_2674 = arith.cmpf ogt, %sub3A_2673, %max3A_2525 : vector<16xf32>
        %max3A_2675 = arith.maximumf %sub3A_2673, %max3A_2525 : vector<16xf32>
        %jit3A_2676 = arith.constant 3 : i32
        %broadcast_in_dim3A_2677 = vector.broadcast %jit3A_2676 : i32 to vector<16xi32>
        %select_n3A_2678 = arith.select %gt3A_2674, %broadcast_in_dim3A_2677, %select_n3A_2528 : vector<16xi1>, vector<16xi32>
        %sub3A_2679 = arith.subf %get3A_2638, %scan3A_2186 : vector<16xf32>
        %sub3A_2680 = arith.subf %get3A_2640, %scan3A_2194 : vector<16xf32>
        %sub3A_2681 = arith.subf %get3A_2642, %scan3A_2202 : vector<16xf32>
        %mul3A_2682 = arith.mulf %sub3A_2679, %sub3A_2679 : vector<16xf32>
        %mul3A_2683 = arith.mulf %sub3A_2680, %sub3A_2680 : vector<16xf32>
        %add3A_2684 = arith.addf %mul3A_2682, %mul3A_2683 : vector<16xf32>
        %mul3A_2685 = arith.mulf %sub3A_2681, %sub3A_2681 : vector<16xf32>
        %add3A_2686 = arith.addf %add3A_2684, %mul3A_2685 : vector<16xf32>
        %get3A_2687 = arith.constant 2 : i32
        %get3A_2688 = arith.index_cast %get3A_2687 : i32 to index
        %get3A_2689 = arith.constant 48 : index
        %get3A_2690 = tpu.vector_load %arg15[%get3A_2688, %get3A_2689] {strides = array<i32>} : memref<8x128xf32, #tpu.memory_space<vmem>>, vector<16xf32>,
        %sub3A_2691 = arith.subf %get3A_2690, %add3A_2686 : vector<16xf32>
        %gt3A_2692 = arith.cmpf ogt, %sub3A_2691, %max3A_2543 : vector<16xf32>
        %max3A_2693 = arith.maximumf %sub3A_2691, %max3A_2543 : vector<16xf32>
        %jit3A_2694 = arith.constant 3 : i32
        %broadcast_in_dim3A_2695 = vector.broadcast %jit3A_2694 : i32 to vector<16xi32>
        %select_n3A_2696 = arith.select %gt3A_2692, %broadcast_in_dim3A_2695, %select_n3A_2546 : vector<16xi1>, vector<16xi32>
        %sub3A_2697 = arith.subf %get3A_2638, %scan3A_2187 : vector<16xf32>
        %sub3A_2698 = arith.subf %get3A_2640, %scan3A_2195 : vector<16xf32>
        %sub3A_2699 = arith.subf %get3A_2642, %scan3A_2203 : vector<16xf32>
        %mul3A_2700 = arith.mulf %sub3A_2697, %sub3A_2697 : vector<16xf32>
        %mul3A_2701 = arith.mulf %sub3A_2698, %sub3A_2698 : vector<16xf32>
        %add3A_2702 = arith.addf %mul3A_2700, %mul3A_2701 : vector<16xf32>
        %mul3A_2703 = arith.mulf %sub3A_2699, %sub3A_2699 : vector<16xf32>
        %add3A_2704 = arith.addf %add3A_2702, %mul3A_2703 : vector<16xf32>
        %get3A_2705 = arith.constant 3 : i32
        %get3A_2706 = arith.index_cast %get3A_2705 : i32 to index
        %get3A_2707 = arith.constant 48 : index
        %get3A_2708 = tpu.vector_load %arg15[%get3A_2706, %get3A_2707] {strides = array<i32>} : memref<8x128xf32, #tpu.memory_space<vmem>>, vector<16xf32>,
        %sub3A_2709 = arith.subf %get3A_2708, %add3A_2704 : vector<16xf32>
        %gt3A_2710 = arith.cmpf ogt, %sub3A_2709, %max3A_2561 : vector<16xf32>
        %max3A_2711 = arith.maximumf %sub3A_2709, %max3A_2561 : vector<16xf32>
        %jit3A_2712 = arith.constant 3 : i32
        %broadcast_in_dim3A_2713 = vector.broadcast %jit3A_2712 : i32 to vector<16xi32>
        %select_n3A_2714 = arith.select %gt3A_2710, %broadcast_in_dim3A_2713, %select_n3A_2564 : vector<16xi1>, vector<16xi32>
        %sub3A_2715 = arith.subf %get3A_2638, %scan3A_2188 : vector<16xf32>
        %sub3A_2716 = arith.subf %get3A_2640, %scan3A_2196 : vector<16xf32>
        %sub3A_2717 = arith.subf %get3A_2642, %scan3A_2204 : vector<16xf32>
        %mul3A_2718 = arith.mulf %sub3A_2715, %sub3A_2715 : vector<16xf32>
        %mul3A_2719 = arith.mulf %sub3A_2716, %sub3A_2716 : vector<16xf32>
        %add3A_2720 = arith.addf %mul3A_2718, %mul3A_2719 : vector<16xf32>
        %mul3A_2721 = arith.mulf %sub3A_2717, %sub3A_2717 : vector<16xf32>
        %add3A_2722 = arith.addf %add3A_2720, %mul3A_2721 : vector<16xf32>
        %get3A_2723 = arith.constant 4 : i32
        %get3A_2724 = arith.index_cast %get3A_2723 : i32 to index
        %get3A_2725 = arith.constant 48 : index
        %get3A_2726 = tpu.vector_load %arg15[%get3A_2724, %get3A_2725] {strides = array<i32>} : memref<8x128xf32, #tpu.memory_space<vmem>>, vector<16xf32>,
        %sub3A_2727 = arith.subf %get3A_2726, %add3A_2722 : vector<16xf32>
        %gt3A_2728 = arith.cmpf ogt, %sub3A_2727, %max3A_2579 : vector<16xf32>
        %max3A_2729 = arith.maximumf %sub3A_2727, %max3A_2579 : vector<16xf32>
        %jit3A_2730 = arith.constant 3 : i32
        %broadcast_in_dim3A_2731 = vector.broadcast %jit3A_2730 : i32 to vector<16xi32>
        %select_n3A_2732 = arith.select %gt3A_2728, %broadcast_in_dim3A_2731, %select_n3A_2582 : vector<16xi1>, vector<16xi32>
        %sub3A_2733 = arith.subf %get3A_2638, %scan3A_2189 : vector<16xf32>
        %sub3A_2734 = arith.subf %get3A_2640, %scan3A_2197 : vector<16xf32>
        %sub3A_2735 = arith.subf %get3A_2642, %scan3A_2205 : vector<16xf32>
        %mul3A_2736 = arith.mulf %sub3A_2733, %sub3A_2733 : vector<16xf32>
        %mul3A_2737 = arith.mulf %sub3A_2734, %sub3A_2734 : vector<16xf32>
        %add3A_2738 = arith.addf %mul3A_2736, %mul3A_2737 : vector<16xf32>
        %mul3A_2739 = arith.mulf %sub3A_2735, %sub3A_2735 : vector<16xf32>
        %add3A_2740 = arith.addf %add3A_2738, %mul3A_2739 : vector<16xf32>
        %get3A_2741 = arith.constant 5 : i32
        %get3A_2742 = arith.index_cast %get3A_2741 : i32 to index
        %get3A_2743 = arith.constant 48 : index
        %get3A_2744 = tpu.vector_load %arg15[%get3A_2742, %get3A_2743] {strides = array<i32>} : memref<8x128xf32, #tpu.memory_space<vmem>>, vector<16xf32>,
        %sub3A_2745 = arith.subf %get3A_2744, %add3A_2740 : vector<16xf32>
        %gt3A_2746 = arith.cmpf ogt, %sub3A_2745, %max3A_2597 : vector<16xf32>
        %max3A_2747 = arith.maximumf %sub3A_2745, %max3A_2597 : vector<16xf32>
        %jit3A_2748 = arith.constant 3 : i32
        %broadcast_in_dim3A_2749 = vector.broadcast %jit3A_2748 : i32 to vector<16xi32>
        %select_n3A_2750 = arith.select %gt3A_2746, %broadcast_in_dim3A_2749, %select_n3A_2600 : vector<16xi1>, vector<16xi32>
        %sub3A_2751 = arith.subf %get3A_2638, %scan3A_2190 : vector<16xf32>
        %sub3A_2752 = arith.subf %get3A_2640, %scan3A_2198 : vector<16xf32>
        %sub3A_2753 = arith.subf %get3A_2642, %scan3A_2206 : vector<16xf32>
        %mul3A_2754 = arith.mulf %sub3A_2751, %sub3A_2751 : vector<16xf32>
        %mul3A_2755 = arith.mulf %sub3A_2752, %sub3A_2752 : vector<16xf32>
        %add3A_2756 = arith.addf %mul3A_2754, %mul3A_2755 : vector<16xf32>
        %mul3A_2757 = arith.mulf %sub3A_2753, %sub3A_2753 : vector<16xf32>
        %add3A_2758 = arith.addf %add3A_2756, %mul3A_2757 : vector<16xf32>
        %get3A_2759 = arith.constant 6 : i32
        %get3A_2760 = arith.index_cast %get3A_2759 : i32 to index
        %get3A_2761 = arith.constant 48 : index
        %get3A_2762 = tpu.vector_load %arg15[%get3A_2760, %get3A_2761] {strides = array<i32>} : memref<8x128xf32, #tpu.memory_space<vmem>>, vector<16xf32>,
        %sub3A_2763 = arith.subf %get3A_2762, %add3A_2758 : vector<16xf32>
        %gt3A_2764 = arith.cmpf ogt, %sub3A_2763, %max3A_2615 : vector<16xf32>
        %max3A_2765 = arith.maximumf %sub3A_2763, %max3A_2615 : vector<16xf32>
        %jit3A_2766 = arith.constant 3 : i32
        %broadcast_in_dim3A_2767 = vector.broadcast %jit3A_2766 : i32 to vector<16xi32>
        %select_n3A_2768 = arith.select %gt3A_2764, %broadcast_in_dim3A_2767, %select_n3A_2618 : vector<16xi1>, vector<16xi32>
        %sub3A_2769 = arith.subf %get3A_2638, %scan3A_2191 : vector<16xf32>
        %sub3A_2770 = arith.subf %get3A_2640, %scan3A_2199 : vector<16xf32>
        %sub3A_2771 = arith.subf %get3A_2642, %scan3A_2207 : vector<16xf32>
        %mul3A_2772 = arith.mulf %sub3A_2769, %sub3A_2769 : vector<16xf32>
        %mul3A_2773 = arith.mulf %sub3A_2770, %sub3A_2770 : vector<16xf32>
        %add3A_2774 = arith.addf %mul3A_2772, %mul3A_2773 : vector<16xf32>
        %mul3A_2775 = arith.mulf %sub3A_2771, %sub3A_2771 : vector<16xf32>
        %add3A_2776 = arith.addf %add3A_2774, %mul3A_2775 : vector<16xf32>
        %get3A_2777 = arith.constant 7 : i32
        %get3A_2778 = arith.index_cast %get3A_2777 : i32 to index
        %get3A_2779 = arith.constant 48 : index
        %get3A_2780 = tpu.vector_load %arg15[%get3A_2778, %get3A_2779] {strides = array<i32>} : memref<8x128xf32, #tpu.memory_space<vmem>>, vector<16xf32>,
        %sub3A_2781 = arith.subf %get3A_2780, %add3A_2776 : vector<16xf32>
        %gt3A_2782 = arith.cmpf ogt, %sub3A_2781, %max3A_2633 : vector<16xf32>
        %max3A_2783 = arith.maximumf %sub3A_2781, %max3A_2633 : vector<16xf32>
        %jit3A_2784 = arith.constant 3 : i32
        %broadcast_in_dim3A_2785 = vector.broadcast %jit3A_2784 : i32 to vector<16xi32>
        %select_n3A_2786 = arith.select %gt3A_2782, %broadcast_in_dim3A_2785, %select_n3A_2636 : vector<16xi1>, vector<16xi32>
        %get3A_2787 = arith.constant 64 : index
        %get3A_2788 = tpu.vector_load %arg10[%get3A_2787] {strides = array<i32>} : memref<384xf32, #tpu.memory_space<vmem>>, vector<16xf32>,
        %get3A_2789 = arith.constant 192 : index
        %get3A_2790 = tpu.vector_load %arg10[%get3A_2789] {strides = array<i32>} : memref<384xf32, #tpu.memory_space<vmem>>, vector<16xf32>,
        %get3A_2791 = arith.constant 320 : index
        %get3A_2792 = tpu.vector_load %arg10[%get3A_2791] {strides = array<i32>} : memref<384xf32, #tpu.memory_space<vmem>>, vector<16xf32>,
        %sub3A_2793 = arith.subf %get3A_2788, %scan3A_2184 : vector<16xf32>
        %sub3A_2794 = arith.subf %get3A_2790, %scan3A_2192 : vector<16xf32>
        %sub3A_2795 = arith.subf %get3A_2792, %scan3A_2200 : vector<16xf32>
        %mul3A_2796 = arith.mulf %sub3A_2793, %sub3A_2793 : vector<16xf32>
        %mul3A_2797 = arith.mulf %sub3A_2794, %sub3A_2794 : vector<16xf32>
        %add3A_2798 = arith.addf %mul3A_2796, %mul3A_2797 : vector<16xf32>
        %mul3A_2799 = arith.mulf %sub3A_2795, %sub3A_2795 : vector<16xf32>
        %add3A_2800 = arith.addf %add3A_2798, %mul3A_2799 : vector<16xf32>
        %get3A_2801 = arith.constant 0 : i32
        %get3A_2802 = arith.index_cast %get3A_2801 : i32 to index
        %get3A_2803 = arith.constant 64 : index
        %get3A_2804 = tpu.vector_load %arg15[%get3A_2802, %get3A_2803] {strides = array<i32>} : memref<8x128xf32, #tpu.memory_space<vmem>>, vector<16xf32>,
        %sub3A_2805 = arith.subf %get3A_2804, %add3A_2800 : vector<16xf32>
        %gt3A_2806 = arith.cmpf ogt, %sub3A_2805, %max3A_2657 : vector<16xf32>
        %max3A_2807 = arith.maximumf %sub3A_2805, %max3A_2657 : vector<16xf32>
        %jit3A_2808 = arith.constant 4 : i32
        %broadcast_in_dim3A_2809 = vector.broadcast %jit3A_2808 : i32 to vector<16xi32>
        %select_n3A_2810 = arith.select %gt3A_2806, %broadcast_in_dim3A_2809, %select_n3A_2660 : vector<16xi1>, vector<16xi32>
        %sub3A_2811 = arith.subf %get3A_2788, %scan3A_2185 : vector<16xf32>
        %sub3A_2812 = arith.subf %get3A_2790, %scan3A_2193 : vector<16xf32>
        %sub3A_2813 = arith.subf %get3A_2792, %scan3A_2201 : vector<16xf32>
        %mul3A_2814 = arith.mulf %sub3A_2811, %sub3A_2811 : vector<16xf32>
        %mul3A_2815 = arith.mulf %sub3A_2812, %sub3A_2812 : vector<16xf32>
        %add3A_2816 = arith.addf %mul3A_2814, %mul3A_2815 : vector<16xf32>
        %mul3A_2817 = arith.mulf %sub3A_2813, %sub3A_2813 : vector<16xf32>
        %add3A_2818 = arith.addf %add3A_2816, %mul3A_2817 : vector<16xf32>
        %get3A_2819 = arith.constant 1 : i32
        %get3A_2820 = arith.index_cast %get3A_2819 : i32 to index
        %get3A_2821 = arith.constant 64 : index
        %get3A_2822 = tpu.vector_load %arg15[%get3A_2820, %get3A_2821] {strides = array<i32>} : memref<8x128xf32, #tpu.memory_space<vmem>>, vector<16xf32>,
        %sub3A_2823 = arith.subf %get3A_2822, %add3A_2818 : vector<16xf32>
        %gt3A_2824 = arith.cmpf ogt, %sub3A_2823, %max3A_2675 : vector<16xf32>
        %max3A_2825 = arith.maximumf %sub3A_2823, %max3A_2675 : vector<16xf32>
        %jit3A_2826 = arith.constant 4 : i32
        %broadcast_in_dim3A_2827 = vector.broadcast %jit3A_2826 : i32 to vector<16xi32>
        %select_n3A_2828 = arith.select %gt3A_2824, %broadcast_in_dim3A_2827, %select_n3A_2678 : vector<16xi1>, vector<16xi32>
        %sub3A_2829 = arith.subf %get3A_2788, %scan3A_2186 : vector<16xf32>
        %sub3A_2830 = arith.subf %get3A_2790, %scan3A_2194 : vector<16xf32>
        %sub3A_2831 = arith.subf %get3A_2792, %scan3A_2202 : vector<16xf32>
        %mul3A_2832 = arith.mulf %sub3A_2829, %sub3A_2829 : vector<16xf32>
        %mul3A_2833 = arith.mulf %sub3A_2830, %sub3A_2830 : vector<16xf32>
        %add3A_2834 = arith.addf %mul3A_2832, %mul3A_2833 : vector<16xf32>
        %mul3A_2835 = arith.mulf %sub3A_2831, %sub3A_2831 : vector<16xf32>
        %add3A_2836 = arith.addf %add3A_2834, %mul3A_2835 : vector<16xf32>
        %get3A_2837 = arith.constant 2 : i32
        %get3A_2838 = arith.index_cast %get3A_2837 : i32 to index
        %get3A_2839 = arith.constant 64 : index
        %get3A_2840 = tpu.vector_load %arg15[%get3A_2838, %get3A_2839] {strides = array<i32>} : memref<8x128xf32, #tpu.memory_space<vmem>>, vector<16xf32>,
        %sub3A_2841 = arith.subf %get3A_2840, %add3A_2836 : vector<16xf32>
        %gt3A_2842 = arith.cmpf ogt, %sub3A_2841, %max3A_2693 : vector<16xf32>
        %max3A_2843 = arith.maximumf %sub3A_2841, %max3A_2693 : vector<16xf32>
        %jit3A_2844 = arith.constant 4 : i32
        %broadcast_in_dim3A_2845 = vector.broadcast %jit3A_2844 : i32 to vector<16xi32>
        %select_n3A_2846 = arith.select %gt3A_2842, %broadcast_in_dim3A_2845, %select_n3A_2696 : vector<16xi1>, vector<16xi32>
        %sub3A_2847 = arith.subf %get3A_2788, %scan3A_2187 : vector<16xf32>
        %sub3A_2848 = arith.subf %get3A_2790, %scan3A_2195 : vector<16xf32>
        %sub3A_2849 = arith.subf %get3A_2792, %scan3A_2203 : vector<16xf32>
        %mul3A_2850 = arith.mulf %sub3A_2847, %sub3A_2847 : vector<16xf32>
        %mul3A_2851 = arith.mulf %sub3A_2848, %sub3A_2848 : vector<16xf32>
        %add3A_2852 = arith.addf %mul3A_2850, %mul3A_2851 : vector<16xf32>
        %mul3A_2853 = arith.mulf %sub3A_2849, %sub3A_2849 : vector<16xf32>
        %add3A_2854 = arith.addf %add3A_2852, %mul3A_2853 : vector<16xf32>
        %get3A_2855 = arith.constant 3 : i32
        %get3A_2856 = arith.index_cast %get3A_2855 : i32 to index
        %get3A_2857 = arith.constant 64 : index
        %get3A_2858 = tpu.vector_load %arg15[%get3A_2856, %get3A_2857] {strides = array<i32>} : memref<8x128xf32, #tpu.memory_space<vmem>>, vector<16xf32>,
        %sub3A_2859 = arith.subf %get3A_2858, %add3A_2854 : vector<16xf32>
        %gt3A_2860 = arith.cmpf ogt, %sub3A_2859, %max3A_2711 : vector<16xf32>
        %max3A_2861 = arith.maximumf %sub3A_2859, %max3A_2711 : vector<16xf32>
        %jit3A_2862 = arith.constant 4 : i32
        %broadcast_in_dim3A_2863 = vector.broadcast %jit3A_2862 : i32 to vector<16xi32>
        %select_n3A_2864 = arith.select %gt3A_2860, %broadcast_in_dim3A_2863, %select_n3A_2714 : vector<16xi1>, vector<16xi32>
        %sub3A_2865 = arith.subf %get3A_2788, %scan3A_2188 : vector<16xf32>
        %sub3A_2866 = arith.subf %get3A_2790, %scan3A_2196 : vector<16xf32>
        %sub3A_2867 = arith.subf %get3A_2792, %scan3A_2204 : vector<16xf32>
        %mul3A_2868 = arith.mulf %sub3A_2865, %sub3A_2865 : vector<16xf32>
        %mul3A_2869 = arith.mulf %sub3A_2866, %sub3A_2866 : vector<16xf32>
        %add3A_2870 = arith.addf %mul3A_2868, %mul3A_2869 : vector<16xf32>
        %mul3A_2871 = arith.mulf %sub3A_2867, %sub3A_2867 : vector<16xf32>
        %add3A_2872 = arith.addf %add3A_2870, %mul3A_2871 : vector<16xf32>
        %get3A_2873 = arith.constant 4 : i32
        %get3A_2874 = arith.index_cast %get3A_2873 : i32 to index
        %get3A_2875 = arith.constant 64 : index
        %get3A_2876 = tpu.vector_load %arg15[%get3A_2874, %get3A_2875] {strides = array<i32>} : memref<8x128xf32, #tpu.memory_space<vmem>>, vector<16xf32>,
        %sub3A_2877 = arith.subf %get3A_2876, %add3A_2872 : vector<16xf32>
        %gt3A_2878 = arith.cmpf ogt, %sub3A_2877, %max3A_2729 : vector<16xf32>
        %max3A_2879 = arith.maximumf %sub3A_2877, %max3A_2729 : vector<16xf32>
        %jit3A_2880 = arith.constant 4 : i32
        %broadcast_in_dim3A_2881 = vector.broadcast %jit3A_2880 : i32 to vector<16xi32>
        %select_n3A_2882 = arith.select %gt3A_2878, %broadcast_in_dim3A_2881, %select_n3A_2732 : vector<16xi1>, vector<16xi32>
        %sub3A_2883 = arith.subf %get3A_2788, %scan3A_2189 : vector<16xf32>
        %sub3A_2884 = arith.subf %get3A_2790, %scan3A_2197 : vector<16xf32>
        %sub3A_2885 = arith.subf %get3A_2792, %scan3A_2205 : vector<16xf32>
        %mul3A_2886 = arith.mulf %sub3A_2883, %sub3A_2883 : vector<16xf32>
        %mul3A_2887 = arith.mulf %sub3A_2884, %sub3A_2884 : vector<16xf32>
        %add3A_2888 = arith.addf %mul3A_2886, %mul3A_2887 : vector<16xf32>
        %mul3A_2889 = arith.mulf %sub3A_2885, %sub3A_2885 : vector<16xf32>
        %add3A_2890 = arith.addf %add3A_2888, %mul3A_2889 : vector<16xf32>
        %get3A_2891 = arith.constant 5 : i32
        %get3A_2892 = arith.index_cast %get3A_2891 : i32 to index
        %get3A_2893 = arith.constant 64 : index
        %get3A_2894 = tpu.vector_load %arg15[%get3A_2892, %get3A_2893] {strides = array<i32>} : memref<8x128xf32, #tpu.memory_space<vmem>>, vector<16xf32>,
        %sub3A_2895 = arith.subf %get3A_2894, %add3A_2890 : vector<16xf32>
        %gt3A_2896 = arith.cmpf ogt, %sub3A_2895, %max3A_2747 : vector<16xf32>
        %max3A_2897 = arith.maximumf %sub3A_2895, %max3A_2747 : vector<16xf32>
        %jit3A_2898 = arith.constant 4 : i32
        %broadcast_in_dim3A_2899 = vector.broadcast %jit3A_2898 : i32 to vector<16xi32>
        %select_n3A_2900 = arith.select %gt3A_2896, %broadcast_in_dim3A_2899, %select_n3A_2750 : vector<16xi1>, vector<16xi32>
        %sub3A_2901 = arith.subf %get3A_2788, %scan3A_2190 : vector<16xf32>
        %sub3A_2902 = arith.subf %get3A_2790, %scan3A_2198 : vector<16xf32>
        %sub3A_2903 = arith.subf %get3A_2792, %scan3A_2206 : vector<16xf32>
        %mul3A_2904 = arith.mulf %sub3A_2901, %sub3A_2901 : vector<16xf32>
        %mul3A_2905 = arith.mulf %sub3A_2902, %sub3A_2902 : vector<16xf32>
        %add3A_2906 = arith.addf %mul3A_2904, %mul3A_2905 : vector<16xf32>
        %mul3A_2907 = arith.mulf %sub3A_2903, %sub3A_2903 : vector<16xf32>
        %add3A_2908 = arith.addf %add3A_2906, %mul3A_2907 : vector<16xf32>
        %get3A_2909 = arith.constant 6 : i32
        %get3A_2910 = arith.index_cast %get3A_2909 : i32 to index
        %get3A_2911 = arith.constant 64 : index
        %get3A_2912 = tpu.vector_load %arg15[%get3A_2910, %get3A_2911] {strides = array<i32>} : memref<8x128xf32, #tpu.memory_space<vmem>>, vector<16xf32>,
        %sub3A_2913 = arith.subf %get3A_2912, %add3A_2908 : vector<16xf32>
        %gt3A_2914 = arith.cmpf ogt, %sub3A_2913, %max3A_2765 : vector<16xf32>
        %max3A_2915 = arith.maximumf %sub3A_2913, %max3A_2765 : vector<16xf32>
        %jit3A_2916 = arith.constant 4 : i32
        %broadcast_in_dim3A_2917 = vector.broadcast %jit3A_2916 : i32 to vector<16xi32>
        %select_n3A_2918 = arith.select %gt3A_2914, %broadcast_in_dim3A_2917, %select_n3A_2768 : vector<16xi1>, vector<16xi32>
        %sub3A_2919 = arith.subf %get3A_2788, %scan3A_2191 : vector<16xf32>
        %sub3A_2920 = arith.subf %get3A_2790, %scan3A_2199 : vector<16xf32>
        %sub3A_2921 = arith.subf %get3A_2792, %scan3A_2207 : vector<16xf32>
        %mul3A_2922 = arith.mulf %sub3A_2919, %sub3A_2919 : vector<16xf32>
        %mul3A_2923 = arith.mulf %sub3A_2920, %sub3A_2920 : vector<16xf32>
        %add3A_2924 = arith.addf %mul3A_2922, %mul3A_2923 : vector<16xf32>
        %mul3A_2925 = arith.mulf %sub3A_2921, %sub3A_2921 : vector<16xf32>
        %add3A_2926 = arith.addf %add3A_2924, %mul3A_2925 : vector<16xf32>
        %get3A_2927 = arith.constant 7 : i32
        %get3A_2928 = arith.index_cast %get3A_2927 : i32 to index
        %get3A_2929 = arith.constant 64 : index
        %get3A_2930 = tpu.vector_load %arg15[%get3A_2928, %get3A_2929] {strides = array<i32>} : memref<8x128xf32, #tpu.memory_space<vmem>>, vector<16xf32>,
        %sub3A_2931 = arith.subf %get3A_2930, %add3A_2926 : vector<16xf32>
        %gt3A_2932 = arith.cmpf ogt, %sub3A_2931, %max3A_2783 : vector<16xf32>
        %max3A_2933 = arith.maximumf %sub3A_2931, %max3A_2783 : vector<16xf32>
        %jit3A_2934 = arith.constant 4 : i32
        %broadcast_in_dim3A_2935 = vector.broadcast %jit3A_2934 : i32 to vector<16xi32>
        %select_n3A_2936 = arith.select %gt3A_2932, %broadcast_in_dim3A_2935, %select_n3A_2786 : vector<16xi1>, vector<16xi32>
        %get3A_2937 = arith.constant 80 : index
        %get3A_2938 = tpu.vector_load %arg10[%get3A_2937] {strides = array<i32>} : memref<384xf32, #tpu.memory_space<vmem>>, vector<16xf32>,
        %get3A_2939 = arith.constant 208 : index
        %get3A_2940 = tpu.vector_load %arg10[%get3A_2939] {strides = array<i32>} : memref<384xf32, #tpu.memory_space<vmem>>, vector<16xf32>,
        %get3A_2941 = arith.constant 336 : index
        %get3A_2942 = tpu.vector_load %arg10[%get3A_2941] {strides = array<i32>} : memref<384xf32, #tpu.memory_space<vmem>>, vector<16xf32>,
        %sub3A_2943 = arith.subf %get3A_2938, %scan3A_2184 : vector<16xf32>
        %sub3A_2944 = arith.subf %get3A_2940, %scan3A_2192 : vector<16xf32>
        %sub3A_2945 = arith.subf %get3A_2942, %scan3A_2200 : vector<16xf32>
        %mul3A_2946 = arith.mulf %sub3A_2943, %sub3A_2943 : vector<16xf32>
        %mul3A_2947 = arith.mulf %sub3A_2944, %sub3A_2944 : vector<16xf32>
        %add3A_2948 = arith.addf %mul3A_2946, %mul3A_2947 : vector<16xf32>
        %mul3A_2949 = arith.mulf %sub3A_2945, %sub3A_2945 : vector<16xf32>
        %add3A_2950 = arith.addf %add3A_2948, %mul3A_2949 : vector<16xf32>
        %get3A_2951 = arith.constant 0 : i32
        %get3A_2952 = arith.index_cast %get3A_2951 : i32 to index
        %get3A_2953 = arith.constant 80 : index
        %get3A_2954 = tpu.vector_load %arg15[%get3A_2952, %get3A_2953] {strides = array<i32>} : memref<8x128xf32, #tpu.memory_space<vmem>>, vector<16xf32>,
        %sub3A_2955 = arith.subf %get3A_2954, %add3A_2950 : vector<16xf32>
        %gt3A_2956 = arith.cmpf ogt, %sub3A_2955, %max3A_2807 : vector<16xf32>
        %max3A_2957 = arith.maximumf %sub3A_2955, %max3A_2807 : vector<16xf32>
        %jit3A_2958 = arith.constant 5 : i32
        %broadcast_in_dim3A_2959 = vector.broadcast %jit3A_2958 : i32 to vector<16xi32>
        %select_n3A_2960 = arith.select %gt3A_2956, %broadcast_in_dim3A_2959, %select_n3A_2810 : vector<16xi1>, vector<16xi32>
        %sub3A_2961 = arith.subf %get3A_2938, %scan3A_2185 : vector<16xf32>
        %sub3A_2962 = arith.subf %get3A_2940, %scan3A_2193 : vector<16xf32>
        %sub3A_2963 = arith.subf %get3A_2942, %scan3A_2201 : vector<16xf32>
        %mul3A_2964 = arith.mulf %sub3A_2961, %sub3A_2961 : vector<16xf32>
        %mul3A_2965 = arith.mulf %sub3A_2962, %sub3A_2962 : vector<16xf32>
        %add3A_2966 = arith.addf %mul3A_2964, %mul3A_2965 : vector<16xf32>
        %mul3A_2967 = arith.mulf %sub3A_2963, %sub3A_2963 : vector<16xf32>
        %add3A_2968 = arith.addf %add3A_2966, %mul3A_2967 : vector<16xf32>
        %get3A_2969 = arith.constant 1 : i32
        %get3A_2970 = arith.index_cast %get3A_2969 : i32 to index
        %get3A_2971 = arith.constant 80 : index
        %get3A_2972 = tpu.vector_load %arg15[%get3A_2970, %get3A_2971] {strides = array<i32>} : memref<8x128xf32, #tpu.memory_space<vmem>>, vector<16xf32>,
        %sub3A_2973 = arith.subf %get3A_2972, %add3A_2968 : vector<16xf32>
        %gt3A_2974 = arith.cmpf ogt, %sub3A_2973, %max3A_2825 : vector<16xf32>
        %max3A_2975 = arith.maximumf %sub3A_2973, %max3A_2825 : vector<16xf32>
        %jit3A_2976 = arith.constant 5 : i32
        %broadcast_in_dim3A_2977 = vector.broadcast %jit3A_2976 : i32 to vector<16xi32>
        %select_n3A_2978 = arith.select %gt3A_2974, %broadcast_in_dim3A_2977, %select_n3A_2828 : vector<16xi1>, vector<16xi32>
        %sub3A_2979 = arith.subf %get3A_2938, %scan3A_2186 : vector<16xf32>
        %sub3A_2980 = arith.subf %get3A_2940, %scan3A_2194 : vector<16xf32>
        %sub3A_2981 = arith.subf %get3A_2942, %scan3A_2202 : vector<16xf32>
        %mul3A_2982 = arith.mulf %sub3A_2979, %sub3A_2979 : vector<16xf32>
        %mul3A_2983 = arith.mulf %sub3A_2980, %sub3A_2980 : vector<16xf32>
        %add3A_2984 = arith.addf %mul3A_2982, %mul3A_2983 : vector<16xf32>
        %mul3A_2985 = arith.mulf %sub3A_2981, %sub3A_2981 : vector<16xf32>
        %add3A_2986 = arith.addf %add3A_2984, %mul3A_2985 : vector<16xf32>
        %get3A_2987 = arith.constant 2 : i32
        %get3A_2988 = arith.index_cast %get3A_2987 : i32 to index
        %get3A_2989 = arith.constant 80 : index
        %get3A_2990 = tpu.vector_load %arg15[%get3A_2988, %get3A_2989] {strides = array<i32>} : memref<8x128xf32, #tpu.memory_space<vmem>>, vector<16xf32>,
        %sub3A_2991 = arith.subf %get3A_2990, %add3A_2986 : vector<16xf32>
        %gt3A_2992 = arith.cmpf ogt, %sub3A_2991, %max3A_2843 : vector<16xf32>
        %max3A_2993 = arith.maximumf %sub3A_2991, %max3A_2843 : vector<16xf32>
        %jit3A_2994 = arith.constant 5 : i32
        %broadcast_in_dim3A_2995 = vector.broadcast %jit3A_2994 : i32 to vector<16xi32>
        %select_n3A_2996 = arith.select %gt3A_2992, %broadcast_in_dim3A_2995, %select_n3A_2846 : vector<16xi1>, vector<16xi32>
        %sub3A_2997 = arith.subf %get3A_2938, %scan3A_2187 : vector<16xf32>
        %sub3A_2998 = arith.subf %get3A_2940, %scan3A_2195 : vector<16xf32>
        %sub3A_2999 = arith.subf %get3A_2942, %scan3A_2203 : vector<16xf32>
        %mul3A_3000 = arith.mulf %sub3A_2997, %sub3A_2997 : vector<16xf32>
        %mul3A_3001 = arith.mulf %sub3A_2998, %sub3A_2998 : vector<16xf32>
        %add3A_3002 = arith.addf %mul3A_3000, %mul3A_3001 : vector<16xf32>
        %mul3A_3003 = arith.mulf %sub3A_2999, %sub3A_2999 : vector<16xf32>
        %add3A_3004 = arith.addf %add3A_3002, %mul3A_3003 : vector<16xf32>
        %get3A_3005 = arith.constant 3 : i32
        %get3A_3006 = arith.index_cast %get3A_3005 : i32 to index
        %get3A_3007 = arith.constant 80 : index
        %get3A_3008 = tpu.vector_load %arg15[%get3A_3006, %get3A_3007] {strides = array<i32>} : memref<8x128xf32, #tpu.memory_space<vmem>>, vector<16xf32>,
        %sub3A_3009 = arith.subf %get3A_3008, %add3A_3004 : vector<16xf32>
        %gt3A_3010 = arith.cmpf ogt, %sub3A_3009, %max3A_2861 : vector<16xf32>
        %max3A_3011 = arith.maximumf %sub3A_3009, %max3A_2861 : vector<16xf32>
        %jit3A_3012 = arith.constant 5 : i32
        %broadcast_in_dim3A_3013 = vector.broadcast %jit3A_3012 : i32 to vector<16xi32>
        %select_n3A_3014 = arith.select %gt3A_3010, %broadcast_in_dim3A_3013, %select_n3A_2864 : vector<16xi1>, vector<16xi32>
        %sub3A_3015 = arith.subf %get3A_2938, %scan3A_2188 : vector<16xf32>
        %sub3A_3016 = arith.subf %get3A_2940, %scan3A_2196 : vector<16xf32>
        %sub3A_3017 = arith.subf %get3A_2942, %scan3A_2204 : vector<16xf32>
        %mul3A_3018 = arith.mulf %sub3A_3015, %sub3A_3015 : vector<16xf32>
        %mul3A_3019 = arith.mulf %sub3A_3016, %sub3A_3016 : vector<16xf32>
        %add3A_3020 = arith.addf %mul3A_3018, %mul3A_3019 : vector<16xf32>
        %mul3A_3021 = arith.mulf %sub3A_3017, %sub3A_3017 : vector<16xf32>
        %add3A_3022 = arith.addf %add3A_3020, %mul3A_3021 : vector<16xf32>
        %get3A_3023 = arith.constant 4 : i32
        %get3A_3024 = arith.index_cast %get3A_3023 : i32 to index
        %get3A_3025 = arith.constant 80 : index
        %get3A_3026 = tpu.vector_load %arg15[%get3A_3024, %get3A_3025] {strides = array<i32>} : memref<8x128xf32, #tpu.memory_space<vmem>>, vector<16xf32>,
        %sub3A_3027 = arith.subf %get3A_3026, %add3A_3022 : vector<16xf32>
        %gt3A_3028 = arith.cmpf ogt, %sub3A_3027, %max3A_2879 : vector<16xf32>
        %max3A_3029 = arith.maximumf %sub3A_3027, %max3A_2879 : vector<16xf32>
        %jit3A_3030 = arith.constant 5 : i32
        %broadcast_in_dim3A_3031 = vector.broadcast %jit3A_3030 : i32 to vector<16xi32>
        %select_n3A_3032 = arith.select %gt3A_3028, %broadcast_in_dim3A_3031, %select_n3A_2882 : vector<16xi1>, vector<16xi32>
        %sub3A_3033 = arith.subf %get3A_2938, %scan3A_2189 : vector<16xf32>
        %sub3A_3034 = arith.subf %get3A_2940, %scan3A_2197 : vector<16xf32>
        %sub3A_3035 = arith.subf %get3A_2942, %scan3A_2205 : vector<16xf32>
        %mul3A_3036 = arith.mulf %sub3A_3033, %sub3A_3033 : vector<16xf32>
        %mul3A_3037 = arith.mulf %sub3A_3034, %sub3A_3034 : vector<16xf32>
        %add3A_3038 = arith.addf %mul3A_3036, %mul3A_3037 : vector<16xf32>
        %mul3A_3039 = arith.mulf %sub3A_3035, %sub3A_3035 : vector<16xf32>
        %add3A_3040 = arith.addf %add3A_3038, %mul3A_3039 : vector<16xf32>
        %get3A_3041 = arith.constant 5 : i32
        %get3A_3042 = arith.index_cast %get3A_3041 : i32 to index
        %get3A_3043 = arith.constant 80 : index
        %get3A_3044 = tpu.vector_load %arg15[%get3A_3042, %get3A_3043] {strides = array<i32>} : memref<8x128xf32, #tpu.memory_space<vmem>>, vector<16xf32>,
        %sub3A_3045 = arith.subf %get3A_3044, %add3A_3040 : vector<16xf32>
        %gt3A_3046 = arith.cmpf ogt, %sub3A_3045, %max3A_2897 : vector<16xf32>
        %max3A_3047 = arith.maximumf %sub3A_3045, %max3A_2897 : vector<16xf32>
        %jit3A_3048 = arith.constant 5 : i32
        %broadcast_in_dim3A_3049 = vector.broadcast %jit3A_3048 : i32 to vector<16xi32>
        %select_n3A_3050 = arith.select %gt3A_3046, %broadcast_in_dim3A_3049, %select_n3A_2900 : vector<16xi1>, vector<16xi32>
        %sub3A_3051 = arith.subf %get3A_2938, %scan3A_2190 : vector<16xf32>
        %sub3A_3052 = arith.subf %get3A_2940, %scan3A_2198 : vector<16xf32>
        %sub3A_3053 = arith.subf %get3A_2942, %scan3A_2206 : vector<16xf32>
        %mul3A_3054 = arith.mulf %sub3A_3051, %sub3A_3051 : vector<16xf32>
        %mul3A_3055 = arith.mulf %sub3A_3052, %sub3A_3052 : vector<16xf32>
        %add3A_3056 = arith.addf %mul3A_3054, %mul3A_3055 : vector<16xf32>
        %mul3A_3057 = arith.mulf %sub3A_3053, %sub3A_3053 : vector<16xf32>
        %add3A_3058 = arith.addf %add3A_3056, %mul3A_3057 : vector<16xf32>
        %get3A_3059 = arith.constant 6 : i32
        %get3A_3060 = arith.index_cast %get3A_3059 : i32 to index
        %get3A_3061 = arith.constant 80 : index
        %get3A_3062 = tpu.vector_load %arg15[%get3A_3060, %get3A_3061] {strides = array<i32>} : memref<8x128xf32, #tpu.memory_space<vmem>>, vector<16xf32>,
        %sub3A_3063 = arith.subf %get3A_3062, %add3A_3058 : vector<16xf32>
        %gt3A_3064 = arith.cmpf ogt, %sub3A_3063, %max3A_2915 : vector<16xf32>
        %max3A_3065 = arith.maximumf %sub3A_3063, %max3A_2915 : vector<16xf32>
        %jit3A_3066 = arith.constant 5 : i32
        %broadcast_in_dim3A_3067 = vector.broadcast %jit3A_3066 : i32 to vector<16xi32>
        %select_n3A_3068 = arith.select %gt3A_3064, %broadcast_in_dim3A_3067, %select_n3A_2918 : vector<16xi1>, vector<16xi32>
        %sub3A_3069 = arith.subf %get3A_2938, %scan3A_2191 : vector<16xf32>
        %sub3A_3070 = arith.subf %get3A_2940, %scan3A_2199 : vector<16xf32>
        %sub3A_3071 = arith.subf %get3A_2942, %scan3A_2207 : vector<16xf32>
        %mul3A_3072 = arith.mulf %sub3A_3069, %sub3A_3069 : vector<16xf32>
        %mul3A_3073 = arith.mulf %sub3A_3070, %sub3A_3070 : vector<16xf32>
        %add3A_3074 = arith.addf %mul3A_3072, %mul3A_3073 : vector<16xf32>
        %mul3A_3075 = arith.mulf %sub3A_3071, %sub3A_3071 : vector<16xf32>
        %add3A_3076 = arith.addf %add3A_3074, %mul3A_3075 : vector<16xf32>
        %get3A_3077 = arith.constant 7 : i32
        %get3A_3078 = arith.index_cast %get3A_3077 : i32 to index
        %get3A_3079 = arith.constant 80 : index
        %get3A_3080 = tpu.vector_load %arg15[%get3A_3078, %get3A_3079] {strides = array<i32>} : memref<8x128xf32, #tpu.memory_space<vmem>>, vector<16xf32>,
        %sub3A_3081 = arith.subf %get3A_3080, %add3A_3076 : vector<16xf32>
        %gt3A_3082 = arith.cmpf ogt, %sub3A_3081, %max3A_2933 : vector<16xf32>
        %max3A_3083 = arith.maximumf %sub3A_3081, %max3A_2933 : vector<16xf32>
        %jit3A_3084 = arith.constant 5 : i32
        %broadcast_in_dim3A_3085 = vector.broadcast %jit3A_3084 : i32 to vector<16xi32>
        %select_n3A_3086 = arith.select %gt3A_3082, %broadcast_in_dim3A_3085, %select_n3A_2936 : vector<16xi1>, vector<16xi32>
        %get3A_3087 = arith.constant 96 : index
        %get3A_3088 = tpu.vector_load %arg10[%get3A_3087] {strides = array<i32>} : memref<384xf32, #tpu.memory_space<vmem>>, vector<16xf32>,
        %get3A_3089 = arith.constant 224 : index
        %get3A_3090 = tpu.vector_load %arg10[%get3A_3089] {strides = array<i32>} : memref<384xf32, #tpu.memory_space<vmem>>, vector<16xf32>,
        %get3A_3091 = arith.constant 352 : index
        %get3A_3092 = tpu.vector_load %arg10[%get3A_3091] {strides = array<i32>} : memref<384xf32, #tpu.memory_space<vmem>>, vector<16xf32>,
        %sub3A_3093 = arith.subf %get3A_3088, %scan3A_2184 : vector<16xf32>
        %sub3A_3094 = arith.subf %get3A_3090, %scan3A_2192 : vector<16xf32>
        %sub3A_3095 = arith.subf %get3A_3092, %scan3A_2200 : vector<16xf32>
        %mul3A_3096 = arith.mulf %sub3A_3093, %sub3A_3093 : vector<16xf32>
        %mul3A_3097 = arith.mulf %sub3A_3094, %sub3A_3094 : vector<16xf32>
        %add3A_3098 = arith.addf %mul3A_3096, %mul3A_3097 : vector<16xf32>
        %mul3A_3099 = arith.mulf %sub3A_3095, %sub3A_3095 : vector<16xf32>
        %add3A_3100 = arith.addf %add3A_3098, %mul3A_3099 : vector<16xf32>
        %get3A_3101 = arith.constant 0 : i32
        %get3A_3102 = arith.index_cast %get3A_3101 : i32 to index
        %get3A_3103 = arith.constant 96 : index
        %get3A_3104 = tpu.vector_load %arg15[%get3A_3102, %get3A_3103] {strides = array<i32>} : memref<8x128xf32, #tpu.memory_space<vmem>>, vector<16xf32>,
        %sub3A_3105 = arith.subf %get3A_3104, %add3A_3100 : vector<16xf32>
        %gt3A_3106 = arith.cmpf ogt, %sub3A_3105, %max3A_2957 : vector<16xf32>
        %max3A_3107 = arith.maximumf %sub3A_3105, %max3A_2957 : vector<16xf32>
        %jit3A_3108 = arith.constant 6 : i32
        %broadcast_in_dim3A_3109 = vector.broadcast %jit3A_3108 : i32 to vector<16xi32>
        %select_n3A_3110 = arith.select %gt3A_3106, %broadcast_in_dim3A_3109, %select_n3A_2960 : vector<16xi1>, vector<16xi32>
        %sub3A_3111 = arith.subf %get3A_3088, %scan3A_2185 : vector<16xf32>
        %sub3A_3112 = arith.subf %get3A_3090, %scan3A_2193 : vector<16xf32>
        %sub3A_3113 = arith.subf %get3A_3092, %scan3A_2201 : vector<16xf32>
        %mul3A_3114 = arith.mulf %sub3A_3111, %sub3A_3111 : vector<16xf32>
        %mul3A_3115 = arith.mulf %sub3A_3112, %sub3A_3112 : vector<16xf32>
        %add3A_3116 = arith.addf %mul3A_3114, %mul3A_3115 : vector<16xf32>
        %mul3A_3117 = arith.mulf %sub3A_3113, %sub3A_3113 : vector<16xf32>
        %add3A_3118 = arith.addf %add3A_3116, %mul3A_3117 : vector<16xf32>
        %get3A_3119 = arith.constant 1 : i32
        %get3A_3120 = arith.index_cast %get3A_3119 : i32 to index
        %get3A_3121 = arith.constant 96 : index
        %get3A_3122 = tpu.vector_load %arg15[%get3A_3120, %get3A_3121] {strides = array<i32>} : memref<8x128xf32, #tpu.memory_space<vmem>>, vector<16xf32>,
        %sub3A_3123 = arith.subf %get3A_3122, %add3A_3118 : vector<16xf32>
        %gt3A_3124 = arith.cmpf ogt, %sub3A_3123, %max3A_2975 : vector<16xf32>
        %max3A_3125 = arith.maximumf %sub3A_3123, %max3A_2975 : vector<16xf32>
        %jit3A_3126 = arith.constant 6 : i32
        %broadcast_in_dim3A_3127 = vector.broadcast %jit3A_3126 : i32 to vector<16xi32>
        %select_n3A_3128 = arith.select %gt3A_3124, %broadcast_in_dim3A_3127, %select_n3A_2978 : vector<16xi1>, vector<16xi32>
        %sub3A_3129 = arith.subf %get3A_3088, %scan3A_2186 : vector<16xf32>
        %sub3A_3130 = arith.subf %get3A_3090, %scan3A_2194 : vector<16xf32>
        %sub3A_3131 = arith.subf %get3A_3092, %scan3A_2202 : vector<16xf32>
        %mul3A_3132 = arith.mulf %sub3A_3129, %sub3A_3129 : vector<16xf32>
        %mul3A_3133 = arith.mulf %sub3A_3130, %sub3A_3130 : vector<16xf32>
        %add3A_3134 = arith.addf %mul3A_3132, %mul3A_3133 : vector<16xf32>
        %mul3A_3135 = arith.mulf %sub3A_3131, %sub3A_3131 : vector<16xf32>
        %add3A_3136 = arith.addf %add3A_3134, %mul3A_3135 : vector<16xf32>
        %get3A_3137 = arith.constant 2 : i32
        %get3A_3138 = arith.index_cast %get3A_3137 : i32 to index
        %get3A_3139 = arith.constant 96 : index
        %get3A_3140 = tpu.vector_load %arg15[%get3A_3138, %get3A_3139] {strides = array<i32>} : memref<8x128xf32, #tpu.memory_space<vmem>>, vector<16xf32>,
        %sub3A_3141 = arith.subf %get3A_3140, %add3A_3136 : vector<16xf32>
        %gt3A_3142 = arith.cmpf ogt, %sub3A_3141, %max3A_2993 : vector<16xf32>
        %max3A_3143 = arith.maximumf %sub3A_3141, %max3A_2993 : vector<16xf32>
        %jit3A_3144 = arith.constant 6 : i32
        %broadcast_in_dim3A_3145 = vector.broadcast %jit3A_3144 : i32 to vector<16xi32>
        %select_n3A_3146 = arith.select %gt3A_3142, %broadcast_in_dim3A_3145, %select_n3A_2996 : vector<16xi1>, vector<16xi32>
        %sub3A_3147 = arith.subf %get3A_3088, %scan3A_2187 : vector<16xf32>
        %sub3A_3148 = arith.subf %get3A_3090, %scan3A_2195 : vector<16xf32>
        %sub3A_3149 = arith.subf %get3A_3092, %scan3A_2203 : vector<16xf32>
        %mul3A_3150 = arith.mulf %sub3A_3147, %sub3A_3147 : vector<16xf32>
        %mul3A_3151 = arith.mulf %sub3A_3148, %sub3A_3148 : vector<16xf32>
        %add3A_3152 = arith.addf %mul3A_3150, %mul3A_3151 : vector<16xf32>
        %mul3A_3153 = arith.mulf %sub3A_3149, %sub3A_3149 : vector<16xf32>
        %add3A_3154 = arith.addf %add3A_3152, %mul3A_3153 : vector<16xf32>
        %get3A_3155 = arith.constant 3 : i32
        %get3A_3156 = arith.index_cast %get3A_3155 : i32 to index
        %get3A_3157 = arith.constant 96 : index
        %get3A_3158 = tpu.vector_load %arg15[%get3A_3156, %get3A_3157] {strides = array<i32>} : memref<8x128xf32, #tpu.memory_space<vmem>>, vector<16xf32>,
        %sub3A_3159 = arith.subf %get3A_3158, %add3A_3154 : vector<16xf32>
        %gt3A_3160 = arith.cmpf ogt, %sub3A_3159, %max3A_3011 : vector<16xf32>
        %max3A_3161 = arith.maximumf %sub3A_3159, %max3A_3011 : vector<16xf32>
        %jit3A_3162 = arith.constant 6 : i32
        %broadcast_in_dim3A_3163 = vector.broadcast %jit3A_3162 : i32 to vector<16xi32>
        %select_n3A_3164 = arith.select %gt3A_3160, %broadcast_in_dim3A_3163, %select_n3A_3014 : vector<16xi1>, vector<16xi32>
        %sub3A_3165 = arith.subf %get3A_3088, %scan3A_2188 : vector<16xf32>
        %sub3A_3166 = arith.subf %get3A_3090, %scan3A_2196 : vector<16xf32>
        %sub3A_3167 = arith.subf %get3A_3092, %scan3A_2204 : vector<16xf32>
        %mul3A_3168 = arith.mulf %sub3A_3165, %sub3A_3165 : vector<16xf32>
        %mul3A_3169 = arith.mulf %sub3A_3166, %sub3A_3166 : vector<16xf32>
        %add3A_3170 = arith.addf %mul3A_3168, %mul3A_3169 : vector<16xf32>
        %mul3A_3171 = arith.mulf %sub3A_3167, %sub3A_3167 : vector<16xf32>
        %add3A_3172 = arith.addf %add3A_3170, %mul3A_3171 : vector<16xf32>
        %get3A_3173 = arith.constant 4 : i32
        %get3A_3174 = arith.index_cast %get3A_3173 : i32 to index
        %get3A_3175 = arith.constant 96 : index
        %get3A_3176 = tpu.vector_load %arg15[%get3A_3174, %get3A_3175] {strides = array<i32>} : memref<8x128xf32, #tpu.memory_space<vmem>>, vector<16xf32>,
        %sub3A_3177 = arith.subf %get3A_3176, %add3A_3172 : vector<16xf32>
        %gt3A_3178 = arith.cmpf ogt, %sub3A_3177, %max3A_3029 : vector<16xf32>
        %max3A_3179 = arith.maximumf %sub3A_3177, %max3A_3029 : vector<16xf32>
        %jit3A_3180 = arith.constant 6 : i32
        %broadcast_in_dim3A_3181 = vector.broadcast %jit3A_3180 : i32 to vector<16xi32>
        %select_n3A_3182 = arith.select %gt3A_3178, %broadcast_in_dim3A_3181, %select_n3A_3032 : vector<16xi1>, vector<16xi32>
        %sub3A_3183 = arith.subf %get3A_3088, %scan3A_2189 : vector<16xf32>
        %sub3A_3184 = arith.subf %get3A_3090, %scan3A_2197 : vector<16xf32>
        %sub3A_3185 = arith.subf %get3A_3092, %scan3A_2205 : vector<16xf32>
        %mul3A_3186 = arith.mulf %sub3A_3183, %sub3A_3183 : vector<16xf32>
        %mul3A_3187 = arith.mulf %sub3A_3184, %sub3A_3184 : vector<16xf32>
        %add3A_3188 = arith.addf %mul3A_3186, %mul3A_3187 : vector<16xf32>
        %mul3A_3189 = arith.mulf %sub3A_3185, %sub3A_3185 : vector<16xf32>
        %add3A_3190 = arith.addf %add3A_3188, %mul3A_3189 : vector<16xf32>
        %get3A_3191 = arith.constant 5 : i32
        %get3A_3192 = arith.index_cast %get3A_3191 : i32 to index
        %get3A_3193 = arith.constant 96 : index
        %get3A_3194 = tpu.vector_load %arg15[%get3A_3192, %get3A_3193] {strides = array<i32>} : memref<8x128xf32, #tpu.memory_space<vmem>>, vector<16xf32>,
        %sub3A_3195 = arith.subf %get3A_3194, %add3A_3190 : vector<16xf32>
        %gt3A_3196 = arith.cmpf ogt, %sub3A_3195, %max3A_3047 : vector<16xf32>
        %max3A_3197 = arith.maximumf %sub3A_3195, %max3A_3047 : vector<16xf32>
        %jit3A_3198 = arith.constant 6 : i32
        %broadcast_in_dim3A_3199 = vector.broadcast %jit3A_3198 : i32 to vector<16xi32>
        %select_n3A_3200 = arith.select %gt3A_3196, %broadcast_in_dim3A_3199, %select_n3A_3050 : vector<16xi1>, vector<16xi32>
        %sub3A_3201 = arith.subf %get3A_3088, %scan3A_2190 : vector<16xf32>
        %sub3A_3202 = arith.subf %get3A_3090, %scan3A_2198 : vector<16xf32>
        %sub3A_3203 = arith.subf %get3A_3092, %scan3A_2206 : vector<16xf32>
        %mul3A_3204 = arith.mulf %sub3A_3201, %sub3A_3201 : vector<16xf32>
        %mul3A_3205 = arith.mulf %sub3A_3202, %sub3A_3202 : vector<16xf32>
        %add3A_3206 = arith.addf %mul3A_3204, %mul3A_3205 : vector<16xf32>
        %mul3A_3207 = arith.mulf %sub3A_3203, %sub3A_3203 : vector<16xf32>
        %add3A_3208 = arith.addf %add3A_3206, %mul3A_3207 : vector<16xf32>
        %get3A_3209 = arith.constant 6 : i32
        %get3A_3210 = arith.index_cast %get3A_3209 : i32 to index
        %get3A_3211 = arith.constant 96 : index
        %get3A_3212 = tpu.vector_load %arg15[%get3A_3210, %get3A_3211] {strides = array<i32>} : memref<8x128xf32, #tpu.memory_space<vmem>>, vector<16xf32>,
        %sub3A_3213 = arith.subf %get3A_3212, %add3A_3208 : vector<16xf32>
        %gt3A_3214 = arith.cmpf ogt, %sub3A_3213, %max3A_3065 : vector<16xf32>
        %max3A_3215 = arith.maximumf %sub3A_3213, %max3A_3065 : vector<16xf32>
        %jit3A_3216 = arith.constant 6 : i32
        %broadcast_in_dim3A_3217 = vector.broadcast %jit3A_3216 : i32 to vector<16xi32>
        %select_n3A_3218 = arith.select %gt3A_3214, %broadcast_in_dim3A_3217, %select_n3A_3068 : vector<16xi1>, vector<16xi32>
        %sub3A_3219 = arith.subf %get3A_3088, %scan3A_2191 : vector<16xf32>
        %sub3A_3220 = arith.subf %get3A_3090, %scan3A_2199 : vector<16xf32>
        %sub3A_3221 = arith.subf %get3A_3092, %scan3A_2207 : vector<16xf32>
        %mul3A_3222 = arith.mulf %sub3A_3219, %sub3A_3219 : vector<16xf32>
        %mul3A_3223 = arith.mulf %sub3A_3220, %sub3A_3220 : vector<16xf32>
        %add3A_3224 = arith.addf %mul3A_3222, %mul3A_3223 : vector<16xf32>
        %mul3A_3225 = arith.mulf %sub3A_3221, %sub3A_3221 : vector<16xf32>
        %add3A_3226 = arith.addf %add3A_3224, %mul3A_3225 : vector<16xf32>
        %get3A_3227 = arith.constant 7 : i32
        %get3A_3228 = arith.index_cast %get3A_3227 : i32 to index
        %get3A_3229 = arith.constant 96 : index
        %get3A_3230 = tpu.vector_load %arg15[%get3A_3228, %get3A_3229] {strides = array<i32>} : memref<8x128xf32, #tpu.memory_space<vmem>>, vector<16xf32>,
        %sub3A_3231 = arith.subf %get3A_3230, %add3A_3226 : vector<16xf32>
        %gt3A_3232 = arith.cmpf ogt, %sub3A_3231, %max3A_3083 : vector<16xf32>
        %max3A_3233 = arith.maximumf %sub3A_3231, %max3A_3083 : vector<16xf32>
        %jit3A_3234 = arith.constant 6 : i32
        %broadcast_in_dim3A_3235 = vector.broadcast %jit3A_3234 : i32 to vector<16xi32>
        %select_n3A_3236 = arith.select %gt3A_3232, %broadcast_in_dim3A_3235, %select_n3A_3086 : vector<16xi1>, vector<16xi32>
        %get3A_3237 = arith.constant 112 : index
        %get3A_3238 = tpu.vector_load %arg10[%get3A_3237] {strides = array<i32>} : memref<384xf32, #tpu.memory_space<vmem>>, vector<16xf32>,
        %get3A_3239 = arith.constant 240 : index
        %get3A_3240 = tpu.vector_load %arg10[%get3A_3239] {strides = array<i32>} : memref<384xf32, #tpu.memory_space<vmem>>, vector<16xf32>,
        %get3A_3241 = arith.constant 368 : index
        %get3A_3242 = tpu.vector_load %arg10[%get3A_3241] {strides = array<i32>} : memref<384xf32, #tpu.memory_space<vmem>>, vector<16xf32>,
        %sub3A_3243 = arith.subf %get3A_3238, %scan3A_2184 : vector<16xf32>
        %sub3A_3244 = arith.subf %get3A_3240, %scan3A_2192 : vector<16xf32>
        %sub3A_3245 = arith.subf %get3A_3242, %scan3A_2200 : vector<16xf32>
        %mul3A_3246 = arith.mulf %sub3A_3243, %sub3A_3243 : vector<16xf32>
        %mul3A_3247 = arith.mulf %sub3A_3244, %sub3A_3244 : vector<16xf32>
        %add3A_3248 = arith.addf %mul3A_3246, %mul3A_3247 : vector<16xf32>
        %mul3A_3249 = arith.mulf %sub3A_3245, %sub3A_3245 : vector<16xf32>
        %add3A_3250 = arith.addf %add3A_3248, %mul3A_3249 : vector<16xf32>
        %get3A_3251 = arith.constant 0 : i32
        %get3A_3252 = arith.index_cast %get3A_3251 : i32 to index
        %get3A_3253 = arith.constant 112 : index
        %get3A_3254 = tpu.vector_load %arg15[%get3A_3252, %get3A_3253] {strides = array<i32>} : memref<8x128xf32, #tpu.memory_space<vmem>>, vector<16xf32>,
        %sub3A_3255 = arith.subf %get3A_3254, %add3A_3250 : vector<16xf32>
        %get3A_3256 = arith.constant 0 : i32
        %get3A_3257 = arith.constant 0 : i32
        %get3A_3258 = arith.index_cast %get3A_3256 : i32 to index
        %get3A_3259 = arith.index_cast %get3A_3257 : i32 to index
        %get3A_3260 = arith.constant 0 : index
        %get3A_3261 = tpu.vector_load %arg18[%get3A_3258, %get3A_3259, %get3A_3260] {strides = array<i32>} : memref<3x8x16xf32, #tpu.memory_space<vmem>>, vector<16xf32>,
        %sub3A_3262 = arith.subf %get3A_3261, %scan3A_2184 : vector<16xf32>
        %get3A_3263 = arith.constant 1 : i32
        %get3A_3264 = arith.constant 0 : i32
        %get3A_3265 = arith.index_cast %get3A_3263 : i32 to index
        %get3A_3266 = arith.index_cast %get3A_3264 : i32 to index
        %get3A_3267 = arith.constant 0 : index
        %get3A_3268 = tpu.vector_load %arg18[%get3A_3265, %get3A_3266, %get3A_3267] {strides = array<i32>} : memref<3x8x16xf32, #tpu.memory_space<vmem>>, vector<16xf32>,
        %sub3A_3269 = arith.subf %get3A_3268, %scan3A_2192 : vector<16xf32>
        %get3A_3270 = arith.constant 2 : i32
        %get3A_3271 = arith.constant 0 : i32
        %get3A_3272 = arith.index_cast %get3A_3270 : i32 to index
        %get3A_3273 = arith.index_cast %get3A_3271 : i32 to index
        %get3A_3274 = arith.constant 0 : index
        %get3A_3275 = tpu.vector_load %arg18[%get3A_3272, %get3A_3273, %get3A_3274] {strides = array<i32>} : memref<3x8x16xf32, #tpu.memory_space<vmem>>, vector<16xf32>,
        %sub3A_3276 = arith.subf %get3A_3275, %scan3A_2200 : vector<16xf32>
        %mul3A_3277 = arith.mulf %sub3A_3262, %sub3A_3262 : vector<16xf32>
        %mul3A_3278 = arith.mulf %sub3A_3269, %sub3A_3269 : vector<16xf32>
        %add3A_3279 = arith.addf %mul3A_3277, %mul3A_3278 : vector<16xf32>
        %mul3A_3280 = arith.mulf %sub3A_3276, %sub3A_3276 : vector<16xf32>
        %add3A_3281 = arith.addf %add3A_3279, %mul3A_3280 : vector<16xf32>
        %neg3A = arith.constant 0.000000e+00 : f32
        %neg3A_3282 = vector.broadcast %neg3A : f32 to vector<16xf32>
        %neg3A_3283 = arith.subf %neg3A_3282, %add3A_3281 : vector<16xf32>
        %select_n3A_3284 = arith.select %eq3A_31, %neg3A_3283, %sub3A_3255 : vector<16xi1>, vector<16xf32>
        %gt3A_3285 = arith.cmpf ogt, %select_n3A_3284, %max3A_3107 : vector<16xf32>
        %max3A_3286 = arith.maximumf %select_n3A_3284, %max3A_3107 : vector<16xf32>
        %jit3A_3287 = arith.constant 7 : i32
        %broadcast_in_dim3A_3288 = vector.broadcast %jit3A_3287 : i32 to vector<16xi32>
        %select_n3A_3289 = arith.select %gt3A_3285, %broadcast_in_dim3A_3288, %select_n3A_3110 : vector<16xi1>, vector<16xi32>
        %sub3A_3290 = arith.subf %get3A_3238, %scan3A_2185 : vector<16xf32>
        %sub3A_3291 = arith.subf %get3A_3240, %scan3A_2193 : vector<16xf32>
        %sub3A_3292 = arith.subf %get3A_3242, %scan3A_2201 : vector<16xf32>
        %mul3A_3293 = arith.mulf %sub3A_3290, %sub3A_3290 : vector<16xf32>
        %mul3A_3294 = arith.mulf %sub3A_3291, %sub3A_3291 : vector<16xf32>
        %add3A_3295 = arith.addf %mul3A_3293, %mul3A_3294 : vector<16xf32>
        %mul3A_3296 = arith.mulf %sub3A_3292, %sub3A_3292 : vector<16xf32>
        %add3A_3297 = arith.addf %add3A_3295, %mul3A_3296 : vector<16xf32>
        %get3A_3298 = arith.constant 1 : i32
        %get3A_3299 = arith.index_cast %get3A_3298 : i32 to index
        %get3A_3300 = arith.constant 112 : index
        %get3A_3301 = tpu.vector_load %arg15[%get3A_3299, %get3A_3300] {strides = array<i32>} : memref<8x128xf32, #tpu.memory_space<vmem>>, vector<16xf32>,
        %sub3A_3302 = arith.subf %get3A_3301, %add3A_3297 : vector<16xf32>
        %get3A_3303 = arith.constant 0 : i32
        %get3A_3304 = arith.constant 1 : i32
        %get3A_3305 = arith.index_cast %get3A_3303 : i32 to index
        %get3A_3306 = arith.index_cast %get3A_3304 : i32 to index
        %get3A_3307 = arith.constant 0 : index
        %get3A_3308 = tpu.vector_load %arg18[%get3A_3305, %get3A_3306, %get3A_3307] {strides = array<i32>} : memref<3x8x16xf32, #tpu.memory_space<vmem>>, vector<16xf32>,
        %sub3A_3309 = arith.subf %get3A_3308, %scan3A_2185 : vector<16xf32>
        %get3A_3310 = arith.constant 1 : i32
        %get3A_3311 = arith.constant 1 : i32
        %get3A_3312 = arith.index_cast %get3A_3310 : i32 to index
        %get3A_3313 = arith.index_cast %get3A_3311 : i32 to index
        %get3A_3314 = arith.constant 0 : index
        %get3A_3315 = tpu.vector_load %arg18[%get3A_3312, %get3A_3313, %get3A_3314] {strides = array<i32>} : memref<3x8x16xf32, #tpu.memory_space<vmem>>, vector<16xf32>,
        %sub3A_3316 = arith.subf %get3A_3315, %scan3A_2193 : vector<16xf32>
        %get3A_3317 = arith.constant 2 : i32
        %get3A_3318 = arith.constant 1 : i32
        %get3A_3319 = arith.index_cast %get3A_3317 : i32 to index
        %get3A_3320 = arith.index_cast %get3A_3318 : i32 to index
        %get3A_3321 = arith.constant 0 : index
        %get3A_3322 = tpu.vector_load %arg18[%get3A_3319, %get3A_3320, %get3A_3321] {strides = array<i32>} : memref<3x8x16xf32, #tpu.memory_space<vmem>>, vector<16xf32>,
        %sub3A_3323 = arith.subf %get3A_3322, %scan3A_2201 : vector<16xf32>
        %mul3A_3324 = arith.mulf %sub3A_3309, %sub3A_3309 : vector<16xf32>
        %mul3A_3325 = arith.mulf %sub3A_3316, %sub3A_3316 : vector<16xf32>
        %add3A_3326 = arith.addf %mul3A_3324, %mul3A_3325 : vector<16xf32>
        %mul3A_3327 = arith.mulf %sub3A_3323, %sub3A_3323 : vector<16xf32>
        %add3A_3328 = arith.addf %add3A_3326, %mul3A_3327 : vector<16xf32>
        %neg3A_3329 = arith.constant 0.000000e+00 : f32
        %neg3A_3330 = vector.broadcast %neg3A_3329 : f32 to vector<16xf32>
        %neg3A_3331 = arith.subf %neg3A_3330, %add3A_3328 : vector<16xf32>
        %select_n3A_3332 = arith.select %eq3A_31, %neg3A_3331, %sub3A_3302 : vector<16xi1>, vector<16xf32>
        %gt3A_3333 = arith.cmpf ogt, %select_n3A_3332, %max3A_3125 : vector<16xf32>
        %max3A_3334 = arith.maximumf %select_n3A_3332, %max3A_3125 : vector<16xf32>
        %jit3A_3335 = arith.constant 7 : i32
        %broadcast_in_dim3A_3336 = vector.broadcast %jit3A_3335 : i32 to vector<16xi32>
        %select_n3A_3337 = arith.select %gt3A_3333, %broadcast_in_dim3A_3336, %select_n3A_3128 : vector<16xi1>, vector<16xi32>
        %sub3A_3338 = arith.subf %get3A_3238, %scan3A_2186 : vector<16xf32>
        %sub3A_3339 = arith.subf %get3A_3240, %scan3A_2194 : vector<16xf32>
        %sub3A_3340 = arith.subf %get3A_3242, %scan3A_2202 : vector<16xf32>
        %mul3A_3341 = arith.mulf %sub3A_3338, %sub3A_3338 : vector<16xf32>
        %mul3A_3342 = arith.mulf %sub3A_3339, %sub3A_3339 : vector<16xf32>
        %add3A_3343 = arith.addf %mul3A_3341, %mul3A_3342 : vector<16xf32>
        %mul3A_3344 = arith.mulf %sub3A_3340, %sub3A_3340 : vector<16xf32>
        %add3A_3345 = arith.addf %add3A_3343, %mul3A_3344 : vector<16xf32>
        %get3A_3346 = arith.constant 2 : i32
        %get3A_3347 = arith.index_cast %get3A_3346 : i32 to index
        %get3A_3348 = arith.constant 112 : index
        %get3A_3349 = tpu.vector_load %arg15[%get3A_3347, %get3A_3348] {strides = array<i32>} : memref<8x128xf32, #tpu.memory_space<vmem>>, vector<16xf32>,
        %sub3A_3350 = arith.subf %get3A_3349, %add3A_3345 : vector<16xf32>
        %get3A_3351 = arith.constant 0 : i32
        %get3A_3352 = arith.constant 2 : i32
        %get3A_3353 = arith.index_cast %get3A_3351 : i32 to index
        %get3A_3354 = arith.index_cast %get3A_3352 : i32 to index
        %get3A_3355 = arith.constant 0 : index
        %get3A_3356 = tpu.vector_load %arg18[%get3A_3353, %get3A_3354, %get3A_3355] {strides = array<i32>} : memref<3x8x16xf32, #tpu.memory_space<vmem>>, vector<16xf32>,
        %sub3A_3357 = arith.subf %get3A_3356, %scan3A_2186 : vector<16xf32>
        %get3A_3358 = arith.constant 1 : i32
        %get3A_3359 = arith.constant 2 : i32
        %get3A_3360 = arith.index_cast %get3A_3358 : i32 to index
        %get3A_3361 = arith.index_cast %get3A_3359 : i32 to index
        %get3A_3362 = arith.constant 0 : index
        %get3A_3363 = tpu.vector_load %arg18[%get3A_3360, %get3A_3361, %get3A_3362] {strides = array<i32>} : memref<3x8x16xf32, #tpu.memory_space<vmem>>, vector<16xf32>,
        %sub3A_3364 = arith.subf %get3A_3363, %scan3A_2194 : vector<16xf32>
        %get3A_3365 = arith.constant 2 : i32
        %get3A_3366 = arith.constant 2 : i32
        %get3A_3367 = arith.index_cast %get3A_3365 : i32 to index
        %get3A_3368 = arith.index_cast %get3A_3366 : i32 to index
        %get3A_3369 = arith.constant 0 : index
        %get3A_3370 = tpu.vector_load %arg18[%get3A_3367, %get3A_3368, %get3A_3369] {strides = array<i32>} : memref<3x8x16xf32, #tpu.memory_space<vmem>>, vector<16xf32>,
        %sub3A_3371 = arith.subf %get3A_3370, %scan3A_2202 : vector<16xf32>
        %mul3A_3372 = arith.mulf %sub3A_3357, %sub3A_3357 : vector<16xf32>
        %mul3A_3373 = arith.mulf %sub3A_3364, %sub3A_3364 : vector<16xf32>
        %add3A_3374 = arith.addf %mul3A_3372, %mul3A_3373 : vector<16xf32>
        %mul3A_3375 = arith.mulf %sub3A_3371, %sub3A_3371 : vector<16xf32>
        %add3A_3376 = arith.addf %add3A_3374, %mul3A_3375 : vector<16xf32>
        %neg3A_3377 = arith.constant 0.000000e+00 : f32
        %neg3A_3378 = vector.broadcast %neg3A_3377 : f32 to vector<16xf32>
        %neg3A_3379 = arith.subf %neg3A_3378, %add3A_3376 : vector<16xf32>
        %select_n3A_3380 = arith.select %eq3A_31, %neg3A_3379, %sub3A_3350 : vector<16xi1>, vector<16xf32>
        %gt3A_3381 = arith.cmpf ogt, %select_n3A_3380, %max3A_3143 : vector<16xf32>
        %max3A_3382 = arith.maximumf %select_n3A_3380, %max3A_3143 : vector<16xf32>
        %jit3A_3383 = arith.constant 7 : i32
        %broadcast_in_dim3A_3384 = vector.broadcast %jit3A_3383 : i32 to vector<16xi32>
        %select_n3A_3385 = arith.select %gt3A_3381, %broadcast_in_dim3A_3384, %select_n3A_3146 : vector<16xi1>, vector<16xi32>
        %sub3A_3386 = arith.subf %get3A_3238, %scan3A_2187 : vector<16xf32>
        %sub3A_3387 = arith.subf %get3A_3240, %scan3A_2195 : vector<16xf32>
        %sub3A_3388 = arith.subf %get3A_3242, %scan3A_2203 : vector<16xf32>
        %mul3A_3389 = arith.mulf %sub3A_3386, %sub3A_3386 : vector<16xf32>
        %mul3A_3390 = arith.mulf %sub3A_3387, %sub3A_3387 : vector<16xf32>
        %add3A_3391 = arith.addf %mul3A_3389, %mul3A_3390 : vector<16xf32>
        %mul3A_3392 = arith.mulf %sub3A_3388, %sub3A_3388 : vector<16xf32>
        %add3A_3393 = arith.addf %add3A_3391, %mul3A_3392 : vector<16xf32>
        %get3A_3394 = arith.constant 3 : i32
        %get3A_3395 = arith.index_cast %get3A_3394 : i32 to index
        %get3A_3396 = arith.constant 112 : index
        %get3A_3397 = tpu.vector_load %arg15[%get3A_3395, %get3A_3396] {strides = array<i32>} : memref<8x128xf32, #tpu.memory_space<vmem>>, vector<16xf32>,
        %sub3A_3398 = arith.subf %get3A_3397, %add3A_3393 : vector<16xf32>
        %get3A_3399 = arith.constant 0 : i32
        %get3A_3400 = arith.constant 3 : i32
        %get3A_3401 = arith.index_cast %get3A_3399 : i32 to index
        %get3A_3402 = arith.index_cast %get3A_3400 : i32 to index
        %get3A_3403 = arith.constant 0 : index
        %get3A_3404 = tpu.vector_load %arg18[%get3A_3401, %get3A_3402, %get3A_3403] {strides = array<i32>} : memref<3x8x16xf32, #tpu.memory_space<vmem>>, vector<16xf32>,
        %sub3A_3405 = arith.subf %get3A_3404, %scan3A_2187 : vector<16xf32>
        %get3A_3406 = arith.constant 1 : i32
        %get3A_3407 = arith.constant 3 : i32
        %get3A_3408 = arith.index_cast %get3A_3406 : i32 to index
        %get3A_3409 = arith.index_cast %get3A_3407 : i32 to index
        %get3A_3410 = arith.constant 0 : index
        %get3A_3411 = tpu.vector_load %arg18[%get3A_3408, %get3A_3409, %get3A_3410] {strides = array<i32>} : memref<3x8x16xf32, #tpu.memory_space<vmem>>, vector<16xf32>,
        %sub3A_3412 = arith.subf %get3A_3411, %scan3A_2195 : vector<16xf32>
        %get3A_3413 = arith.constant 2 : i32
        %get3A_3414 = arith.constant 3 : i32
        %get3A_3415 = arith.index_cast %get3A_3413 : i32 to index
        %get3A_3416 = arith.index_cast %get3A_3414 : i32 to index
        %get3A_3417 = arith.constant 0 : index
        %get3A_3418 = tpu.vector_load %arg18[%get3A_3415, %get3A_3416, %get3A_3417] {strides = array<i32>} : memref<3x8x16xf32, #tpu.memory_space<vmem>>, vector<16xf32>,
        %sub3A_3419 = arith.subf %get3A_3418, %scan3A_2203 : vector<16xf32>
        %mul3A_3420 = arith.mulf %sub3A_3405, %sub3A_3405 : vector<16xf32>
        %mul3A_3421 = arith.mulf %sub3A_3412, %sub3A_3412 : vector<16xf32>
        %add3A_3422 = arith.addf %mul3A_3420, %mul3A_3421 : vector<16xf32>
        %mul3A_3423 = arith.mulf %sub3A_3419, %sub3A_3419 : vector<16xf32>
        %add3A_3424 = arith.addf %add3A_3422, %mul3A_3423 : vector<16xf32>
        %neg3A_3425 = arith.constant 0.000000e+00 : f32
        %neg3A_3426 = vector.broadcast %neg3A_3425 : f32 to vector<16xf32>
        %neg3A_3427 = arith.subf %neg3A_3426, %add3A_3424 : vector<16xf32>
        %select_n3A_3428 = arith.select %eq3A_31, %neg3A_3427, %sub3A_3398 : vector<16xi1>, vector<16xf32>
        %gt3A_3429 = arith.cmpf ogt, %select_n3A_3428, %max3A_3161 : vector<16xf32>
        %max3A_3430 = arith.maximumf %select_n3A_3428, %max3A_3161 : vector<16xf32>
        %jit3A_3431 = arith.constant 7 : i32
        %broadcast_in_dim3A_3432 = vector.broadcast %jit3A_3431 : i32 to vector<16xi32>
        %select_n3A_3433 = arith.select %gt3A_3429, %broadcast_in_dim3A_3432, %select_n3A_3164 : vector<16xi1>, vector<16xi32>
        %sub3A_3434 = arith.subf %get3A_3238, %scan3A_2188 : vector<16xf32>
        %sub3A_3435 = arith.subf %get3A_3240, %scan3A_2196 : vector<16xf32>
        %sub3A_3436 = arith.subf %get3A_3242, %scan3A_2204 : vector<16xf32>
        %mul3A_3437 = arith.mulf %sub3A_3434, %sub3A_3434 : vector<16xf32>
        %mul3A_3438 = arith.mulf %sub3A_3435, %sub3A_3435 : vector<16xf32>
        %add3A_3439 = arith.addf %mul3A_3437, %mul3A_3438 : vector<16xf32>
        %mul3A_3440 = arith.mulf %sub3A_3436, %sub3A_3436 : vector<16xf32>
        %add3A_3441 = arith.addf %add3A_3439, %mul3A_3440 : vector<16xf32>
        %get3A_3442 = arith.constant 4 : i32
        %get3A_3443 = arith.index_cast %get3A_3442 : i32 to index
        %get3A_3444 = arith.constant 112 : index
        %get3A_3445 = tpu.vector_load %arg15[%get3A_3443, %get3A_3444] {strides = array<i32>} : memref<8x128xf32, #tpu.memory_space<vmem>>, vector<16xf32>,
        %sub3A_3446 = arith.subf %get3A_3445, %add3A_3441 : vector<16xf32>
        %get3A_3447 = arith.constant 0 : i32
        %get3A_3448 = arith.constant 4 : i32
        %get3A_3449 = arith.index_cast %get3A_3447 : i32 to index
        %get3A_3450 = arith.index_cast %get3A_3448 : i32 to index
        %get3A_3451 = arith.constant 0 : index
        %get3A_3452 = tpu.vector_load %arg18[%get3A_3449, %get3A_3450, %get3A_3451] {strides = array<i32>} : memref<3x8x16xf32, #tpu.memory_space<vmem>>, vector<16xf32>,
        %sub3A_3453 = arith.subf %get3A_3452, %scan3A_2188 : vector<16xf32>
        %get3A_3454 = arith.constant 1 : i32
        %get3A_3455 = arith.constant 4 : i32
        %get3A_3456 = arith.index_cast %get3A_3454 : i32 to index
        %get3A_3457 = arith.index_cast %get3A_3455 : i32 to index
        %get3A_3458 = arith.constant 0 : index
        %get3A_3459 = tpu.vector_load %arg18[%get3A_3456, %get3A_3457, %get3A_3458] {strides = array<i32>} : memref<3x8x16xf32, #tpu.memory_space<vmem>>, vector<16xf32>,
        %sub3A_3460 = arith.subf %get3A_3459, %scan3A_2196 : vector<16xf32>
        %get3A_3461 = arith.constant 2 : i32
        %get3A_3462 = arith.constant 4 : i32
        %get3A_3463 = arith.index_cast %get3A_3461 : i32 to index
        %get3A_3464 = arith.index_cast %get3A_3462 : i32 to index
        %get3A_3465 = arith.constant 0 : index
        %get3A_3466 = tpu.vector_load %arg18[%get3A_3463, %get3A_3464, %get3A_3465] {strides = array<i32>} : memref<3x8x16xf32, #tpu.memory_space<vmem>>, vector<16xf32>,
        %sub3A_3467 = arith.subf %get3A_3466, %scan3A_2204 : vector<16xf32>
        %mul3A_3468 = arith.mulf %sub3A_3453, %sub3A_3453 : vector<16xf32>
        %mul3A_3469 = arith.mulf %sub3A_3460, %sub3A_3460 : vector<16xf32>
        %add3A_3470 = arith.addf %mul3A_3468, %mul3A_3469 : vector<16xf32>
        %mul3A_3471 = arith.mulf %sub3A_3467, %sub3A_3467 : vector<16xf32>
        %add3A_3472 = arith.addf %add3A_3470, %mul3A_3471 : vector<16xf32>
        %neg3A_3473 = arith.constant 0.000000e+00 : f32
        %neg3A_3474 = vector.broadcast %neg3A_3473 : f32 to vector<16xf32>
        %neg3A_3475 = arith.subf %neg3A_3474, %add3A_3472 : vector<16xf32>
        %select_n3A_3476 = arith.select %eq3A_31, %neg3A_3475, %sub3A_3446 : vector<16xi1>, vector<16xf32>
        %gt3A_3477 = arith.cmpf ogt, %select_n3A_3476, %max3A_3179 : vector<16xf32>
        %max3A_3478 = arith.maximumf %select_n3A_3476, %max3A_3179 : vector<16xf32>
        %jit3A_3479 = arith.constant 7 : i32
        %broadcast_in_dim3A_3480 = vector.broadcast %jit3A_3479 : i32 to vector<16xi32>
        %select_n3A_3481 = arith.select %gt3A_3477, %broadcast_in_dim3A_3480, %select_n3A_3182 : vector<16xi1>, vector<16xi32>
        %sub3A_3482 = arith.subf %get3A_3238, %scan3A_2189 : vector<16xf32>
        %sub3A_3483 = arith.subf %get3A_3240, %scan3A_2197 : vector<16xf32>
        %sub3A_3484 = arith.subf %get3A_3242, %scan3A_2205 : vector<16xf32>
        %mul3A_3485 = arith.mulf %sub3A_3482, %sub3A_3482 : vector<16xf32>
        %mul3A_3486 = arith.mulf %sub3A_3483, %sub3A_3483 : vector<16xf32>
        %add3A_3487 = arith.addf %mul3A_3485, %mul3A_3486 : vector<16xf32>
        %mul3A_3488 = arith.mulf %sub3A_3484, %sub3A_3484 : vector<16xf32>
        %add3A_3489 = arith.addf %add3A_3487, %mul3A_3488 : vector<16xf32>
        %get3A_3490 = arith.constant 5 : i32
        %get3A_3491 = arith.index_cast %get3A_3490 : i32 to index
        %get3A_3492 = arith.constant 112 : index
        %get3A_3493 = tpu.vector_load %arg15[%get3A_3491, %get3A_3492] {strides = array<i32>} : memref<8x128xf32, #tpu.memory_space<vmem>>, vector<16xf32>,
        %sub3A_3494 = arith.subf %get3A_3493, %add3A_3489 : vector<16xf32>
        %get3A_3495 = arith.constant 0 : i32
        %get3A_3496 = arith.constant 5 : i32
        %get3A_3497 = arith.index_cast %get3A_3495 : i32 to index
        %get3A_3498 = arith.index_cast %get3A_3496 : i32 to index
        %get3A_3499 = arith.constant 0 : index
        %get3A_3500 = tpu.vector_load %arg18[%get3A_3497, %get3A_3498, %get3A_3499] {strides = array<i32>} : memref<3x8x16xf32, #tpu.memory_space<vmem>>, vector<16xf32>,
        %sub3A_3501 = arith.subf %get3A_3500, %scan3A_2189 : vector<16xf32>
        %get3A_3502 = arith.constant 1 : i32
        %get3A_3503 = arith.constant 5 : i32
        %get3A_3504 = arith.index_cast %get3A_3502 : i32 to index
        %get3A_3505 = arith.index_cast %get3A_3503 : i32 to index
        %get3A_3506 = arith.constant 0 : index
        %get3A_3507 = tpu.vector_load %arg18[%get3A_3504, %get3A_3505, %get3A_3506] {strides = array<i32>} : memref<3x8x16xf32, #tpu.memory_space<vmem>>, vector<16xf32>,
        %sub3A_3508 = arith.subf %get3A_3507, %scan3A_2197 : vector<16xf32>
        %get3A_3509 = arith.constant 2 : i32
        %get3A_3510 = arith.constant 5 : i32
        %get3A_3511 = arith.index_cast %get3A_3509 : i32 to index
        %get3A_3512 = arith.index_cast %get3A_3510 : i32 to index
        %get3A_3513 = arith.constant 0 : index
        %get3A_3514 = tpu.vector_load %arg18[%get3A_3511, %get3A_3512, %get3A_3513] {strides = array<i32>} : memref<3x8x16xf32, #tpu.memory_space<vmem>>, vector<16xf32>,
        %sub3A_3515 = arith.subf %get3A_3514, %scan3A_2205 : vector<16xf32>
        %mul3A_3516 = arith.mulf %sub3A_3501, %sub3A_3501 : vector<16xf32>
        %mul3A_3517 = arith.mulf %sub3A_3508, %sub3A_3508 : vector<16xf32>
        %add3A_3518 = arith.addf %mul3A_3516, %mul3A_3517 : vector<16xf32>
        %mul3A_3519 = arith.mulf %sub3A_3515, %sub3A_3515 : vector<16xf32>
        %add3A_3520 = arith.addf %add3A_3518, %mul3A_3519 : vector<16xf32>
        %neg3A_3521 = arith.constant 0.000000e+00 : f32
        %neg3A_3522 = vector.broadcast %neg3A_3521 : f32 to vector<16xf32>
        %neg3A_3523 = arith.subf %neg3A_3522, %add3A_3520 : vector<16xf32>
        %select_n3A_3524 = arith.select %eq3A_31, %neg3A_3523, %sub3A_3494 : vector<16xi1>, vector<16xf32>
        %gt3A_3525 = arith.cmpf ogt, %select_n3A_3524, %max3A_3197 : vector<16xf32>
        %max3A_3526 = arith.maximumf %select_n3A_3524, %max3A_3197 : vector<16xf32>
        %jit3A_3527 = arith.constant 7 : i32
        %broadcast_in_dim3A_3528 = vector.broadcast %jit3A_3527 : i32 to vector<16xi32>
        %select_n3A_3529 = arith.select %gt3A_3525, %broadcast_in_dim3A_3528, %select_n3A_3200 : vector<16xi1>, vector<16xi32>
        %sub3A_3530 = arith.subf %get3A_3238, %scan3A_2190 : vector<16xf32>
        %sub3A_3531 = arith.subf %get3A_3240, %scan3A_2198 : vector<16xf32>
        %sub3A_3532 = arith.subf %get3A_3242, %scan3A_2206 : vector<16xf32>
        %mul3A_3533 = arith.mulf %sub3A_3530, %sub3A_3530 : vector<16xf32>
        %mul3A_3534 = arith.mulf %sub3A_3531, %sub3A_3531 : vector<16xf32>
        %add3A_3535 = arith.addf %mul3A_3533, %mul3A_3534 : vector<16xf32>
        %mul3A_3536 = arith.mulf %sub3A_3532, %sub3A_3532 : vector<16xf32>
        %add3A_3537 = arith.addf %add3A_3535, %mul3A_3536 : vector<16xf32>
        %get3A_3538 = arith.constant 6 : i32
        %get3A_3539 = arith.index_cast %get3A_3538 : i32 to index
        %get3A_3540 = arith.constant 112 : index
        %get3A_3541 = tpu.vector_load %arg15[%get3A_3539, %get3A_3540] {strides = array<i32>} : memref<8x128xf32, #tpu.memory_space<vmem>>, vector<16xf32>,
        %sub3A_3542 = arith.subf %get3A_3541, %add3A_3537 : vector<16xf32>
        %get3A_3543 = arith.constant 0 : i32
        %get3A_3544 = arith.constant 6 : i32
        %get3A_3545 = arith.index_cast %get3A_3543 : i32 to index
        %get3A_3546 = arith.index_cast %get3A_3544 : i32 to index
        %get3A_3547 = arith.constant 0 : index
        %get3A_3548 = tpu.vector_load %arg18[%get3A_3545, %get3A_3546, %get3A_3547] {strides = array<i32>} : memref<3x8x16xf32, #tpu.memory_space<vmem>>, vector<16xf32>,
        %sub3A_3549 = arith.subf %get3A_3548, %scan3A_2190 : vector<16xf32>
        %get3A_3550 = arith.constant 1 : i32
        %get3A_3551 = arith.constant 6 : i32
        %get3A_3552 = arith.index_cast %get3A_3550 : i32 to index
        %get3A_3553 = arith.index_cast %get3A_3551 : i32 to index
        %get3A_3554 = arith.constant 0 : index
        %get3A_3555 = tpu.vector_load %arg18[%get3A_3552, %get3A_3553, %get3A_3554] {strides = array<i32>} : memref<3x8x16xf32, #tpu.memory_space<vmem>>, vector<16xf32>,
        %sub3A_3556 = arith.subf %get3A_3555, %scan3A_2198 : vector<16xf32>
        %get3A_3557 = arith.constant 2 : i32
        %get3A_3558 = arith.constant 6 : i32
        %get3A_3559 = arith.index_cast %get3A_3557 : i32 to index
        %get3A_3560 = arith.index_cast %get3A_3558 : i32 to index
        %get3A_3561 = arith.constant 0 : index
        %get3A_3562 = tpu.vector_load %arg18[%get3A_3559, %get3A_3560, %get3A_3561] {strides = array<i32>} : memref<3x8x16xf32, #tpu.memory_space<vmem>>, vector<16xf32>,
        %sub3A_3563 = arith.subf %get3A_3562, %scan3A_2206 : vector<16xf32>
        %mul3A_3564 = arith.mulf %sub3A_3549, %sub3A_3549 : vector<16xf32>
        %mul3A_3565 = arith.mulf %sub3A_3556, %sub3A_3556 : vector<16xf32>
        %add3A_3566 = arith.addf %mul3A_3564, %mul3A_3565 : vector<16xf32>
        %mul3A_3567 = arith.mulf %sub3A_3563, %sub3A_3563 : vector<16xf32>
        %add3A_3568 = arith.addf %add3A_3566, %mul3A_3567 : vector<16xf32>
        %neg3A_3569 = arith.constant 0.000000e+00 : f32
        %neg3A_3570 = vector.broadcast %neg3A_3569 : f32 to vector<16xf32>
        %neg3A_3571 = arith.subf %neg3A_3570, %add3A_3568 : vector<16xf32>
        %select_n3A_3572 = arith.select %eq3A_31, %neg3A_3571, %sub3A_3542 : vector<16xi1>, vector<16xf32>
        %gt3A_3573 = arith.cmpf ogt, %select_n3A_3572, %max3A_3215 : vector<16xf32>
        %max3A_3574 = arith.maximumf %select_n3A_3572, %max3A_3215 : vector<16xf32>
        %jit3A_3575 = arith.constant 7 : i32
        %broadcast_in_dim3A_3576 = vector.broadcast %jit3A_3575 : i32 to vector<16xi32>
        %select_n3A_3577 = arith.select %gt3A_3573, %broadcast_in_dim3A_3576, %select_n3A_3218 : vector<16xi1>, vector<16xi32>
        %sub3A_3578 = arith.subf %get3A_3238, %scan3A_2191 : vector<16xf32>
        %sub3A_3579 = arith.subf %get3A_3240, %scan3A_2199 : vector<16xf32>
        %sub3A_3580 = arith.subf %get3A_3242, %scan3A_2207 : vector<16xf32>
        %mul3A_3581 = arith.mulf %sub3A_3578, %sub3A_3578 : vector<16xf32>
        %mul3A_3582 = arith.mulf %sub3A_3579, %sub3A_3579 : vector<16xf32>
        %add3A_3583 = arith.addf %mul3A_3581, %mul3A_3582 : vector<16xf32>
        %mul3A_3584 = arith.mulf %sub3A_3580, %sub3A_3580 : vector<16xf32>
        %add3A_3585 = arith.addf %add3A_3583, %mul3A_3584 : vector<16xf32>
        %get3A_3586 = arith.constant 7 : i32
        %get3A_3587 = arith.index_cast %get3A_3586 : i32 to index
        %get3A_3588 = arith.constant 112 : index
        %get3A_3589 = tpu.vector_load %arg15[%get3A_3587, %get3A_3588] {strides = array<i32>} : memref<8x128xf32, #tpu.memory_space<vmem>>, vector<16xf32>,
        %sub3A_3590 = arith.subf %get3A_3589, %add3A_3585 : vector<16xf32>
        %get3A_3591 = arith.constant 0 : i32
        %get3A_3592 = arith.constant 7 : i32
        %get3A_3593 = arith.index_cast %get3A_3591 : i32 to index
        %get3A_3594 = arith.index_cast %get3A_3592 : i32 to index
        %get3A_3595 = arith.constant 0 : index
        %get3A_3596 = tpu.vector_load %arg18[%get3A_3593, %get3A_3594, %get3A_3595] {strides = array<i32>} : memref<3x8x16xf32, #tpu.memory_space<vmem>>, vector<16xf32>,
        %sub3A_3597 = arith.subf %get3A_3596, %scan3A_2191 : vector<16xf32>
        %get3A_3598 = arith.constant 1 : i32
        %get3A_3599 = arith.constant 7 : i32
        %get3A_3600 = arith.index_cast %get3A_3598 : i32 to index
        %get3A_3601 = arith.index_cast %get3A_3599 : i32 to index
        %get3A_3602 = arith.constant 0 : index
        %get3A_3603 = tpu.vector_load %arg18[%get3A_3600, %get3A_3601, %get3A_3602] {strides = array<i32>} : memref<3x8x16xf32, #tpu.memory_space<vmem>>, vector<16xf32>,
        %sub3A_3604 = arith.subf %get3A_3603, %scan3A_2199 : vector<16xf32>
        %get3A_3605 = arith.constant 2 : i32
        %get3A_3606 = arith.constant 7 : i32
        %get3A_3607 = arith.index_cast %get3A_3605 : i32 to index
        %get3A_3608 = arith.index_cast %get3A_3606 : i32 to index
        %get3A_3609 = arith.constant 0 : index
        %get3A_3610 = tpu.vector_load %arg18[%get3A_3607, %get3A_3608, %get3A_3609] {strides = array<i32>} : memref<3x8x16xf32, #tpu.memory_space<vmem>>, vector<16xf32>,
        %sub3A_3611 = arith.subf %get3A_3610, %scan3A_2207 : vector<16xf32>
        %mul3A_3612 = arith.mulf %sub3A_3597, %sub3A_3597 : vector<16xf32>
        %mul3A_3613 = arith.mulf %sub3A_3604, %sub3A_3604 : vector<16xf32>
        %add3A_3614 = arith.addf %mul3A_3612, %mul3A_3613 : vector<16xf32>
        %mul3A_3615 = arith.mulf %sub3A_3611, %sub3A_3611 : vector<16xf32>
        %add3A_3616 = arith.addf %add3A_3614, %mul3A_3615 : vector<16xf32>
        %neg3A_3617 = arith.constant 0.000000e+00 : f32
        %neg3A_3618 = vector.broadcast %neg3A_3617 : f32 to vector<16xf32>
        %neg3A_3619 = arith.subf %neg3A_3618, %add3A_3616 : vector<16xf32>
        %select_n3A_3620 = arith.select %eq3A_31, %neg3A_3619, %sub3A_3590 : vector<16xi1>, vector<16xf32>
        %gt3A_3621 = arith.cmpf ogt, %select_n3A_3620, %max3A_3233 : vector<16xf32>
        %max3A_3622 = arith.maximumf %select_n3A_3620, %max3A_3233 : vector<16xf32>
        %jit3A_3623 = arith.constant 7 : i32
        %broadcast_in_dim3A_3624 = vector.broadcast %jit3A_3623 : i32 to vector<16xi32>
        %select_n3A_3625 = arith.select %gt3A_3621, %broadcast_in_dim3A_3624, %select_n3A_3236 : vector<16xi1>, vector<16xi32>
        %reduce_max3A_3626 = arith.constant true
        %reduce_max3A_3627 = vector.broadcast %reduce_max3A_3626 : i1 to vector<16xi1>
        %reduce_max3A_3628 = tpu.scan <max>, %max3A_3286 masked %reduce_max3A_3627 : vector<16xf32>, vector<16xi1> -> vector<16xf32>
        %reduce_max3A_3629 = vector.extract %reduce_max3A_3628[15] : f32 from vector<16xf32>
        %mul3A_3630 = arith.constant 16 : i32
        %mul3A_3631 = vector.broadcast %mul3A_3630 : i32 to vector<16xi32>
        %mul3A_3632 = arith.muli %select_n3A_3289, %mul3A_3631 : vector<16xi32>
        %add3A_3633 = arith.addi %mul3A_3632, %iota3A : vector<16xi32>
        %eq3A_3634 = vector.broadcast %reduce_max3A_3629 : f32 to vector<16xf32>
        %eq3A_3635 = arith.cmpf oeq, %max3A_3286, %eq3A_3634 : vector<16xf32>
        %jit3A_3636 = arith.constant 1073741824 : i32
        %broadcast_in_dim3A_3637 = vector.broadcast %jit3A_3636 : i32 to vector<16xi32>
        %select_n3A_3638 = arith.select %eq3A_3635, %add3A_3633, %broadcast_in_dim3A_3637 : vector<16xi1>, vector<16xi32>
        %reduce_min3A_3639 = arith.constant true
        %reduce_min3A_3640 = vector.broadcast %reduce_min3A_3639 : i1 to vector<16xi1>
        %reduce_min3A_3641 = arith.constant -2147483648 : i32
        %reduce_min3A_3642 = vector.broadcast %reduce_min3A_3641 : i32 to vector<16xi32>
        %reduce_min3A_3643 = arith.xori %select_n3A_3638, %reduce_min3A_3642 : vector<16xi32>
        %reduce_min3A_3644 = tpu.scan <min>, %reduce_min3A_3643 masked %reduce_min3A_3640 : vector<16xi32>, vector<16xi1> -> vector<16xi32>
        %reduce_min3A_3645 = arith.xori %reduce_min3A_3644, %reduce_min3A_3642 : vector<16xi32>
        %reduce_min3A_3646 = vector.extract %reduce_min3A_3645[15] : i32 from vector<16xi32>
        %broadcast_in_dim3A_3647 = vector.broadcast %reduce_min3A_3646 : i32 to vector<16xi32>
        %gather3A_3648 = tpu.vector_load_idx %arg10[%broadcast_in_dim3A_3647] : memref<384xf32, #tpu.memory_space<vmem>>[vector<16xi32>], vector<16xf32>,
        %add3A_3649 = arith.constant 128 : i32
        %add3A_3650 = vector.broadcast %add3A_3649 : i32 to vector<16xi32>
        %add3A_3651 = arith.addi %broadcast_in_dim3A_3647, %add3A_3650 : vector<16xi32>
        %gather3A_3652 = tpu.vector_load_idx %arg10[%add3A_3651] : memref<384xf32, #tpu.memory_space<vmem>>[vector<16xi32>], vector<16xf32>,
        %add3A_3653 = arith.constant 256 : i32
        %add3A_3654 = vector.broadcast %add3A_3653 : i32 to vector<16xi32>
        %add3A_3655 = arith.addi %broadcast_in_dim3A_3647, %add3A_3654 : vector<16xi32>
        %gather3A_3656 = tpu.vector_load_idx %arg10[%add3A_3655] : memref<384xf32, #tpu.memory_space<vmem>>[vector<16xi32>], vector<16xf32>,
        %add3A_3657 = arith.constant 0 : i32
        %add3A_3658 = vector.broadcast %add3A_3657 : i32 to vector<16xi32>
        %add3A_3659 = arith.addi %broadcast_in_dim3A_2210, %add3A_3658 : vector<16xi32>
        tpu.vector_store_idx %arg16[%add3A_3659], %broadcast_in_dim3A_3647 masked %eq3A_34 : memref<2048xi32, #tpu.memory_space<vmem>>[vector<16xi32>], vector<16xi32>, vector<16xi1>
        %ne3A_3660 = arith.constant 127 : i32
        %ne3A_3661 = vector.broadcast %ne3A_3660 : i32 to vector<16xi32>
        %ne3A_3662 = arith.cmpi ne, %broadcast_in_dim3A_3647, %ne3A_3661 : vector<16xi32>
        %and3A_3663 = arith.andi %eq3A_34, %ne3A_3662 : vector<16xi1>
        %scatter3A_3664 = arith.constant 0 : i32
        %scatter3A_3665 = arith.constant 0 : i32
        %scatter3A_3666 = tpu.memref_slice %arg15[%scatter3A_3664, %scatter3A_3665] : memref<8x128xf32, #tpu.memory_space<vmem>> -> memref<1x128xf32, #tpu.memory_space<vmem>>
        %scatter3A_3667 = tpu.memref_squeeze %scatter3A_3666 : memref<1x128xf32, #tpu.memory_space<vmem>> -> memref<128xf32, #tpu.memory_space<vmem>>
        tpu.vector_store_idx %scatter3A_3667[%broadcast_in_dim3A_3647], %broadcast_in_dim3A_27 masked %and3A_3663 : memref<128xf32, #tpu.memory_space<vmem>>[vector<16xi32>], vector<16xf32>, vector<16xi1>
        %reduce_max3A_3668 = arith.constant true
        %reduce_max3A_3669 = vector.broadcast %reduce_max3A_3668 : i1 to vector<16xi1>
        %reduce_max3A_3670 = tpu.scan <max>, %max3A_3334 masked %reduce_max3A_3669 : vector<16xf32>, vector<16xi1> -> vector<16xf32>
        %reduce_max3A_3671 = vector.extract %reduce_max3A_3670[15] : f32 from vector<16xf32>
        %mul3A_3672 = arith.constant 16 : i32
        %mul3A_3673 = vector.broadcast %mul3A_3672 : i32 to vector<16xi32>
        %mul3A_3674 = arith.muli %select_n3A_3337, %mul3A_3673 : vector<16xi32>
        %add3A_3675 = arith.addi %mul3A_3674, %iota3A : vector<16xi32>
        %eq3A_3676 = vector.broadcast %reduce_max3A_3671 : f32 to vector<16xf32>
        %eq3A_3677 = arith.cmpf oeq, %max3A_3334, %eq3A_3676 : vector<16xf32>
        %jit3A_3678 = arith.constant 1073741824 : i32
        %broadcast_in_dim3A_3679 = vector.broadcast %jit3A_3678 : i32 to vector<16xi32>
        %select_n3A_3680 = arith.select %eq3A_3677, %add3A_3675, %broadcast_in_dim3A_3679 : vector<16xi1>, vector<16xi32>
        %reduce_min3A_3681 = arith.constant true
        %reduce_min3A_3682 = vector.broadcast %reduce_min3A_3681 : i1 to vector<16xi1>
        %reduce_min3A_3683 = arith.constant -2147483648 : i32
        %reduce_min3A_3684 = vector.broadcast %reduce_min3A_3683 : i32 to vector<16xi32>
        %reduce_min3A_3685 = arith.xori %select_n3A_3680, %reduce_min3A_3684 : vector<16xi32>
        %reduce_min3A_3686 = tpu.scan <min>, %reduce_min3A_3685 masked %reduce_min3A_3682 : vector<16xi32>, vector<16xi1> -> vector<16xi32>
        %reduce_min3A_3687 = arith.xori %reduce_min3A_3686, %reduce_min3A_3684 : vector<16xi32>
        %reduce_min3A_3688 = vector.extract %reduce_min3A_3687[15] : i32 from vector<16xi32>
        %broadcast_in_dim3A_3689 = vector.broadcast %reduce_min3A_3688 : i32 to vector<16xi32>
        %gather3A_3690 = tpu.vector_load_idx %arg10[%broadcast_in_dim3A_3689] : memref<384xf32, #tpu.memory_space<vmem>>[vector<16xi32>], vector<16xf32>,
        %add3A_3691 = arith.constant 128 : i32
        %add3A_3692 = vector.broadcast %add3A_3691 : i32 to vector<16xi32>
        %add3A_3693 = arith.addi %broadcast_in_dim3A_3689, %add3A_3692 : vector<16xi32>
        %gather3A_3694 = tpu.vector_load_idx %arg10[%add3A_3693] : memref<384xf32, #tpu.memory_space<vmem>>[vector<16xi32>], vector<16xf32>,
        %add3A_3695 = arith.constant 256 : i32
        %add3A_3696 = vector.broadcast %add3A_3695 : i32 to vector<16xi32>
        %add3A_3697 = arith.addi %broadcast_in_dim3A_3689, %add3A_3696 : vector<16xi32>
        %gather3A_3698 = tpu.vector_load_idx %arg10[%add3A_3697] : memref<384xf32, #tpu.memory_space<vmem>>[vector<16xi32>], vector<16xf32>,
        %add3A_3699 = arith.constant 1 : i32
        %add3A_3700 = vector.broadcast %add3A_3699 : i32 to vector<16xi32>
        %add3A_3701 = arith.addi %broadcast_in_dim3A_2210, %add3A_3700 : vector<16xi32>
        tpu.vector_store_idx %arg16[%add3A_3701], %broadcast_in_dim3A_3689 masked %eq3A_34 : memref<2048xi32, #tpu.memory_space<vmem>>[vector<16xi32>], vector<16xi32>, vector<16xi1>
        %ne3A_3702 = arith.constant 127 : i32
        %ne3A_3703 = vector.broadcast %ne3A_3702 : i32 to vector<16xi32>
        %ne3A_3704 = arith.cmpi ne, %broadcast_in_dim3A_3689, %ne3A_3703 : vector<16xi32>
        %and3A_3705 = arith.andi %eq3A_34, %ne3A_3704 : vector<16xi1>
        %scatter3A_3706 = arith.constant 1 : i32
        %scatter3A_3707 = arith.constant 0 : i32
        %scatter3A_3708 = tpu.memref_slice %arg15[%scatter3A_3706, %scatter3A_3707] : memref<8x128xf32, #tpu.memory_space<vmem>> -> memref<1x128xf32, #tpu.memory_space<vmem>>
        %scatter3A_3709 = tpu.memref_squeeze %scatter3A_3708 : memref<1x128xf32, #tpu.memory_space<vmem>> -> memref<128xf32, #tpu.memory_space<vmem>>
        tpu.vector_store_idx %scatter3A_3709[%broadcast_in_dim3A_3689], %broadcast_in_dim3A_27 masked %and3A_3705 : memref<128xf32, #tpu.memory_space<vmem>>[vector<16xi32>], vector<16xf32>, vector<16xi1>
        %reduce_max3A_3710 = arith.constant true
        %reduce_max3A_3711 = vector.broadcast %reduce_max3A_3710 : i1 to vector<16xi1>
        %reduce_max3A_3712 = tpu.scan <max>, %max3A_3382 masked %reduce_max3A_3711 : vector<16xf32>, vector<16xi1> -> vector<16xf32>
        %reduce_max3A_3713 = vector.extract %reduce_max3A_3712[15] : f32 from vector<16xf32>
        %mul3A_3714 = arith.constant 16 : i32
        %mul3A_3715 = vector.broadcast %mul3A_3714 : i32 to vector<16xi32>
        %mul3A_3716 = arith.muli %select_n3A_3385, %mul3A_3715 : vector<16xi32>
        %add3A_3717 = arith.addi %mul3A_3716, %iota3A : vector<16xi32>
        %eq3A_3718 = vector.broadcast %reduce_max3A_3713 : f32 to vector<16xf32>
        %eq3A_3719 = arith.cmpf oeq, %max3A_3382, %eq3A_3718 : vector<16xf32>
        %jit3A_3720 = arith.constant 1073741824 : i32
        %broadcast_in_dim3A_3721 = vector.broadcast %jit3A_3720 : i32 to vector<16xi32>
        %select_n3A_3722 = arith.select %eq3A_3719, %add3A_3717, %broadcast_in_dim3A_3721 : vector<16xi1>, vector<16xi32>
        %reduce_min3A_3723 = arith.constant true
        %reduce_min3A_3724 = vector.broadcast %reduce_min3A_3723 : i1 to vector<16xi1>
        %reduce_min3A_3725 = arith.constant -2147483648 : i32
        %reduce_min3A_3726 = vector.broadcast %reduce_min3A_3725 : i32 to vector<16xi32>
        %reduce_min3A_3727 = arith.xori %select_n3A_3722, %reduce_min3A_3726 : vector<16xi32>
        %reduce_min3A_3728 = tpu.scan <min>, %reduce_min3A_3727 masked %reduce_min3A_3724 : vector<16xi32>, vector<16xi1> -> vector<16xi32>
        %reduce_min3A_3729 = arith.xori %reduce_min3A_3728, %reduce_min3A_3726 : vector<16xi32>
        %reduce_min3A_3730 = vector.extract %reduce_min3A_3729[15] : i32 from vector<16xi32>
        %broadcast_in_dim3A_3731 = vector.broadcast %reduce_min3A_3730 : i32 to vector<16xi32>
        %gather3A_3732 = tpu.vector_load_idx %arg10[%broadcast_in_dim3A_3731] : memref<384xf32, #tpu.memory_space<vmem>>[vector<16xi32>], vector<16xf32>,
        %add3A_3733 = arith.constant 128 : i32
        %add3A_3734 = vector.broadcast %add3A_3733 : i32 to vector<16xi32>
        %add3A_3735 = arith.addi %broadcast_in_dim3A_3731, %add3A_3734 : vector<16xi32>
        %gather3A_3736 = tpu.vector_load_idx %arg10[%add3A_3735] : memref<384xf32, #tpu.memory_space<vmem>>[vector<16xi32>], vector<16xf32>,
        %add3A_3737 = arith.constant 256 : i32
        %add3A_3738 = vector.broadcast %add3A_3737 : i32 to vector<16xi32>
        %add3A_3739 = arith.addi %broadcast_in_dim3A_3731, %add3A_3738 : vector<16xi32>
        %gather3A_3740 = tpu.vector_load_idx %arg10[%add3A_3739] : memref<384xf32, #tpu.memory_space<vmem>>[vector<16xi32>], vector<16xf32>,
        %add3A_3741 = arith.constant 2 : i32
        %add3A_3742 = vector.broadcast %add3A_3741 : i32 to vector<16xi32>
        %add3A_3743 = arith.addi %broadcast_in_dim3A_2210, %add3A_3742 : vector<16xi32>
        tpu.vector_store_idx %arg16[%add3A_3743], %broadcast_in_dim3A_3731 masked %eq3A_34 : memref<2048xi32, #tpu.memory_space<vmem>>[vector<16xi32>], vector<16xi32>, vector<16xi1>
        %ne3A_3744 = arith.constant 127 : i32
        %ne3A_3745 = vector.broadcast %ne3A_3744 : i32 to vector<16xi32>
        %ne3A_3746 = arith.cmpi ne, %broadcast_in_dim3A_3731, %ne3A_3745 : vector<16xi32>
        %and3A_3747 = arith.andi %eq3A_34, %ne3A_3746 : vector<16xi1>
        %scatter3A_3748 = arith.constant 2 : i32
        %scatter3A_3749 = arith.constant 0 : i32
        %scatter3A_3750 = tpu.memref_slice %arg15[%scatter3A_3748, %scatter3A_3749] : memref<8x128xf32, #tpu.memory_space<vmem>> -> memref<1x128xf32, #tpu.memory_space<vmem>>
        %scatter3A_3751 = tpu.memref_squeeze %scatter3A_3750 : memref<1x128xf32, #tpu.memory_space<vmem>> -> memref<128xf32, #tpu.memory_space<vmem>>
        tpu.vector_store_idx %scatter3A_3751[%broadcast_in_dim3A_3731], %broadcast_in_dim3A_27 masked %and3A_3747 : memref<128xf32, #tpu.memory_space<vmem>>[vector<16xi32>], vector<16xf32>, vector<16xi1>
        %reduce_max3A_3752 = arith.constant true
        %reduce_max3A_3753 = vector.broadcast %reduce_max3A_3752 : i1 to vector<16xi1>
        %reduce_max3A_3754 = tpu.scan <max>, %max3A_3430 masked %reduce_max3A_3753 : vector<16xf32>, vector<16xi1> -> vector<16xf32>
        %reduce_max3A_3755 = vector.extract %reduce_max3A_3754[15] : f32 from vector<16xf32>
        %mul3A_3756 = arith.constant 16 : i32
        %mul3A_3757 = vector.broadcast %mul3A_3756 : i32 to vector<16xi32>
        %mul3A_3758 = arith.muli %select_n3A_3433, %mul3A_3757 : vector<16xi32>
        %add3A_3759 = arith.addi %mul3A_3758, %iota3A : vector<16xi32>
        %eq3A_3760 = vector.broadcast %reduce_max3A_3755 : f32 to vector<16xf32>
        %eq3A_3761 = arith.cmpf oeq, %max3A_3430, %eq3A_3760 : vector<16xf32>
        %jit3A_3762 = arith.constant 1073741824 : i32
        %broadcast_in_dim3A_3763 = vector.broadcast %jit3A_3762 : i32 to vector<16xi32>
        %select_n3A_3764 = arith.select %eq3A_3761, %add3A_3759, %broadcast_in_dim3A_3763 : vector<16xi1>, vector<16xi32>
        %reduce_min3A_3765 = arith.constant true
        %reduce_min3A_3766 = vector.broadcast %reduce_min3A_3765 : i1 to vector<16xi1>
        %reduce_min3A_3767 = arith.constant -2147483648 : i32
        %reduce_min3A_3768 = vector.broadcast %reduce_min3A_3767 : i32 to vector<16xi32>
        %reduce_min3A_3769 = arith.xori %select_n3A_3764, %reduce_min3A_3768 : vector<16xi32>
        %reduce_min3A_3770 = tpu.scan <min>, %reduce_min3A_3769 masked %reduce_min3A_3766 : vector<16xi32>, vector<16xi1> -> vector<16xi32>
        %reduce_min3A_3771 = arith.xori %reduce_min3A_3770, %reduce_min3A_3768 : vector<16xi32>
        %reduce_min3A_3772 = vector.extract %reduce_min3A_3771[15] : i32 from vector<16xi32>
        %broadcast_in_dim3A_3773 = vector.broadcast %reduce_min3A_3772 : i32 to vector<16xi32>
        %gather3A_3774 = tpu.vector_load_idx %arg10[%broadcast_in_dim3A_3773] : memref<384xf32, #tpu.memory_space<vmem>>[vector<16xi32>], vector<16xf32>,
        %add3A_3775 = arith.constant 128 : i32
        %add3A_3776 = vector.broadcast %add3A_3775 : i32 to vector<16xi32>
        %add3A_3777 = arith.addi %broadcast_in_dim3A_3773, %add3A_3776 : vector<16xi32>
        %gather3A_3778 = tpu.vector_load_idx %arg10[%add3A_3777] : memref<384xf32, #tpu.memory_space<vmem>>[vector<16xi32>], vector<16xf32>,
        %add3A_3779 = arith.constant 256 : i32
        %add3A_3780 = vector.broadcast %add3A_3779 : i32 to vector<16xi32>
        %add3A_3781 = arith.addi %broadcast_in_dim3A_3773, %add3A_3780 : vector<16xi32>
        %gather3A_3782 = tpu.vector_load_idx %arg10[%add3A_3781] : memref<384xf32, #tpu.memory_space<vmem>>[vector<16xi32>], vector<16xf32>,
        %add3A_3783 = arith.constant 3 : i32
        %add3A_3784 = vector.broadcast %add3A_3783 : i32 to vector<16xi32>
        %add3A_3785 = arith.addi %broadcast_in_dim3A_2210, %add3A_3784 : vector<16xi32>
        tpu.vector_store_idx %arg16[%add3A_3785], %broadcast_in_dim3A_3773 masked %eq3A_34 : memref<2048xi32, #tpu.memory_space<vmem>>[vector<16xi32>], vector<16xi32>, vector<16xi1>
        %ne3A_3786 = arith.constant 127 : i32
        %ne3A_3787 = vector.broadcast %ne3A_3786 : i32 to vector<16xi32>
        %ne3A_3788 = arith.cmpi ne, %broadcast_in_dim3A_3773, %ne3A_3787 : vector<16xi32>
        %and3A_3789 = arith.andi %eq3A_34, %ne3A_3788 : vector<16xi1>
        %scatter3A_3790 = arith.constant 3 : i32
        %scatter3A_3791 = arith.constant 0 : i32
        %scatter3A_3792 = tpu.memref_slice %arg15[%scatter3A_3790, %scatter3A_3791] : memref<8x128xf32, #tpu.memory_space<vmem>> -> memref<1x128xf32, #tpu.memory_space<vmem>>
        %scatter3A_3793 = tpu.memref_squeeze %scatter3A_3792 : memref<1x128xf32, #tpu.memory_space<vmem>> -> memref<128xf32, #tpu.memory_space<vmem>>
        tpu.vector_store_idx %scatter3A_3793[%broadcast_in_dim3A_3773], %broadcast_in_dim3A_27 masked %and3A_3789 : memref<128xf32, #tpu.memory_space<vmem>>[vector<16xi32>], vector<16xf32>, vector<16xi1>
        %reduce_max3A_3794 = arith.constant true
        %reduce_max3A_3795 = vector.broadcast %reduce_max3A_3794 : i1 to vector<16xi1>
        %reduce_max3A_3796 = tpu.scan <max>, %max3A_3478 masked %reduce_max3A_3795 : vector<16xf32>, vector<16xi1> -> vector<16xf32>
        %reduce_max3A_3797 = vector.extract %reduce_max3A_3796[15] : f32 from vector<16xf32>
        %mul3A_3798 = arith.constant 16 : i32
        %mul3A_3799 = vector.broadcast %mul3A_3798 : i32 to vector<16xi32>
        %mul3A_3800 = arith.muli %select_n3A_3481, %mul3A_3799 : vector<16xi32>
        %add3A_3801 = arith.addi %mul3A_3800, %iota3A : vector<16xi32>
        %eq3A_3802 = vector.broadcast %reduce_max3A_3797 : f32 to vector<16xf32>
        %eq3A_3803 = arith.cmpf oeq, %max3A_3478, %eq3A_3802 : vector<16xf32>
        %jit3A_3804 = arith.constant 1073741824 : i32
        %broadcast_in_dim3A_3805 = vector.broadcast %jit3A_3804 : i32 to vector<16xi32>
        %select_n3A_3806 = arith.select %eq3A_3803, %add3A_3801, %broadcast_in_dim3A_3805 : vector<16xi1>, vector<16xi32>
        %reduce_min3A_3807 = arith.constant true
        %reduce_min3A_3808 = vector.broadcast %reduce_min3A_3807 : i1 to vector<16xi1>
        %reduce_min3A_3809 = arith.constant -2147483648 : i32
        %reduce_min3A_3810 = vector.broadcast %reduce_min3A_3809 : i32 to vector<16xi32>
        %reduce_min3A_3811 = arith.xori %select_n3A_3806, %reduce_min3A_3810 : vector<16xi32>
        %reduce_min3A_3812 = tpu.scan <min>, %reduce_min3A_3811 masked %reduce_min3A_3808 : vector<16xi32>, vector<16xi1> -> vector<16xi32>
        %reduce_min3A_3813 = arith.xori %reduce_min3A_3812, %reduce_min3A_3810 : vector<16xi32>
        %reduce_min3A_3814 = vector.extract %reduce_min3A_3813[15] : i32 from vector<16xi32>
        %broadcast_in_dim3A_3815 = vector.broadcast %reduce_min3A_3814 : i32 to vector<16xi32>
        %gather3A_3816 = tpu.vector_load_idx %arg10[%broadcast_in_dim3A_3815] : memref<384xf32, #tpu.memory_space<vmem>>[vector<16xi32>], vector<16xf32>,
        %add3A_3817 = arith.constant 128 : i32
        %add3A_3818 = vector.broadcast %add3A_3817 : i32 to vector<16xi32>
        %add3A_3819 = arith.addi %broadcast_in_dim3A_3815, %add3A_3818 : vector<16xi32>
        %gather3A_3820 = tpu.vector_load_idx %arg10[%add3A_3819] : memref<384xf32, #tpu.memory_space<vmem>>[vector<16xi32>], vector<16xf32>,
        %add3A_3821 = arith.constant 256 : i32
        %add3A_3822 = vector.broadcast %add3A_3821 : i32 to vector<16xi32>
        %add3A_3823 = arith.addi %broadcast_in_dim3A_3815, %add3A_3822 : vector<16xi32>
        %gather3A_3824 = tpu.vector_load_idx %arg10[%add3A_3823] : memref<384xf32, #tpu.memory_space<vmem>>[vector<16xi32>], vector<16xf32>,
        %add3A_3825 = arith.constant 4 : i32
        %add3A_3826 = vector.broadcast %add3A_3825 : i32 to vector<16xi32>
        %add3A_3827 = arith.addi %broadcast_in_dim3A_2210, %add3A_3826 : vector<16xi32>
        tpu.vector_store_idx %arg16[%add3A_3827], %broadcast_in_dim3A_3815 masked %eq3A_34 : memref<2048xi32, #tpu.memory_space<vmem>>[vector<16xi32>], vector<16xi32>, vector<16xi1>
        %ne3A_3828 = arith.constant 127 : i32
        %ne3A_3829 = vector.broadcast %ne3A_3828 : i32 to vector<16xi32>
        %ne3A_3830 = arith.cmpi ne, %broadcast_in_dim3A_3815, %ne3A_3829 : vector<16xi32>
        %and3A_3831 = arith.andi %eq3A_34, %ne3A_3830 : vector<16xi1>
        %scatter3A_3832 = arith.constant 4 : i32
        %scatter3A_3833 = arith.constant 0 : i32
        %scatter3A_3834 = tpu.memref_slice %arg15[%scatter3A_3832, %scatter3A_3833] : memref<8x128xf32, #tpu.memory_space<vmem>> -> memref<1x128xf32, #tpu.memory_space<vmem>>
        %scatter3A_3835 = tpu.memref_squeeze %scatter3A_3834 : memref<1x128xf32, #tpu.memory_space<vmem>> -> memref<128xf32, #tpu.memory_space<vmem>>
        tpu.vector_store_idx %scatter3A_3835[%broadcast_in_dim3A_3815], %broadcast_in_dim3A_27 masked %and3A_3831 : memref<128xf32, #tpu.memory_space<vmem>>[vector<16xi32>], vector<16xf32>, vector<16xi1>
        %reduce_max3A_3836 = arith.constant true
        %reduce_max3A_3837 = vector.broadcast %reduce_max3A_3836 : i1 to vector<16xi1>
        %reduce_max3A_3838 = tpu.scan <max>, %max3A_3526 masked %reduce_max3A_3837 : vector<16xf32>, vector<16xi1> -> vector<16xf32>
        %reduce_max3A_3839 = vector.extract %reduce_max3A_3838[15] : f32 from vector<16xf32>
        %mul3A_3840 = arith.constant 16 : i32
        %mul3A_3841 = vector.broadcast %mul3A_3840 : i32 to vector<16xi32>
        %mul3A_3842 = arith.muli %select_n3A_3529, %mul3A_3841 : vector<16xi32>
        %add3A_3843 = arith.addi %mul3A_3842, %iota3A : vector<16xi32>
        %eq3A_3844 = vector.broadcast %reduce_max3A_3839 : f32 to vector<16xf32>
        %eq3A_3845 = arith.cmpf oeq, %max3A_3526, %eq3A_3844 : vector<16xf32>
        %jit3A_3846 = arith.constant 1073741824 : i32
        %broadcast_in_dim3A_3847 = vector.broadcast %jit3A_3846 : i32 to vector<16xi32>
        %select_n3A_3848 = arith.select %eq3A_3845, %add3A_3843, %broadcast_in_dim3A_3847 : vector<16xi1>, vector<16xi32>
        %reduce_min3A_3849 = arith.constant true
        %reduce_min3A_3850 = vector.broadcast %reduce_min3A_3849 : i1 to vector<16xi1>
        %reduce_min3A_3851 = arith.constant -2147483648 : i32
        %reduce_min3A_3852 = vector.broadcast %reduce_min3A_3851 : i32 to vector<16xi32>
        %reduce_min3A_3853 = arith.xori %select_n3A_3848, %reduce_min3A_3852 : vector<16xi32>
        %reduce_min3A_3854 = tpu.scan <min>, %reduce_min3A_3853 masked %reduce_min3A_3850 : vector<16xi32>, vector<16xi1> -> vector<16xi32>
        %reduce_min3A_3855 = arith.xori %reduce_min3A_3854, %reduce_min3A_3852 : vector<16xi32>
        %reduce_min3A_3856 = vector.extract %reduce_min3A_3855[15] : i32 from vector<16xi32>
        %broadcast_in_dim3A_3857 = vector.broadcast %reduce_min3A_3856 : i32 to vector<16xi32>
        %gather3A_3858 = tpu.vector_load_idx %arg10[%broadcast_in_dim3A_3857] : memref<384xf32, #tpu.memory_space<vmem>>[vector<16xi32>], vector<16xf32>,
        %add3A_3859 = arith.constant 128 : i32
        %add3A_3860 = vector.broadcast %add3A_3859 : i32 to vector<16xi32>
        %add3A_3861 = arith.addi %broadcast_in_dim3A_3857, %add3A_3860 : vector<16xi32>
        %gather3A_3862 = tpu.vector_load_idx %arg10[%add3A_3861] : memref<384xf32, #tpu.memory_space<vmem>>[vector<16xi32>], vector<16xf32>,
        %add3A_3863 = arith.constant 256 : i32
        %add3A_3864 = vector.broadcast %add3A_3863 : i32 to vector<16xi32>
        %add3A_3865 = arith.addi %broadcast_in_dim3A_3857, %add3A_3864 : vector<16xi32>
        %gather3A_3866 = tpu.vector_load_idx %arg10[%add3A_3865] : memref<384xf32, #tpu.memory_space<vmem>>[vector<16xi32>], vector<16xf32>,
        %add3A_3867 = arith.constant 5 : i32
        %add3A_3868 = vector.broadcast %add3A_3867 : i32 to vector<16xi32>
        %add3A_3869 = arith.addi %broadcast_in_dim3A_2210, %add3A_3868 : vector<16xi32>
        tpu.vector_store_idx %arg16[%add3A_3869], %broadcast_in_dim3A_3857 masked %eq3A_34 : memref<2048xi32, #tpu.memory_space<vmem>>[vector<16xi32>], vector<16xi32>, vector<16xi1>
        %ne3A_3870 = arith.constant 127 : i32
        %ne3A_3871 = vector.broadcast %ne3A_3870 : i32 to vector<16xi32>
        %ne3A_3872 = arith.cmpi ne, %broadcast_in_dim3A_3857, %ne3A_3871 : vector<16xi32>
        %and3A_3873 = arith.andi %eq3A_34, %ne3A_3872 : vector<16xi1>
        %scatter3A_3874 = arith.constant 5 : i32
        %scatter3A_3875 = arith.constant 0 : i32
        %scatter3A_3876 = tpu.memref_slice %arg15[%scatter3A_3874, %scatter3A_3875] : memref<8x128xf32, #tpu.memory_space<vmem>> -> memref<1x128xf32, #tpu.memory_space<vmem>>
        %scatter3A_3877 = tpu.memref_squeeze %scatter3A_3876 : memref<1x128xf32, #tpu.memory_space<vmem>> -> memref<128xf32, #tpu.memory_space<vmem>>
        tpu.vector_store_idx %scatter3A_3877[%broadcast_in_dim3A_3857], %broadcast_in_dim3A_27 masked %and3A_3873 : memref<128xf32, #tpu.memory_space<vmem>>[vector<16xi32>], vector<16xf32>, vector<16xi1>
        %reduce_max3A_3878 = arith.constant true
        %reduce_max3A_3879 = vector.broadcast %reduce_max3A_3878 : i1 to vector<16xi1>
        %reduce_max3A_3880 = tpu.scan <max>, %max3A_3574 masked %reduce_max3A_3879 : vector<16xf32>, vector<16xi1> -> vector<16xf32>
        %reduce_max3A_3881 = vector.extract %reduce_max3A_3880[15] : f32 from vector<16xf32>
        %mul3A_3882 = arith.constant 16 : i32
        %mul3A_3883 = vector.broadcast %mul3A_3882 : i32 to vector<16xi32>
        %mul3A_3884 = arith.muli %select_n3A_3577, %mul3A_3883 : vector<16xi32>
        %add3A_3885 = arith.addi %mul3A_3884, %iota3A : vector<16xi32>
        %eq3A_3886 = vector.broadcast %reduce_max3A_3881 : f32 to vector<16xf32>
        %eq3A_3887 = arith.cmpf oeq, %max3A_3574, %eq3A_3886 : vector<16xf32>
        %jit3A_3888 = arith.constant 1073741824 : i32
        %broadcast_in_dim3A_3889 = vector.broadcast %jit3A_3888 : i32 to vector<16xi32>
        %select_n3A_3890 = arith.select %eq3A_3887, %add3A_3885, %broadcast_in_dim3A_3889 : vector<16xi1>, vector<16xi32>
        %reduce_min3A_3891 = arith.constant true
        %reduce_min3A_3892 = vector.broadcast %reduce_min3A_3891 : i1 to vector<16xi1>
        %reduce_min3A_3893 = arith.constant -2147483648 : i32
        %reduce_min3A_3894 = vector.broadcast %reduce_min3A_3893 : i32 to vector<16xi32>
        %reduce_min3A_3895 = arith.xori %select_n3A_3890, %reduce_min3A_3894 : vector<16xi32>
        %reduce_min3A_3896 = tpu.scan <min>, %reduce_min3A_3895 masked %reduce_min3A_3892 : vector<16xi32>, vector<16xi1> -> vector<16xi32>
        %reduce_min3A_3897 = arith.xori %reduce_min3A_3896, %reduce_min3A_3894 : vector<16xi32>
        %reduce_min3A_3898 = vector.extract %reduce_min3A_3897[15] : i32 from vector<16xi32>
        %broadcast_in_dim3A_3899 = vector.broadcast %reduce_min3A_3898 : i32 to vector<16xi32>
        %gather3A_3900 = tpu.vector_load_idx %arg10[%broadcast_in_dim3A_3899] : memref<384xf32, #tpu.memory_space<vmem>>[vector<16xi32>], vector<16xf32>,
        %add3A_3901 = arith.constant 128 : i32
        %add3A_3902 = vector.broadcast %add3A_3901 : i32 to vector<16xi32>
        %add3A_3903 = arith.addi %broadcast_in_dim3A_3899, %add3A_3902 : vector<16xi32>
        %gather3A_3904 = tpu.vector_load_idx %arg10[%add3A_3903] : memref<384xf32, #tpu.memory_space<vmem>>[vector<16xi32>], vector<16xf32>,
        %add3A_3905 = arith.constant 256 : i32
        %add3A_3906 = vector.broadcast %add3A_3905 : i32 to vector<16xi32>
        %add3A_3907 = arith.addi %broadcast_in_dim3A_3899, %add3A_3906 : vector<16xi32>
        %gather3A_3908 = tpu.vector_load_idx %arg10[%add3A_3907] : memref<384xf32, #tpu.memory_space<vmem>>[vector<16xi32>], vector<16xf32>,
        %add3A_3909 = arith.constant 6 : i32
        %add3A_3910 = vector.broadcast %add3A_3909 : i32 to vector<16xi32>
        %add3A_3911 = arith.addi %broadcast_in_dim3A_2210, %add3A_3910 : vector<16xi32>
        tpu.vector_store_idx %arg16[%add3A_3911], %broadcast_in_dim3A_3899 masked %eq3A_34 : memref<2048xi32, #tpu.memory_space<vmem>>[vector<16xi32>], vector<16xi32>, vector<16xi1>
        %ne3A_3912 = arith.constant 127 : i32
        %ne3A_3913 = vector.broadcast %ne3A_3912 : i32 to vector<16xi32>
        %ne3A_3914 = arith.cmpi ne, %broadcast_in_dim3A_3899, %ne3A_3913 : vector<16xi32>
        %and3A_3915 = arith.andi %eq3A_34, %ne3A_3914 : vector<16xi1>
        %scatter3A_3916 = arith.constant 6 : i32
        %scatter3A_3917 = arith.constant 0 : i32
        %scatter3A_3918 = tpu.memref_slice %arg15[%scatter3A_3916, %scatter3A_3917] : memref<8x128xf32, #tpu.memory_space<vmem>> -> memref<1x128xf32, #tpu.memory_space<vmem>>
        %scatter3A_3919 = tpu.memref_squeeze %scatter3A_3918 : memref<1x128xf32, #tpu.memory_space<vmem>> -> memref<128xf32, #tpu.memory_space<vmem>>
        tpu.vector_store_idx %scatter3A_3919[%broadcast_in_dim3A_3899], %broadcast_in_dim3A_27 masked %and3A_3915 : memref<128xf32, #tpu.memory_space<vmem>>[vector<16xi32>], vector<16xf32>, vector<16xi1>
        %reduce_max3A_3920 = arith.constant true
        %reduce_max3A_3921 = vector.broadcast %reduce_max3A_3920 : i1 to vector<16xi1>
        %reduce_max3A_3922 = tpu.scan <max>, %max3A_3622 masked %reduce_max3A_3921 : vector<16xf32>, vector<16xi1> -> vector<16xf32>
        %reduce_max3A_3923 = vector.extract %reduce_max3A_3922[15] : f32 from vector<16xf32>
        %mul3A_3924 = arith.constant 16 : i32
        %mul3A_3925 = vector.broadcast %mul3A_3924 : i32 to vector<16xi32>
        %mul3A_3926 = arith.muli %select_n3A_3625, %mul3A_3925 : vector<16xi32>
        %add3A_3927 = arith.addi %mul3A_3926, %iota3A : vector<16xi32>
        %eq3A_3928 = vector.broadcast %reduce_max3A_3923 : f32 to vector<16xf32>
        %eq3A_3929 = arith.cmpf oeq, %max3A_3622, %eq3A_3928 : vector<16xf32>
        %jit3A_3930 = arith.constant 1073741824 : i32
        %broadcast_in_dim3A_3931 = vector.broadcast %jit3A_3930 : i32 to vector<16xi32>
        %select_n3A_3932 = arith.select %eq3A_3929, %add3A_3927, %broadcast_in_dim3A_3931 : vector<16xi1>, vector<16xi32>
        %reduce_min3A_3933 = arith.constant true
        %reduce_min3A_3934 = vector.broadcast %reduce_min3A_3933 : i1 to vector<16xi1>
        %reduce_min3A_3935 = arith.constant -2147483648 : i32
        %reduce_min3A_3936 = vector.broadcast %reduce_min3A_3935 : i32 to vector<16xi32>
        %reduce_min3A_3937 = arith.xori %select_n3A_3932, %reduce_min3A_3936 : vector<16xi32>
        %reduce_min3A_3938 = tpu.scan <min>, %reduce_min3A_3937 masked %reduce_min3A_3934 : vector<16xi32>, vector<16xi1> -> vector<16xi32>
        %reduce_min3A_3939 = arith.xori %reduce_min3A_3938, %reduce_min3A_3936 : vector<16xi32>
        %reduce_min3A_3940 = vector.extract %reduce_min3A_3939[15] : i32 from vector<16xi32>
        %broadcast_in_dim3A_3941 = vector.broadcast %reduce_min3A_3940 : i32 to vector<16xi32>
        %gather3A_3942 = tpu.vector_load_idx %arg10[%broadcast_in_dim3A_3941] : memref<384xf32, #tpu.memory_space<vmem>>[vector<16xi32>], vector<16xf32>,
        %add3A_3943 = arith.constant 128 : i32
        %add3A_3944 = vector.broadcast %add3A_3943 : i32 to vector<16xi32>
        %add3A_3945 = arith.addi %broadcast_in_dim3A_3941, %add3A_3944 : vector<16xi32>
        %gather3A_3946 = tpu.vector_load_idx %arg10[%add3A_3945] : memref<384xf32, #tpu.memory_space<vmem>>[vector<16xi32>], vector<16xf32>,
        %add3A_3947 = arith.constant 256 : i32
        %add3A_3948 = vector.broadcast %add3A_3947 : i32 to vector<16xi32>
        %add3A_3949 = arith.addi %broadcast_in_dim3A_3941, %add3A_3948 : vector<16xi32>
        %gather3A_3950 = tpu.vector_load_idx %arg10[%add3A_3949] : memref<384xf32, #tpu.memory_space<vmem>>[vector<16xi32>], vector<16xf32>,
        %add3A_3951 = arith.constant 7 : i32
        %add3A_3952 = vector.broadcast %add3A_3951 : i32 to vector<16xi32>
        %add3A_3953 = arith.addi %broadcast_in_dim3A_2210, %add3A_3952 : vector<16xi32>
        tpu.vector_store_idx %arg16[%add3A_3953], %broadcast_in_dim3A_3941 masked %eq3A_34 : memref<2048xi32, #tpu.memory_space<vmem>>[vector<16xi32>], vector<16xi32>, vector<16xi1>
        %ne3A_3954 = arith.constant 127 : i32
        %ne3A_3955 = vector.broadcast %ne3A_3954 : i32 to vector<16xi32>
        %ne3A_3956 = arith.cmpi ne, %broadcast_in_dim3A_3941, %ne3A_3955 : vector<16xi32>
        %and3A_3957 = arith.andi %eq3A_34, %ne3A_3956 : vector<16xi1>
        %scatter3A_3958 = arith.constant 7 : i32
        %scatter3A_3959 = arith.constant 0 : i32
        %scatter3A_3960 = tpu.memref_slice %arg15[%scatter3A_3958, %scatter3A_3959] : memref<8x128xf32, #tpu.memory_space<vmem>> -> memref<1x128xf32, #tpu.memory_space<vmem>>
        %scatter3A_3961 = tpu.memref_squeeze %scatter3A_3960 : memref<1x128xf32, #tpu.memory_space<vmem>> -> memref<128xf32, #tpu.memory_space<vmem>>
        tpu.vector_store_idx %scatter3A_3961[%broadcast_in_dim3A_3941], %broadcast_in_dim3A_27 masked %and3A_3957 : memref<128xf32, #tpu.memory_space<vmem>>[vector<16xi32>], vector<16xf32>, vector<16xi1>
        scf.yield %gather3A_3648, %gather3A_3690, %gather3A_3732, %gather3A_3774, %gather3A_3816, %gather3A_3858, %gather3A_3900, %gather3A_3942, %gather3A_3652, %gather3A_3694, %gather3A_3736, %gather3A_3778, %gather3A_3820, %gather3A_3862, %gather3A_3904, %gather3A_3946, %gather3A_3656, %gather3A_3698, %gather3A_3740, %gather3A_3782, %gather3A_3824, %gather3A_3866, %gather3A_3908, %gather3A_3950 : vector<16xf32>, vector<16xf32>, vector<16xf32>, vector<16xf32>, vector<16xf32>, vector<16xf32>, vector<16xf32>, vector<16xf32>, vector<16xf32>, vector<16xf32>, vector<16xf32>, vector<16xf32>, vector<16xf32>, vector<16xf32>, vector<16xf32>, vector<16xf32>, vector<16xf32>, vector<16xf32>, vector<16xf32>, vector<16xf32>, vector<16xf32>, vector<16xf32>, vector<16xf32>, vector<16xf32>
      }
      %scan3A_2148 = arith.constant 127 : i32
      %mul3A_2149 = arith.constant 8 : i32
      %mul3A_2150 = arith.muli %scan3A_43, %mul3A_2149 : i32
      %jit3A_2151 = arith.constant 0 : i32
      %broadcast_in_dim3A_2152 = vector.broadcast %jit3A_2151 : i32 to vector<16xi32>
      %select_n3A_2153 = arith.select %lt3A_36, %iota3A, %broadcast_in_dim3A_2152 : vector<16xi1>, vector<16xi32>
      %add3A_2154 = vector.broadcast %mul3A_2150 : i32 to vector<16xi32>
      %add3A_2155 = arith.addi %add3A_2154, %select_n3A_2153 : vector<16xi32>
      %gather3A_2156 = tpu.vector_load_idx %arg13[%add3A_2155] : memref<768xf32, #tpu.memory_space<vmem>>[vector<16xi32>], vector<16xf32>,
      %add3A_2157 = arith.constant 256 : i32
      %add3A_2158 = vector.broadcast %add3A_2157 : i32 to vector<16xi32>
      %add3A_2159 = arith.addi %add3A_2155, %add3A_2158 : vector<16xi32>
      %gather3A_2160 = tpu.vector_load_idx %arg13[%add3A_2159] : memref<768xf32, #tpu.memory_space<vmem>>[vector<16xi32>], vector<16xf32>,
      %add3A_2161 = arith.constant 512 : i32
      %add3A_2162 = vector.broadcast %add3A_2161 : i32 to vector<16xi32>
      %add3A_2163 = arith.addi %add3A_2155, %add3A_2162 : vector<16xi32>
      %gather3A_2164 = tpu.vector_load_idx %arg13[%add3A_2163] : memref<768xf32, #tpu.memory_space<vmem>>[vector<16xi32>], vector<16xf32>,
      %gather3A_2165 = tpu.vector_load_idx %arg11[%add3A_2155] : memref<768xf32, #tpu.memory_space<vmem>>[vector<16xi32>], vector<16xf32>,
      %add3A_2166 = arith.constant 256 : i32
      %add3A_2167 = vector.broadcast %add3A_2166 : i32 to vector<16xi32>
      %add3A_2168 = arith.addi %add3A_2155, %add3A_2167 : vector<16xi32>
      %gather3A_2169 = tpu.vector_load_idx %arg11[%add3A_2168] : memref<768xf32, #tpu.memory_space<vmem>>[vector<16xi32>], vector<16xf32>,
      %add3A_2170 = arith.constant 512 : i32
      %add3A_2171 = vector.broadcast %add3A_2170 : i32 to vector<16xi32>
      %add3A_2172 = arith.addi %add3A_2155, %add3A_2171 : vector<16xi32>
      %gather3A_2173 = tpu.vector_load_idx %arg11[%add3A_2172] : memref<768xf32, #tpu.memory_space<vmem>>[vector<16xi32>], vector<16xf32>,
      %broadcast_in_dim3A_2174 = arith.constant false
      %broadcast_in_dim3A_2175 = vector.broadcast %broadcast_in_dim3A_2174 : i1 to vector<16xi1>
      %scan3A_2176 = arith.constant 0 : i32
      %scan3A_2177 = arith.constant 128 : i32
      %scan3A_2178 = arith.addi %scan3A_2176, %scan3A_2177 : i32
      %scan3A_2179 = arith.constant 1 : i32
      %scan3A_2180:5 = scf.for %scan3A_2183 = %scan3A_2176 to %scan3A_2178 step %scan3A_2179 iter_args(%scan3A_2184 = %gather3A_2165, %scan3A_2185 = %gather3A_2169, %scan3A_2186 = %gather3A_2173, %scan3A_2187 = %broadcast_in_dim3A_29, %scan3A_2188 = %broadcast_in_dim3A_2175) -> (vector<16xf32>, vector<16xf32>, vector<16xf32>, vector<16xf32>, vector<16xi1>)  : i32 {
        %mul3A_2189 = arith.constant 16 : i32
        %mul3A_2190 = arith.muli %scan3A_2183, %mul3A_2189 : i32
        %get3A_2191 = arith.index_cast %mul3A_2190 : i32 to index
        %get3A_2192 = tpu.vector_load %arg16[%get3A_2191] {strides = array<i32>} : memref<2048xi32, #tpu.memory_space<vmem>>, vector<16xi32>,
        %eq3A_2193 = arith.constant 127 : i32
        %eq3A_2194 = vector.broadcast %eq3A_2193 : i32 to vector<16xi32>
        %eq3A_2195 = arith.cmpi eq, %get3A_2192, %eq3A_2194 : vector<16xi32>
        %gather3A_2196 = tpu.vector_load_idx %arg9[%get3A_2192] masked %lt3A_36 : memref<384xf32, #tpu.memory_space<vmem>>[vector<16xi32>], vector<16xf32>, vector<16xi1>
        %add3A_2197 = arith.constant 128 : i32
        %add3A_2198 = vector.broadcast %add3A_2197 : i32 to vector<16xi32>
        %add3A_2199 = arith.addi %get3A_2192, %add3A_2198 : vector<16xi32>
        %gather3A_2200 = tpu.vector_load_idx %arg9[%add3A_2199] masked %lt3A_36 : memref<384xf32, #tpu.memory_space<vmem>>[vector<16xi32>], vector<16xf32>, vector<16xi1>
        %add3A_2201 = arith.constant 256 : i32
        %add3A_2202 = vector.broadcast %add3A_2201 : i32 to vector<16xi32>
        %add3A_2203 = arith.addi %get3A_2192, %add3A_2202 : vector<16xi32>
        %gather3A_2204 = tpu.vector_load_idx %arg9[%add3A_2203] masked %lt3A_36 : memref<384xf32, #tpu.memory_space<vmem>>[vector<16xi32>], vector<16xf32>, vector<16xi1>
        %select_n3A_2205 = arith.select %eq3A_2195, %gather3A_2156, %gather3A_2196 : vector<16xi1>, vector<16xf32>
        %select_n3A_2206 = arith.select %eq3A_2195, %gather3A_2160, %gather3A_2200 : vector<16xi1>, vector<16xf32>
        %select_n3A_2207 = arith.select %eq3A_2195, %gather3A_2164, %gather3A_2204 : vector<16xi1>, vector<16xf32>
        %sub3A_2208 = arith.subf %select_n3A_2205, %scan3A_2184 : vector<16xf32>
        %sub3A_2209 = arith.subf %select_n3A_2206, %scan3A_2185 : vector<16xf32>
        %sub3A_2210 = arith.subf %select_n3A_2207, %scan3A_2186 : vector<16xf32>
        %mul3A_2211 = arith.mulf %sub3A_2208, %sub3A_2208 : vector<16xf32>
        %mul3A_2212 = arith.mulf %sub3A_2209, %sub3A_2209 : vector<16xf32>
        %add3A_2213 = arith.addf %mul3A_2211, %mul3A_2212 : vector<16xf32>
        %mul3A_2214 = arith.mulf %sub3A_2210, %sub3A_2210 : vector<16xf32>
        %add3A_2215 = arith.addf %add3A_2213, %mul3A_2214 : vector<16xf32>
        %max3A_2216 = arith.maximumf %scan3A_2187, %add3A_2215 : vector<16xf32>
        %select_n3A_2217 = arith.select %scan3A_2188, %scan3A_2187, %max3A_2216 : vector<16xi1>, vector<16xf32>
        %or3A = arith.ori %scan3A_2188, %eq3A_2195 : vector<16xi1>
        scf.yield %select_n3A_2205, %select_n3A_2206, %select_n3A_2207, %select_n3A_2217, %or3A : vector<16xf32>, vector<16xf32>, vector<16xf32>, vector<16xf32>, vector<16xi1>
      }
      %scan3A_2181 = arith.constant 128 : i32
      tpu.vector_store_idx %arg17[%add3A_2155], %scan3A_2180#3 masked %lt3A_36 : memref<256xf32, #tpu.memory_space<vmem>>[vector<16xi32>], vector<16xf32>, vector<16xi1>
      %scan3A_2182 = arith.constant 0 : i32
      scf.yield %scan3A_2182 : i32
    }
    %scan3A_42 = arith.constant 32 : i32
    "tpu.region"() ({
      %run_scoped3A = tpu.sem_alloc : memref<!tpu.dma_semaphore, #tpu.memory_space<semaphore_mem>>
      %dma_start3A = tpu.memref_slice %arg8[%mul3A_2] : memref<8192xf32, #tpu.memory_space<hbm>> -> memref<256xf32, #tpu.memory_space<hbm>>
      %dma_start3A_43 = tpu.memref_slice %arg8[%mul3A_2] : memref<8192xf32, #tpu.memory_space<hbm>> -> memref<256xf32, #tpu.memory_space<hbm>>
      tpu.enqueue_dma source(%arg17 : memref<256xf32, #tpu.memory_space<vmem>>) target(%dma_start3A_43 : memref<256xf32, #tpu.memory_space<hbm>>) target_semaphore(%run_scoped3A : memref<!tpu.dma_semaphore, #tpu.memory_space<semaphore_mem>>)
      %dma_wait3A = tpu.memref_slice %arg8[%mul3A_2] : memref<8192xf32, #tpu.memory_space<hbm>> -> memref<256xf32, #tpu.memory_space<hbm>>
      %dma_wait3A_44 = tpu.memref_slice %arg8[%mul3A_2] : memref<8192xf32, #tpu.memory_space<hbm>> -> memref<256xf32, #tpu.memory_space<hbm>>
      tpu.wait_dma2 semaphore(%run_scoped3A : memref<!tpu.dma_semaphore, #tpu.memory_space<semaphore_mem>>) src(%arg17 : memref<256xf32, #tpu.memory_space<vmem>>) dst(%dma_wait3A_44 : memref<256xf32, #tpu.memory_space<hbm>>)
      tpu.yield
    }) : () -> ()
    return
  }
}

module attributes {stable_mosaic.version = 14 : i64} {
  func.func @_mean_sqrt_body(%arg0: memref<64x128xf32, #tpu.memory_space<vmem>>, %arg1: memref<1x1xf32, #tpu.memory_space<smem>>) attributes {dimension_semantics = [], scalar_prefetch = 0 : i64, scratch_operands = 0 : i64, tpu.core_type = #tpu.core_type<tc>} {
    %get3A = arith.constant 0 : index
    %get3A_0 = arith.constant 0 : index
    %get3A_1 = vector.load %arg0[%get3A, %get3A_0] : memref<64x128xf32, #tpu.memory_space<vmem>>, vector<64x128xf32>
    %sqrt3A = math.sqrt %get3A_1 : vector<64x128xf32>
    %reduce_sum3A = vector.shape_cast %sqrt3A : vector<64x128xf32> to vector<1x64x128xf32>
    %reduce_sum3A_2 = arith.constant dense<0.000000e+00> : vector<1xf32>
    %reduce_sum3A_3 = vector.multi_reduction <add>, %reduce_sum3A, %reduce_sum3A_2 [1, 2] : vector<1x64x128xf32> to vector<1xf32>
    %reduce_sum3A_4 = vector.shape_cast %reduce_sum3A_3 : vector<1xf32> to vector<1x1x1xf32>
    %reduce_sum3A_5 = vector.extract %reduce_sum3A_4[0, 0, 0] : f32 from vector<1x1x1xf32>
    %mul3A = arith.constant 1.22070313E-4 : f32
    %mul3A_6 = arith.mulf %reduce_sum3A_5, %mul3A : f32
    %swap3A = arith.constant 0 : index
    %swap3A_7 = arith.constant 0 : index
    %swap3A_8 = memref.load %arg1[%swap3A, %swap3A_7] : memref<1x1xf32, #tpu.memory_space<smem>>
    memref.store %mul3A_6, %arg1[%swap3A, %swap3A_7] : memref<1x1xf32, #tpu.memory_space<smem>>
    return
  }
}

</mosaic_0001>

<sc_bundles>
// kernel: kernel.4.cloned.1.call-start
scs
__scs_entry_jumppad:
0x0: {  	(pc) =	sbr.rel $0x88, $3  }
0x1: {  	(tag) =	ssettag $0x0;
	lr =	simm.s32 $0x1  }
0x2: {  	[smem:$0x3F9F] =	sst lr;
	_ =	strace $0xD0000000  }
0x3: {  	_ = 	snop  }
0x4: {  	_ = 	snop  }
0x5: {  	_ = 	snop  }
0x6: {  	_ = 	snop  }
0x7: {  	_ = 	snop  }
__scs_overlays_trampoline_lowered:
0x8: {  	[smem:$0x3FAE] =	sst s0  }
0x9: {  	[smem:$0x3FAF] =	sst s1  }
0xa: {  	[smem:$0x3FB0] =	sst s2  }
0xb: {  	[smem:$0x3FB1] =	sst s3  }
0xc: {  	[smem:$0x3FB2] =	sst s4  }
0xd: {  	[smem:$0x3FB3] =	sst s5  }
0xe: {  	[smem:$0x3FB4] =	sst s6  }
0xf: {  	[smem:$0x3FB5] =	sst s7  }
0x10: {  	[smem:$0x3FB6] =	sst s8  }
0x11: {  	[smem:$0x3FB7] =	sst s9;
	s0 =	simm.s32 @!p0 $0x0  }
0x12: {  	s1 =	sld [smem:$0x3F9D];
	s0 =	simm.s32 @p0 $0x1  }
0x13: {  	[smem:$0x3FB8] =	sst s0;
	s0 =	simm.s32 @!p1 $0x0  }
0x14: {  	s2 =	sld [smem:$0x3F9C];
	s0 =	simm.s32 @p1 $0x1  }
0x15: {  	[smem:$0x3FB9] =	sst s0;
	s0 =	simm.s32 @!p2 $0x0  }
0x16: {  	s3 =	sld [smem:$0x3FDB];
	s0 =	simm.s32 @p2 $0x1  }
0x17: {  	s4 =	simm.s32 $0x1BF5;
	[smem:$0x3FBB] =	sst s0  }
0x18: {  	s0 =	sld [smem:$0x3F9E];
	_ =	swait.ge [sflag:s4], $0x0  }
0x19: {  	s7 =	sld [smem:$0x3F9F]  }
0x1a: {  	s8 =	sadd.s32 $0xFFFFE003, lr  }
0x1b: {  	s9 =	sadd.s32 $0xFFFFFEF7, lr;
	s5 =	simm.s32 $0xFFFFFFFF;
	p2 =	slt.u32 s8, $0xFFFFF086  }
0x1c: {  	p1 =	slt.u32 s9, $0xF7A;
	s5 =	simm.s32 @!p2 $0x0  }
0x1d: {  	s5 =	simm.s32 @p1 $0x1;
	p0 =	seq.s32 s7, s2  }
0x1e: {  	s7 =	smul.u32 @!p0 $0xF7A, s2;
	p2 =	seq.s32 @!p0 s5, $0x0  }
0x1f: {  	s9 =	smul.u32 $0xF7A, s1;
	s8 =	simm.s32 @!p0 $0x1BF5;
	p2 =	por !p2, p0  }
0x20: {  	[sflag:s8] =	ssyncset.s32 @!p0 $0xFFFFF086;
	s6 =	sadd.s32 @!p0 s3, s7;
	s7 =	simm.s32 @!p0 $0x108  }
0x21: {  	s3 =	sadd.s32 s3, s9;
	s6 =	sadd.s32 @!p0 $0x88, s6;
	s7 =	simm.s32 @p2 $0x1082  }
0x22: {  	[simem:s7], [sflag:s8] =	dma.local @!p0 [hbm:s6], $0xF7A  }
0x23: {  	s9 =	sor.u32 $0xD0000000, s2;
	s6 =	simm.s32 $0x108;
	_ =	swait.ge @!p0 [sflag:s8], $0x0  }
0x24: {  	s3 =	sadd.s32 $0x88, s3;
	s6 =	simm.s32 @!p1 $0x1082;
	[sflag:s4] =	ssyncset.s32 $0xFFFFF086  }
0x25: {  	[simem:s6], [sflag:s4] =	dma.local [hbm:s3], $0xF7A  }
0x26: {  	[smem:$0x3F9F] =	sst s1;
	(tag) =	ssettag s2;
	_ =	strace s9  }
0x27: {  	s1 =	sld [smem:$0x3FAF]  }
0x28: {  	s2 =	sld [smem:$0x3FB0]  }
0x29: {  	s4 =	sld [smem:$0x3FB2]  }
0x2a: {  	p0 =	seq.s32 s5, $0x0;
	s5 =	sld [smem:$0x3FB3]  }
0x2b: {  	s6 =	sld [smem:$0x3FB4]  }
0x2c: {  	s7 =	sld [smem:$0x3FB5]  }
0x2d: {  	s3 =	simm.s32 $0x108;
	s8 =	sld [smem:$0x3FB6]  }
0x2e: {  	s3 =	simm.s32 @!p0 $0x1082;
	s9 =	sld [smem:$0x3FB7]  }
0x2f: {  	lr =	sadd.s32 s0, s3;
	s0 =	sld [smem:$0x3FAE]  }
0x30: {  	s3 =	sld [smem:$0x3FB1]  }
0x31: {  	[smem:$0x3FBA] =	sst s10  }
0x32: {  	s10 =	sld [smem:$0x3FB8];
	_ =	sdelay $0x3  }
0x33: {  	p0 =	seq.s32 s10, $0x1;
	s10 =	sld [smem:$0x3FBA];
	_ =	sdelay $0x3  }
0x34: {  	[smem:$0x3FBA] =	sst s10  }
0x35: {  	s10 =	sld [smem:$0x3FB9];
	_ =	sdelay $0x3  }
0x36: {  	p1 =	seq.s32 s10, $0x1;
	s10 =	sld [smem:$0x3FBA];
	_ =	sdelay $0x3  }
0x37: {  	[smem:$0x3FBA] =	sst s10  }
0x38: {  	s10 =	sld [smem:$0x3FBB]  }
0x39: {  	_ = 	snop;
	(pc) =	sbr.ind lr, $3  }
0x3a: {  	_ = 	snop  }
0x3b: {  	_ = 	snop  }
0x3c: {  	p2 =	seq.s32 s10, $0x1;
	s10 =	sld [smem:$0x3FBA]  }
0x3d: {  	_ =	shalt  }
0x3e: {  	_ =	shalt  }
0x3f: {  	_ =	shalt  }
0x40: {  	_ =	shalt  }
0x41: {  	_ =	shalt  }
0x42: {  	_ =	shalt  }
0x43: {  	_ =	shalt  }
0x44: {  	_ =	shalt  }
0x45: {  	_ =	shalt  }
0x46: {  	_ =	shalt  }
0x47: {  	_ =	shalt  }
0x48: {  	_ =	shalt  }
0x49: {  	_ =	shalt  }
0x4a: {  	_ =	shalt  }
0x4b: {  	_ =	shalt  }
0x4c: {  	_ =	shalt  }
0x4d: {  	_ =	shalt  }
0x4e: {  	_ =	shalt  }
0x4f: {  	_ =	shalt  }
0x50: {  	_ =	shalt  }
0x51: {  	_ =	shalt  }
0x52: {  	_ =	shalt  }
0x53: {  	_ =	shalt  }
0x54: {  	_ =	shalt  }
0x55: {  	_ =	shalt  }
0x56: {  	_ =	shalt  }
0x57: {  	_ =	shalt  }
0x58: {  	_ =	shalt  }
0x59: {  	_ =	shalt  }
0x5a: {  	_ =	shalt  }
0x5b: {  	_ =	shalt  }
0x5c: {  	_ =	shalt  }
0x5d: {  	_ =	shalt  }
0x5e: {  	_ =	shalt  }
0x5f: {  	_ =	shalt  }
0x60: {  	_ =	shalt  }
0x61: {  	_ =	shalt  }
0x62: {  	_ =	shalt  }
0x63: {  	_ =	shalt  }
0x64: {  	_ =	shalt  }
0x65: {  	_ =	shalt  }
0x66: {  	_ =	shalt  }
0x67: {  	_ =	shalt  }
0x68: {  	_ =	shalt  }
0x69: {  	_ =	shalt  }
0x6a: {  	_ =	shalt  }
0x6b: {  	_ =	shalt  }
0x6c: {  	_ =	shalt  }
0x6d: {  	_ =	shalt  }
0x6e: {  	_ =	shalt  }
0x6f: {  	_ =	shalt  }
0x70: {  	_ =	shalt  }
0x71: {  	_ =	shalt  }
0x72: {  	_ =	shalt  }
0x73: {  	_ =	shalt  }
0x74: {  	_ =	shalt  }
0x75: {  	_ =	shalt  }
0x76: {  	_ =	shalt  }
0x77: {  	_ =	shalt  }
0x78: {  	_ =	shalt  }
0x79: {  	_ =	shalt  }
0x7a: {  	_ =	shalt  }
0x7b: {  	_ =	shalt  }
0x7c: {  	_ =	shalt  }
0x7d: {  	_ =	shalt  }
0x7e: {  	_ =	shalt  }
0x7f: {  	_ =	shalt  }
0x80: {  	_ =	shalt  }
0x81: {  	_ =	shalt  }
0x82: {  	_ =	shalt  }
0x83: {  	_ =	shalt  }
0x84: {  	_ =	shalt  }
0x85: {  	_ =	shalt  }
0x86: {  	_ =	shalt  }
0x87: {  	_ =	shalt  }
.Lfunc_end0:
.L_simem_size_0:
called_computation_lowered:
.L_overlay_start_0:
0x88: {  	s2 =	sld [smem:$0x3FD9]  }
0x89: {  	s3 =	sld [smem:$0x3FFE];
	_ =	sdelay $0x1  }
0x8a: {  	s1 =	srdreg.scid  }
0x8b: {  	s0 =	sand.u32 $0x1, s1  }
0x8c: {  	s16 =	sshll.u32 s0, $0xA;
	s2 =	sadd.s32 s3, s2  }
0x8d: {  	s2 =	sadd.s32 s2, s16  }
0x8e: {  	[smem:$0x3FC6] =	sst s2  }
0x8f: {  	_ = 	snop  }
0x90: {  	(tm) =	ssettm $0x1  }
0x91: {  	s17 =	sld [smem:$0x3FFB];
	_ =	sdelay $0x3  }
0x92: {  	_ =	strace s17  }
0x93: {  	s2 =	sld [smem:$0x3FFC];
	_ =	sdelay $0x3  }
0x94: {  	_ =	strace s2  }
0x95: {  	s2 =	sld [smem:$0x3FFD];
	_ =	sdelay $0x3  }
0x96: {  	_ =	strace s2  }
0x97: {  	_ =	strace $0x8FFFFFFF  }
0x98: {  	s18 =	sld [smem:$0x3FDB];
	_ =	sdelay $0x1  }
0x99: {  	s19 =	simm.s32 $_scs_section_size  }
0x9a: {  	s4 =	simm.s32 $_size__tile_overlayer_lowered;
	s5 =	simm.s32 $_tile_overlayer_lowered  }
0x9b: {  	s22 =	simm.s32 $0x1BFF;
	s21 =	sshll.u32 s5, $0x1;
	s2 =	sadd.s32 s19, s18  }
0x9c: {  	s6 =	simm.s32 $0x0;
	s20 =	sshll.u32 s4, $0x1;
	s4 =	sadd.s32 s21, s2  }
0x9d: {  	[timem:s6], [sflag:s22] =	dma.local [hbm:s4], s20  }
0x9e: {  	_ =	swait.ge [sflag:s22], s20  }
0x9f: {  	s3 =	ssub.s32 $0x0, s20;
	[sflag:s22] =	ssyncset.done $0x0  }
0xa0: {  	[sflag:s22] =	ssyncadd.s32 s3;
	_ =	sdelay $0x1  }
0xa1: {  	s23 =	simm.s32 $0x1B8B  }
0xa2: {  	_ =	swait.ge [sflag:s23], $0x1  }
0xa3: {  	[sflag:s23] =	ssyncset.done $0x0  }
0xa4: {  	s25 =	simm.s32 $0x1B8E;
	s24 =	sld [smem:$0x3FFE];
	[sflag:s23] =	ssyncadd.s32 $0xFFFFFFFF  }
0xa5: {  	s26 =	simm.s32 $execute0_lowered;
	[smem:$0x3FD2] =	sst s25  }
0xa6: {  	s4 =	sshll.u32 s26, $0x1;
	_ =	strace $0x80000046;
	[dreg:$0x1] =	wrdreg $0xFFFFFFFF  }
0xa7: {  	s28 =	simm.s32 $_size_execute0_lowered;
	s2 =	sadd.s32 s2, s4;
	[dreg:$0x0] =	wrdreg $0x0  }
0xa8: {  	s4 =	sshll.u32 s28, $0x1;
	[dreg:$0x2] =	wrdreg s2  }
0xa9: {  	[dreg:$0x3] =	wrdreg s4  }
0xaa: {  	[dreg:$0x4] =	wrdreg $0xC0  }
0xab: {  	_ =	task [dreg:s6], $0x5FFFF  }
0xac: {  	[dreg:$0x1] =	wrdreg $0xFFFFFFFF  }
0xad: {  	[dreg:$0x0] =	wrdreg $0x60  }
0xae: {  	[dreg:$0x2] =	wrdreg s24  }
0xaf: {  	[dreg:$0x3] =	wrdreg $0x9  }
0xb0: {  	_ =	task.clear_ibuf [dreg:s6], $0x4FFFF;
	_ =	strace $0x90000046  }
0xb1: {  	s29 =	simm.s32 $0x9;
	_ =	strace $0x80000048  }
0xb2: {  	_ =	swait.ge [sflag:s29], $0x1  }
0xb3: {  	[sflag:s29] =	ssyncadd.s32 $0xFFFFFFFF  }
0xb4: {  	_ =	strace $0x90000048  }
0xb5: {  	_ =	sfence  }
0xb6: {  	s30 =	sld [smem:$0x0];
	_ =	sdelay $0x2  }
0xb7: {  	s31 =	sshll.u32 s1, $0xD;
	s1 =	sshrl.u32 s1, $0x2  }
0xb8: {  	s3 =	sand.u32 $0x4000, s31;
	s1 =	sadd.s32 s1, s30  }
0xb9: {  	s0 =	sor.u32 s3, s0;
	s1 =	sshll.u32 s1, $0x11  }
0xba: {  	s0 =	sor.u32 s1, s0  }
0xbb: {  	s0 =	sadd.s32 $0x8F2B, s0  }
0xbc: {  	[sflag:s0] =	ssyncadd.remote.s32 $0x1  }
0xbd: {  	_ =	sfence.sel $0xFFFF  }
0xbe: {  	[dreg:$0x0] =	wrdreg $0xFFFFFFFF;
	(pc) =	sbr.abs _section_cstart, $3  }
0xbf: {  	[dreg:$0x1] =	wrdreg $0xFFFFFFFF  }
0xc0: {  	_ =	task.clear_ibuf [dreg:s6], $0x2FFFF;
	_ =	strace $0x9FFFFFFF  }
0xc1: {  	(tm) =	ssettm $0x7FFFFFFF  }
tec
execute0_lowered:
.L_overlay_start_1:
0x0: {  	(tag) =	ssettag $0x1  }
0x1: {  	s0 =	rddreg [dreg:$0x0];
	s1 =	simm.s32 $0x0;
	s5 =	srdreg.scid  }
0x2: {  	s7 =	stileid.u32;
	s19 =	simm.s32 $0x1;
	s28 =	simm.s32 $0xF80  }
0x3: {  	s29 =	simm.s32 $0x1000;
	s30 =	simm.s32 $0x1080;
	s31 =	simm.s32 $0x1100  }
0x4: {  	[smem:$0x7FF] =	sst s1;
	s2 =	sadd.s32 $0xA00, s0;
	s3 =	sadd.s32 $0x1600, s0  }
0x5: {  	vm0 =	vcmask $0x300;
	v0 =	vimm.f32 $0.0e+00;
	s4 =	sadd.s32 $0x2200, s0;
	s6 =	sadd.s32 $0x2E00, s0;
	s5 =	sand.u32 $0x1, s5  }
0x6: {  	v60 =	vimm.s32 $0x76543210;
	s8 =	sadd.s32 $0x3C00, s0;
	s7 =	sshll.u32 s7, $0x6;
	s9 =	sadd.s32 $0x3A00, s0;
	v0 =	vsel vm0, $0xFF800000, v0  }
0x7: {  	v1 =	vlaneseq.u32;
	vm1 =	vcmask $0x2300;
	_ =	strace $0x80000047;
	[dreg:$0x2] =	wrdreg s8;
	s20 =	sshll.u32 s5, $0x5;
	[tilespmem:$0x1FF40] =	vst v0;
	v0 =	vunpack.c.l.s4.s8 v60  }
0x8: {  	v61 =	vimm.s32 $0x100;
	v62 =	vimm.s32 $0x200;
	v8 =	vor.u32 $0x80000010, v1;
	[dreg:$0x3] =	wrdreg s9;
	s5 =	ssub.s32 $0x2, s5;
	s7 =	sor.u32 s20, s7  }
0x9: {  	v57 =	vor.u32 $0x80000020, v1;
	v56 =	vor.u32 $0x80000030, v1;
	s21 =	sshrl.u32 s5, $0x1;
	s20 =	simm.s32 $0x180;
	s22 =	sadd.s32 s2, s7;
	v0 =	vunpack.c.0.s8.s32 v0  }
0xa: {  	vm2 =	vcmask $0xB08;
	v5 =	vor.u32 $0x80000040, v1;
	v58 =	vor.u32 $0x80000050, v1;
	[tilespmem:$0x1FF50] =	vst v56;
	s0 =	sadd.s32 s7, s0;
	s23 =	sadd.s32 s3, s7;
	[dreg:$0x4] =	wrdreg s22  }
0xb: {  	v59 =	vor.u32 $0x80000060, v1;
	[tilespmem:$0x1FF60] =	vst v58;
	s5 =	ssub.s32 s5, s21;
	s24 =	sadd.s32 s4, s7;
	[dreg:$0x5] =	wrdreg s23;
	v0 =	vnsel vm1, $0x0, v0;
	vm1 =	vcmask $0x704  }
0xc: {  	v7 =	vor.u32 $0x80000000, v1;
	v1 =	vor.u32 $0x80000070, v1;
	s25 =	sadd.s32 s6, s7;
	s12 =	sor.u32 $0x400, s7;
	[dreg:$0x6] =	wrdreg s24;
	[tilespmem:$0x1FF90] =	vst v0;
	v0 =	vsel vm1, $0x101, v61  }
0xd: {  	[tilespmem:$0x1FF80] =	vst v1;
	s7 =	sor.u32 $0x800, s7;
	s21 =	simm.s32 $0x300;
	[dreg:$0x7] =	wrdreg s25;
	v1 =	vsel vm1, $0x201, v62;
	vm1 =	vcmask $0xF0C;
	v0 =	vsel vm2, $0x102, v0  }
0xe: {  	[tilespmem:$0x1FF70] =	vst v59;
	s26 =	sadd.s32 s2, s12;
	s10 =	sadd.s32 s3, s12;
	s11 =	sadd.s32 s4, s12;
	v1 =	vsel vm2, $0x202, v1;
	vm2 =	vcmask $0x1310;
	v0 =	vsel vm1, $0x103, v0  }
0xf: {  	[tilespmem:$0x1FFC0] =	vst v5;
	s12 =	sadd.s32 s6, s12;
	s13 =	sadd.s32 s2, s7;
	s14 =	sadd.s32 s3, s7;
	v1 =	vsel vm1, $0x203, v1;
	vm1 =	vcmask $0x1714;
	v0 =	vsel vm2, $0x104, v0  }
0x10: {  	[tilespmem:$0x1FFD0] =	vst v7;
	s15 =	sadd.s32 s4, s7;
	s16 =	sadd.s32 s6, s7;
	s17 =	sadd.s32 $0x3E00, s0;
	v1 =	vsel vm2, $0x204, v1;
	vm2 =	vcmask $0x1B18;
	v0 =	vsel vm1, $0x105, v0  }
0x11: {  	[tilespmem:$0x1FFE0] =	vst v8;
	s18 =	smax.u32 s5, $0x1;
	s22 =	simm.s32 $0x900;
	s23 =	simm.s32 $0x600;
	v1 =	vsel vm1, $0x205, v1;
	vm1 =	vcmask $0x1F1C;
	v0 =	vsel vm2, $0x106, v0  }
0x12: {  	[tilespmem:$0x1FFF0] =	vst v57;
	s24 =	simm.s32 $0xC00;
	s25 =	simm.s32 $0x1300;
	s0 =	simm.s32 $0x1180;
	v1 =	vsel vm2, $0x206, v1;
	v0 =	vsel vm1, $0x107, v0  }
0x13: {  	s2 =	simm.s32 $0x1200;
	s3 =	simm.s32 $0x1280;
	s4 =	simm.s32 $0x1B00;
	v63 =	vsel vm1, $0x207, v1;
	[tilespmem:$0x1FFA0] =	vst v0  }
0x14: {  	vm0 =	vmmov $0x1;
	s5 =	simm.s32 $0x0;
	[dreg:$0x8] =	wrdreg s26;
	s26 =	simm.s32 $0xF00;
	vm1 =	vmxor vm1, vm1;
	[tilespmem:$0x1FFB0] =	vst v63  }
.LBB2_1:
0x15: {  	s6 =	rddreg [dreg:$0x2]  }
0x16: {  	[tilespmem:s1], [sflag:$0x1] =	stream.linear.gather [hbm4b:s6+s1], $0x180, $0x38;
	[tilespmem:$0x2800] =	vst v63  }
0x17: {  	_ =	swait.ge [sflag:s19], $0x180  }
0x18: {  	[sflag:s19] =	ssyncset.done $0x0  }
0x19: {  	s9 =	rddreg [dreg:$0x3];
	[sflag:s19] =	ssyncadd.s32 $0xFFFFFE80  }
0x1a: {  	[tilespmem:s20], [sflag:$0x1] =	stream.linear.gather [hbm4b:s9+s1], $0x180, $0x38;
	[tilespmem:$0x2800] =	vst v63  }
0x1b: {  	_ =	swait.ge [sflag:s19], $0x180  }
0x1c: {  	[sflag:s19] =	ssyncset.done $0x0  }
0x1d: {  	s7 =	rddreg [dreg:$0x4];
	[sflag:s19] =	ssyncadd.s32 $0xFFFFFE80  }
0x1e: {  	[tilespmem:s21], [sflag:$0x1] =	stream.linear.gather [hbm4b:s7+s1], $0x100, $0x38;
	[tilespmem:$0x2800] =	vst v63  }
0x1f: {  	_ =	swait.ge [sflag:s19], $0x100  }
0x20: {  	[sflag:s19] =	ssyncset.done $0x0  }
0x21: {  	s8 =	rddreg [dreg:$0x5];
	[sflag:s19] =	ssyncadd.s32 $0xFFFFFF00  }
0x22: {  	[tilespmem:s22], [sflag:$0x1] =	stream.linear.gather [hbm4b:s8+s1], $0x100, $0x38;
	[tilespmem:$0x2800] =	vst v63  }
0x23: {  	_ =	swait.ge [sflag:s19], $0x100  }
0x24: {  	[sflag:s19] =	ssyncset.done $0x0  }
0x25: {  	s9 =	rddreg [dreg:$0x6];
	[sflag:s19] =	ssyncadd.s32 $0xFFFFFF00  }
0x26: {  	[tilespmem:s23], [sflag:$0x1] =	stream.linear.gather [hbm4b:s9+s1], $0x100, $0x38;
	[tilespmem:$0x2800] =	vst v63  }
0x27: {  	_ =	swait.ge [sflag:s19], $0x100  }
0x28: {  	[sflag:s19] =	ssyncset.done $0x0  }
0x29: {  	s7 =	rddreg [dreg:$0x7];
	[sflag:s19] =	ssyncadd.s32 $0xFFFFFF00  }
0x2a: {  	[tilespmem:s24], [sflag:$0x1] =	stream.linear.gather [hbm4b:s7+s1], $0x100, $0x38;
	[tilespmem:$0x2800] =	vst v63  }
0x2b: {  	_ =	swait.ge [sflag:s19], $0x100  }
0x2c: {  	[sflag:s19] =	ssyncset.done $0x0  }
0x2d: {  	s7 =	simm.s32 $0x400;
	s8 =	rddreg [dreg:$0x8];
	[sflag:s19] =	ssyncadd.s32 $0xFFFFFF00  }
0x2e: {  	[tilespmem:s7], [sflag:$0x1] =	stream.linear.gather [hbm4b:s8+s1], $0x100, $0x38;
	[tilespmem:$0x2800] =	vst v63  }
0x2f: {  	_ =	swait.ge [sflag:s19], $0x100  }
0x30: {  	[sflag:s19] =	ssyncset.done $0x0  }
0x31: {  	s9 =	simm.s32 $0xA00;
	[sflag:s19] =	ssyncadd.s32 $0xFFFFFF00  }
0x32: {  	[tilespmem:s9], [sflag:$0x1] =	stream.linear.gather [hbm4b:s10+s1], $0x100, $0x38;
	[tilespmem:$0x2800] =	vst v63  }
0x33: {  	_ =	swait.ge [sflag:s19], $0x100  }
0x34: {  	[sflag:s19] =	ssyncset.done $0x0  }
0x35: {  	s7 =	simm.s32 $0x700;
	[sflag:s19] =	ssyncadd.s32 $0xFFFFFF00  }
0x36: {  	[tilespmem:s7], [sflag:$0x1] =	stream.linear.gather [hbm4b:s11+s1], $0x100, $0x38;
	[tilespmem:$0x2800] =	vst v63  }
0x37: {  	_ =	swait.ge [sflag:s19], $0x100  }
0x38: {  	[sflag:s19] =	ssyncset.done $0x0  }
0x39: {  	s8 =	simm.s32 $0xD00;
	[sflag:s19] =	ssyncadd.s32 $0xFFFFFF00  }
0x3a: {  	[tilespmem:s8], [sflag:$0x1] =	stream.linear.gather [hbm4b:s12+s1], $0x100, $0x38;
	[tilespmem:$0x2800] =	vst v63  }
0x3b: {  	_ =	swait.ge [sflag:s19], $0x100  }
0x3c: {  	[sflag:s19] =	ssyncset.done $0x0  }
0x3d: {  	s9 =	simm.s32 $0x500;
	[sflag:s19] =	ssyncadd.s32 $0xFFFFFF00  }
0x3e: {  	[tilespmem:s9], [sflag:$0x1] =	stream.linear.gather [hbm4b:s13+s1], $0x100, $0x38;
	[tilespmem:$0x2800] =	vst v63  }
0x3f: {  	_ =	swait.ge [sflag:s19], $0x100  }
0x40: {  	[sflag:s19] =	ssyncset.done $0x0  }
0x41: {  	s7 =	simm.s32 $0xB00;
	[sflag:s19] =	ssyncadd.s32 $0xFFFFFF00  }
0x42: {  	[tilespmem:s7], [sflag:$0x1] =	stream.linear.gather [hbm4b:s14+s1], $0x100, $0x38;
	[tilespmem:$0x2800] =	vst v63  }
0x43: {  	_ =	swait.ge [sflag:s19], $0x100  }
0x44: {  	[sflag:s19] =	ssyncset.done $0x0  }
0x45: {  	s8 =	simm.s32 $0x800;
	[sflag:s19] =	ssyncadd.s32 $0xFFFFFF00  }
0x46: {  	[tilespmem:s8], [sflag:$0x1] =	stream.linear.gather [hbm4b:s15+s1], $0x100, $0x38;
	[tilespmem:$0x2800] =	vst v63  }
0x47: {  	_ =	swait.ge [sflag:s19], $0x100  }
0x48: {  	[sflag:s19] =	ssyncset.done $0x0  }
0x49: {  	s9 =	simm.s32 $0xE00;
	[sflag:s19] =	ssyncadd.s32 $0xFFFFFF00  }
0x4a: {  	[tilespmem:s9], [sflag:$0x1] =	stream.linear.gather [hbm4b:s16+s1], $0x100, $0x38;
	[tilespmem:$0x2800] =	vst v63  }
0x4b: {  	_ =	swait.ge [sflag:s19], $0x100  }
0x4c: {  	[sflag:s19] =	ssyncset.done $0x0  }
0x4d: {  	s6 =	simm.s32 $0x0;
	[sflag:s19] =	ssyncadd.s32 $0xFFFFFF00  }
.LBB2_2:
0x4e: {  	s7 =	sshll.u32 s6, $0x3  }
0x4f: {  	s8 =	sor.u32 $0x1, s7;
	v6 =	vmov s7  }
0x50: {  	s9 =	sor.u32 $0x2, s7;
	v0 =	vmov s8  }
0x51: {  	v1 =	vmov s9  }
0x52: {  	v17 =	vor.u32 $0x100, v6  }
0x53: {  	s8 =	sor.u32 $0x3, s7;
	v33 =	vor.u32 $0x200, v6  }
0x54: {  	s9 =	sor.u32 $0x4, s7;
	v3 =	vmov s8;
	v2 =	vld.idx.msk [tilespmem:v6+s24+$0x0], $0xffff  }
0x55: {  	v4 =	vmov s9;
	v13 =	vld.idx.msk [tilespmem:v0+s24+$0x0], $0xffff  }
0x56: {  	v19 =	vor.u32 $0x100, v0;
	v14 =	vld.idx.msk [tilespmem:v1+s24+$0x0], $0xffff  }
0x57: {  	v24 =	vor.u32 $0x100, v1;
	v23 =	vld.idx.msk [tilespmem:v17+s24+$0x0], $0xffff  }
0x58: {  	v35 =	vor.u32 $0x200, v0;
	v42 =	vld.idx.msk [tilespmem:v33+s24+$0x0], $0xffff  }
0x59: {  	s8 =	sor.u32 $0x5, s7;
	v37 =	vor.u32 $0x200, v1;
	v16 =	vld.idx.msk [tilespmem:v3+s24+$0x0], $0xffff  }
0x5a: {  	s7 =	sor.u32 $0x6, s7;
	v11 =	vmov s8;
	v18 =	vld.idx.msk [tilespmem:v4+s24+$0x0], $0xffff  }
0x5b: {  	s9 =	sshllo.u32 s6, $0x3;
	v12 =	vmov s7;
	v28 =	vld.idx.msk [tilespmem:v19+s24+$0x0], $0xffff  }
0x5c: {  	v15 =	vmov s9;
	v30 =	vld.idx.msk [tilespmem:v24+s24+$0x0], $0xffff  }
0x5d: {  	v25 =	vor.u32 $0x100, v3;
	v43 =	vld.idx.msk [tilespmem:v35+s24+$0x0], $0xffff  }
0x5e: {  	v26 =	vor.u32 $0x100, v4;
	v45 =	vld.idx.msk [tilespmem:v37+s24+$0x0], $0xffff  }
0x5f: {  	v39 =	vor.u32 $0x200, v3;
	v20 =	vld.idx.msk [tilespmem:v11+s24+$0x0], $0xffff  }
0x60: {  	v41 =	vor.u32 $0x200, v4;
	v21 =	vld.idx.msk [tilespmem:v12+s24+$0x0], $0xffff  }
0x61: {  	v27 =	vor.u32 $0x100, v11;
	v22 =	vld.idx.msk [tilespmem:v15+s24+$0x0], $0xffff  }
0x62: {  	v29 =	vor.u32 $0x100, v12;
	v32 =	vld.idx.msk [tilespmem:v25+s24+$0x0], $0xffff  }
0x63: {  	v31 =	vor.u32 $0x100, v15;
	v34 =	vld.idx.msk [tilespmem:v26+s24+$0x0], $0xffff  }
0x64: {  	v44 =	vor.u32 $0x200, v11;
	v47 =	vld.idx.msk [tilespmem:v39+s24+$0x0], $0xffff  }
0x65: {  	v46 =	vor.u32 $0x200, v12;
	v49 =	vld.idx.msk [tilespmem:v41+s24+$0x0], $0xffff  }
0x66: {  	v48 =	vor.u32 $0x200, v15;
	v36 =	vld.idx.msk [tilespmem:v27+s24+$0x0], $0xffff  }
0x67: {  	v38 =	vld.idx.msk [tilespmem:v29+s24+$0x0], $0xffff  }
0x68: {  	v40 =	vld.idx.msk [tilespmem:v31+s24+$0x0], $0xffff  }
0x69: {  	v50 =	vld.idx.msk [tilespmem:v44+s24+$0x0], $0xffff  }
0x6a: {  	v51 =	vld.idx.msk [tilespmem:v46+s24+$0x0], $0xffff  }
0x6b: {  	v52 =	vld.idx.msk [tilespmem:v48+s24+$0x0], $0xffff;
	[tilespmem:$0x1C00] =	vst v2  }
0x6c: {  	[tilespmem:$0x2000] =	vst v23  }
0x6d: {  	[tilespmem:$0x2400] =	vst v42  }
0x6e: {  	[tilespmem:$0x1C80] =	vst v13  }
0x6f: {  	[tilespmem:$0x1D00] =	vst v14  }
0x70: {  	[tilespmem:$0x2080] =	vst v28  }
0x71: {  	[tilespmem:$0x2480] =	vst v43  }
0x72: {  	[tilespmem:$0x2100] =	vst v30  }
0x73: {  	[tilespmem:$0x2500] =	vst v45  }
0x74: {  	[tilespmem:$0x1D80] =	vst v16  }
0x75: {  	[tilespmem:$0x1E00] =	vst v18  }
0x76: {  	[tilespmem:$0x2180] =	vst v32  }
0x77: {  	[tilespmem:$0x2580] =	vst v47  }
0x78: {  	[tilespmem:$0x2200] =	vst v34  }
0x79: {  	[tilespmem:$0x2600] =	vst v49  }
0x7a: {  	[tilespmem:$0x1E80] =	vst v20  }
0x7b: {  	[tilespmem:$0x1F00] =	vst v21  }
0x7c: {  	[tilespmem:$0x1F80] =	vst v22  }
0x7d: {  	[tilespmem:$0x2280] =	vst v36  }
0x7e: {  	[tilespmem:$0x2680] =	vst v50  }
0x7f: {  	[tilespmem:$0x2300] =	vst v38  }
0x80: {  	[tilespmem:$0x2700] =	vst v51  }
0x81: {  	v13 =	vld [tilespmem:$0x200];
	[tilespmem:$0x2380] =	vst v40  }
0x82: {  	v20 =	vld [tilespmem:$0x280];
	[tilespmem:$0x2780] =	vst v52  }
0x83: {  	v21 =	vld.idx.msk [tilespmem:v6+s23+$0x0], $0xffff  }
0x84: {  	v22 =	vld.idx.msk [tilespmem:v0+s23+$0x0], $0xffff  }
0x85: {  	v59 =	vld.idx.msk [tilespmem:v17+s23+$0x0], $0xffff  }
0x86: {  	v0 =	vld [tilespmem:$0x180]  }
0x87: {  	v54 =	vld.idx.msk [tilespmem:v33+s23+$0x0], $0xffff  }
0x88: {  	v49 =	vld.idx.msk [tilespmem:v19+s23+$0x0], $0xffff  }
0x89: {  	v28 =	vld.idx.msk [tilespmem:v1+s23+$0x0], $0xffff  }
0x8a: {  	v23 =	vld.idx.msk [tilespmem:v35+s23+$0x0], $0xffff  }
0x8b: {  	v51 =	vld.idx.msk [tilespmem:v24+s23+$0x0], $0xffff  }
0x8c: {  	v30 =	vld.idx.msk [tilespmem:v3+s23+$0x0], $0xffff  }
0x8d: {  	v43 =	vld.idx.msk [tilespmem:v4+s23+$0x0], $0xffff  }
0x8e: {  	v52 =	vld.idx.msk [tilespmem:v37+s23+$0x0], $0xffff  }
0x8f: {  	v17 =	vld.idx.msk [tilespmem:v25+s23+$0x0], $0xffff  }
0x90: {  	[tilespmem:$0x1FE60] =	vst v6;
	v6 =	vld [tilespmem:$0x1FF40]  }
0x91: {  	v33 =	vld.idx.msk [tilespmem:v11+s23+$0x0], $0xffff;
	v35 =	vsub.f32 v0, v21;
	v36 =	vsub.f32 v13, v59  }
0x92: {  	v42 =	vld.idx.msk [tilespmem:v44+s23+$0x0], $0xffff;
	v38 =	vsub.f32 v20, v54;
	v45 =	vsub.f32 v0, v22  }
0x93: {  	v10 =	vld.idx.msk [tilespmem:v31+s23+$0x0], $0xffff;
	v47 =	vsub.f32 v13, v49;
	v50 =	vsub.f32 v20, v23  }
0x94: {  	v29 =	vld.idx.msk [tilespmem:v29+s23+$0x0], $0xffff;
	v53 =	vsub.f32 v0, v28;
	v24 =	vsub.f32 v13, v51;
	v1 =	vmul.f32 v35, v35  }
0x95: {  	v55 =	vsub.f32 v20, v52;
	v14 =	vmul.f32 v36, v36;
	v3 =	vmul.f32 v45, v45;
	v45 =	vld.idx.msk [tilespmem:v26+s23+$0x0], $0xffff  }
0x96: {  	v11 =	vsub.f32 v0, v30;
	v56 =	vsub.f32 v13, v17;
	v18 =	vmul.f32 v47, v47;
	v47 =	vld.idx.msk [tilespmem:v41+s23+$0x0], $0xffff  }
0x97: {  	v63 =	vsub.f32 v0, v33;
	v4 =	vmul.f32 v38, v38;
	v35 =	vld.idx.msk [tilespmem:v27+s23+$0x0], $0xffff;
	v1 =	vadd.f32 v14, v1  }
0x98: {  	v37 =	vsub.f32 v20, v42;
	v40 =	vsub.f32 v13, v10;
	v19 =	vmul.f32 v53, v53;
	v53 =	vld.idx.msk [tilespmem:v12+s23+$0x0], $0xffff  }
0x99: {  	v12 =	vld [tilespmem:$0x190];
	v14 =	vmul.f32 v50, v50;
	v1 =	vadd.f32 v4, v1;
	v4 =	vadd.f32 v18, v3  }
0x9a: {  	v24 =	vmul.f32 v24, v24;
	v18 =	vld.idx.msk [tilespmem:v39+s23+$0x0], $0xffff;
	v39 =	vsub.f32 v13, v29;
	v25 =	vsub.f32 v13, v45  }
0x9b: {  	v26 =	vsub.f32 v20, v47;
	v58 =	vadd.f32 v14, v4  }
0x9c: {  	v11 =	vmul.f32 v11, v11;
	v4 =	vadd.f32 v24, v19;
	v24 =	vsub.f32 v0, v43  }
0x9d: {  	v34 =	vsub.f32 v13, v35;
	v38 =	vsub.f32 v0, v53;
	v13 =	vld [tilespmem:$0x290];
	v19 =	vmul.f32 v56, v56  }
0x9e: {  	v41 =	vsub.f32 v12, v21;
	v25 =	vmul.f32 v25, v25;
	v24 =	vmul.f32 v24, v24  }
0x9f: {  	v32 =	vsub.f32 v6, v1;
	v1 =	vmul.f32 v55, v55;
	v56 =	vld.idx.msk [tilespmem:v15+s23+$0x0], $0xffff;
	v60 =	vsub.f32 v20, v18  }
0xa0: {  	v31 =	vld.idx.msk [tilespmem:v48+s23+$0x0], $0xffff;
	v62 =	vmul.f32 v26, v26;
	v61 =	vadd.f32 v19, v11;
	v11 =	vadd.f32 v25, v24  }
0xa1: {  	v50 =	vsub.f32 v12, v22;
	v55 =	vld.idx.msk [tilespmem:v46+s23+$0x0], $0xffff;
	v1 =	vadd.f32 v1, v4;
	v4 =	vmul.f32 v60, v60  }
0xa2: {  	v48 =	vmul.f32 v41, v41;
	v41 =	vsub.f32 v13, v52;
	v24 =	vld [tilespmem:$0x2B0];
	v36 =	vadd.f32 v62, v11  }
0xa3: {  	[tilespmem:$0x1FE70] =	vst v1;
	v11 =	vmul.f32 v34, v34;
	v34 =	vld [tilespmem:$0x210];
	v1 =	vadd.f32 v4, v61;
	v4 =	vmul.f32 v63, v63  }
0xa4: {  	v15 =	vmul.f32 v38, v38;
	v0 =	vsub.f32 v0, v56;
	v62 =	vsub.f32 v12, v28  }
0xa5: {  	v61 =	vsub.f32 v13, v54;
	[tilespmem:$0x1FE90] =	vst v1;
	v4 =	vadd.f32 v11, v4;
	v1 =	vmul.f32 v37, v37  }
0xa6: {  	v19 =	vmul.f32 v39, v39;
	v11 =	vsub.f32 v20, v55;
	v37 =	vsub.f32 v13, v42  }
0xa7: {  	v0 =	vmul.f32 v0, v0;
	v2 =	vsub.f32 v24, v54;
	v1 =	vadd.f32 v1, v4  }
0xa8: {  	v4 =	vadd.f32 v19, v15;
	v11 =	vmul.f32 v11, v11;
	v44 =	vsub.f32 v34, v59  }
0xa9: {  	v60 =	vsub.f32 v34, v49;
	v15 =	vmul.f32 v50, v50;
	v63 =	vsub.f32 v34, v51  }
0xaa: {  	v50 =	vsub.f32 v13, v47;
	v14 =	vsub.f32 v34, v35;
	[tilespmem:$0x1FED0] =	vst v1;
	v1 =	vmul.f32 v40, v40  }
0xab: {  	v46 =	vadd.f32 v11, v4;
	v4 =	vsub.f32 v20, v31;
	v11 =	vmul.f32 v44, v44  }
0xac: {  	v19 =	vmul.f32 v60, v60;
	v44 =	vsub.f32 v12, v43;
	v40 =	vsub.f32 v12, v53  }
0xad: {  	v20 =	vmul.f32 v61, v61;
	v0 =	vadd.f32 v1, v0;
	v1 =	vadd.f32 v11, v48  }
0xae: {  	v11 =	vsub.f32 v13, v23;
	v4 =	vmul.f32 v4, v4;
	v15 =	vadd.f32 v19, v15  }
0xaf: {  	[tilespmem:$0x1FF00] =	vst v46;
	v19 =	vmul.f32 v62, v62;
	v46 =	vsub.f32 v34, v45;
	v48 =	vsub.f32 v13, v18  }
0xb0: {  	v11 =	vmul.f32 v11, v11;
	v0 =	vadd.f32 v4, v0;
	v4 =	vmul.f32 v63, v63  }
0xb1: {  	v38 =	vmul.f32 v14, v14;
	v39 =	vadd.f32 v20, v1;
	v63 =	vsub.f32 v12, v33  }
0xb2: {  	v1 =	vmul.f32 v41, v41;
	[tilespmem:$0x1FF20] =	vst v0;
	v61 =	vadd.f32 v11, v15;
	v0 =	vadd.f32 v4, v19  }
0xb3: {  	v62 =	vmul.f32 v48, v48;
	v4 =	vsub.f32 v12, v30;
	v11 =	vsub.f32 v34, v17  }
0xb4: {  	v41 =	vsub.f32 v34, v29;
	v15 =	vmul.f32 v44, v44;
	v19 =	vmul.f32 v46, v46  }
0xb5: {  	v16 =	vld [tilespmem:$0x1A0];
	v44 =	vsub.f32 v13, v55;
	v4 =	vmul.f32 v4, v4;
	v11 =	vmul.f32 v11, v11  }
0xb6: {  	v14 =	vld [tilespmem:$0x220];
	v46 =	vmul.f32 v41, v41;
	v12 =	vsub.f32 v12, v56;
	v0 =	vadd.f32 v1, v0  }
0xb7: {  	v60 =	vadd.f32 v11, v4;
	v4 =	vadd.f32 v19, v15;
	v11 =	vmul.f32 v50, v50  }
0xb8: {  	[tilespmem:$0x1FEB0] =	vst v36;
	v1 =	vmul.f32 v37, v37;
	v12 =	vmul.f32 v12, v12;
	v61 =	vsub.f32 $0.0e+00, v61  }
0xb9: {  	[tilespmem:$0x1FE80] =	vst v0;
	v0 =	vadd.f32 v62, v60;
	v36 =	vadd.f32 v11, v4;
	v11 =	vmul.f32 v63, v63;
	v62 =	vld [tilespmem:$0x2A0]  }
0xba: {  	v19 =	vmul.f32 v40, v40;
	v50 =	vsub.f32 v34, v10;
	v60 =	vsub.f32 v16, v21  }
0xbb: {  	v15 =	vmul.f32 v44, v44;
	v63 =	vsub.f32 v14, v59;
	v11 =	vadd.f32 v38, v11  }
0xbc: {  	v40 =	vsub.f32 v14, v49;
	[tilespmem:$0x1FEC0] =	vst v36;
	v36 =	vmul.f32 v60, v60;
	v38 =	vsub.f32 v16, v22  }
0xbd: {  	v37 =	vmul.f32 v63, v63;
	v48 =	vadd.f32 v1, v11;
	v11 =	vadd.f32 v46, v19  }
0xbe: {  	v60 =	vsub.f32 v14, v51;
	v1 =	vmul.f32 v50, v50;
	v41 =	vsub.f32 v62, v54  }
0xbf: {  	v46 =	vmul.f32 v40, v40;
	v50 =	vld [tilespmem:$0x1B0];
	v44 =	vsub.f32 v62, v23;
	v20 =	vadd.f32 v15, v11  }
0xc0: {  	v19 =	vld [tilespmem:$0x230];
	v11 =	vsub.f32 v13, v31;
	v1 =	vadd.f32 v1, v12;
	v15 =	vmul.f32 v38, v38  }
0xc1: {  	[tilespmem:$0x1FEE0] =	vst v48;
	v12 =	vadd.f32 v37, v36;
	v48 =	vsub.f32 v16, v28;
	v63 =	vmul.f32 v41, v41  }
0xc2: {  	v26 =	vld [tilespmem:$0x1C0];
	v13 =	vmul.f32 v44, v44;
	v44 =	vmul.f32 v60, v60;
	v36 =	vadd.f32 v46, v15  }
0xc3: {  	v25 =	vld [tilespmem:$0x240];
	v11 =	vmul.f32 v11, v11;
	v46 =	vsub.f32 v62, v52;
	v15 =	vsub.f32 v16, v30  }
0xc4: {  	v34 =	vmul.f32 v48, v48;
	v40 =	vadd.f32 v63, v12;
	v48 =	vsub.f32 v50, v21  }
0xc5: {  	v2 =	vmul.f32 v2, v2;
	[tilespmem:$0x1FF10] =	vst v20;
	v60 =	vsub.f32 v19, v59;
	v20 =	vadd.f32 v11, v1  }
0xc6: {  	v27 =	vld [tilespmem:$0x2C0];
	v63 =	vadd.f32 v13, v36;
	v38 =	vadd.f32 v44, v34;
	v12 =	vmul.f32 v46, v46  }
0xc7: {  	v37 =	vld [tilespmem:$0x1E0];
	v44 =	vsub.f32 v14, v17;
	v41 =	vmul.f32 v15, v15;
	v13 =	vsub.f32 v26, v21  }
0xc8: {  	v15 =	vsub.f32 v25, v59;
	v36 =	vld [tilespmem:$0x260];
	v34 =	vmul.f32 v48, v48;
	v60 =	vmul.f32 v60, v60  }
0xc9: {  	[tilespmem:$0x1FEA0] =	vst v0;
	v46 =	vld [tilespmem:$0x1D0];
	v44 =	vmul.f32 v44, v44;
	v0 =	vmul.f32 v13, v13;
	v13 =	vsub.f32 $0.0e+00, v39  }
0xca: {  	v48 =	vld [tilespmem:$0x250];
	[tilespmem:$0x1FF30] =	vst v20;
	v1 =	vmul.f32 v15, v15;
	v20 =	vadd.f32 v60, v34;
	v34 =	vadd.f32 v12, v38  }
0xcb: {  	v39 =	vld [tilespmem:$0x270];
	v15 =	vadd.f32 v44, v41;
	v41 =	vsub.f32 v27, v54  }
0xcc: {  	v38 =	vld [tilespmem:$0x2E0];
	v11 =	vadd.f32 v1, v0;
	v12 =	vadd.f32 v2, v20  }
0xcd: {  	v44 =	vld [tilespmem:$0x2D0];
	vm3 =	vgt.f32 v13, v32;
	v2 =	vsub.f32 v37, v21;
	v60 =	vsub.f32 v36, v59  }
0xce: {  	v0 =	vmax.f32 v13, v32;
	v1 =	vsub.f32 v46, v21;
	v20 =	vmul.f32 v41, v41  }
0xcf: {  	v4 =	vsub.f32 v48, v59;
	v2 =	vmul.f32 v2, v2;
	v3 =	vmul.f32 v60, v60  }
0xd0: {  	v41 =	vld [tilespmem:$0x1F0];
	v1 =	vmul.f32 v1, v1;
	v60 =	vsub.f32 v39, v59;
	v59 =	vsub.f32 v62, v18  }
0xd1: {  	v4 =	vmul.f32 v4, v4;
	v32 =	vsub.f32 v38, v54;
	v2 =	vadd.f32 v3, v2  }
0xd2: {  	v3 =	vsub.f32 $0.0e+00, v12;
	v12 =	vsub.f32 v44, v54  }
0xd3: {  	v1 =	vadd.f32 v4, v1;
	v4 =	vsub.f32 $0.0e+00, v40;
	v40 =	vld [tilespmem:$0x2F0]  }
0xd4: {  	v11 =	vadd.f32 v20, v11;
	v20 =	vmul.f32 v32, v32;
	v12 =	vmul.f32 v12, v12  }
0xd5: {  	vm4 =	vgt.f32 v4, v0;
	v0 =	vmax.f32 v4, v0;
	v4 =	vsub.f32 v41, v21  }
0xd6: {  	v21 =	vmul.f32 v60, v60;
	v2 =	vadd.f32 v20, v2;
	v60 =	vsub.f32 v16, v43  }
0xd7: {  	vm5 =	vgt.f32 v3, v0;
	v0 =	vmax.f32 v3, v0;
	v1 =	vadd.f32 v12, v1  }
0xd8: {  	v4 =	vmul.f32 v4, v4;
	v2 =	vsub.f32 $0.0e+00, v2;
	v13 =	vsub.f32 v40, v54  }
0xd9: {  	v12 =	vmul.f32 v60, v60;
	v60 =	vsub.f32 v62, v42;
	v54 =	vsub.f32 $0.0e+00, v11  }
0xda: {  	v1 =	vsub.f32 $0.0e+00, v1;
	v4 =	vadd.f32 v21, v4;
	v11 =	vmul.f32 v13, v13  }
0xdb: {  	vm6 =	vgt.f32 v54, v0;
	v3 =	vmax.f32 v54, v0;
	v54 =	vsub.f32 v16, v33  }
0xdc: {  	v13 =	vmul.f32 v59, v59;
	v59 =	vsub.f32 v14, v35;
	vm9 =	vgt.f32 v1, v3  }
0xdd: {  	v32 =	vadd.f32 v11, v4;
	v4 =	vsub.f32 v14, v45;
	v20 =	vmul.f32 v54, v54  }
0xde: {  	v21 =	vmul.f32 v59, v59;
	v54 =	vmax.f32 v1, v3;
	v13 =	vadd.f32 v13, v15  }
0xdf: {  	vm8 =	vgt.f32 v2, v54;
	v11 =	vmul.f32 v4, v4;
	v0 =	vsub.f32 $0.0e+00, v32  }
0xe0: {  	v4 =	vlaneseq.u32;
	v32 =	vsub.f32 v62, v47;
	v21 =	vadd.f32 v21, v20  }
0xe1: {  	vm2 =	veq.s32 v4, $0xF;
	v4 =	vmax.f32 v2, v54;
	v54 =	vsub.f32 v14, v29  }
0xe2: {  	v14 =	vsub.f32 v14, v10;
	v12 =	vadd.f32 v11, v12;
	v32 =	vmul.f32 v32, v32  }
0xe3: {  	v59 =	vsel vm2, $0xFF800000, v0;
	v0 =	vmul.f32 v60, v60;
	v60 =	vsub.f32 v50, v22  }
0xe4: {  	v11 =	vmax.f32 v59, v4;
	v1 =	vadd.f32 v32, v12;
	v32 =	vsub.f32 v16, v53  }
0xe5: {  	v14 =	vmul.f32 v14, v14;
	vm10 =	vgt.f32 v59, v4;
	v0 =	vadd.f32 v0, v21  }
0xe6: {  	v4 =	vsub.f32 v26, v22;
	v59 =	vsub.f32 v25, v49;
	(xrf0) =	vmax.scan.msk.f32 $0xffff, v11;
	v2 =	vmul.f32 v32, v32  }
0xe7: {  	[tilespmem:$0x1FEF0] =	vst v0;
	v32 =	vsub.f32 v19, v49;
	v0 =	vmul.f32 v54, v54;
	v54 =	vsub.f32 v16, v56  }
0xe8: {  	v3 =	vmul.f32 v60, v60;
	v60 =	vsub.f32 v24, v23;
	v4 =	vmul.f32 v4, v4  }
0xe9: {  	v13 =	vsub.f32 $0.0e+00, v13;
	v12 =	vmul.f32 v32, v32;
	v21 =	vmul.f32 v54, v54  }
0xea: {  	v20 =	vmovc v10;
	v10 =	vld [tilespmem:$0x1FF50];
	v1 =	vsub.f32 $0.0e+00, v1;
	v54 =	vmul.f32 v60, v60;
	v60 =	vmul.f32 v59, v59  }
0xeb: {  	v0 =	vadd.f32 v0, v2;
	v3 =	vadd.f32 v12, v3  }
0xec: {  	v32, _, _ =	vpop (xrf0);
	v2 =	vadd.f32 v14, v21;
	v21 =	vsel vm3, v8, v7;
	v4 =	vadd.f32 v60, v4  }
0xed: {  	v60 =	vsub.f32 v6, v58;
	v15 =	vbroadcast v32, $0xF;
	v32 =	vsub.f32 v46, v22  }
0xee: {  	v59 =	vsel vm4, v57, v21;
	v3 =	vadd.f32 v54, v3;
	v54 =	vsub.f32 v48, v49  }
0xef: {  	v9 =	vmovc v8;
	v12 =	vsel vm5, v10, v59;
	vm3 =	vgt.f32 v61, v60;
	v59 =	vsub.f32 v37, v22  }
0xf0: {  	v8 =	vmovc v7;
	v7 =	vld [tilespmem:$0x1FF60];
	v14 =	vmax.f32 v61, v60;
	v22 =	vsub.f32 v41, v22;
	v61 =	vsub.f32 v40, v23  }
0xf1: {  	v60 =	vld [tilespmem:$0x1FF70];
	vm7 =	veq.f32 v11, v15;
	v11 =	vsub.f32 v27, v23;
	v15 =	vmul.f32 v32, v32  }
0xf2: {  	v12 =	vsel vm6, v5, v12;
	v16 =	vmul.f32 v54, v54;
	v54 =	vsub.f32 v44, v23  }
0xf3: {  	v32 =	vsub.f32 v36, v49;
	v22 =	vmul.f32 v22, v22;
	v11 =	vmul.f32 v11, v11  }
0xf4: {  	v3 =	vsub.f32 $0.0e+00, v3;
	v58 =	vmul.f32 v54, v54;
	v54 =	vsub.f32 $0.0e+00, v63  }
0xf5: {  	v12 =	vsel vm9, v7, v12;
	v4 =	vadd.f32 v11, v4;
	v11 =	vadd.f32 v16, v15  }
0xf6: {  	v21 =	vmul.f32 v32, v32;
	v63 =	vld [tilespmem:$0x1FF80];
	v12 =	vsel vm8, v60, v12;
	v16 =	vmul.f32 v59, v59  }
0xf7: {  	v59 =	vsub.f32 v38, v23;
	vm12 =	vgt.f32 v54, v14;
	v11 =	vadd.f32 v58, v11  }
0xf8: {  	v14 =	vmax.f32 v54, v14;
	v58 =	vsub.f32 v39, v49;
	v16 =	vadd.f32 v21, v16  }
0xf9: {  	v49 =	vsub.f32 v62, v31;
	v15 =	vmul.f32 v59, v59;
	v21 =	vmul.f32 v61, v61  }
0xfa: {  	v59 =	vsub.f32 v50, v28;
	v61 =	vsub.f32 v19, v51;
	vm13 =	vgt.f32 v3, v14  }
0xfb: {  	v4 =	vsub.f32 $0.0e+00, v4;
	v3 =	vmax.f32 v3, v14;
	v12 =	vsel vm10, v63, v12  }
0xfc: {  	v54 =	vmul.f32 v58, v58;
	v58 =	vsub.f32 v62, v55;
	v15 =	vadd.f32 v15, v16  }
0xfd: {  	v11 =	vsub.f32 $0.0e+00, v11;
	v32 =	vmax.f32 v4, v3;
	v16 =	vmul.f32 v61, v61  }
0xfe: {  	v49 =	vmul.f32 v49, v49;
	v12 =	vnsel vm7, $0xC0000000, v12;
	v22 =	vadd.f32 v54, v22  }
0xff: {  	v23 =	vmul.f32 v58, v58;
	v15 =	vsub.f32 $0.0e+00, v15;
	v54 =	vsub.f32 v26, v28  }
0x100: {  	v58 =	vmax.f32 v11, v32;
	v49 =	vadd.f32 v49, v2;
	v21 =	vadd.f32 v21, v22  }
0x101: {  	vm14 =	vgt.f32 v11, v32;
	v11 =	vsub.f32 v46, v28;
	v32 =	vsub.f32 v48, v51  }
0x102: {  	v22 =	vsub.f32 v24, v52;
	v62 =	vsub.f32 $0.0e+00, v21;
	v21 =	vmul.f32 v59, v59  }
0x103: {  	(xrf0) =	vmin.scan.msk.u32 $0xffff, v12;
	v61 =	vmax.f32 v15, v58;
	v11 =	vmul.f32 v11, v11;
	v59 =	vsub.f32 v25, v51  }
0x104: {  	v22 =	vmul.f32 v22, v22;
	v14 =	vsel vm2, $0xFF800000, v62;
	v16 =	vadd.f32 v16, v21  }
0x105: {  	v21 =	vmul.f32 v54, v54;
	v59 =	vmul.f32 v59, v59;
	v62 =	vmax.f32 v14, v61  }
0x106: {  	v54 =	vadd.f32 v23, v0;
	v23 =	vsel vm3, v9, v8;
	vm3 =	vgt.f32 v4, v3;
	v4 =	vld [tilespmem:$0x1FE80];
	(xrf0) =	vmax.scan.msk.f32 $0xffff, v62  }
0x107: {  	v0 =	vsel vm12, v57, v23;
	v23 =	vld [tilespmem:$0x1FE70];
	v2 =	vadd.f32 v22, v16;
	v12 =	vadd.f32 v59, v21  }
0x108: {  	v0 =	vsel vm13, v10, v0;
	v16 =	vmul.f32 v32, v32;
	v32 =	vsub.f32 v19, v17  }
0x109: {  	v22, _, _ =	vpop (xrf0);
	v0 =	vsel vm3, v5, v0;
	vm3 =	vgt.f32 v15, v58;
	v15 =	vsub.f32 v50, v30  }
0x10a: {  	vm15 =	vgt.f32 v14, v61;
	v58 =	vsub.f32 v27, v52;
	(v2sf) =	vpush v22, $0xF  }
0x10b: {  	v0 =	vsel vm14, v7, v0;
	v11 =	vadd.f32 v16, v11;
	v2 =	vsub.f32 $0.0e+00, v2  }
0x10c: {  	v4 =	vsub.f32 $0.0e+00, v4;
	v0 =	vsel vm3, v60, v0;
	v3 =	vsub.f32 v6, v23;
	v59, _, _ =	vpop (xrf0)  }
0x10d: {  	v15 =	vmul.f32 v15, v15;
	v0 =	vsel vm15, v63, v0;
	v61 =	vbroadcast v59, $0xF  }
0x10e: {  	vm8 =	vgt.f32 v4, v3;
	v3 =	vmax.f32 v4, v3;
	v59 =	vsub.f32 v44, v52  }
0x10f: {  	vm3 =	veq.f32 v62, v61;
	v61 =	vmul.f32 v32, v32;
	v32 =	vsub.f32 $0.0e+00, v34  }
0x110: {  	v62 =	vmul.f32 v58, v58;
	v34 =	vsub.f32 v37, v28;
	v58 =	vsub.f32 v36, v51  }
0x111: {  	v14 =	vmul.f32 v59, v59;
	v59 =	vsub.f32 v41, v28;
	v28 =	vsub.f32 v40, v52  }
0x112: {  	v0 =	vnsel vm3, $0xC0000000, v0;
	v4 =	vadd.f32 v61, v15;
	v12 =	vadd.f32 v62, v12  }
0x113: {  	v11 =	vadd.f32 v14, v11;
	vm3 =	vgt.f32 v32, v3;
	v3 =	vmax.f32 v32, v3  }
0x114: {  	v61 =	vsub.f32 v39, v51;
	v14 =	vmul.f32 v34, v34;
	v16 =	vmul.f32 v58, v58  }
0x115: {  	v62 =	vsub.f32 v38, v52;
	v15 =	vmul.f32 v59, v59;
	v34 =	vmul.f32 v28, v28  }
0x116: {  	v51 =	vsel vm8, v9, v8;
	v28 =	vsub.f32 v24, v18;
	vm9 =	vgt.f32 v2, v3  }
0x117: {  	v2 =	vmax.f32 v2, v3;
	v21 =	vmul.f32 v61, v61;
	v14 =	vadd.f32 v16, v14  }
0x118: {  	v32 =	vmul.f32 v62, v62;
	v12 =	vsub.f32 $0.0e+00, v12;
	v11 =	vsub.f32 $0.0e+00, v11  }
0x119: {  	v59 =	vmul.f32 v28, v28;
	v61 =	vsub.f32 v26, v30;
	v62 =	vsub.f32 v25, v17  }
0x11a: {  	v15 =	vadd.f32 v21, v15;
	v52 =	vadd.f32 v32, v14;
	v16 =	vmax.f32 v12, v2  }
0x11b: {  	vm10 =	vgt.f32 v12, v2;
	v4 =	vadd.f32 v59, v4;
	v2 =	vmul.f32 v61, v61  }
0x11c: {  	v23 =	vmul.f32 v62, v62;
	v61 =	vsub.f32 v27, v18;
	v62 =	vsub.f32 v48, v17  }
0x11d: {  	v12 =	vmax.f32 v11, v16;
	vm11 =	vgt.f32 v11, v16;
	v11 =	vsub.f32 v46, v30  }
0x11e: {  	v21 =	vsel vm3, v57, v51;
	v51 =	vld [tilespmem:$0x1FE90];
	v58 =	vadd.f32 v34, v15;
	v3 =	vsub.f32 $0.0e+00, v52  }
0x11f: {  	v59 =	vld [tilespmem:$0x1FEC0];
	v21 =	vsel vm9, v10, v21;
	v2 =	vadd.f32 v23, v2;
	v4 =	vsub.f32 $0.0e+00, v4  }
0x120: {  	(xrf0) =	vmin.scan.msk.u32 $0xffff, v0;
	v23 =	vmul.f32 v61, v61;
	v21 =	vsel vm10, v5, v21;
	v61 =	vsub.f32 v41, v30  }
0x121: {  	v16 =	vsel vm11, v7, v21;
	v11 =	vmul.f32 v11, v11;
	v14 =	vsub.f32 $0.0e+00, v58  }
0x122: {  	v28 =	vmax.f32 v3, v12;
	vm12 =	vgt.f32 v3, v12;
	v2 =	vadd.f32 v23, v2  }
0x123: {  	v52 =	vld [tilespmem:$0x1FEA0];
	v3 =	vmul.f32 v62, v62;
	v23 =	vsub.f32 v24, v47;
	v15 =	vsub.f32 v6, v51  }
0x124: {  	v58 =	vld [tilespmem:$0x1FEB0];
	v51 =	vsub.f32 $0.0e+00, v59;
	v12 =	vsel vm12, v60, v16;
	v14 =	vsel vm2, $0xFF800000, v14  }
0x125: {  	v16 =	vsub.f32 v50, v43;
	v59 =	vsub.f32 v36, v17;
	v0 =	vmax.f32 v14, v28  }
0x126: {  	v21, _, _ =	vpop (xrf0);
	v17 =	vsub.f32 v39, v17;
	v3 =	vadd.f32 v3, v11;
	(xrf0) =	vmax.scan.msk.f32 $0xffff, v0  }
0x127: {  	v2 =	vsub.f32 $0.0e+00, v2;
	(v2sf) =	vpush v21, $0xF  }
0x128: {  	v32 =	vsub.f32 $0.0e+00, v52;
	vm13 =	vgt.f32 v14, v28;
	v28 =	vsub.f32 v19, v45  }
0x129: {  	v52 =	vsub.f32 v44, v18;
	v17 =	vmul.f32 v17, v17;
	v34 =	vsub.f32 v6, v58  }
0x12a: {  	vm3 =	vgt.f32 v32, v15;
	v15 =	vmax.f32 v32, v15;
	v58 =	vsub.f32 v37, v30  }
0x12b: {  	v30 =	vsub.f32 v38, v18;
	v18 =	vsub.f32 v40, v18;
	vm15 =	vgt.f32 v13, v15  }
0x12c: {  	v13 =	vmax.f32 v13, v15;
	v15 =	vmul.f32 v61, v61;
	v61 =	vmul.f32 v28, v28;
	v32, _, _ =	vpop (xrf0)  }
0x12d: {  	v12 =	vsel vm13, v63, v12;
	v62 =	vmul.f32 v30, v30;
	v14 =	vbroadcast v32, $0xF  }
0x12e: {  	v15 =	vadd.f32 v17, v15;
	v32 =	vmul.f32 v18, v18;
	v18 =	vsel vm3, v9, v8  }
0x12f: {  	vm3 =	vgt.f32 v4, v13;
	vm14 =	veq.f32 v0, v14;
	v14 =	vmul.f32 v59, v59  }
0x130: {  	v0 =	vmul.f32 v52, v52;
	v52 =	vadd.f32 v32, v15;
	v59 =	vsub.f32 v50, v33  }
0x131: {  	v32 =	vsel vm15, v57, v18;
	v11 =	vnsel vm14, $0xC0000000, v12;
	v12 =	vmul.f32 v58, v58  }
0x132: {  	v58 =	vmul.f32 v16, v16;
	v0 =	vadd.f32 v0, v3;
	v3 =	vmax.f32 v4, v13  }
0x133: {  	v12 =	vadd.f32 v14, v12;
	v15 =	vmax.f32 v2, v3;
	v14 =	vmul.f32 v59, v59  }
0x134: {  	vm8 =	vgt.f32 v2, v3;
	v59 =	vsel vm3, v10, v32;
	vm3 =	vgt.f32 v51, v34  }
0x135: {  	v32 =	vmax.f32 v51, v34;
	v51 =	vsub.f32 v46, v43;
	v0 =	vsub.f32 $0.0e+00, v0  }
0x136: {  	v13 =	vsel vm8, v5, v59;
	v59 =	vsub.f32 v37, v43;
	v4 =	vadd.f32 v62, v12  }
0x137: {  	vm13 =	vgt.f32 v1, v32;
	v12 =	vsub.f32 $0.0e+00, v52;
	v62 =	vsub.f32 v19, v35  }
0x138: {  	v1 =	vmax.f32 v1, v32;
	v52 =	vadd.f32 v61, v58;
	v58 =	vsub.f32 v24, v42  }
0x139: {  	v61 =	vmul.f32 v23, v23;
	v23 =	vsub.f32 v19, v29;
	v28 =	vmax.f32 v0, v15  }
0x13a: {  	(xrf0) =	vmin.scan.msk.u32 $0xffff, v11;
	vm9 =	vgt.f32 v0, v15;
	v4 =	vsub.f32 $0.0e+00, v4;
	v12 =	vsel vm2, $0xFF800000, v12  }
0x13b: {  	v11 =	vmul.f32 v62, v62;
	v3 =	vmul.f32 v58, v58;
	v62 =	vsub.f32 v50, v53  }
0x13c: {  	v2 =	vadd.f32 v61, v52;
	v13 =	vsel vm9, v7, v13;
	v52 =	vsub.f32 v48, v45  }
0x13d: {  	v58 =	vsub.f32 v27, v47;
	v61 =	vsub.f32 v36, v45;
	v30 =	vmax.f32 v4, v28  }
0x13e: {  	v11 =	vadd.f32 v11, v14;
	v0 =	vmul.f32 v62, v62;
	vm10 =	vgt.f32 v4, v28  }
0x13f: {  	v4 =	vsub.f32 v26, v43;
	v62 =	vmul.f32 v58, v58;
	v2 =	vsub.f32 $0.0e+00, v2  }
0x140: {  	v16, _, _ =	vpop (xrf0);
	v32 =	vmul.f32 v61, v61;
	v58 =	vsub.f32 v41, v43;
	v28 =	vsub.f32 v40, v47  }
0x141: {  	v43 =	vsub.f32 v26, v33;
	(v2sf) =	vpush v16, $0xF;
	v18 =	vmax.f32 v12, v30  }
0x142: {  	v13 =	vsel vm10, v60, v13;
	vm11 =	vgt.f32 v12, v30;
	v3 =	vadd.f32 v3, v11  }
0x143: {  	(xrf0) =	vmax.scan.msk.f32 $0xffff, v18;
	v11 =	vmul.f32 v23, v23;
	v4 =	vmul.f32 v4, v4;
	v12 =	vsel vm11, v63, v13  }
0x144: {  	v13 =	vmul.f32 v51, v51;
	v23 =	vmul.f32 v59, v59;
	v59 =	vsub.f32 v39, v45  }
0x145: {  	vm14 =	vgt.f32 v2, v1;
	v1 =	vmax.f32 v2, v1;
	v2 =	vmul.f32 v58, v58  }
0x146: {  	v0 =	vadd.f32 v11, v0;
	v11 =	vsub.f32 v25, v45;
	v17 =	vmul.f32 v59, v59  }
0x147: {  	v51 =	vadd.f32 v32, v23;
	v32 =	vmul.f32 v28, v28;
	v28 =	vsub.f32 v50, v56  }
0x148: {  	v61 =	vld [tilespmem:$0x1FED0];
	v58 =	vsub.f32 v26, v53;
	v11 =	vmul.f32 v11, v11;
	v2 =	vadd.f32 v17, v2  }
0x149: {  	v59 =	vsub.f32 v25, v29;
	v3 =	vsub.f32 $0.0e+00, v3;
	v50 =	vmul.f32 v28, v28;
	v34, _, _ =	vpop (xrf0)  }
0x14a: {  	v4 =	vadd.f32 v11, v4;
	v2 =	vadd.f32 v32, v2;
	v14 =	vbroadcast v34, $0xF  }
0x14b: {  	v28 =	vsub.f32 v40, v31;
	v11 =	vsub.f32 v44, v47;
	v34 =	vsel vm3, v9, v8  }
0x14c: {  	v4 =	vadd.f32 v62, v4;
	v2 =	vsub.f32 $0.0e+00, v2;
	vm12 =	veq.f32 v18, v14  }
0x14d: {  	v62 =	vld [tilespmem:$0x1FEE0];
	v14 =	vmul.f32 v52, v52;
	v52 =	vsub.f32 v38, v47;
	v18 =	vsub.f32 v6, v61  }
0x14e: {  	v11 =	vmul.f32 v11, v11;
	v47 =	vsub.f32 v27, v42;
	v4 =	vsub.f32 $0.0e+00, v4  }
0x14f: {  	v61 =	vsub.f32 v46, v33;
	v13 =	vadd.f32 v14, v13;
	v15 =	vmul.f32 v52, v52  }
0x150: {  	v32 =	vmovc v20;
	vm15 =	vgt.f32 v4, v1;
	v1 =	vmax.f32 v4, v1;
	v4 =	vsub.f32 v25, v35  }
0x151: {  	v12 =	vnsel vm12, $0xC0000000, v12;
	v25 =	vsub.f32 v25, v32;
	v11 =	vadd.f32 v11, v13  }
0x152: {  	v30 =	vsel vm2, $0xFF800000, v2;
	v23 =	vsub.f32 $0.0e+00, v62;
	v14 =	vadd.f32 v15, v51  }
0x153: {  	v13 =	vsel vm13, v57, v34;
	v34 =	vsub.f32 v24, v55;
	v15 =	vmul.f32 v43, v43  }
0x154: {  	v51 =	vmul.f32 v47, v47;
	v62 =	vsub.f32 v48, v35;
	v13 =	vsel vm14, v10, v13  }
0x155: {  	[tilespmem:$0xF00] =	vst v6;
	v4 =	vmul.f32 v4, v4;
	v25 =	vmul.f32 v25, v25;
	vm3 =	vgt.f32 v23, v18  }
0x156: {  	[tilespmem:$0xF80] =	vst v6;
	v11 =	vsub.f32 $0.0e+00, v11;
	v17 =	vmul.f32 v34, v34;
	v14 =	vsub.f32 $0.0e+00, v14  }
0x157: {  	[tilespmem:$0x1000] =	vst v6;
	v13 =	vsel vm15, v5, v13;
	v18 =	vmax.f32 v23, v18;
	v34 =	vmul.f32 v61, v61  }
0x158: {  	[tilespmem:$0x1080] =	vst v6;
	v43 =	vmul.f32 v62, v62;
	v23 =	vsub.f32 v46, v56;
	v4 =	vadd.f32 v4, v15  }
0x159: {  	[tilespmem:$0x1100] =	vst v6;
	vm8 =	vgt.f32 v11, v1;
	v1 =	vmax.f32 v11, v1;
	v11 =	vsub.f32 v19, v20  }
0x15a: {  	[tilespmem:$0x1180] =	vst v6;
	v62 =	vsel vm3, v9, v8;
	v2 =	vadd.f32 v17, v0;
	v15 =	vadd.f32 v43, v34  }
0x15b: {  	[tilespmem:$0x1200] =	vst v6;
	v20 =	vsub.f32 v24, v31;
	v24 =	vsub.f32 v39, v35;
	v45 =	vmax.f32 v14, v1  }
0x15c: {  	[tilespmem:$0x1280] =	vst v6;
	v52 =	vsel vm8, v7, v13;
	vm9 =	vgt.f32 v14, v1;
	v1 =	vmul.f32 v58, v58  }
0x15d: {  	(xrf0) =	vmin.scan.msk.u32 $0xffff, v12;
	v47 =	vld [tilespmem:$0x1FEF0];
	v12 =	vmax.f32 v30, v45;
	vm10 =	vgt.f32 v30, v45;
	v30 =	vmovc v5;
	v5 =	vimm.f32 $0.0e+00  }
0x15e: {  	v13 =	vmul.f32 v59, v59;
	v4 =	vadd.f32 v51, v4;
	v51 =	vsub.f32 v37, v33;
	[tilespmem:$0xF10] =	vst v5  }
0x15f: {  	v58 =	vsub.f32 v41, v33;
	v33 =	vsub.f32 v38, v42;
	v14 =	vsel vm9, v60, v52;
	[tilespmem:$0xF90] =	vst v5  }
0x160: {  	v52 =	vsub.f32 v36, v35;
	v61 =	vmul.f32 v24, v24;
	v24 =	vsub.f32 v40, v42;
	[tilespmem:$0x1010] =	vst v5  }
0x161: {  	v11 =	vmul.f32 v11, v11;
	v35 =	vsub.f32 v27, v55;
	v2 =	vsub.f32 $0.0e+00, v2;
	[tilespmem:$0x1090] =	vst v5  }
0x162: {  	v20 =	vmul.f32 v20, v20;
	v1 =	vadd.f32 v13, v1;
	v13 =	vsub.f32 $0.0e+00, v47;
	[tilespmem:$0x1110] =	vst v5  }
0x163: {  	(xrf0) =	vmax.scan.msk.f32 $0xffff, v12;
	[tilespmem:$0x1190] =	vst v5;
	v4 =	vsub.f32 $0.0e+00, v4;
	v47 =	vsub.f32 v46, v53  }
0x164: {  	v59 =	vmul.f32 v58, v58;
	[tilespmem:$0x1210] =	vst v5;
	v11 =	vadd.f32 v11, v50;
	v50 =	vsub.f32 v44, v42  }
0x165: {  	[tilespmem:$0x1290] =	vst v5;
	v42 =	vmul.f32 v33, v33;
	v43 =	vmul.f32 v24, v24;
	v24 =	vsub.f32 v26, v56  }
0x166: {  	[tilespmem:$0xF20] =	vst v5;
	v33 =	vsub.f32 v48, v32;
	vm12 =	vgt.f32 v13, v18;
	v13 =	vmax.f32 v13, v18  }
0x167: {  	[tilespmem:$0xFA0] =	vst v5;
	v34 =	vadd.f32 v61, v59;
	v17 =	vmul.f32 v50, v50;
	vm13 =	vgt.f32 v3, v13  }
0x168: {  	[tilespmem:$0x1020] =	vst v5;
	v3 =	vmax.f32 v3, v13;
	v50 =	vsub.f32 v48, v29;
	v24 =	vmul.f32 v24, v24  }
0x169: {  	[tilespmem:$0x10A0] =	vst v5;
	v11 =	vadd.f32 v20, v11;
	v18 =	vmul.f32 v33, v33;
	v48 =	vsub.f32 v39, v29  }
0x16a: {  	v0, _, _ =	vpop (xrf0);
	[tilespmem:$0x1120] =	vst v5;
	v33 =	vsub.f32 v41, v56;
	vm3 =	vgt.f32 v4, v3;
	v13 =	vadd.f32 v43, v34  }
0x16b: {  	[tilespmem:$0x11A0] =	vst v5;
	v3 =	vmax.f32 v4, v3;
	v4 =	vsub.f32 v27, v31;
	v43 =	vsub.f32 $0.0e+00, v54;
	v45, _, _ =	vpop (xrf0)  }
0x16c: {  	[tilespmem:$0x1220] =	vst v5;
	v27 =	vsub.f32 v38, v31;
	v15 =	vadd.f32 v17, v15;
	v19 =	vbroadcast v45, $0xF  }
0x16d: {  	[tilespmem:$0x12A0] =	vst v5;
	v24 =	vadd.f32 v25, v24;
	v17 =	vmul.f32 v35, v35;
	v35 =	vsub.f32 v37, v53  }
0x16e: {  	[tilespmem:$0xF30] =	vst v5;
	vm11 =	veq.f32 v12, v19;
	v12 =	vmul.f32 v51, v51;
	v19 =	vmul.f32 v52, v52  }
0x16f: {  	[tilespmem:$0xFB0] =	vst v5;
	v25 =	vsub.f32 v39, v32;
	v13 =	vsub.f32 $0.0e+00, v13  }
0x170: {  	v14 =	vsel vm10, v63, v14;
	[tilespmem:$0x1030] =	vst v5;
	v15 =	vsub.f32 $0.0e+00, v15;
	v12 =	vadd.f32 v19, v12  }
0x171: {  	[tilespmem:$0x10B0] =	vst v5;
	v4 =	vmul.f32 v4, v4;
	v17 =	vadd.f32 v17, v1;
	v13 =	vsel vm2, $0xFF800000, v13  }
0x172: {  	[tilespmem:$0x1130] =	vst v5;
	vm14 =	vgt.f32 v15, v3;
	v3 =	vmax.f32 v15, v3;
	v12 =	vadd.f32 v42, v12  }
0x173: {  	[tilespmem:$0x11B0] =	vst v5;
	v52 =	vsub.f32 v44, v55;
	v15 =	vmul.f32 v47, v47;
	v47 =	vsub.f32 v41, v53  }
0x174: {  	[tilespmem:$0x1230] =	vst v5;
	v17 =	vsub.f32 $0.0e+00, v17;
	v14 =	vnsel vm11, $0xC0000000, v14;
	v12 =	vsub.f32 $0.0e+00, v12  }
0x175: {  	v59 =	vld [tilespmem:$0x1FF00];
	v19 =	vsel vm12, v57, v62;
	(xrf0) =	vmin.scan.msk.u32 $0xffff, v14;
	v14 =	vmul.f32 v52, v52;
	v20 =	vmul.f32 v47, v47  }
0x176: {  	[tilespmem:$0x12B0] =	vst v5;
	v61 =	vld [tilespmem:$0x1FF10];
	v45 =	vsel vm13, v10, v19;
	v19 =	vmul.f32 v50, v50;
	v51 =	vmax.f32 v12, v3  }
0x177: {  	[tilespmem:$0xF40] =	vst v5;
	v50 =	vsub.f32 v44, v31;
	v58 =	vsel vm3, v30, v45;
	v26 =	vmax.f32 v13, v51  }
0x178: {  	v42 =	vsub.f32 v36, v29;
	v45 =	vmul.f32 v35, v35;
	v15 =	vadd.f32 v19, v15;
	(xrf0) =	vmax.scan.msk.f32 $0xffff, v26  }
0x179: {  	[tilespmem:$0xFC0] =	vst v5;
	v62 =	vsel vm14, v7, v58;
	vm3 =	vgt.f32 v12, v3;
	v3 =	vadd.f32 v4, v24  }
0x17a: {  	[tilespmem:$0x1040] =	vst v5;
	v46 =	vmul.f32 v42, v42;
	v4 =	vadd.f32 v14, v15;
	v12 =	vsub.f32 v6, v59  }
0x17b: {  	[tilespmem:$0x10C0] =	vst v5;
	v14 =	vsub.f32 $0.0e+00, v61;
	v24 =	vsub.f32 v40, v55;
	vm15 =	vgt.f32 v13, v51  }
0x17c: {  	[tilespmem:$0x1140] =	vst v5;
	v15 =	vsel vm3, v60, v62;
	v13 =	vmul.f32 v23, v23;
	v51 =	vsub.f32 v38, v55  }
0x17d: {  	[tilespmem:$0x11C0] =	vst v5;
	v1, _, _ =	vpop (xrf0);
	v23 =	vmul.f32 v48, v48;
	vm3 =	vgt.f32 v14, v12;
	v12 =	vmax.f32 v14, v12  }
0x17e: {  	[tilespmem:$0x1240] =	vst v5;
	v14 =	vmul.f32 v50, v50;
	v24 =	vmul.f32 v24, v24;
	v4 =	vsub.f32 $0.0e+00, v4;
	v34, _, _ =	vpop (xrf0)  }
0x17f: {  	[tilespmem:$0x12C0] =	vst v5;
	v59 =	vld [tilespmem:$0x1FF20];
	v13 =	vadd.f32 v18, v13;
	vm9 =	vgt.f32 v43, v12;
	v19 =	vbroadcast v34, $0xF  }
0x180: {  	[tilespmem:$0xF50] =	vst v5;
	v12 =	vmax.f32 v43, v12;
	v18 =	vadd.f32 v46, v45;
	v20 =	vadd.f32 v23, v20  }
0x181: {  	[tilespmem:$0xFD0] =	vst v5;
	v52 =	vsel vm3, v9, v8;
	vm8 =	veq.f32 v26, v19;
	v19 =	vmul.f32 v51, v51  }
0x182: {  	[tilespmem:$0x1050] =	vst v5;
	vm10 =	vgt.f32 v2, v12;
	v2 =	vmax.f32 v2, v12;
	v55 =	vadd.f32 v24, v20  }
0x183: {  	[tilespmem:$0x10D0] =	vst v5;
	vm3 =	vgt.f32 v17, v2;
	v2 =	vmax.f32 v17, v2;
	v54 =	vadd.f32 v19, v18  }
0x184: {  	[tilespmem:$0x1150] =	vst v5;
	v53 =	vadd.f32 v14, v13;
	v17 =	vsub.f32 v6, v59;
	vm11 =	vgt.f32 v4, v2  }
0x185: {  	[tilespmem:$0x11D0] =	vst v5;
	v6 =	vld [tilespmem:$0x1FF30];
	v2 =	vmax.f32 v4, v2;
	v4 =	vsub.f32 $0.0e+00, v55;
	v13 =	vsub.f32 $0.0e+00, v54  }
0x186: {  	[tilespmem:$0x1250] =	vst v5;
	v62 =	vsub.f32 v37, v56;
	v15 =	vsel vm15, v63, v15;
	v24 =	vsub.f32 v36, v32  }
0x187: {  	[tilespmem:$0x12D0] =	vst v5;
	v4 =	vsel vm2, $0xFF800000, v4;
	v15 =	vnsel vm8, $0xC0000000, v15;
	v26 =	vmax.f32 v13, v2  }
0x188: {  	v11 =	vsub.f32 $0.0e+00, v11;
	v25 =	vmul.f32 v25, v25;
	(xrf0) =	vmin.scan.msk.u32 $0xffff, v15;
	v36 =	vmax.f32 v4, v26  }
0x189: {  	v35 =	vsub.f32 $0.0e+00, v49;
	v20 =	vmul.f32 v62, v62;
	v24 =	vmul.f32 v24, v24;
	(xrf0) =	vmax.scan.msk.f32 $0xffff, v36  }
0x18a: {  	[tilespmem:$0xF60] =	vst v5;
	v3 =	vsub.f32 $0.0e+00, v3;
	v14 =	vmul.f32 v33, v33;
	v61 =	vsub.f32 $0.0e+00, v6  }
0x18b: {  	[tilespmem:$0xFE0] =	vst v5;
	v58 =	vsel vm9, v57, v52;
	v20 =	vadd.f32 v24, v20;
	v24 =	vmul.f32 v27, v27  }
0x18c: {  	[tilespmem:$0x1060] =	vst v5;
	v14 =	vadd.f32 v25, v14;
	v25 =	vmul.f32 v28, v28;
	v34 =	vmax.f32 v61, v17  }
0x18d: {  	[tilespmem:$0x10E0] =	vst v5;
	v12 =	vsub.f32 $0.0e+00, v53;
	v20 =	vadd.f32 v24, v20;
	v29 =	vmax.f32 v35, v34  }
0x18e: {  	[tilespmem:$0x1160] =	vst v5;
	v39 =	vadd.f32 v25, v14;
	v18 =	vsel vm10, v10, v58;
	v37 =	vmax.f32 v11, v29;
	v38, _, _ =	vpop (xrf0)  }
0x18f: {  	[tilespmem:$0x11E0] =	vst v5;
	v41 =	vsub.f32 $0.0e+00, v20;
	v18 =	vsel vm3, v30, v18;
	v27 =	vmax.f32 v3, v37;
	v40, _, _ =	vpop (xrf0)  }
0x190: {  	[tilespmem:$0x1260] =	vst v5;
	v18 =	vsel vm11, v7, v18;
	vm3 =	vgt.f32 v13, v2;
	v13 =	vbroadcast v40, $0xF  }
0x191: {  	[tilespmem:$0x12E0] =	vst v5;
	v2 =	vsub.f32 $0.0e+00, v39;
	vm12 =	vgt.f32 v4, v26;
	v4 =	vsel vm3, v60, v18  }
0x192: {  	[tilespmem:$0xF70] =	vst v5;
	v28 =	vmax.f32 v12, v27;
	v4 =	vsel vm12, v63, v4;
	vm3 =	veq.f32 v36, v13  }
0x193: {  	s8 =	spop (v2sf);
	[tilespmem:$0xFF0] =	vst v5;
	v42 =	vmax.f32 v41, v28;
	v2 =	vsel vm2, $0xFF800000, v2;
	v43 =	vnsel vm3, $0xC0000000, v4  }
0x194: {  	s7 =	sxor.u32 $0x80000000, s8;
	(v2sf) =	vpush v0, $0xF;
	[tilespmem:$0x1070] =	vst v5;
	v4 =	vmax.f32 v2, v42;
	(xrf0) =	vmin.scan.msk.u32 $0xffff, v43  }
0x195: {  	s9 =	spop (v2sf);
	[tilespmem:$0x10F0] =	vst v5;
	v44 =	vmov s7;
	(v2sf) =	vpush v1, $0xF;
	(xrf0) =	vmax.scan.msk.f32 $0xffff, v4  }
0x196: {  	[tilespmem:$0x1170] =	vst v5;
	v45 =	vadd.s32 $0x100, v44;
	vm13 =	vgt.f32 v11, v29;
	vm2 =	vgt.f32 v61, v17  }
0x197: {  	[tilespmem:$0x11F0] =	vst v5;
	v11 =	vadd.s32 $0x80, v44;
	v46 =	vsel vm2, v9, v8;
	vm2 =	vne.s32 v44, $0x7F  }
0x198: {  	[tilespmem:$0x1270] =	vst v5;
	s7 =	sxor.u32 $0x80000000, s9;
	v15 =	vimm.s32 $0x0;
	vm2 =	vmand vm2, vm0;
	vm3 =	vgt.f32 v35, v34  }
0x199: {  	[tilespmem:$0x12F0] =	vst v5;
	v5 =	vimm.f32 $-Inf;
	v49 =	vmov s7;
	v47 =	vsel vm3, v57, v46  }
0x19a: {  	v50 =	vadd.s32 $0x100, v49;
	v53 =	vld.idx.msk [tilespmem:v44+s20+$0x0], $0xffff;
	vm3 =	vgt.f32 v3, v37;
	v1 =	vsel vm13, v10, v47;
	v48, _, _ =	vpop (xrf0)  }
0x19b: {  	vm15 =	vne.s32 v49, $0x7F;
	v58 =	vld.idx.msk [tilespmem:v45+s20+$0x0], $0xffff;
	vm14 =	vgt.f32 v12, v27;
	v1 =	vsel vm3, v30, v1;
	v61, _, _ =	vpop (xrf0)  }
0x19c: {  	v56 =	vld.idx.msk [tilespmem:v11+s20+$0x0], $0xffff;
	vm3 =	vgt.f32 v41, v28;
	v1 =	vsel vm14, v7, v1;
	v62 =	vbroadcast v61, $0xF  }
0x19d: {  	v11 =	vadd.s32 $0x80, v49;
	[tilespmem:v15+s25+$0x0] =	vst.idx.msk $0x1, v44;
	v1 =	vsel vm3, v60, v1;
	vm3 =	vgt.f32 v2, v42  }
0x19e: {  	s8 =	spop (v2sf);
	(v2sf) =	vpush v38, $0xF;
	[tilespmem:v44+s26+$0x0] =	vst.idx.msk vm2, v5;
	v16 =	vsel vm3, v63, v1;
	vm2 =	veq.f32 v4, v62  }
0x19f: {  	vm4 =	vmand vm15, vm0;
	v4 =	vimm.s32 $0x1;
	v0 =	vnsel vm2, $0xC0000000, v16  }
0x1a0: {  	s7 =	sxor.u32 $0x80000000, s8;
	(xrf0) =	vmin.scan.msk.u32 $0xffff, v0  }
0x1a1: {  	v17 =	vmov s7  }
0x1a2: {  	v6 =	vimm.s32 $0x2;
	v18 =	vadd.s32 $0x80, v17;
	v52 =	vld.idx.msk [tilespmem:v49+s20+$0x0], $0xffff;
	vm2 =	vne.s32 v17, $0x7F  }
0x1a3: {  	s9 =	spop (v2sf);
	v19 =	vadd.s32 $0x100, v17;
	v54 =	vld.idx.msk [tilespmem:v11+s20+$0x0], $0xffff;
	(v2sf) =	vpush v48, $0xF;
	vm2 =	vmand vm2, vm0  }
0x1a4: {  	s7 =	sxor.u32 $0x80000000, s9;
	v55 =	vld.idx.msk [tilespmem:v50+s20+$0x0], $0xffff;
	[tilespmem:v4+s25+$0x0] =	vst.idx.msk $0x1, v49  }
0x1a5: {  	v20 =	vmov s7;
	[tilespmem:v49+s28+$0x0] =	vst.idx.msk vm4, v5  }
0x1a6: {  	v21 =	vadd.s32 $0x80, v20;
	v22 =	vadd.s32 $0x100, v20;
	v47 =	vld.idx.msk [tilespmem:v17+s20+$0x0], $0xffff;
	v4, _, _ =	vpop (xrf0)  }
0x1a7: {  	s8 =	spop (v2sf);
	vm3 =	vne.s32 v20, $0x7F;
	v46 =	vld.idx.msk [tilespmem:v18+s20+$0x0], $0xffff;
	(v2sf) =	vpush v4, $0xF;
	v4 =	vimm.s32 $0x3  }
0x1a8: {  	vm3 =	vmand vm3, vm0;
	v45 =	vld.idx.msk [tilespmem:v19+s20+$0x0], $0xffff;
	[tilespmem:v6+s25+$0x0] =	vst.idx.msk $0x1, v17  }
0x1a9: {  	s7 =	sxor.u32 $0x80000000, s8;
	[tilespmem:v17+s29+$0x0] =	vst.idx.msk vm2, v5  }
0x1aa: {  	v23 =	vmov s7;
	v40 =	vld.idx.msk [tilespmem:v20+s20+$0x0], $0xffff  }
0x1ab: {  	v38 =	vadd.s32 $0x80, v23;
	v42 =	vld.idx.msk [tilespmem:v21+s20+$0x0], $0xffff  }
0x1ac: {  	v44 =	vadd.s32 $0x100, v23;
	vm2 =	vne.s32 v23, $0x7F;
	v41 =	vld.idx.msk [tilespmem:v22+s20+$0x0], $0xffff;
	[tilespmem:v4+s25+$0x0] =	vst.idx.msk $0x1, v20;
	v4 =	vimm.s32 $0x4  }
0x1ad: {  	s9 =	spop (v2sf);
	vm2 =	vmand vm2, vm0  }
0x1ae: {  	s7 =	sxor.u32 $0x80000000, s9;
	[tilespmem:v20+s30+$0x0] =	vst.idx.msk vm3, v5  }
0x1af: {  	v48 =	vmov s7;
	v35 =	vld.idx.msk [tilespmem:v23+s20+$0x0], $0xffff  }
0x1b0: {  	v49 =	vadd.s32 $0x80, v48;
	v37 =	vld.idx.msk [tilespmem:v38+s20+$0x0], $0xffff  }
0x1b1: {  	v50 =	vadd.s32 $0x100, v48;
	vm3 =	vne.s32 v48, $0x7F;
	v36 =	vld.idx.msk [tilespmem:v44+s20+$0x0], $0xffff;
	[tilespmem:v4+s25+$0x0] =	vst.idx.msk $0x1, v23;
	v4 =	vimm.s32 $0x5  }
0x1b2: {  	s8 =	spop (v2sf);
	vm3 =	vmand vm3, vm0  }
0x1b3: {  	s7 =	sxor.u32 $0x80000000, s8;
	[tilespmem:v23+s31+$0x0] =	vst.idx.msk vm2, v5  }
0x1b4: {  	v51 =	vmov s7;
	v31 =	vld.idx.msk [tilespmem:v48+s20+$0x0], $0xffff  }
0x1b5: {  	v57 =	vadd.s32 $0x80, v51;
	vm2 =	vne.s32 v51, $0x7F;
	v33 =	vld.idx.msk [tilespmem:v49+s20+$0x0], $0xffff  }
0x1b6: {  	v59 =	vadd.s32 $0x100, v51;
	v32 =	vld.idx.msk [tilespmem:v50+s20+$0x0], $0xffff;
	vm2 =	vmand vm2, vm0;
	[tilespmem:v4+s25+$0x0] =	vst.idx.msk $0x1, v48;
	s9 =	spop (v2sf);
	v4 =	vimm.s32 $0x6  }
0x1b7: {  	s7 =	sxor.u32 $0x80000000, s9  }
0x1b8: {  	[tilespmem:v48+s0+$0x0] =	vst.idx.msk vm3, v5;
	v60 =	vmov s7  }
0x1b9: {  	v29 =	vld.idx.msk [tilespmem:v51+s20+$0x0], $0xffff;
	v61 =	vadd.s32 $0x80, v60;
	vm3 =	vne.s32 v60, $0x7F  }
0x1ba: {  	v63 =	vimm.s32 $0x7;
	v28 =	vld.idx.msk [tilespmem:v57+s20+$0x0], $0xffff;
	v62 =	vadd.s32 $0x100, v60;
	vm3 =	vmand vm3, vm0  }
0x1bb: {  	v27 =	vld.idx.msk [tilespmem:v59+s20+$0x0], $0xffff;
	[tilespmem:v4+s25+$0x0] =	vst.idx.msk $0x1, v51  }
0x1bc: {  	[tilespmem:v51+s2+$0x0] =	vst.idx.msk vm2, v5  }
0x1bd: {  	v8 =	vld.idx.msk [tilespmem:v60+s20+$0x0], $0xffff  }
0x1be: {  	v7 =	vld.idx.msk [tilespmem:v61+s20+$0x0], $0xffff  }
0x1bf: {  	v6 =	vld.idx.msk [tilespmem:v62+s20+$0x0], $0xffff;
	[tilespmem:v63+s25+$0x0] =	vst.idx.msk $0x1, v60  }
0x1c0: {  	s7 =	simm.s32 $0x10;
	[tilespmem:v60+s3+$0x0] =	vst.idx.msk vm3, v5  }
.LBB2_3:
0x1c1: {  	v0 =	vld [tilespmem:$0x180]  }
0x1c2: {  	v1 =	vld [tilespmem:$0x200]  }
0x1c3: {  	v2 =	vld [tilespmem:$0x280];
	_ =	sdelay $0x3  }
0x1c4: {  	v3 =	vsub.f32 v0, v53;
	v4 =	vsub.f32 v1, v56  }
0x1c5: {  	v11 =	vsub.f32 v2, v58;
	v12 =	vsub.f32 v0, v52  }
0x1c6: {  	v13 =	vsub.f32 v1, v54;
	v14 =	vsub.f32 v0, v47  }
0x1c7: {  	v15 =	vsub.f32 v1, v46;
	v49 =	vsub.f32 v2, v45  }
0x1c8: {  	v16 =	vsub.f32 v0, v40;
	v17 =	vsub.f32 v1, v42  }
0x1c9: {  	v60 =	vsub.f32 v2, v41;
	v18 =	vsub.f32 v0, v35  }
0x1ca: {  	v19 =	vsub.f32 v1, v37;
	v63 =	vsub.f32 v2, v36  }
0x1cb: {  	v23 =	vsub.f32 v0, v31;
	v3 =	vmul.f32 v3, v3;
	v4 =	vmul.f32 v4, v4  }
0x1cc: {  	v34 =	vsub.f32 v1, v33;
	v12 =	vmul.f32 v12, v12;
	v13 =	vmul.f32 v13, v13  }
0x1cd: {  	v44 =	vsub.f32 v0, v29;
	v50 =	vmul.f32 v14, v14;
	v51 =	vmul.f32 v15, v15  }
0x1ce: {  	v16 =	vmul.f32 v16, v16;
	v3 =	vadd.f32 v4, v3;
	v4 =	vmul.f32 v11, v11;
	v11 =	vld [tilespmem:$0xF00]  }
0x1cf: {  	v0 =	vsub.f32 v0, v8;
	v17 =	vmul.f32 v17, v17;
	v39 =	vmul.f32 v23, v23  }
0x1d0: {  	v57 =	vld [tilespmem:$0xF80];
	v43 =	vmul.f32 v34, v34;
	v3 =	vadd.f32 v4, v3;
	v4 =	vsub.f32 v2, v55  }
0x1d1: {  	v14 =	vmul.f32 v60, v60;
	v48 =	vadd.f32 v13, v12;
	v61 =	vadd.f32 v17, v16;
	v13 =	vld [tilespmem:$0x210]  }
0x1d2: {  	v62 =	vld [tilespmem:$0x1080];
	v12 =	vmul.f32 v49, v49;
	v49 =	vadd.f32 v43, v39;
	v4 =	vmul.f32 v4, v4  }
0x1d3: {  	v59 =	vld [tilespmem:$0x1000];
	v20 =	vadd.f32 v14, v61;
	v11 =	vsub.f32 v11, v3  }
0x1d4: {  	v18 =	vmul.f32 v18, v18;
	v3 =	vadd.f32 v4, v48;
	v4 =	vadd.f32 v51, v50  }
0x1d5: {  	v19 =	vmul.f32 v19, v19;
	v48 =	vsub.f32 v1, v28;
	v1 =	vsub.f32 v1, v7  }
0x1d6: {  	v0 =	vmul.f32 v0, v0;
	v15 =	vld [tilespmem:$0x290];
	v23 =	vsub.f32 v13, v28;
	v4 =	vadd.f32 v12, v4  }
0x1d7: {  	v22 =	vld [tilespmem:$0x1100];
	v51 =	vsub.f32 v57, v3;
	v3 =	vsub.f32 v62, v20;
	v1 =	vmul.f32 v1, v1  }
0x1d8: {  	v21 =	vmul.f32 v63, v63;
	v50 =	vsub.f32 v59, v4;
	v4 =	vadd.f32 v19, v18;
	v18 =	vld [tilespmem:$0x190]  }
0x1d9: {  	v57 =	vsub.f32 v2, v27;
	v0 =	vadd.f32 v1, v0  }
0x1da: {  	v60 =	vmul.f32 v48, v48;
	v38 =	vadd.f32 v21, v4;
	v4 =	vsub.f32 v2, v32  }
0x1db: {  	v59 =	vmul.f32 v44, v44;
	v44 =	vsub.f32 v15, v58;
	v2 =	vsub.f32 v2, v6  }
0x1dc: {  	[tilespmem:$0x1FDD0] =	vst v3;
	v21 =	vsub.f32 v13, v56;
	v3 =	vsub.f32 v22, v38;
	v4 =	vmul.f32 v4, v4  }
0x1dd: {  	v61 =	vld [tilespmem:$0x1180];
	v34 =	vmul.f32 v2, v2;
	v22 =	vsub.f32 v15, v45;
	v63 =	vsub.f32 v18, v53  }
0x1de: {  	v48 =	vld [tilespmem:$0x1280];
	v1 =	vmul.f32 v44, v44;
	v44 =	vsub.f32 v18, v40;
	[tilespmem:$0x1FDE0] =	vst v3;
	v3 =	vadd.f32 v4, v49  }
0x1df: {  	v62 =	vld [tilespmem:$0x1200];
	v12 =	vmul.f32 v57, v57;
	v4 =	vadd.f32 v60, v59;
	v0 =	vadd.f32 v34, v0  }
0x1e0: {  	v43 =	vmul.f32 v21, v21;
	v49 =	vsub.f32 v13, v54;
	v59 =	vsub.f32 v18, v47  }
0x1e1: {  	v60 =	vsub.f32 v13, v46;
	v34 =	vmul.f32 v22, v22;
	v39 =	vmul.f32 v63, v63  }
0x1e2: {  	v4 =	vadd.f32 v12, v4;
	v38 =	vsub.f32 v61, v3;
	v12 =	vmul.f32 v49, v49  }
0x1e3: {  	v16 =	vmul.f32 v59, v59;
	v0 =	vsub.f32 v48, v0;
	v48 =	vsub.f32 v13, v42  }
0x1e4: {  	v19 =	vmul.f32 v60, v60;
	v49 =	vsub.f32 v18, v35;
	v4 =	vsub.f32 v62, v4  }
0x1e5: {  	v57 =	vld [tilespmem:$0xF10];
	v2 =	vadd.f32 v43, v39;
	[tilespmem:$0x1FDF0] =	vst v38;
	v14 =	vmul.f32 v48, v48;
	v48 =	vsub.f32 v18, v31  }
0x1e6: {  	v38 =	vld [tilespmem:$0x1010];
	v60 =	vmul.f32 v49, v49;
	v49 =	vsub.f32 v13, v33;
	[tilespmem:$0x1FE10] =	vst v4;
	v4 =	vsub.f32 v18, v52  }
0x1e7: {  	v16 =	vadd.f32 v19, v16;
	v1 =	vadd.f32 v1, v2;
	v2 =	vmul.f32 v48, v48  }
0x1e8: {  	v61 =	vsub.f32 v15, v55;
	v19 =	vmul.f32 v49, v49;
	v4 =	vmul.f32 v4, v4  }
0x1e9: {  	v63 =	vld [tilespmem:$0xF90];
	v43 =	vadd.f32 v34, v16;
	v48 =	vsub.f32 v15, v27  }
0x1ea: {  	v2 =	vadd.f32 v19, v2;
	v62 =	vadd.f32 v12, v4;
	v4 =	vmul.f32 v61, v61  }
0x1eb: {  	v59 =	vmul.f32 v44, v44;
	v3 =	vsub.f32 v38, v43;
	v12 =	vsub.f32 v57, v1  }
0x1ec: {  	v57 =	vsub.f32 v13, v37;
	v39 =	vadd.f32 v4, v62  }
0x1ed: {  	v23 =	vmul.f32 v23, v23;
	v49 =	vld [tilespmem:$0x1A0];
	v1 =	vadd.f32 v14, v59;
	v59 =	vsub.f32 v18, v29  }
0x1ee: {  	v44 =	vld [tilespmem:$0x1190];
	v61 =	vmul.f32 v57, v57;
	v62 =	vsub.f32 v15, v41;
	v4 =	vsub.f32 v63, v39  }
0x1ef: {  	v57 =	vld [tilespmem:$0x1090];
	v22 =	vmul.f32 v59, v59;
	v63 =	vsub.f32 v15, v36;
	v39 =	vsub.f32 v15, v32  }
0x1f0: {  	[tilespmem:$0x1FE30] =	vst v0;
	v34 =	vld [tilespmem:$0x1110];
	v59 =	vsub.f32 v13, v7;
	v0 =	vadd.f32 v61, v60;
	v16 =	vmul.f32 v62, v62  }
0x1f1: {  	v19 =	vld [tilespmem:$0x220];
	v62 =	vadd.f32 v23, v22;
	v14 =	vmul.f32 v63, v63;
	v60 =	vmul.f32 v39, v39  }
0x1f2: {  	v61 =	vld [tilespmem:$0x1210];
	v1 =	vadd.f32 v16, v1;
	v63 =	vmul.f32 v48, v48;
	v39 =	vsub.f32 v49, v52  }
0x1f3: {  	v0 =	vadd.f32 v14, v0;
	v38 =	vadd.f32 v60, v2  }
0x1f4: {  	v17 =	vsub.f32 v57, v1;
	v43 =	vadd.f32 v63, v62  }
0x1f5: {  	v16 =	vld [tilespmem:$0x2A0];
	v57 =	vsub.f32 v18, v8;
	v60 =	vsub.f32 v49, v53  }
0x1f6: {  	v62 =	vsub.f32 v19, v56;
	v21 =	vsub.f32 v34, v0  }
0x1f7: {  	v1 =	vmul.f32 v59, v59;
	v44 =	vsub.f32 v44, v38;
	v48 =	vsub.f32 v61, v43  }
0x1f8: {  	v61 =	vsub.f32 v15, v6;
	v0 =	vmul.f32 v57, v57;
	v13 =	vmul.f32 v60, v60  }
0x1f9: {  	v15 =	vmul.f32 v62, v62;
	v43 =	vsub.f32 v19, v54;
	v34 =	vsub.f32 v19, v46  }
0x1fa: {  	v59 =	vmul.f32 v39, v39;
	v63 =	vsub.f32 v16, v58;
	v0 =	vadd.f32 v1, v0  }
0x1fb: {  	[tilespmem:$0x1FE00] =	vst v44;
	v44 =	vmul.f32 v61, v61;
	v13 =	vadd.f32 v15, v13;
	v60 =	vmul.f32 v43, v43  }
0x1fc: {  	v38 =	vld [tilespmem:$0x1290];
	v61 =	vsub.f32 v16, v55;
	v39 =	vmul.f32 v34, v34;
	v43 =	vsub.f32 v49, v40  }
0x1fd: {  	[tilespmem:$0x1FE20] =	vst v48;
	v34 =	vsub.f32 v16, v41;
	v48 =	vmul.f32 v63, v63;
	v63 =	vsub.f32 v49, v47  }
0x1fe: {  	v0 =	vadd.f32 v44, v0;
	v62 =	vadd.f32 v60, v59  }
0x1ff: {  	v57 =	vld [tilespmem:$0xF20];
	v1 =	vmul.f32 v61, v61;
	v44 =	vsub.f32 v19, v42;
	v59 =	vsub.f32 v49, v35  }
0x200: {  	v14 =	vmul.f32 v43, v43;
	v60 =	vsub.f32 v19, v37;
	v13 =	vadd.f32 v48, v13  }
0x201: {  	v0 =	vsub.f32 v38, v0;
	v38 =	vmul.f32 v63, v63;
	v15 =	vmul.f32 v44, v44  }
0x202: {  	v48 =	vsub.f32 v16, v45;
	v44 =	vmul.f32 v34, v34;
	v59 =	vmul.f32 v59, v59  }
0x203: {  	v60 =	vmul.f32 v60, v60;
	v63 =	vsub.f32 v19, v33;
	v34 =	vsub.f32 v49, v29  }
0x204: {  	v18 =	vld [tilespmem:$0xFA0];
	v57 =	vsub.f32 v57, v13;
	v22 =	vmul.f32 v48, v48;
	v48 =	vsub.f32 v16, v36  }
0x205: {  	v13 =	vld [tilespmem:$0x1020];
	[tilespmem:$0x1FE40] =	vst v0;
	v0 =	vadd.f32 v1, v62;
	v1 =	vadd.f32 v39, v38  }
0x206: {  	v43 =	vld [tilespmem:$0x10A0];
	v14 =	vadd.f32 v15, v14;
	v60 =	vadd.f32 v60, v59  }
0x207: {  	v62 =	vsub.f32 v49, v31;
	v49 =	vsub.f32 v49, v8  }
0x208: {  	vm4 =	vgt.f32 v4, v51;
	v1 =	vadd.f32 v22, v1;
	v14 =	vadd.f32 v44, v14  }
0x209: {  	v61 =	vmul.f32 v48, v48;
	v5 =	vsub.f32 v18, v0;
	v0 =	vsub.f32 v16, v32  }
0x20a: {  	v51 =	vmax.f32 v4, v51;
	v44 =	vsub.f32 v19, v7;
	v2 =	vsub.f32 v13, v1  }
0x20b: {  	v59 =	vld [tilespmem:$0x11A0];
	v49 =	vmul.f32 v49, v49;
	v23 =	vsub.f32 v43, v14;
	v1 =	vadd.f32 v61, v60  }
0x20c: {  	v22 =	vld [tilespmem:$0x1120];
	v13 =	vmul.f32 v62, v62;
	v43 =	vsub.f32 v19, v28;
	v14 =	vmul.f32 v63, v63  }
0x20d: {  	v18 =	vld [tilespmem:$0x230];
	v61 =	vsub.f32 v16, v27;
	v62 =	vmul.f32 v34, v34;
	v60 =	vmul.f32 v44, v44  }
0x20e: {  	v19 =	vld [tilespmem:$0x1B0];
	v16 =	vsub.f32 v16, v6;
	v0 =	vmul.f32 v0, v0;
	v39 =	vmul.f32 v43, v43  }
0x20f: {  	v38 =	vld [tilespmem:$0x12A0];
	vm5 =	vgt.f32 v5, v51;
	v5 =	vmax.f32 v5, v51;
	v13 =	vadd.f32 v14, v13  }
0x210: {  	v61 =	vmul.f32 v61, v61;
	v49 =	vadd.f32 v60, v49;
	v34 =	vadd.f32 v39, v62;
	v39 =	vld [tilespmem:$0x1220]  }
0x211: {  	v51 =	vld [tilespmem:$0x270];
	v16 =	vmul.f32 v16, v16;
	v22 =	vsub.f32 v22, v1;
	v43 =	vadd.f32 v0, v13  }
0x212: {  	v44 =	vadd.f32 v61, v34;
	v34 =	vsub.f32 v18, v56  }
0x213: {  	vm3 =	vgt.f32 v3, v50;
	v14 =	vld [tilespmem:$0x2B0];
	v0 =	vadd.f32 v16, v49;
	v20 =	vsub.f32 v19, v53  }
0x214: {  	v13 =	vld [tilespmem:$0x240];
	v63 =	vsub.f32 v19, v47;
	v48 =	vsub.f32 v59, v43;
	v43 =	vmul.f32 v34, v34  }
0x215: {  	v49 =	vsub.f32 v39, v44;
	v39 =	vmul.f32 v20, v20;
	v44 =	vsub.f32 v19, v52  }
0x216: {  	vm6 =	vgt.f32 v12, v11;
	v25 =	vsub.f32 v51, v56;
	v38 =	vsub.f32 v38, v0  }
0x217: {  	v20 =	vsub.f32 v18, v54;
	v61 =	vadd.f32 v43, v39;
	v39 =	vmul.f32 v44, v44  }
0x218: {  	v1 =	vld [tilespmem:$0x1C0];
	v63 =	vmul.f32 v63, v63;
	[tilespmem:$0x1FE50] =	vst v38;
	v38 =	vsub.f32 v14, v58;
	v34 =	vsub.f32 v14, v55  }
0x219: {  	v62 =	vld [tilespmem:$0xF30];
	v10 =	vsub.f32 v14, v41;
	v16 =	vsub.f32 v13, v56;
	v0 =	vmul.f32 v20, v20  }
0x21a: {  	v60 =	vmul.f32 v38, v38;
	v38 =	vsub.f32 v13, v54;
	v20 =	vld [tilespmem:$0xFB0];
	v44 =	vmovc v6;
	v6 =	vsub.f32 v18, v46  }
0x21b: {  	v43 =	vsub.f32 v19, v40;
	v15 =	vadd.f32 v0, v39;
	v39 =	vmovc v7;
	v7 =	vmul.f32 v34, v34  }
0x21c: {  	v60 =	vadd.f32 v60, v61;
	v34 =	vmovc v8;
	v8 =	vsub.f32 v14, v45;
	v6 =	vmul.f32 v6, v6  }
0x21d: {  	v61 =	vmax.f32 v12, v11;
	v11 =	vsub.f32 v18, v42;
	v7 =	vadd.f32 v7, v15  }
0x21e: {  	v0 =	vsub.f32 v1, v53;
	v6 =	vadd.f32 v6, v63;
	v8 =	vmul.f32 v8, v8;
	v15 =	vld [tilespmem:$0x2C0]  }
0x21f: {  	v9 =	vsub.f32 v62, v60;
	v11 =	vmul.f32 v11, v11;
	v62 =	vld [tilespmem:$0x1D0];
	v7 =	vsub.f32 v20, v7  }
0x220: {  	v6 =	vadd.f32 v8, v6;
	v8 =	vmul.f32 v43, v43;
	v20 =	vsub.f32 v1, v52  }
0x221: {  	v24 =	vmul.f32 v38, v38;
	vm9 =	vgt.f32 v57, v61;
	v60 =	vld [tilespmem:$0x1030];
	v43 =	vmul.f32 v16, v16  }
0x222: {  	v8 =	vadd.f32 v11, v8;
	v11 =	vmul.f32 v0, v0;
	v16 =	vmul.f32 v20, v20  }
0x223: {  	v63 =	vld [tilespmem:$0x250];
	v20 =	vmul.f32 v10, v10;
	v4 =	vsub.f32 v15, v58;
	v38 =	vsub.f32 v15, v55  }
0x224: {  	v10 =	vld [tilespmem:$0xFC0];
	v0 =	vsub.f32 v62, v52;
	vm7 =	vgt.f32 v7, v5;
	v12 =	vadd.f32 v43, v11  }
0x225: {  	v24 =	vadd.f32 v24, v16;
	v11 =	vld [tilespmem:$0x2D0];
	v43 =	vmul.f32 v4, v4;
	v38 =	vmul.f32 v38, v38  }
0x226: {  	v59 =	vld [tilespmem:$0xF40];
	v16 =	vadd.f32 v20, v8;
	v4 =	vmax.f32 v3, v50;
	v3 =	vsub.f32 v60, v6  }
0x227: {  	v5 =	vmax.f32 v7, v5;
	v50 =	vld [tilespmem:$0x1F0];
	v6 =	vadd.f32 v43, v12;
	v8 =	vadd.f32 v38, v24  }
0x228: {  	v60 =	vld [tilespmem:$0x1E0];
	v12 =	vmax.f32 v57, v61;
	v24 =	vsub.f32 v62, v53;
	v57 =	vsub.f32 v63, v56  }
0x229: {  	v20 =	vsub.f32 v63, v54;
	v61 =	vld [tilespmem:$0x260];
	vm10 =	vgt.f32 v9, v12;
	v8 =	vsub.f32 v10, v8  }
0x22a: {  	v10 =	vsub.f32 v11, v58;
	v24 =	vmul.f32 v24, v24;
	v38 =	vmul.f32 v57, v57  }
0x22b: {  	v9 =	vmax.f32 v9, v12;
	v6 =	vsub.f32 v59, v6;
	v59 =	vsub.f32 v11, v55  }
0x22c: {  	v12 =	vld [tilespmem:$0xF50];
	v7 =	vsub.f32 v50, v53;
	v24 =	vadd.f32 v38, v24;
	v10 =	vmul.f32 v10, v10  }
0x22d: {  	v57 =	vld [tilespmem:$0x2E0];
	v38 =	vmul.f32 v0, v0;
	v0 =	vmul.f32 v20, v20;
	v20 =	vsub.f32 v60, v53  }
0x22e: {  	v26 =	vld [tilespmem:$0x2400];
	v10 =	vadd.f32 v10, v24;
	v24 =	vsub.f32 v61, v56  }
0x22f: {  	vm11 =	vgt.f32 v6, v9;
	v6 =	vmax.f32 v6, v9;
	v38 =	vadd.f32 v0, v38;
	v0 =	vld [tilespmem:$0x1C00]  }
0x230: {  	vm8 =	vgt.f32 v8, v5;
	v43 =	vmul.f32 v20, v20;
	v20 =	vld [tilespmem:$0x2000];
	v24 =	vmul.f32 v24, v24  }
0x231: {  	v7 =	vmul.f32 v7, v7;
	v10 =	vsub.f32 v12, v10;
	v12 =	vmul.f32 v25, v25  }
0x232: {  	v30 =	vsub.f32 v57, v58;
	v24 =	vadd.f32 v24, v43;
	v43 =	vmul.f32 v59, v59;
	v59 =	vld [tilespmem:$0x2F0]  }
0x233: {  	v5 =	vmax.f32 v8, v5;
	v8 =	vsub.f32 v60, v52;
	v7 =	vadd.f32 v12, v7  }
0x234: {  	v30 =	vmul.f32 v30, v30;
	v12 =	vsub.f32 v26, v58;
	v26 =	vsub.f32 v61, v54  }
0x235: {  	v8 =	vmul.f32 v8, v8;
	v0 =	vsub.f32 v0, v53;
	v9 =	vsub.f32 v20, v56;
	v20 =	vld [tilespmem:$0xF60]  }
0x236: {  	v25 =	vadd.f32 v43, v38;
	v24 =	vadd.f32 v30, v24;
	v26 =	vmul.f32 v26, v26  }
0x237: {  	v38 =	vld [tilespmem:$0xFD0];
	v0 =	vmul.f32 v0, v0;
	v9 =	vmul.f32 v9, v9;
	v30 =	vsub.f32 v59, v58  }
0x238: {  	v56 =	vsub.f32 v57, v55;
	v8 =	vadd.f32 v26, v8;
	v26 =	vld [tilespmem:$0x1C80]  }
0x239: {  	v12 =	vmul.f32 v12, v12;
	v58 =	vld [tilespmem:$0xF70];
	v0 =	vadd.f32 v9, v0;
	v9 =	vmul.f32 v30, v30  }
0x23a: {  	vm2 =	vmmov $0x7fff;
	v20 =	vsub.f32 v20, v24;
	v24 =	vmul.f32 v56, v56;
	v30 =	vld [tilespmem:$0xFE0]  }
0x23b: {  	vm12 =	vgt.f32 v10, v6;
	v0 =	vadd.f32 v12, v0;
	v7 =	vadd.f32 v9, v7;
	v9 =	vld [tilespmem:$0x2080]  }
0x23c: {  	v6 =	vmax.f32 v10, v6;
	v10 =	vsub.f32 v38, v25;
	v12 =	vld [tilespmem:$0x2480];
	v8 =	vadd.f32 v24, v8  }
0x23d: {  	v53 =	vld [tilespmem:$0x1FFC0];
	vm13 =	vgt.f32 v20, v6;
	v24 =	vsub.f32 v50, v52;
	v0 =	vsub.f32 $0.0e+00, v0  }
0x23e: {  	v56 =	vld [tilespmem:$0x1FFD0];
	v6 =	vmax.f32 v20, v6;
	v38 =	vsub.f32 v26, v52;
	v26 =	vsub.f32 v51, v54  }
0x23f: {  	v24 =	vmul.f32 v24, v24;
	v7 =	vsub.f32 v58, v7;
	v58 =	vld [tilespmem:$0x1FFE0];
	v8 =	vsub.f32 v30, v8  }
0x240: {  	v26 =	vmul.f32 v26, v26;
	v30 =	vsub.f32 v59, v55;
	v9 =	vsub.f32 v9, v54;
	v54 =	vld [tilespmem:$0x1FFF0]  }
0x241: {  	v43 =	vld [tilespmem:$0x1FF50];
	v20 =	vmul.f32 v38, v38;
	v12 =	vsub.f32 v12, v55;
	v0 =	vsel vm2, v7, v0  }
0x242: {  	v38 =	vld [tilespmem:$0xFF0];
	v24 =	vadd.f32 v26, v24;
	v25 =	vmax.f32 v0, v6;
	v26 =	vmul.f32 v30, v30  }
0x243: {  	vm14 =	vgt.f32 v2, v4;
	v55 =	vld [tilespmem:$0x1FF60];
	v12 =	vmul.f32 v12, v12;
	(xrf0) =	vmax.scan.msk.f32 $0xffff, v25;
	v9 =	vmul.f32 v9, v9  }
0x244: {  	vm15 =	vgt.f32 v0, v6;
	v0 =	vsub.f32 v13, v46;
	v7 =	vsel vm6, v58, v56  }
0x245: {  	v52 =	vadd.f32 v26, v24;
	v24 =	vld [tilespmem:$0x1FF70];
	v9 =	vadd.f32 v9, v20;
	v7 =	vsel vm9, v54, v7  }
0x246: {  	v2 =	vmax.f32 v2, v4;
	v4 =	vsub.f32 v57, v45;
	v7 =	vsel vm10, v43, v7  }
0x247: {  	v0 =	vmul.f32 v0, v0;
	v6 =	vadd.f32 v12, v9;
	v7 =	vsel vm11, v53, v7  }
0x248: {  	v26 =	vmax.f32 v10, v5;
	v7 =	vsel vm12, v55, v7;
	v55 =	vsub.f32 v38, v52;
	v38 =	vld [tilespmem:$0x1FF80]  }
0x249: {  	vm10 =	vgt.f32 v10, v5;
	v9, _, _ =	vpop (xrf0);
	v52 =	vsub.f32 v15, v45;
	v6 =	vsub.f32 $0.0e+00, v6  }
0x24a: {  	v7 =	vsel vm13, v24, v7;
	v24 =	vsub.f32 v1, v47;
	v9 =	vbroadcast v9, $0xF  }
0x24b: {  	v6 =	vsel vm2, v55, v6;
	v55 =	vsub.f32 v62, v47;
	v20 =	vmul.f32 v52, v52  }
0x24c: {  	v24 =	vmul.f32 v24, v24;
	vm9 =	veq.f32 v25, v9;
	v25 =	vsub.f32 v63, v46  }
0x24d: {  	v9 =	vmax.f32 v8, v26;
	v10 =	vmul.f32 v55, v55;
	v7 =	vsel vm15, v38, v7  }
0x24e: {  	v0 =	vadd.f32 v0, v24;
	v52 =	vmul.f32 v25, v25;
	v7 =	vnsel vm9, $0xC0000000, v7  }
0x24f: {  	v55 =	vsub.f32 v18, v37;
	v24 =	vsub.f32 v19, v35;
	(xrf0) =	vmin.scan.msk.u32 $0xffff, v7;
	v7 =	vmax.f32 v6, v9  }
0x250: {  	v5 =	vld [tilespmem:$0x1040];
	vm11 =	vgt.f32 v8, v26;
	v0 =	vadd.f32 v20, v0;
	v10 =	vadd.f32 v52, v10;
	(xrf0) =	vmax.scan.msk.f32 $0xffff, v7  }
0x251: {  	v8 =	vld [tilespmem:$0x1D00];
	v52 =	vsub.f32 v11, v45;
	v24 =	vmul.f32 v24, v24;
	v20 =	vmul.f32 v55, v55  }
0x252: {  	v26 =	vld [tilespmem:$0x1FF60];
	v25 =	vsel vm4, v58, v56  }
0x253: {  	v4 =	vmul.f32 v4, v4;
	v25 =	vsel vm5, v54, v25;
	v20 =	vadd.f32 v20, v24;
	v24 =	vld [tilespmem:$0x1FF70]  }
0x254: {  	v30 =	vsel vm3, v58, v56;
	vm12 =	vgt.f32 v6, v9;
	v25 =	vsel vm7, v43, v25  }
0x255: {  	v6 =	vsub.f32 v60, v47;
	v9 =	vsub.f32 v61, v46;
	v12 =	vmul.f32 v52, v52;
	v52, _, _ =	vpop (xrf0)  }
0x256: {  	v55 =	vld [tilespmem:$0x2100];
	v25 =	vsel vm8, v53, v25;
	v8 =	vsub.f32 v8, v47;
	v0 =	vsub.f32 v5, v0;
	v5, _, _ =	vpop (xrf0)  }
0x257: {  	v25 =	vsel vm10, v26, v25;
	v6 =	vmul.f32 v6, v6;
	v5 =	vbroadcast v5, $0xF  }
0x258: {  	v9 =	vmul.f32 v9, v9;
	v26 =	vsub.f32 v59, v45;
	v24 =	vsel vm11, v24, v25  }
0x259: {  	v25 =	vld [tilespmem:$0x2500];
	vm13 =	veq.f32 v7, v5;
	v5 =	vsub.f32 v50, v47;
	v7 =	vsub.f32 v51, v46  }
0x25a: {  	vm3 =	vgt.f32 v3, v2;
	v10 =	vadd.f32 v12, v10;
	v6 =	vadd.f32 v9, v6;
	v9 =	vld [tilespmem:$0x1050]  }
0x25b: {  	v12 =	vsub.f32 v55, v46;
	v55 =	vld [tilespmem:$0x1060];
	v5 =	vmul.f32 v5, v5;
	v7 =	vmul.f32 v7, v7  }
0x25c: {  	v2 =	vmax.f32 v3, v2;
	v4 =	vadd.f32 v4, v6;
	v6 =	vsub.f32 v14, v36  }
0x25d: {  	v5 =	vadd.f32 v7, v5;
	v7 =	vmul.f32 v8, v8;
	v8 =	vmul.f32 v12, v12  }
0x25e: {  	v30 =	vsel vm14, v54, v30;
	v26 =	vmul.f32 v26, v26;
	v25 =	vsub.f32 v25, v45  }
0x25f: {  	v6 =	vmul.f32 v6, v6;
	v9 =	vsub.f32 v9, v10;
	v7 =	vadd.f32 v8, v7;
	v8 =	vld [tilespmem:$0x1070]  }
0x260: {  	v4 =	vsub.f32 v55, v4;
	v55 =	vsub.f32 v13, v42;
	v25 =	vmul.f32 v25, v25  }
0x261: {  	v24 =	vsel vm12, v38, v24;
	v6 =	vadd.f32 v6, v20;
	v20 =	vsub.f32 v63, v42  }
0x262: {  	v10 =	vmax.f32 v0, v2;
	v47 =	vadd.f32 v26, v5;
	v5 =	vadd.f32 v25, v7;
	v7 =	vld [tilespmem:$0x10B0]  }
0x263: {  	v12 =	vmul.f32 v55, v55;
	v55 =	vsub.f32 v62, v40;
	v26 =	vsub.f32 v15, v41  }
0x264: {  	v24 =	vnsel vm13, $0xC0000000, v24;
	v45 =	vld [tilespmem:$0x1FDD0];
	v3 =	vsub.f32 v8, v47;
	v8 =	vsub.f32 v1, v40  }
0x265: {  	v25 =	vmax.f32 v9, v10;
	v46 =	vmul.f32 v26, v26;
	v47 =	vsel vm3, v43, v30  }
0x266: {  	vm3 =	vgt.f32 v0, v2;
	v0 =	vmul.f32 v55, v55;
	v8 =	vmul.f32 v8, v8  }
0x267: {  	v7 =	vsub.f32 v7, v16;
	v16 =	vsel vm3, v53, v47;
	vm3 =	vgt.f32 v9, v10  }
0x268: {  	(xrf0) =	vmin.scan.msk.u32 $0xffff, v24;
	v9 =	vsub.f32 v11, v41;
	v10 =	vmul.f32 v20, v20;
	v8 =	vadd.f32 v12, v8  }
0x269: {  	vm15 =	vgt.f32 v17, v45;
	v17 =	vmax.f32 v17, v45;
	v45 =	vld [tilespmem:$0x10C0];
	v5 =	vsub.f32 $0.0e+00, v5  }
0x26a: {  	v0 =	vadd.f32 v10, v0;
	v9 =	vmul.f32 v9, v9;
	v8 =	vadd.f32 v46, v8;
	v46 =	vld [tilespmem:$0x1FF60]  }
0x26b: {  	v10 =	vld [tilespmem:$0x2180]  }
0x26c: {  	v3 =	vsel vm2, v3, v5;
	v5 =	vmax.f32 v4, v25;
	v0 =	vadd.f32 v9, v0;
	v9 =	vld [tilespmem:$0x2580]  }
0x26d: {  	(v2sf) =	vpush v52, $0xF;
	v24 =	vmax.f32 v3, v5  }
0x26e: {  	vm8 =	vgt.f32 v23, v17;
	v17 =	vmax.f32 v23, v17;
	v2, _, _ =	vpop (xrf0);
	v55 =	vld [tilespmem:$0x1D80];
	v47 =	vsub.f32 v61, v42;
	(xrf0) =	vmax.scan.msk.f32 $0xffff, v24  }
0x26f: {  	(v2sf) =	vpush v2, $0xF;
	v16 =	vsel vm3, v46, v16;
	vm3 =	vgt.f32 v4, v25;
	v25 =	vld [tilespmem:$0x1FF70]  }
0x270: {  	v20 =	vmul.f32 v47, v47;
	v8 =	vsub.f32 v45, v8;
	v10 =	vsub.f32 v10, v42  }
0x271: {  	vm9 =	vgt.f32 v7, v17;
	v4 =	vsub.f32 v60, v40;
	v9 =	vsub.f32 v9, v41  }
0x272: {  	v45 =	vsub.f32 v50, v40;
	v46 =	vsub.f32 v51, v42;
	v10 =	vmul.f32 v10, v10  }
0x273: {  	v42 =	vsub.f32 v15, v36;
	v4 =	vmul.f32 v4, v4;
	v9 =	vmul.f32 v9, v9  }
0x274: {  	v16 =	vsel vm3, v25, v16;
	vm3 =	vgt.f32 v3, v5;
	v5, _, _ =	vpop (xrf0);
	v3 =	vsub.f32 v55, v40;
	v55 =	vld [tilespmem:$0x1130]  }
0x275: {  	v4 =	vadd.f32 v20, v4;
	v25 =	vsub.f32 v59, v41;
	v5 =	vbroadcast v5, $0xF  }
0x276: {  	v20 =	vmul.f32 v46, v46;
	v16 =	vsel vm3, v38, v16;
	v3 =	vmul.f32 v3, v3  }
0x277: {  	v47 =	vmul.f32 v25, v25;
	vm3 =	veq.f32 v24, v5;
	v5 =	vsub.f32 v57, v41  }
0x278: {  	v12 =	vnsel vm3, $0xC0000000, v16;
	v16 =	vmul.f32 v45, v45;
	v3 =	vadd.f32 v10, v3  }
0x279: {  	v24 =	vld [tilespmem:$0x1FDE0];
	v10 =	vsel vm15, v58, v56;
	v5 =	vmul.f32 v5, v5;
	v6 =	vsub.f32 v55, v6  }
0x27a: {  	v10 =	vsel vm8, v54, v10;
	v16 =	vadd.f32 v20, v16;
	v3 =	vadd.f32 v9, v3  }
0x27b: {  	v25 =	vld [tilespmem:$0x10F0];
	v9 =	vmax.f32 v7, v17;
	v7 =	vsub.f32 v18, v33;
	v17 =	vmul.f32 v42, v42  }
0x27c: {  	v26 =	vld [tilespmem:$0x10E0];
	v10 =	vsel vm9, v43, v10;
	v4 =	vadd.f32 v5, v4;
	v5 =	vsub.f32 v1, v35  }
0x27d: {  	v42 =	vld [tilespmem:$0x1E00];
	v40 =	vmax.f32 v8, v9;
	vm10 =	vgt.f32 v8, v9;
	v8 =	vsub.f32 v62, v35  }
0x27e: {  	vm3 =	vgt.f32 v21, v24;
	v21 =	vmax.f32 v21, v24;
	v24 =	vld [tilespmem:$0x10D0];
	v16 =	vadd.f32 v47, v16  }
0x27f: {  	v9 =	vsub.f32 v63, v37;
	v3 =	vsub.f32 $0.0e+00, v3;
	v7 =	vmul.f32 v7, v7  }
0x280: {  	v10 =	vsel vm10, v53, v10;
	v16 =	vsub.f32 v25, v16;
	v25 =	vsub.f32 v13, v37  }
0x281: {  	v4 =	vsub.f32 v26, v4;
	v5 =	vmul.f32 v5, v5;
	v46 =	vmul.f32 v8, v8  }
0x282: {  	v3 =	vsel vm2, v16, v3;
	v25 =	vmul.f32 v25, v25;
	v16 =	vsub.f32 v42, v35  }
0x283: {  	v47 =	vld [tilespmem:$0x1FF60];
	v8 =	vmul.f32 v9, v9;
	vm15 =	vgt.f32 v22, v21;
	v0 =	vsub.f32 v24, v0  }
0x284: {  	(xrf0) =	vmin.scan.msk.u32 $0xffff, v12;
	v24 =	vsub.f32 v19, v31;
	v5 =	vadd.f32 v25, v5;
	v16 =	vmul.f32 v16, v16  }
0x285: {  	v26 =	vmax.f32 v0, v40;
	vm11 =	vgt.f32 v0, v40;
	v0 =	vadd.f32 v8, v46  }
0x286: {  	v9 =	vld [tilespmem:$0x1140];
	v45 =	vmul.f32 v24, v24;
	v8 =	vsub.f32 v60, v35;
	v46 =	vsub.f32 v14, v32  }
0x287: {  	v40 =	vld [tilespmem:$0x1FF70];
	v24 =	vsub.f32 v59, v36;
	v41 =	vmax.f32 v4, v26;
	v5 =	vadd.f32 v17, v5  }
0x288: {  	v10 =	vsel vm11, v47, v10;
	vm12 =	vgt.f32 v4, v26;
	v4 =	vsub.f32 v11, v36  }
0x289: {  	v47 =	vsub.f32 v50, v35;
	v12 =	vmax.f32 v3, v41;
	v7 =	vadd.f32 v7, v45  }
0x28a: {  	v17, _, _ =	vpop (xrf0);
	vm13 =	vgt.f32 v3, v41;
	v41 =	vsub.f32 v61, v37;
	v8 =	vmul.f32 v8, v8;
	(xrf0) =	vmax.scan.msk.f32 $0xffff, v12  }
0x28b: {  	v35 =	vld [tilespmem:$0x1150];
	(v2sf) =	vpush v17, $0xF;
	v4 =	vmul.f32 v4, v4;
	v5 =	vsub.f32 v9, v5  }
0x28c: {  	v3 =	vmul.f32 v41, v41;
	v41 =	vsub.f32 v18, v28;
	v10 =	vsel vm12, v40, v10  }
0x28d: {  	v18 =	vsub.f32 v18, v39;
	v0 =	vadd.f32 v4, v0;
	v4 =	vld [tilespmem:$0x2600];
	v10 =	vsel vm13, v38, v10  }
0x28e: {  	v3 =	vadd.f32 v3, v8;
	v8 =	vmax.f32 v22, v21;
	v21 =	vmul.f32 v47, v47  }
0x28f: {  	v45 =	vld [tilespmem:$0x2200];
	v42 =	vmul.f32 v41, v41;
	v41 =	vsub.f32 v11, v32;
	v40 =	vmax.f32 v6, v8  }
0x290: {  	v0 =	vsub.f32 v35, v0;
	v47 =	vmax.f32 v5, v40;
	vm8 =	vgt.f32 v5, v40;
	v55, _, _ =	vpop (xrf0)  }
0x291: {  	v5 =	vsub.f32 v19, v34;
	v40 =	vsub.f32 v63, v33;
	v20 =	vbroadcast v55, $0xF  }
0x292: {  	v18 =	vmul.f32 v18, v18;
	v55 =	vsub.f32 v51, v37;
	v4 =	vsub.f32 v4, v36  }
0x293: {  	v35 =	vmax.f32 v0, v47;
	v5 =	vmul.f32 v5, v5;
	vm14 =	veq.f32 v12, v20  }
0x294: {  	v12 =	vsub.f32 v45, v37;
	v22 =	vmul.f32 v55, v55;
	v4 =	vmul.f32 v4, v4  }
0x295: {  	v20 =	vmul.f32 v46, v46;
	v55 =	vsub.f32 v14, v27;
	v5 =	vadd.f32 v18, v5  }
0x296: {  	v14 =	vsub.f32 v14, v44;
	v9 =	vnsel vm14, $0xC0000000, v10;
	v10 =	vsub.f32 v57, v36  }
0x297: {  	v46 =	vld [tilespmem:$0x11B0];
	v36 =	vmul.f32 v24, v24;
	v24 =	vsub.f32 v19, v29;
	v12 =	vmul.f32 v12, v12  }
0x298: {  	v7 =	vadd.f32 v20, v7;
	(xrf0) =	vmin.scan.msk.u32 $0xffff, v9;
	v9 =	vsel vm3, v58, v56;
	vm3 =	vgt.f32 v6, v8  }
0x299: {  	v6 =	vsub.f32 v1, v31;
	v14 =	vmul.f32 v14, v14;
	v10 =	vmul.f32 v10, v10  }
0x29a: {  	v25 =	vld [tilespmem:$0x1160];
	v8 =	vsub.f32 v13, v33;
	v24 =	vmul.f32 v24, v24;
	v12 =	vadd.f32 v12, v16  }
0x29b: {  	v37 =	vld [tilespmem:$0x1170];
	v9 =	vsel vm15, v54, v9;
	v5 =	vadd.f32 v14, v5;
	v3 =	vadd.f32 v10, v3  }
0x29c: {  	v26 =	vld [tilespmem:$0x1FF60];
	v6 =	vmul.f32 v6, v6;
	v10 =	vadd.f32 v22, v21;
	v7 =	vsub.f32 v46, v7  }
0x29d: {  	v8 =	vmul.f32 v8, v8;
	v22 =	vsub.f32 v63, v39;
	v4 =	vadd.f32 v4, v12  }
0x29e: {  	v9 =	vsel vm3, v43, v9;
	v12 =	vadd.f32 v42, v24;
	v10 =	vadd.f32 v36, v10  }
0x29f: {  	vm3 =	vgt.f32 v0, v47;
	v6 =	vadd.f32 v8, v6;
	v45 =	vsub.f32 v25, v3  }
0x2a0: {  	v47 =	vld [tilespmem:$0x1FF70];
	v9 =	vsel vm8, v53, v9;
	v4 =	vsub.f32 $0.0e+00, v4;
	v10 =	vsub.f32 v37, v10  }
0x2a1: {  	v9 =	vsel vm3, v26, v9;
	v25 =	vmax.f32 v45, v35;
	vm9 =	vgt.f32 v45, v35  }
0x2a2: {  	v24 =	vld [tilespmem:$0x1230];
	v45 =	vsub.f32 v60, v31;
	v4 =	vsel vm2, v10, v4;
	v10 =	vmul.f32 v55, v55  }
0x2a3: {  	v36 =	vmax.f32 v4, v25;
	vm3 =	vgt.f32 v4, v25;
	v4 =	vsub.f32 v61, v33  }
0x2a4: {  	v21 =	vmul.f32 v45, v45;
	v45 =	vld [tilespmem:$0x2680];
	(xrf0) =	vmax.scan.msk.f32 $0xffff, v36;
	v37 =	vadd.f32 v10, v12;
	v10 =	vsub.f32 v15, v32  }
0x2a5: {  	v35 =	vsub.f32 v57, v32;
	v9 =	vsel vm9, v47, v9;
	v12 =	vmul.f32 v40, v40  }
0x2a6: {  	v47 =	vsub.f32 v59, v32;
	v40 =	vld [tilespmem:$0x1E80];
	v4 =	vmul.f32 v4, v4;
	v8 =	vmul.f32 v10, v10  }
0x2a7: {  	v46 =	vld [tilespmem:$0x11C0];
	v3 =	vsub.f32 v24, v37;
	v10 =	vsub.f32 v62, v31  }
0x2a8: {  	v4 =	vadd.f32 v4, v21;
	v6 =	vadd.f32 v8, v6;
	v8 =	vmul.f32 v35, v35  }
0x2a9: {  	v0, _, _ =	vpop (xrf0);
	v37 =	vld [tilespmem:$0x11E0];
	v18 =	vsub.f32 v45, v32;
	v21 =	vsub.f32 v62, v34;
	v10 =	vmul.f32 v10, v10  }
0x2aa: {  	v35 =	vsub.f32 v13, v28;
	v42, _, _ =	vpop (xrf0);
	v4 =	vadd.f32 v8, v4;
	v8 =	vsel vm3, v38, v9;
	v9 =	vld [tilespmem:$0x1FDF0]  }
0x2ab: {  	v13 =	vsub.f32 v13, v39;
	v20 =	vsub.f32 v40, v31;
	v19 =	vbroadcast v42, $0xF;
	v42 =	vld [tilespmem:$0x1FE00]  }
0x2ac: {  	v55 =	vld [tilespmem:$0x11D0];
	v18 =	vmul.f32 v18, v18;
	v10 =	vadd.f32 v12, v10;
	v6 =	vsub.f32 v46, v6  }
0x2ad: {  	v46 =	vsub.f32 v51, v33;
	vm10 =	veq.f32 v36, v19;
	v36 =	vmul.f32 v41, v41  }
0x2ae: {  	v13 =	vmul.f32 v13, v13;
	v20 =	vmul.f32 v20, v20;
	v16 =	vsub.f32 v37, v4;
	v41 =	vld [tilespmem:$0x2280]  }
0x2af: {  	v4 =	vnsel vm10, $0xC0000000, v8;
	v8 =	vsub.f32 v50, v31;
	v10 =	vadd.f32 v36, v10  }
0x2b0: {  	v19 =	vmul.f32 v46, v46;
	vm3 =	vgt.f32 v42, v9;
	v9 =	vmax.f32 v42, v9  }
0x2b1: {  	v8 =	vmul.f32 v8, v8;
	v10 =	vsub.f32 v55, v10;
	vm11 =	vgt.f32 v48, v9  }
0x2b2: {  	v37 =	vld [tilespmem:$0x12B0];
	v9 =	vmax.f32 v48, v9;
	v48 =	vmul.f32 v47, v47;
	v47 =	vsub.f32 v15, v44  }
0x2b3: {  	v32 =	vsel vm3, v58, v56;
	v12 =	vsub.f32 v41, v33;
	v8 =	vadd.f32 v19, v8  }
0x2b4: {  	vm3 =	vgt.f32 v7, v9;
	v33 =	vsub.f32 v1, v29;
	v7 =	vmax.f32 v7, v9  }
0x2b5: {  	v55 =	vld [tilespmem:$0x11F0];
	v1 =	vsub.f32 v1, v34;
	vm12 =	vgt.f32 v6, v7;
	v6 =	vmax.f32 v6, v7  }
0x2b6: {  	v45 =	vld [tilespmem:$0x1FE10];
	v7 =	vsub.f32 v15, v27;
	v12 =	vmul.f32 v12, v12;
	v8 =	vadd.f32 v48, v8  }
0x2b7: {  	v46 =	vld [tilespmem:$0x1FE20];
	v41 =	vmax.f32 v10, v6;
	v48 =	vmul.f32 v1, v1;
	v1 =	vsub.f32 v37, v5  }
0x2b8: {  	vm13 =	vgt.f32 v10, v6;
	v6 =	vsub.f32 v62, v29;
	v10 =	vsub.f32 v63, v28  }
0x2b9: {  	v19 =	vmul.f32 v33, v33;
	v33 =	vsub.f32 v60, v29;
	v12 =	vadd.f32 v12, v20  }
0x2ba: {  	v36 =	vsel vm11, v54, v32;
	v8 =	vsub.f32 v55, v8;
	v55 =	vsub.f32 v11, v27  }
0x2bb: {  	v6 =	vmul.f32 v6, v6;
	v10 =	vmul.f32 v10, v10;
	v9 =	vadd.f32 v18, v12  }
0x2bc: {  	v7 =	vmul.f32 v7, v7;
	v12 =	vmul.f32 v35, v35;
	v18 =	vmax.f32 v46, v45  }
0x2bd: {  	v40 =	vld [tilespmem:$0x1240];
	v6 =	vadd.f32 v10, v6;
	v10 =	vmul.f32 v55, v55;
	v9 =	vsub.f32 $0.0e+00, v9  }
0x2be: {  	v35 =	vsub.f32 v61, v28;
	vm9 =	vgt.f32 v49, v18;
	v12 =	vadd.f32 v12, v19  }
0x2bf: {  	v32 =	vmax.f32 v49, v18;
	v8 =	vsel vm2, v8, v9;
	v9 =	vmax.f32 v16, v41  }
0x2c0: {  	(xrf0) =	vmin.scan.msk.u32 $0xffff, v4;
	v49 =	vsub.f32 v59, v27;
	v4 =	vadd.f32 v7, v12;
	v42 =	vmax.f32 v8, v9  }
0x2c1: {  	v23 =	vmul.f32 v22, v22;
	v6 =	vadd.f32 v10, v6;
	v10 =	vsub.f32 v11, v44;
	(xrf0) =	vmax.scan.msk.f32 $0xffff, v42  }
0x2c2: {  	vm14 =	vgt.f32 v16, v41;
	v5 =	vsub.f32 v40, v4;
	v4 =	vadd.f32 v13, v48  }
0x2c3: {  	v11 =	vmul.f32 v21, v21;
	v37 =	vmul.f32 v35, v35;
	vm10 =	vgt.f32 v3, v32  }
0x2c4: {  	v20 =	vld [tilespmem:$0x1FF70];
	v3 =	vmax.f32 v3, v32;
	v32 =	vsub.f32 v50, v34;
	v12 =	vmul.f32 v47, v47  }
0x2c5: {  	v21 =	vld [tilespmem:$0x1F80];
	v7 =	vsel vm3, v43, v36;
	vm3 =	vgt.f32 v46, v45;
	v11 =	vadd.f32 v23, v11  }
0x2c6: {  	v10 =	vmul.f32 v10, v10;
	v36 =	vld [tilespmem:$0x1F00];
	v46 =	vsub.f32 v61, v39;
	v12 =	vadd.f32 v12, v4;
	v4, _, _ =	vpop (xrf0)  }
0x2c7: {  	v45 =	vld [tilespmem:$0x2700];
	v47 =	vsub.f32 v50, v29;
	v61 =	vmul.f32 v49, v49;
	v7 =	vsel vm12, v53, v7;
	v19, _, _ =	vpop (xrf0)  }
0x2c8: {  	vm15 =	vgt.f32 v8, v9;
	v9 =	vld [tilespmem:$0x12C0];
	v41 =	vsel vm3, v58, v56;
	v8 =	vbroadcast v19, $0xF  }
0x2c9: {  	v7 =	vsel vm13, v26, v7;
	v40 =	vld [tilespmem:$0x2300];
	v10 =	vadd.f32 v10, v11;
	v11 =	vsub.f32 v57, v27  }
0x2ca: {  	v48 =	vsub.f32 v51, v28;
	v16 =	vsel vm9, v54, v41;
	vm8 =	veq.f32 v42, v8;
	v8 =	vld [tilespmem:$0x1250]  }
0x2cb: {  	v14 =	vmul.f32 v46, v46;
	v7 =	vsel vm14, v20, v7;
	v16 =	vsel vm10, v43, v16  }
0x2cc: {  	v35 =	vsub.f32 v21, v34;
	v7 =	vsel vm15, v38, v7;
	v11 =	vmul.f32 v11, v11  }
0x2cd: {  	v20 =	vmul.f32 v48, v48;
	vm3 =	vgt.f32 v5, v3;
	v9 =	vsub.f32 v9, v12  }
0x2ce: {  	v3 =	vmax.f32 v5, v3;
	v12 =	vsub.f32 v36, v29;
	v15 =	vsub.f32 v40, v28  }
0x2cf: {  	v23 =	vld [tilespmem:$0x2380];
	v18 =	vsub.f32 v45, v27;
	v6 =	vsub.f32 v8, v6;
	v8 =	vmul.f32 v33, v33  }
0x2d0: {  	v12 =	vmul.f32 v12, v12;
	v15 =	vmul.f32 v15, v15;
	v42 =	vsub.f32 v60, v34;
	v60 =	vld [tilespmem:$0x12D0]  }
0x2d1: {  	v62 =	vld [tilespmem:$0x1260];
	v5 =	vsub.f32 v57, v44;
	v19 =	vmul.f32 v47, v47;
	v8 =	vadd.f32 v37, v8  }
0x2d2: {  	v55 =	vld [tilespmem:$0x1270];
	v45 =	vsub.f32 v59, v44;
	v63 =	vmul.f32 v18, v18;
	v12 =	vadd.f32 v15, v12  }
0x2d3: {  	v16 =	vsel vm3, v53, v16;
	v8 =	vadd.f32 v11, v8;
	v11 =	vadd.f32 v20, v19  }
0x2d4: {  	v24 =	vld [tilespmem:$0x1FE40];
	v18 =	vsub.f32 v23, v39;
	v12 =	vadd.f32 v63, v12;
	vm11 =	vgt.f32 v6, v3  }
0x2d5: {  	v3 =	vmax.f32 v6, v3;
	v6 =	vsub.f32 v60, v10;
	v10 =	vld [tilespmem:$0x2780];
	v11 =	vadd.f32 v61, v11  }
0x2d6: {  	v40 =	vld [tilespmem:$0x1FE30];
	v13 =	vmul.f32 v42, v42;
	v12 =	vsub.f32 $0.0e+00, v12;
	v37 =	vsub.f32 v51, v39  }
0x2d7: {  	v18 =	vmul.f32 v18, v18;
	v8 =	vsub.f32 v62, v8;
	v11 =	vsub.f32 v55, v11  }
0x2d8: {  	v25 =	vld [tilespmem:$0x1FE50];
	v7 =	vnsel vm8, $0xC0000000, v7;
	v13 =	vadd.f32 v14, v13;
	v14 =	vmul.f32 v35, v35  }
0x2d9: {  	v19 =	vmul.f32 v37, v37;
	v33 =	vmax.f32 v8, v3;
	v11 =	vsel vm2, v11, v12  }
0x2da: {  	v36 =	vld [tilespmem:$0x12E0];
	(xrf0) =	vmin.scan.msk.u32 $0xffff, v7;
	v10 =	vsub.f32 v10, v44;
	v12 =	vmul.f32 v32, v32;
	v7 =	vmax.f32 v11, v33  }
0x2db: {  	v48 =	vld [tilespmem:$0x12F0];
	v5 =	vmul.f32 v5, v5;
	v21 =	vmul.f32 v45, v45;
	v41 =	vmax.f32 v24, v40;
	(xrf0) =	vmax.scan.msk.f32 $0xffff, v7  }
0x2dc: {  	v14 =	vadd.f32 v18, v14;
	v10 =	vmul.f32 v10, v10;
	v12 =	vadd.f32 v19, v12  }
0x2dd: {  	v42 =	vmax.f32 v25, v41;
	v5 =	vadd.f32 v5, v13;
	vm3 =	vgt.f32 v8, v3  }
0x2de: {  	v8 =	vadd.f32 v10, v14;
	vm12 =	vgt.f32 v11, v33;
	v11 =	vld [tilespmem:$0x1FF70];
	v55 =	vadd.f32 v21, v12  }
0x2df: {  	s8 =	spop (v2sf);
	v46 =	vmax.f32 v1, v42;
	v5 =	vsub.f32 v36, v5  }
0x2e0: {  	s8 =	sxor.u32 $0x80000000, s8;
	v47 =	vmax.f32 v9, v46;
	v50, _, _ =	vpop (xrf0);
	v8 =	vsub.f32 $0.0e+00, v8;
	v3 =	vsub.f32 v48, v55  }
0x2e1: {  	v57 =	vsel vm11, v26, v16;
	v49 =	vmax.f32 v6, v47;
	v61 =	vmov s8;
	v10, _, _ =	vpop (xrf0)  }
0x2e2: {  	v3 =	vsel vm2, v3, v8;
	vm2 =	vgt.f32 v24, v40;
	v10 =	vbroadcast v10, $0xF  }
0x2e3: {  	v11 =	vsel vm3, v11, v57;
	v62 =	vsel vm2, v58, v56;
	vm2 =	vgt.f32 v9, v46  }
0x2e4: {  	v9 =	vadd.s32 $0x100, v61;
	vm3 =	veq.f32 v7, v10;
	v7 =	vsel vm12, v38, v11  }
0x2e5: {  	v59 =	vmax.f32 v5, v49;
	v60 =	vnsel vm3, $0xC0000000, v7  }
0x2e6: {  	(v2sf) =	vpush v0, $0xF;
	v8 =	vmax.f32 v3, v59;
	(xrf0) =	vmin.scan.msk.u32 $0xffff, v60  }
0x2e7: {  	(xrf0) =	vmax.scan.msk.f32 $0xffff, v8  }
0x2e8: {  	vm13 =	vgt.f32 v1, v42;
	vm3 =	vgt.f32 v25, v41  }
0x2e9: {  	v63 =	vadd.s32 $0x80, v61;
	v1 =	vsel vm3, v54, v62;
	vm3 =	vne.s32 v61, $0x7F;
	v58 =	vld.idx.msk [tilespmem:v9+s20+$0x0], $0xffff  }
0x2ea: {  	s9 =	spop (v2sf);
	(v2sf) =	vpush v4, $0xF;
	v7 =	vmov s7;
	vm3 =	vmand vm3, vm0;
	v9 =	vld [tilespmem:$0x1FF70];
	_ =	sdelay $0x1  }
0x2eb: {  	v1 =	vsel vm13, v43, v1;
	v4, _, _ =	vpop (xrf0)  }
0x2ec: {  	vm14 =	vgt.f32 v6, v47;
	s8 =	sxor.u32 $0x80000000, s9;
	s9 =	spop (v2sf);
	(v2sf) =	vpush v50, $0xF;
	v1 =	vsel vm2, v53, v1;
	v6, _, _ =	vpop (xrf0)  }
0x2ed: {  	v56 =	vld.idx.msk [tilespmem:v63+s20+$0x0], $0xffff;
	vm2 =	vgt.f32 v5, v49;
	v1 =	vsel vm14, v26, v1;
	v6 =	vbroadcast v6, $0xF  }
0x2ee: {  	vm15 =	vgt.f32 v3, v59;
	v10 =	vimm.f32 $-Inf;
	v53 =	vld.idx.msk [tilespmem:v61+s20+$0x0], $0xffff;
	[tilespmem:v7+s25+$0x0] =	vst.idx.msk $0x1, v61;
	v1 =	vsel vm2, v9, v1  }
0x2ef: {  	v5 =	vmov s8;
	[tilespmem:v61+s26+$0x0] =	vst.idx.msk vm3, v10;
	v15 =	vsel vm15, v38, v1;
	vm3 =	veq.f32 v8, v6  }
0x2f0: {  	v13 =	vadd.s32 $0x80, v5;
	vm2 =	vne.s32 v5, $0x7F;
	v0 =	vnsel vm3, $0xC0000000, v15  }
0x2f1: {  	v14 =	vadd.s32 $0x100, v5;
	v9 =	vor.u32 $0x1, v7;
	vm2 =	vmand vm2, vm0;
	(xrf0) =	vmin.scan.msk.u32 $0xffff, v0;
	_ =	sdelay $0x2  }
0x2f2: {  	s8 =	sxor.u32 $0x80000000, s9;
	s9 =	spop (v2sf);
	(v2sf) =	vpush v4, $0xF;
	v52 =	vld.idx.msk [tilespmem:v5+s20+$0x0], $0xffff  }
0x2f3: {  	v16 =	vmov s8;
	v54 =	vld.idx.msk [tilespmem:v13+s20+$0x0], $0xffff  }
0x2f4: {  	v17 =	vadd.s32 $0x80, v16;
	v55 =	vld.idx.msk [tilespmem:v14+s20+$0x0], $0xffff;
	vm3 =	vne.s32 v16, $0x7F;
	[tilespmem:v9+s25+$0x0] =	vst.idx.msk $0x1, v5  }
0x2f5: {  	v19 =	vor.u32 $0x2, v7;
	v18 =	vadd.s32 $0x100, v16;
	vm3 =	vmand vm3, vm0;
	[tilespmem:v5+s28+$0x0] =	vst.idx.msk vm2, v10;
	v5, _, _ =	vpop (xrf0)  }
0x2f6: {  	s8 =	sxor.u32 $0x80000000, s9;
	s9 =	spop (v2sf);
	(v2sf) =	vpush v5, $0xF  }
0x2f7: {  	v4 =	vmov s8  }
0x2f8: {  	v20 =	vadd.s32 $0x80, v4;
	vm2 =	vne.s32 v4, $0x7F;
	v47 =	vld.idx.msk [tilespmem:v16+s20+$0x0], $0xffff  }
0x2f9: {  	v22 =	vor.u32 $0x3, v7;
	v21 =	vadd.s32 $0x100, v4;
	v46 =	vld.idx.msk [tilespmem:v17+s20+$0x0], $0xffff;
	vm2 =	vmand vm2, vm0  }
0x2fa: {  	s8 =	sxor.u32 $0x80000000, s9;
	v45 =	vld.idx.msk [tilespmem:v18+s20+$0x0], $0xffff;
	[tilespmem:v19+s25+$0x0] =	vst.idx.msk $0x1, v16  }
0x2fb: {  	v23 =	vmov s8;
	[tilespmem:v16+s29+$0x0] =	vst.idx.msk vm3, v10  }
0x2fc: {  	v38 =	vadd.s32 $0x80, v23;
	vm3 =	vne.s32 v23, $0x7F;
	v40 =	vld.idx.msk [tilespmem:v4+s20+$0x0], $0xffff  }
0x2fd: {  	v44 =	vor.u32 $0x4, v7;
	s9 =	spop (v2sf);
	v43 =	vadd.s32 $0x100, v23;
	v42 =	vld.idx.msk [tilespmem:v20+s20+$0x0], $0xffff;
	vm3 =	vmand vm3, vm0  }
0x2fe: {  	s8 =	sxor.u32 $0x80000000, s9;
	v41 =	vld.idx.msk [tilespmem:v21+s20+$0x0], $0xffff;
	[tilespmem:v22+s25+$0x0] =	vst.idx.msk $0x1, v4  }
0x2ff: {  	[tilespmem:v4+s30+$0x0] =	vst.idx.msk vm2, v10;
	v4 =	vmov s8  }
0x300: {  	v35 =	vld.idx.msk [tilespmem:v23+s20+$0x0], $0xffff;
	v48 =	vadd.s32 $0x80, v4;
	vm2 =	vne.s32 v4, $0x7F  }
0x301: {  	v50 =	vor.u32 $0x5, v7;
	v37 =	vld.idx.msk [tilespmem:v38+s20+$0x0], $0xffff;
	v49 =	vadd.s32 $0x100, v4;
	s9 =	spop (v2sf);
	vm2 =	vmand vm2, vm0  }
0x302: {  	v36 =	vld.idx.msk [tilespmem:v43+s20+$0x0], $0xffff;
	[tilespmem:v44+s25+$0x0] =	vst.idx.msk $0x1, v23;
	s8 =	sxor.u32 $0x80000000, s9  }
0x303: {  	v51 =	vmov s8;
	[tilespmem:v23+s31+$0x0] =	vst.idx.msk vm3, v10  }
0x304: {  	v57 =	vadd.s32 $0x80, v51;
	vm3 =	vne.s32 v51, $0x7F;
	v31 =	vld.idx.msk [tilespmem:v4+s20+$0x0], $0xffff  }
0x305: {  	v60 =	vor.u32 $0x6, v7;
	v59 =	vadd.s32 $0x100, v51;
	v33 =	vld.idx.msk [tilespmem:v48+s20+$0x0], $0xffff;
	vm3 =	vmand vm3, vm0;
	s9 =	spop (v2sf)  }
0x306: {  	v32 =	vld.idx.msk [tilespmem:v49+s20+$0x0], $0xffff;
	[tilespmem:v50+s25+$0x0] =	vst.idx.msk $0x1, v4;
	s8 =	sxor.u32 $0x80000000, s9  }
0x307: {  	[tilespmem:v4+s0+$0x0] =	vst.idx.msk vm2, v10;
	v4 =	vmov s8  }
0x308: {  	v29 =	vld.idx.msk [tilespmem:v51+s20+$0x0], $0xffff;
	v61 =	vadd.s32 $0x80, v4;
	vm2 =	vne.s32 v4, $0x7F  }
0x309: {  	v63 =	vor.u32 $0x7, v7;
	v28 =	vld.idx.msk [tilespmem:v57+s20+$0x0], $0xffff;
	v62 =	vadd.s32 $0x100, v4;
	vm2 =	vmand vm2, vm0  }
0x30a: {  	p0 =	sne.s32 s7, $0x7F0;
	v27 =	vld.idx.msk [tilespmem:v59+s20+$0x0], $0xffff;
	[tilespmem:v60+s25+$0x0] =	vst.idx.msk $0x1, v51  }
.Ltmp0:
0x30b: {  	[tilespmem:v51+s2+$0x0] =	vst.idx.msk vm3, v10;
	(pc) =	sbr.rel @p0 .LBB2_3-.Ltmp0, $4  }
0x30c: {  	v8 =	vld.idx.msk [tilespmem:v4+s20+$0x0], $0xffff  }
0x30d: {  	v7 =	vld.idx.msk [tilespmem:v61+s20+$0x0], $0xffff  }
0x30e: {  	v6 =	vld.idx.msk [tilespmem:v62+s20+$0x0], $0xffff;
	[tilespmem:v63+s25+$0x0] =	vst.idx.msk $0x1, v4  }
0x30f: {  	s7 =	sadd.s32 $0x10, s7;
	[tilespmem:v4+s3+$0x0] =	vst.idx.msk vm2, v10  }
0x310: {  	v0 =	vld [tilespmem:$0x1FF90]  }
0x311: {  	v2 =	vld [tilespmem:$0x1FE60]  }
0x312: {  	s7 =	simm.s32 $0x0;
	v1 =	vld [tilespmem:$0x1FFA0]  }
0x313: {  	v5 =	vld [tilespmem:s7+$0x1300];
	_ =	sdelay $0x3  }
0x314: {  	v0 =	vor.u32 v0, v2  }
0x315: {  	v4 =	vor.u32 v1, v2;
	v1 =	vld [tilespmem:$0x1FFB0]  }
0x316: {  	s9 =	simm.s32 $0x10  }
0x317: {  	v10 =	vld [tilespmem:s9+$0x1300]  }
0x318: {  	v7 =	vadd.s32 $0x80, v5;
	v11 =	vld.idx.msk [tilespmem:v5+s1+$0x0], $0xff  }
0x319: {  	v9 =	vadd.s32 $0x100, v5;
	v3 =	vld.idx.msk [tilespmem:v0+s22+$0x0], $0xffff  }
0x31a: {  	v6 =	vor.u32 v1, v2;
	v2 =	vld.idx.msk [tilespmem:v4+s22+$0x0], $0xffff  }
0x31b: {  	v8 =	vld.idx.msk [tilespmem:v0+s21+$0x0], $0xffff  }
0x31c: {  	v4 =	vld.idx.msk [tilespmem:v4+s21+$0x0], $0xffff  }
0x31d: {  	v7 =	vld.idx.msk [tilespmem:v7+s1+$0x0], $0xff  }
0x31e: {  	v9 =	vld.idx.msk [tilespmem:v9+s1+$0x0], $0xff  }
0x31f: {  	v1 =	vld.idx.msk [tilespmem:v6+s22+$0x0], $0xffff  }
0x320: {  	v12 =	vadd.s32 $0x80, v10;
	v6 =	vld.idx.msk [tilespmem:v6+s21+$0x0], $0xffff  }
0x321: {  	vm2 =	veq.s32 v5, $0x7F  }
0x322: {  	v5 =	vsel vm2, v3, v11;
	v7 =	vsel vm2, v2, v7  }
0x323: {  	s8 =	simm.s32 $0x20;
	v13 =	vadd.s32 $0x100, v10;
	v8 =	vsub.f32 v5, v8;
	v4 =	vsub.f32 v7, v4  }
0x324: {  	v15 =	vld [tilespmem:s8+$0x1300];
	v11 =	vsel vm2, v1, v9  }
0x325: {  	v16 =	vld.idx.msk [tilespmem:v12+s1+$0x0], $0xff;
	v8 =	vmul.f32 v8, v8;
	v4 =	vmul.f32 v4, v4;
	v6 =	vsub.f32 v11, v6  }
0x326: {  	v9 =	vld.idx.msk [tilespmem:v10+s1+$0x0], $0xff  }
0x327: {  	v25 =	vld [tilespmem:$0x1FFC0];
	v4 =	vadd.f32 v4, v8;
	v6 =	vmul.f32 v6, v6  }
0x328: {  	vm3 =	vmmov vm1;
	v13 =	vld.idx.msk [tilespmem:v13+s1+$0x0], $0xff  }
0x329: {  	v57 =	vld [tilespmem:$0x1FFF0];
	v18 =	vadd.s32 $0x80, v15;
	vm4 =	veq.s32 v10, $0x7F;
	v4 =	vadd.f32 v6, v4  }
0x32a: {  	v23 =	vld [tilespmem:$0x1FFE0];
	v14 =	vadd.s32 $0x100, v15;
	v19 =	vsel vm4, v2, v16;
	v8 =	vimm.f32 $0.0e+00  }
0x32b: {  	v22 =	vld [tilespmem:$0x1FFD0];
	s9 =	simm.s32 $0x30;
	v21 =	vsub.f32 v19, v7;
	v12 =	vsel vm4, v3, v9;
	v4 =	vmax.f32 v8, v4  }
0x32c: {  	s7 =	simm.s32 $0x100;
	v17 =	vmovc v15;
	v16 =	vld [tilespmem:s9+$0x1300];
	vm2 =	vmmov vm2;
	v20 =	vsub.f32 v12, v5;
	v4 =	vsel vm1, v8, v4  }
.LBB2_5:
0x32d: {  	p0 =	sne.s32 s7, $0x1FC0;
	v5 =	vld.idx.msk [tilespmem:v15+s1+$0x0], $0xff;
	v6 =	vsel vm4, v1, v13;
	v7 =	vmovc v19;
	vm5 =	vmmov vm2;
	vm2 =	vmmov vm4  }
0x32e: {  	v8 =	vld.idx.msk [tilespmem:v18+s1+$0x0], $0xff;
	v9 =	vsub.f32 v6, v11;
	v10 =	vmul.f32 v20, v20;
	v18 =	vmul.f32 v21, v21  }
0x32f: {  	v11 =	vmov v6  }
0x330: {  	v13 =	vld.idx.msk [tilespmem:v14+s1+$0x0], $0xff;
	v6 =	vadd.f32 v18, v10;
	v9 =	vmul.f32 v9, v9  }
.Ltmp1:
0x331: {  	v15 =	vmov v16;
	(pc) =	sbr.rel @p0 .LBB2_5-.Ltmp1, $4  }
0x332: {  	v18 =	vadd.s32 $0x80, v16;
	v6 =	vadd.f32 v9, v6  }
0x333: {  	vm4 =	veq.s32 v17, $0x7F;
	vm3 =	vmor vm3, vm5;
	v14 =	vadd.s32 $0x100, v16;
	v17 =	vmovc v16  }
0x334: {  	s8 =	sshra.s32 s7, $0x2;
	v5 =	vsel vm4, v3, v5;
	v19 =	vsel vm4, v2, v8;
	v6 =	vmax.f32 v4, v6  }
0x335: {  	s7 =	sadd.s32 $0x40, s7;
	v20 =	vsub.f32 v5, v12;
	v12 =	vmovc v5;
	v21 =	vsub.f32 v19, v7;
	v16 =	vld [tilespmem:s8+$0x1300];
	v4 =	vsel vm3, v4, v6  }
0x336: {  	_ =	sdelay $0x3  }
0x337: {  	v5 =	vadd.s32 $0x80, v16  }
0x338: {  	v6 =	vld.idx.msk [tilespmem:v15+s1+$0x0], $0xff  }
0x339: {  	v8 =	vld.idx.msk [tilespmem:v18+s1+$0x0], $0xff;
	v7 =	vadd.s32 $0x100, v16;
	_ =	sdelay $0x1  }
0x33a: {  	v10 =	vld.idx.msk [tilespmem:v14+s1+$0x0], $0xff  }
0x33b: {  	vm5 =	veq.s32 v17, $0x7F;
	v5 =	vld.idx.msk [tilespmem:v5+s1+$0x0], $0xff  }
0x33c: {  	v9 =	vld.idx.msk [tilespmem:v16+s1+$0x0], $0xff;
	v6 =	vsel vm5, v3, v6  }
0x33d: {  	v8 =	vsel vm5, v2, v8;
	v12 =	vsub.f32 v6, v12;
	v7 =	vld.idx.msk [tilespmem:v7+s1+$0x0], $0xff  }
0x33e: {  	vm2 =	vmmov vm2;
	v59 =	vmul.f32 v21, v21;
	v60 =	vsub.f32 v8, v19  }
0x33f: {  	vm6 =	veq.s32 v16, $0x7F;
	v61 =	vsel vm5, v1, v10;
	v10 =	vmul.f32 v12, v12  }
0x340: {  	v62 =	vmul.f32 v60, v60;
	v58 =	vsel vm6, v2, v5;
	v5 =	vsel vm4, v1, v13  }
0x341: {  	v3 =	vsel vm6, v3, v9;
	v9 =	vsub.f32 v5, v11;
	v11 =	vmul.f32 v20, v20  }
0x342: {  	v3 =	vsub.f32 v3, v6;
	v7 =	vsel vm6, v1, v7;
	v5 =	vsub.f32 v61, v5  }
0x343: {  	v2 =	vsub.f32 v58, v8;
	v11 =	vadd.f32 v59, v11;
	v9 =	vmul.f32 v9, v9  }
0x344: {  	v3 =	vmul.f32 v3, v3;
	v8 =	vadd.f32 v62, v10;
	v1 =	vsub.f32 v7, v61  }
0x345: {  	v5 =	vmul.f32 v5, v5;
	v2 =	vmul.f32 v2, v2;
	v6 =	vadd.f32 v9, v11  }
0x346: {  	vm14 =	vmmov vm4;
	vm2 =	vmor vm3, vm2;
	v1 =	vmul.f32 v1, v1  }
0x347: {  	s6 =	sadd.s32 $0x1, s6;
	v5 =	vadd.f32 v5, v8;
	v2 =	vadd.f32 v2, v3;
	v6 =	vmax.f32 v4, v6  }
0x348: {  	vm3 =	vmmov vm14;
	vm15 =	vmmov vm5;
	p0 =	sne.s32 s6, $0x20;
	v3 =	vsel vm2, v4, v6  }
.Ltmp2:
0x349: {  	v1 =	vadd.f32 v1, v2;
	vm2 =	vmor vm2, vm3;
	v4 =	vmax.f32 v3, v5;
	(pc) =	sbr.rel @p0 .LBB2_2-.Ltmp2, $4  }
0x34a: {  	vm3 =	vmmov vm15;
	v63 =	vsel vm2, v3, v4  }
0x34b: {  	vm2 =	vmor vm2, vm3;
	v1 =	vmax.f32 v63, v1  }
0x34c: {  	v1 =	vsel vm2, v63, v1  }
0x34d: {  	v7 =	vmov v22;
	v8 =	vmov v23;
	v5 =	vmov v25;
	[tilespmem:v0+s4+$0x0] =	vst.idx.msk $0xff, v1  }
0x34e: {  	s5 =	sadd.s32 $0x1, s5  }
0x34f: {  	p0 =	sne.s32 s5, s18  }
.Ltmp3:
0x350: {  	_ = 	snop;
	(pc) =	sbr.rel @p0 .LBB2_1-.Ltmp3, $4  }
0x351: {  	[hbm4b:s17+s1] =	stream.linear.scatter [tilespmem:s4], [sflag:$0x1], $0x100, $0x38;
	[tilespmem:$0x2800] =	vst v63  }
0x352: {  	_ =	swait.ge [sflag:s19], $0x100  }
0x353: {  	[sflag:s19] =	ssyncset.done $0x0  }
0x354: {  	[sflag:s19] =	ssyncadd.s32 $0xFFFFFF00  }
0x355: {  	_ =	sfence.sel $0x180000  }
0x356: {  	[bflag:$0x0] =	sbarrier.arrive $0xFFFF  }
0x357: {  	_ =	strace $0x90000047  }
0x358: {  	s0 =	stileid.u32;
	[bflag:$0x2] =	sbarrier.arrive $0xFFFF  }
0x359: {  	p0 =	sne.s32 s0, $0x0;
	s0 =	rddreg [dreg:$0x1]  }
0x35a: {  	s0 =	sadd.s32 @!p0 $0x100000, s0  }
0x35b: {  	[sflag:s0] =	ssyncadd.tile.s32 @!p0 $0x1;
	_ =	shalt  }
.Lfunc_end2:
_tile_overlayer_lowered:
.L_overlay_start_2:
0x35c: {  	(tag) =	ssettag $0x2  }
0x35d: {  	s0 =	rddreg [dreg:$0x0];
	s2 =	stileid.u32  }
0x35e: {  	s1 =	rddreg [dreg:$0x1];
	p0 =	sne.s32 s2, $0x0  }
0x35f: {  	s3 =	rddreg [dreg:$0x2];
	[bflag:$0x3] =	sbarrier.arrive $0xFFFF;
	s2 =	simm.s32 @!p0 $0x1C01  }
0x360: {  	[timem:s3], [sflag:s2] =	dma.local @!p0 [hbm:s0], s1  }
0x361: {  	s0 =	simm.s32 @!p0 $0x1  }
0x362: {  	_ =	swait.ge @!p0 [sflag:s0], s1  }
0x363: {  	s1 =	ssub.s32 @!p0 $0x0, s1;
	[sflag:s0] =	ssyncset.done @!p0 $0x0  }
0x364: {  	[sflag:s0] =	ssyncadd.s32 @!p0 s1  }
0x365: {  	[bflag:$0x3] =	sbarrier.arrive $0xFFFF  }
0x366: {  	_ =	shalt  }

</sc_bundles>
